<compile_context>
chip_gen: v7x
topology: tpu7x:2x2x1
jax: 0.10.2.dev20260603
libtpu: 0.0.44.dev20260713+nightly
codegen_flags: <defaults>
</compile_context>

<pallas_src>
import jax
import jax.numpy as jnp
from jax import lax
from jax.experimental import pallas as pl
from jax.experimental.pallas import tpu as pltpu
from jax.experimental.pallas import tpu_sc as plsc

M = 100000
D = 64
B = 16384

NC = 2
NS = 16
NWORK = NC * NS

W = 1280
NFULL = 78
WTAIL = 128
MCOV = NFULL * W + WTAIL
SLABW = W + 16

SEG = 2048
NSEG = B // SEG
CHUNK = 32
NV = SEG // 16
LCAP = SEG + CHUNK


def _body(memT_hbm, idx_hbm, val2_hbm, outT_hbm,
          slab, idxbuf, valbuf, plist, loclist, sem, gsem, fsem):
    c = lax.axis_index("c")
    s = lax.axis_index("s")
    wid = s * NC + c

    pltpu.sync_copy(idx_hbm, idxbuf)

    lane = lax.broadcasted_iota(jnp.int32, (16,), 0)

    def fire_gather(rb):
        pltpu.async_copy(
            val2_hbm.at[plist.at[pl.ds(rb * LCAP, CHUNK)]],
            valbuf.at[rb], gsem)

    def apply_seg(rb, cnt):
        pltpu.make_async_copy(
            val2_hbm.at[plist.at[pl.ds(rb * LCAP, CHUNK)]],
            valbuf.at[rb], gsem).wait()

        def trip_body(g):
            @pl.when(g > 0)
            def _():
                pltpu.sync_copy(
                    val2_hbm.at[plist.at[pl.ds(rb * LCAP + g * CHUNK, CHUNK)]],
                    valbuf.at[rb])

            def entry_body(e, carry2):
                eg = jnp.full((16,), rb * LCAP + g * CHUNK + e, jnp.int32)
                le = plsc.load_gather(loclist, [eg])
                r = jnp.bitwise_and(le, 4095)
                pcol = lax.shift_right_logical(le, 12) * D
                es = jnp.full((16,), e, jnp.int32)
                for jb in range(D // 16):
                    x = plsc.load_gather(valbuf.at[rb],
                                         [es, pcol + jb * 16 + lane])
                    plsc.addupdate_scatter(slab, [jb * 16 + lane, r], x)
                return carry2

            lax.fori_loop(0, CHUNK, entry_body, 0, unroll=4)
            return g + 1

        lax.while_loop(lambda g: jnp.any(cnt > g * CHUNK), trip_body, 0)

    def do_window(off, wsz, notfirst, last):

        def seg_body(seg, prev_cnt):
            rb = jnp.bitwise_and(seg, 1)
            jb0 = seg * SEG

            par16 = jnp.bitwise_and(lane, 1) * 4096

            def scan_body(v, carry):
                cntb, kk = carry
                iv = plsc.load_gather(idxbuf, [kk])
                d = iv - off
                m = d.astype(jnp.uint32) < jnp.uint32(wsz)
                pos = cntb + plsc.cumsum(m.astype(jnp.int32))
                plsc.store_scatter(loclist, [pos], d + par16, mask=m)
                plsc.store_scatter(plist, [pos],
                                   lax.shift_right_logical(kk, 1), mask=m)
                return (cntb + plsc.all_reduce_population_count(m), kk + 16)

            cntb0 = jnp.full((16,), rb * LCAP - 1, jnp.int32)
            cntb, _ = lax.fori_loop(0, NV, scan_body,
                                    (cntb0, jb0 + lane), unroll=16)
            cnt = cntb - cntb0
            for t in range(CHUNK // 16):
                plsc.store_scatter(loclist, [rb * LCAP + cnt + t * 16 + lane],
                                   jnp.full((16,), W, jnp.int32) + lane)
                padrow = wid * (CHUNK * 8) + t * 16 + lane
                plsc.store_scatter(plist, [rb * LCAP + cnt + t * 16 + lane],
                                   padrow)
            fire_gather(rb)

            @pl.when(seg == 0)
            def _():
                @pl.when(notfirst)
                def _():
                    pltpu.make_async_copy(
                        memT_hbm.at[:, pl.ds(0, W)],
                        slab.at[:, pl.ds(0, W)], fsem).wait()

                pltpu.async_copy(memT_hbm.at[:, pl.ds(off, wsz)],
                                 slab.at[:, pl.ds(0, wsz)], sem)

            @pl.when(seg == 1)
            def _():
                pltpu.make_async_copy(memT_hbm.at[:, pl.ds(off, wsz)],
                                      slab.at[:, pl.ds(0, wsz)], sem).wait()

            @pl.when(seg > 0)
            def _():
                apply_seg(1 - rb, prev_cnt)

            return cnt

        last_cnt = lax.fori_loop(0, NSEG, seg_body,
                                 jnp.zeros((16,), jnp.int32))
        apply_seg((NSEG - 1) % 2, last_cnt)

        @pl.when(last)
        def _():
            pltpu.sync_copy(slab.at[:, pl.ds(0, wsz)],
                            outT_hbm.at[:, pl.ds(off, wsz)])

        @pl.when(jnp.logical_not(last))
        def _():
            pltpu.async_copy(slab.at[:, pl.ds(0, wsz)],
                             outT_hbm.at[:, pl.ds(off, wsz)], fsem)

    def full_rep(r, carry):
        do_window((wid + r * 32) * W, W,
                  notfirst=(r > 0), last=(r > 0) & (wid >= 15))
        return carry

    lax.fori_loop(0, 2, full_rep, 0)

    @pl.when(wid < 14)
    def _():
        do_window((wid + 64) * W, W,
                  notfirst=jnp.bool_(True), last=jnp.bool_(True))

    @pl.when(wid == 14)
    def _():
        do_window(NFULL * W, WTAIL,
                  notfirst=jnp.bool_(True), last=jnp.bool_(True))


_sc_update = pl.kernel(
    _body,
    out_type=jax.ShapeDtypeStruct((D, M), jnp.float32),
    mesh=plsc.VectorSubcoreMesh(core_axis_name="c", subcore_axis_name="s",
                                num_cores=NC, num_subcores=NS),
    scratch_types=[
        pltpu.VMEM((D, SLABW), jnp.float32),
        pltpu.VMEM((B,), jnp.int32),
        pltpu.VMEM((2, CHUNK, 2 * D), jnp.float32),
        pltpu.VMEM((2 * LCAP,), jnp.int32),
        pltpu.VMEM((2 * LCAP,), jnp.int32),
        pltpu.SemaphoreType.DMA,
        pltpu.SemaphoreType.DMA,
        pltpu.SemaphoreType.DMA,
    ],
    compiler_params=pltpu.CompilerParams(needs_layout_passes=False),
)


@jax.jit
def kernel(mem, idx, val):
    idx = idx.astype(jnp.int32)
    outT = _sc_update(mem.T, idx, val.reshape(B // 2, 2 * D))
    rows = MCOV + jnp.arange(M - MCOV, dtype=jnp.int32)
    onehot = (idx[:, None] == rows[None, :]).astype(jnp.float32)
    tail = mem[MCOV:] + jnp.matmul(onehot.T, val,
                                   precision=jax.lax.Precision.HIGHEST)
    return lax.dynamic_update_slice(outT.T, tail, (MCOV, 0))

# --- scband reference (transcript-rebuilt; emitter-appended) ---
"""Pipeline reference for scband-external-memory-46059229282411 (READ-ONLY COPY).

The authoritative reference and input builder live on the scoring server;
editing this copy changes nothing except your own understanding.
"""

import jax, jax.numpy as jnp
import numpy as np

M = 100000
D = 64
B = 16384

def setup_inputs(seed: int = 0) -> dict:
    key = jax.random.key(seed)
    k1, k2, k3 = jax.random.split(key, 3)
    mem = jax.random.normal(k1, (M, D), dtype=jnp.float32)
    idx = jax.random.randint(k2, (B,), 0, M, dtype=jnp.int64) if jax.config.jax_enable_x64 else jax.random.randint(k2, (B,), 0, M, dtype=jnp.int32)
    val = jax.random.normal(k3, (B, D), dtype=jnp.float32)
    return {"mem": mem, "idx": idx, "val": val}

def reference(mem, idx, val):
    # External memory update: scatter-accumulate the new (key/value) slots written
    # at positions idx into the persistent memory buffer, then return the updated
    # memory state. Deterministic scatter-add handles duplicate indices faithfully.
    updated = mem.at[idx].add(val)
    return updated

if __name__ == "__main__":
    import jax
    _d = setup_inputs()
    print(jax.jit(kernel)(*tuple(_d.values())))

</pallas_src>

<mosaic_0001>
#map = affine_map<(d0, d1) -> (0, 0)>
#map1 = affine_map<(d0, d1) -> (0)>
module attributes {stable_mosaic.version = 14 : i64} {
  func.func @_body(%arg0: i32, %arg1: i32, %arg2: memref<64x100000xf32, #tpu.memory_space<hbm>>, %arg3: memref<16384xi32, #tpu.memory_space<hbm>>, %arg4: memref<8192x128xf32, #tpu.memory_space<hbm>>, %arg5: memref<64x100000xf32, #tpu.memory_space<hbm>>, %arg6: memref<64x1296xf32, #tpu.memory_space<vmem>>, %arg7: memref<16384xi32, #tpu.memory_space<vmem>>, %arg8: memref<2x32x128xf32, #tpu.memory_space<vmem>>, %arg9: memref<4160xi32, #tpu.memory_space<vmem>>, %arg10: memref<4160xi32, #tpu.memory_space<vmem>>, %arg11: memref<!tpu.dma_semaphore, #tpu.memory_space<semaphore_mem>>, %arg12: memref<!tpu.dma_semaphore, #tpu.memory_space<semaphore_mem>>, %arg13: memref<!tpu.dma_semaphore, #tpu.memory_space<semaphore_mem>>) attributes {dimension_semantics = [#tpu.dimension_semantics<core_parallel>, #tpu.dimension_semantics<subcore_parallel>], iteration_bounds = array<i64: 2, 16>, scalar_prefetch = 0 : i64, scratch_operands = 8 : i64, tpu.core_type = #tpu.core_type<sc_vector_subcore>, window_params = [{transform_indices = #map}, {transform_indices = #map1}, {transform_indices = #map}, {transform_indices = #map}]} {
    %mul3A = arith.constant 2 : i32
    %mul3A_0 = arith.muli %arg1, %mul3A : i32
    %add3A = arith.addi %mul3A_0, %arg0 : i32
    "tpu.region"() ({
      %run_scoped3A = tpu.sem_alloc : memref<!tpu.dma_semaphore, #tpu.memory_space<semaphore_mem>>
      tpu.enqueue_dma source(%arg3 : memref<16384xi32, #tpu.memory_space<hbm>>) target(%arg7 : memref<16384xi32, #tpu.memory_space<vmem>>) target_semaphore(%run_scoped3A : memref<!tpu.dma_semaphore, #tpu.memory_space<semaphore_mem>>)
      tpu.wait_dma2 semaphore(%run_scoped3A : memref<!tpu.dma_semaphore, #tpu.memory_space<semaphore_mem>>) src(%arg3 : memref<16384xi32, #tpu.memory_space<hbm>>) dst(%arg7 : memref<16384xi32, #tpu.memory_space<vmem>>)
      tpu.yield
    }) : () -> ()
    %iota3A = tpu.iota {dimensions = array<i32: 0>} : vector<16xi32>
    %scan3A = arith.constant 0 : i32
    %scan3A_1 = arith.constant 0 : i32
    %scan3A_2 = arith.constant 2 : i32
    %scan3A_3 = arith.addi %scan3A_1, %scan3A_2 : i32
    %scan3A_4 = arith.constant 1 : i32
    scf.for %scan3A_12 = %scan3A_1 to %scan3A_3 step %scan3A_4  : i32 {
      %mul3A_13 = arith.constant 32 : i32
      %mul3A_14 = arith.muli %scan3A_12, %mul3A_13 : i32
      %add3A_15 = arith.addi %add3A, %mul3A_14 : i32
      %mul3A_16 = arith.constant 1280 : i32
      %mul3A_17 = arith.muli %add3A_15, %mul3A_16 : i32
      %gt3A = arith.constant 0 : i32
      %gt3A_18 = arith.cmpi sgt, %scan3A_12, %gt3A : i32
      %gt3A_19 = arith.constant 0 : i32
      %gt3A_20 = arith.cmpi sgt, %scan3A_12, %gt3A_19 : i32
      %ge3A = arith.constant 15 : i32
      %ge3A_21 = arith.cmpi sge, %add3A, %ge3A : i32
      %and3A = arith.andi %gt3A_20, %ge3A_21 : i1
      %broadcast_in_dim3A = arith.constant 0 : i32
      %broadcast_in_dim3A_22 = vector.broadcast %broadcast_in_dim3A : i32 to vector<16xi32>
      %scan3A_23 = arith.constant 0 : i32
      %scan3A_24 = arith.constant 8 : i32
      %scan3A_25 = arith.addi %scan3A_23, %scan3A_24 : i32
      %scan3A_26 = arith.constant 1 : i32
      %scan3A_27 = scf.for %scan3A_46 = %scan3A_23 to %scan3A_25 step %scan3A_26 iter_args(%scan3A_47 = %broadcast_in_dim3A_22) -> (vector<16xi32>)  : i32 {
        %and3A_48 = arith.constant 1 : i32
        %and3A_49 = arith.andi %scan3A_46, %and3A_48 : i32
        %mul3A_50 = arith.constant 2048 : i32
        %mul3A_51 = arith.muli %scan3A_46, %mul3A_50 : i32
        %and3A_52 = arith.constant 1 : i32
        %and3A_53 = vector.broadcast %and3A_52 : i32 to vector<16xi32>
        %and3A_54 = arith.andi %iota3A, %and3A_53 : vector<16xi32>
        %mul3A_55 = arith.constant 4096 : i32
        %mul3A_56 = vector.broadcast %mul3A_55 : i32 to vector<16xi32>
        %mul3A_57 = arith.muli %and3A_54, %mul3A_56 : vector<16xi32>
        %mul3A_58 = arith.constant 2080 : i32
        %mul3A_59 = arith.muli %and3A_49, %mul3A_58 : i32
        %sub3A = arith.constant 1 : i32
        %sub3A_60 = arith.subi %mul3A_59, %sub3A : i32
        %broadcast_in_dim3A_61 = vector.broadcast %sub3A_60 : i32 to vector<16xi32>
        %add3A_62 = vector.broadcast %mul3A_51 : i32 to vector<16xi32>
        %add3A_63 = arith.addi %add3A_62, %iota3A : vector<16xi32>
        %scan3A_64 = arith.constant 0 : i32
        %scan3A_65 = arith.constant 128 : i32
        %scan3A_66 = arith.addi %scan3A_64, %scan3A_65 : i32
        %scan3A_67 = arith.constant 16 : i32
        %scan3A_68:2 = scf.for %scan3A_145 = %scan3A_64 to %scan3A_66 step %scan3A_67 iter_args(%scan3A_146 = %broadcast_in_dim3A_61, %scan3A_147 = %add3A_63) -> (vector<16xi32>, vector<16xi32>)  : i32 {
          %gather3A = tpu.vector_load_idx %arg7[%scan3A_147] : memref<16384xi32, #tpu.memory_space<vmem>>[vector<16xi32>], vector<16xi32>,
          %sub3A_148 = vector.broadcast %mul3A_17 : i32 to vector<16xi32>
          %sub3A_149 = arith.subi %gather3A, %sub3A_148 : vector<16xi32>
          %lt3A_150 = arith.constant 1280 : i32
          %lt3A_151 = vector.broadcast %lt3A_150 : i32 to vector<16xi32>
          %lt3A_152 = arith.cmpi ult, %sub3A_149, %lt3A_151 : vector<16xi32>
          %convert_element_type3A_153 = arith.extui %lt3A_152 : vector<16xi1> to vector<16xi32>
          %broadcast_in_dim3A_154 = arith.constant true
          %broadcast_in_dim3A_155 = vector.broadcast %broadcast_in_dim3A_154 : i1 to vector<16xi1>
          %masked_cumsum3A = tpu.scan <sum>, %convert_element_type3A_153 masked %broadcast_in_dim3A_155 : vector<16xi32>, vector<16xi1> -> vector<16xi32>
          %add3A_156 = arith.addi %scan3A_146, %masked_cumsum3A : vector<16xi32>
          %add3A_157 = arith.addi %sub3A_149, %mul3A_57 : vector<16xi32>
          tpu.vector_store_idx %arg10[%add3A_156], %add3A_157 masked %lt3A_152 : memref<4160xi32, #tpu.memory_space<vmem>>[vector<16xi32>], vector<16xi32>, vector<16xi1>
          %shift_right_logical3A = arith.constant 1 : i32
          %shift_right_logical3A_158 = vector.broadcast %shift_right_logical3A : i32 to vector<16xi32>
          %shift_right_logical3A_159 = arith.shrui %scan3A_147, %shift_right_logical3A_158 : vector<16xi32>
          tpu.vector_store_idx %arg9[%add3A_156], %shift_right_logical3A_159 masked %lt3A_152 : memref<4160xi32, #tpu.memory_space<vmem>>[vector<16xi32>], vector<16xi32>, vector<16xi1>
          %all_reduce_population_count3A = tpu.all_reduce %lt3A_152 {dim = 0 : i64, kind = #tpu.reduction_kind<sum>} : vector<16xi1> -> vector<16xi32>
          %add3A_160 = arith.addi %scan3A_146, %all_reduce_population_count3A : vector<16xi32>
          %add3A_161 = arith.constant 16 : i32
          %add3A_162 = vector.broadcast %add3A_161 : i32 to vector<16xi32>
          %add3A_163 = arith.addi %scan3A_147, %add3A_162 : vector<16xi32>
          %scan3A_164 = arith.constant 1 : i32
          %scan3A_165 = arith.addi %scan3A_145, %scan3A_164 : i32
          %gather3A_166 = tpu.vector_load_idx %arg7[%add3A_163] : memref<16384xi32, #tpu.memory_space<vmem>>[vector<16xi32>], vector<16xi32>,
          %sub3A_167 = vector.broadcast %mul3A_17 : i32 to vector<16xi32>
          %sub3A_168 = arith.subi %gather3A_166, %sub3A_167 : vector<16xi32>
          %lt3A_169 = arith.constant 1280 : i32
          %lt3A_170 = vector.broadcast %lt3A_169 : i32 to vector<16xi32>
          %lt3A_171 = arith.cmpi ult, %sub3A_168, %lt3A_170 : vector<16xi32>
          %convert_element_type3A_172 = arith.extui %lt3A_171 : vector<16xi1> to vector<16xi32>
          %broadcast_in_dim3A_173 = arith.constant true
          %broadcast_in_dim3A_174 = vector.broadcast %broadcast_in_dim3A_173 : i1 to vector<16xi1>
          %masked_cumsum3A_175 = tpu.scan <sum>, %convert_element_type3A_172 masked %broadcast_in_dim3A_174 : vector<16xi32>, vector<16xi1> -> vector<16xi32>
          %add3A_176 = arith.addi %add3A_160, %masked_cumsum3A_175 : vector<16xi32>
          %add3A_177 = arith.addi %sub3A_168, %mul3A_57 : vector<16xi32>
          tpu.vector_store_idx %arg10[%add3A_176], %add3A_177 masked %lt3A_171 : memref<4160xi32, #tpu.memory_space<vmem>>[vector<16xi32>], vector<16xi32>, vector<16xi1>
          %shift_right_logical3A_178 = arith.constant 1 : i32
          %shift_right_logical3A_179 = vector.broadcast %shift_right_logical3A_178 : i32 to vector<16xi32>
          %shift_right_logical3A_180 = arith.shrui %add3A_163, %shift_right_logical3A_179 : vector<16xi32>
          tpu.vector_store_idx %arg9[%add3A_176], %shift_right_logical3A_180 masked %lt3A_171 : memref<4160xi32, #tpu.memory_space<vmem>>[vector<16xi32>], vector<16xi32>, vector<16xi1>
          %all_reduce_population_count3A_181 = tpu.all_reduce %lt3A_171 {dim = 0 : i64, kind = #tpu.reduction_kind<sum>} : vector<16xi1> -> vector<16xi32>
          %add3A_182 = arith.addi %add3A_160, %all_reduce_population_count3A_181 : vector<16xi32>
          %add3A_183 = arith.constant 16 : i32
          %add3A_184 = vector.broadcast %add3A_183 : i32 to vector<16xi32>
          %add3A_185 = arith.addi %add3A_163, %add3A_184 : vector<16xi32>
          %scan3A_186 = arith.constant 2 : i32
          %scan3A_187 = arith.addi %scan3A_145, %scan3A_186 : i32
          %gather3A_188 = tpu.vector_load_idx %arg7[%add3A_185] : memref<16384xi32, #tpu.memory_space<vmem>>[vector<16xi32>], vector<16xi32>,
          %sub3A_189 = vector.broadcast %mul3A_17 : i32 to vector<16xi32>
          %sub3A_190 = arith.subi %gather3A_188, %sub3A_189 : vector<16xi32>
          %lt3A_191 = arith.constant 1280 : i32
          %lt3A_192 = vector.broadcast %lt3A_191 : i32 to vector<16xi32>
          %lt3A_193 = arith.cmpi ult, %sub3A_190, %lt3A_192 : vector<16xi32>
          %convert_element_type3A_194 = arith.extui %lt3A_193 : vector<16xi1> to vector<16xi32>
          %broadcast_in_dim3A_195 = arith.constant true
          %broadcast_in_dim3A_196 = vector.broadcast %broadcast_in_dim3A_195 : i1 to vector<16xi1>
          %masked_cumsum3A_197 = tpu.scan <sum>, %convert_element_type3A_194 masked %broadcast_in_dim3A_196 : vector<16xi32>, vector<16xi1> -> vector<16xi32>
          %add3A_198 = arith.addi %add3A_182, %masked_cumsum3A_197 : vector<16xi32>
          %add3A_199 = arith.addi %sub3A_190, %mul3A_57 : vector<16xi32>
          tpu.vector_store_idx %arg10[%add3A_198], %add3A_199 masked %lt3A_193 : memref<4160xi32, #tpu.memory_space<vmem>>[vector<16xi32>], vector<16xi32>, vector<16xi1>
          %shift_right_logical3A_200 = arith.constant 1 : i32
          %shift_right_logical3A_201 = vector.broadcast %shift_right_logical3A_200 : i32 to vector<16xi32>
          %shift_right_logical3A_202 = arith.shrui %add3A_185, %shift_right_logical3A_201 : vector<16xi32>
          tpu.vector_store_idx %arg9[%add3A_198], %shift_right_logical3A_202 masked %lt3A_193 : memref<4160xi32, #tpu.memory_space<vmem>>[vector<16xi32>], vector<16xi32>, vector<16xi1>
          %all_reduce_population_count3A_203 = tpu.all_reduce %lt3A_193 {dim = 0 : i64, kind = #tpu.reduction_kind<sum>} : vector<16xi1> -> vector<16xi32>
          %add3A_204 = arith.addi %add3A_182, %all_reduce_population_count3A_203 : vector<16xi32>
          %add3A_205 = arith.constant 16 : i32
          %add3A_206 = vector.broadcast %add3A_205 : i32 to vector<16xi32>
          %add3A_207 = arith.addi %add3A_185, %add3A_206 : vector<16xi32>
          %scan3A_208 = arith.constant 3 : i32
          %scan3A_209 = arith.addi %scan3A_145, %scan3A_208 : i32
          %gather3A_210 = tpu.vector_load_idx %arg7[%add3A_207] : memref<16384xi32, #tpu.memory_space<vmem>>[vector<16xi32>], vector<16xi32>,
          %sub3A_211 = vector.broadcast %mul3A_17 : i32 to vector<16xi32>
          %sub3A_212 = arith.subi %gather3A_210, %sub3A_211 : vector<16xi32>
          %lt3A_213 = arith.constant 1280 : i32
          %lt3A_214 = vector.broadcast %lt3A_213 : i32 to vector<16xi32>
          %lt3A_215 = arith.cmpi ult, %sub3A_212, %lt3A_214 : vector<16xi32>
          %convert_element_type3A_216 = arith.extui %lt3A_215 : vector<16xi1> to vector<16xi32>
          %broadcast_in_dim3A_217 = arith.constant true
          %broadcast_in_dim3A_218 = vector.broadcast %broadcast_in_dim3A_217 : i1 to vector<16xi1>
          %masked_cumsum3A_219 = tpu.scan <sum>, %convert_element_type3A_216 masked %broadcast_in_dim3A_218 : vector<16xi32>, vector<16xi1> -> vector<16xi32>
          %add3A_220 = arith.addi %add3A_204, %masked_cumsum3A_219 : vector<16xi32>
          %add3A_221 = arith.addi %sub3A_212, %mul3A_57 : vector<16xi32>
          tpu.vector_store_idx %arg10[%add3A_220], %add3A_221 masked %lt3A_215 : memref<4160xi32, #tpu.memory_space<vmem>>[vector<16xi32>], vector<16xi32>, vector<16xi1>
          %shift_right_logical3A_222 = arith.constant 1 : i32
          %shift_right_logical3A_223 = vector.broadcast %shift_right_logical3A_222 : i32 to vector<16xi32>
          %shift_right_logical3A_224 = arith.shrui %add3A_207, %shift_right_logical3A_223 : vector<16xi32>
          tpu.vector_store_idx %arg9[%add3A_220], %shift_right_logical3A_224 masked %lt3A_215 : memref<4160xi32, #tpu.memory_space<vmem>>[vector<16xi32>], vector<16xi32>, vector<16xi1>
          %all_reduce_population_count3A_225 = tpu.all_reduce %lt3A_215 {dim = 0 : i64, kind = #tpu.reduction_kind<sum>} : vector<16xi1> -> vector<16xi32>
          %add3A_226 = arith.addi %add3A_204, %all_reduce_population_count3A_225 : vector<16xi32>
          %add3A_227 = arith.constant 16 : i32
          %add3A_228 = vector.broadcast %add3A_227 : i32 to vector<16xi32>
          %add3A_229 = arith.addi %add3A_207, %add3A_228 : vector<16xi32>
          %scan3A_230 = arith.constant 4 : i32
          %scan3A_231 = arith.addi %scan3A_145, %scan3A_230 : i32
          %gather3A_232 = tpu.vector_load_idx %arg7[%add3A_229] : memref<16384xi32, #tpu.memory_space<vmem>>[vector<16xi32>], vector<16xi32>,
          %sub3A_233 = vector.broadcast %mul3A_17 : i32 to vector<16xi32>
          %sub3A_234 = arith.subi %gather3A_232, %sub3A_233 : vector<16xi32>
          %lt3A_235 = arith.constant 1280 : i32
          %lt3A_236 = vector.broadcast %lt3A_235 : i32 to vector<16xi32>
          %lt3A_237 = arith.cmpi ult, %sub3A_234, %lt3A_236 : vector<16xi32>
          %convert_element_type3A_238 = arith.extui %lt3A_237 : vector<16xi1> to vector<16xi32>
          %broadcast_in_dim3A_239 = arith.constant true
          %broadcast_in_dim3A_240 = vector.broadcast %broadcast_in_dim3A_239 : i1 to vector<16xi1>
          %masked_cumsum3A_241 = tpu.scan <sum>, %convert_element_type3A_238 masked %broadcast_in_dim3A_240 : vector<16xi32>, vector<16xi1> -> vector<16xi32>
          %add3A_242 = arith.addi %add3A_226, %masked_cumsum3A_241 : vector<16xi32>
          %add3A_243 = arith.addi %sub3A_234, %mul3A_57 : vector<16xi32>
          tpu.vector_store_idx %arg10[%add3A_242], %add3A_243 masked %lt3A_237 : memref<4160xi32, #tpu.memory_space<vmem>>[vector<16xi32>], vector<16xi32>, vector<16xi1>
          %shift_right_logical3A_244 = arith.constant 1 : i32
          %shift_right_logical3A_245 = vector.broadcast %shift_right_logical3A_244 : i32 to vector<16xi32>
          %shift_right_logical3A_246 = arith.shrui %add3A_229, %shift_right_logical3A_245 : vector<16xi32>
          tpu.vector_store_idx %arg9[%add3A_242], %shift_right_logical3A_246 masked %lt3A_237 : memref<4160xi32, #tpu.memory_space<vmem>>[vector<16xi32>], vector<16xi32>, vector<16xi1>
          %all_reduce_population_count3A_247 = tpu.all_reduce %lt3A_237 {dim = 0 : i64, kind = #tpu.reduction_kind<sum>} : vector<16xi1> -> vector<16xi32>
          %add3A_248 = arith.addi %add3A_226, %all_reduce_population_count3A_247 : vector<16xi32>
          %add3A_249 = arith.constant 16 : i32
          %add3A_250 = vector.broadcast %add3A_249 : i32 to vector<16xi32>
          %add3A_251 = arith.addi %add3A_229, %add3A_250 : vector<16xi32>
          %scan3A_252 = arith.constant 5 : i32
          %scan3A_253 = arith.addi %scan3A_145, %scan3A_252 : i32
          %gather3A_254 = tpu.vector_load_idx %arg7[%add3A_251] : memref<16384xi32, #tpu.memory_space<vmem>>[vector<16xi32>], vector<16xi32>,
          %sub3A_255 = vector.broadcast %mul3A_17 : i32 to vector<16xi32>
          %sub3A_256 = arith.subi %gather3A_254, %sub3A_255 : vector<16xi32>
          %lt3A_257 = arith.constant 1280 : i32
          %lt3A_258 = vector.broadcast %lt3A_257 : i32 to vector<16xi32>
          %lt3A_259 = arith.cmpi ult, %sub3A_256, %lt3A_258 : vector<16xi32>
          %convert_element_type3A_260 = arith.extui %lt3A_259 : vector<16xi1> to vector<16xi32>
          %broadcast_in_dim3A_261 = arith.constant true
          %broadcast_in_dim3A_262 = vector.broadcast %broadcast_in_dim3A_261 : i1 to vector<16xi1>
          %masked_cumsum3A_263 = tpu.scan <sum>, %convert_element_type3A_260 masked %broadcast_in_dim3A_262 : vector<16xi32>, vector<16xi1> -> vector<16xi32>
          %add3A_264 = arith.addi %add3A_248, %masked_cumsum3A_263 : vector<16xi32>
          %add3A_265 = arith.addi %sub3A_256, %mul3A_57 : vector<16xi32>
          tpu.vector_store_idx %arg10[%add3A_264], %add3A_265 masked %lt3A_259 : memref<4160xi32, #tpu.memory_space<vmem>>[vector<16xi32>], vector<16xi32>, vector<16xi1>
          %shift_right_logical3A_266 = arith.constant 1 : i32
          %shift_right_logical3A_267 = vector.broadcast %shift_right_logical3A_266 : i32 to vector<16xi32>
          %shift_right_logical3A_268 = arith.shrui %add3A_251, %shift_right_logical3A_267 : vector<16xi32>
          tpu.vector_store_idx %arg9[%add3A_264], %shift_right_logical3A_268 masked %lt3A_259 : memref<4160xi32, #tpu.memory_space<vmem>>[vector<16xi32>], vector<16xi32>, vector<16xi1>
          %all_reduce_population_count3A_269 = tpu.all_reduce %lt3A_259 {dim = 0 : i64, kind = #tpu.reduction_kind<sum>} : vector<16xi1> -> vector<16xi32>
          %add3A_270 = arith.addi %add3A_248, %all_reduce_population_count3A_269 : vector<16xi32>
          %add3A_271 = arith.constant 16 : i32
          %add3A_272 = vector.broadcast %add3A_271 : i32 to vector<16xi32>
          %add3A_273 = arith.addi %add3A_251, %add3A_272 : vector<16xi32>
          %scan3A_274 = arith.constant 6 : i32
          %scan3A_275 = arith.addi %scan3A_145, %scan3A_274 : i32
          %gather3A_276 = tpu.vector_load_idx %arg7[%add3A_273] : memref<16384xi32, #tpu.memory_space<vmem>>[vector<16xi32>], vector<16xi32>,
          %sub3A_277 = vector.broadcast %mul3A_17 : i32 to vector<16xi32>
          %sub3A_278 = arith.subi %gather3A_276, %sub3A_277 : vector<16xi32>
          %lt3A_279 = arith.constant 1280 : i32
          %lt3A_280 = vector.broadcast %lt3A_279 : i32 to vector<16xi32>
          %lt3A_281 = arith.cmpi ult, %sub3A_278, %lt3A_280 : vector<16xi32>
          %convert_element_type3A_282 = arith.extui %lt3A_281 : vector<16xi1> to vector<16xi32>
          %broadcast_in_dim3A_283 = arith.constant true
          %broadcast_in_dim3A_284 = vector.broadcast %broadcast_in_dim3A_283 : i1 to vector<16xi1>
          %masked_cumsum3A_285 = tpu.scan <sum>, %convert_element_type3A_282 masked %broadcast_in_dim3A_284 : vector<16xi32>, vector<16xi1> -> vector<16xi32>
          %add3A_286 = arith.addi %add3A_270, %masked_cumsum3A_285 : vector<16xi32>
          %add3A_287 = arith.addi %sub3A_278, %mul3A_57 : vector<16xi32>
          tpu.vector_store_idx %arg10[%add3A_286], %add3A_287 masked %lt3A_281 : memref<4160xi32, #tpu.memory_space<vmem>>[vector<16xi32>], vector<16xi32>, vector<16xi1>
          %shift_right_logical3A_288 = arith.constant 1 : i32
          %shift_right_logical3A_289 = vector.broadcast %shift_right_logical3A_288 : i32 to vector<16xi32>
          %shift_right_logical3A_290 = arith.shrui %add3A_273, %shift_right_logical3A_289 : vector<16xi32>
          tpu.vector_store_idx %arg9[%add3A_286], %shift_right_logical3A_290 masked %lt3A_281 : memref<4160xi32, #tpu.memory_space<vmem>>[vector<16xi32>], vector<16xi32>, vector<16xi1>
          %all_reduce_population_count3A_291 = tpu.all_reduce %lt3A_281 {dim = 0 : i64, kind = #tpu.reduction_kind<sum>} : vector<16xi1> -> vector<16xi32>
          %add3A_292 = arith.addi %add3A_270, %all_reduce_population_count3A_291 : vector<16xi32>
          %add3A_293 = arith.constant 16 : i32
          %add3A_294 = vector.broadcast %add3A_293 : i32 to vector<16xi32>
          %add3A_295 = arith.addi %add3A_273, %add3A_294 : vector<16xi32>
          %scan3A_296 = arith.constant 7 : i32
          %scan3A_297 = arith.addi %scan3A_145, %scan3A_296 : i32
          %gather3A_298 = tpu.vector_load_idx %arg7[%add3A_295] : memref<16384xi32, #tpu.memory_space<vmem>>[vector<16xi32>], vector<16xi32>,
          %sub3A_299 = vector.broadcast %mul3A_17 : i32 to vector<16xi32>
          %sub3A_300 = arith.subi %gather3A_298, %sub3A_299 : vector<16xi32>
          %lt3A_301 = arith.constant 1280 : i32
          %lt3A_302 = vector.broadcast %lt3A_301 : i32 to vector<16xi32>
          %lt3A_303 = arith.cmpi ult, %sub3A_300, %lt3A_302 : vector<16xi32>
          %convert_element_type3A_304 = arith.extui %lt3A_303 : vector<16xi1> to vector<16xi32>
          %broadcast_in_dim3A_305 = arith.constant true
          %broadcast_in_dim3A_306 = vector.broadcast %broadcast_in_dim3A_305 : i1 to vector<16xi1>
          %masked_cumsum3A_307 = tpu.scan <sum>, %convert_element_type3A_304 masked %broadcast_in_dim3A_306 : vector<16xi32>, vector<16xi1> -> vector<16xi32>
          %add3A_308 = arith.addi %add3A_292, %masked_cumsum3A_307 : vector<16xi32>
          %add3A_309 = arith.addi %sub3A_300, %mul3A_57 : vector<16xi32>
          tpu.vector_store_idx %arg10[%add3A_308], %add3A_309 masked %lt3A_303 : memref<4160xi32, #tpu.memory_space<vmem>>[vector<16xi32>], vector<16xi32>, vector<16xi1>
          %shift_right_logical3A_310 = arith.constant 1 : i32
          %shift_right_logical3A_311 = vector.broadcast %shift_right_logical3A_310 : i32 to vector<16xi32>
          %shift_right_logical3A_312 = arith.shrui %add3A_295, %shift_right_logical3A_311 : vector<16xi32>
          tpu.vector_store_idx %arg9[%add3A_308], %shift_right_logical3A_312 masked %lt3A_303 : memref<4160xi32, #tpu.memory_space<vmem>>[vector<16xi32>], vector<16xi32>, vector<16xi1>
          %all_reduce_population_count3A_313 = tpu.all_reduce %lt3A_303 {dim = 0 : i64, kind = #tpu.reduction_kind<sum>} : vector<16xi1> -> vector<16xi32>
          %add3A_314 = arith.addi %add3A_292, %all_reduce_population_count3A_313 : vector<16xi32>
          %add3A_315 = arith.constant 16 : i32
          %add3A_316 = vector.broadcast %add3A_315 : i32 to vector<16xi32>
          %add3A_317 = arith.addi %add3A_295, %add3A_316 : vector<16xi32>
          %scan3A_318 = arith.constant 8 : i32
          %scan3A_319 = arith.addi %scan3A_145, %scan3A_318 : i32
          %gather3A_320 = tpu.vector_load_idx %arg7[%add3A_317] : memref<16384xi32, #tpu.memory_space<vmem>>[vector<16xi32>], vector<16xi32>,
          %sub3A_321 = vector.broadcast %mul3A_17 : i32 to vector<16xi32>
          %sub3A_322 = arith.subi %gather3A_320, %sub3A_321 : vector<16xi32>
          %lt3A_323 = arith.constant 1280 : i32
          %lt3A_324 = vector.broadcast %lt3A_323 : i32 to vector<16xi32>
          %lt3A_325 = arith.cmpi ult, %sub3A_322, %lt3A_324 : vector<16xi32>
          %convert_element_type3A_326 = arith.extui %lt3A_325 : vector<16xi1> to vector<16xi32>
          %broadcast_in_dim3A_327 = arith.constant true
          %broadcast_in_dim3A_328 = vector.broadcast %broadcast_in_dim3A_327 : i1 to vector<16xi1>
          %masked_cumsum3A_329 = tpu.scan <sum>, %convert_element_type3A_326 masked %broadcast_in_dim3A_328 : vector<16xi32>, vector<16xi1> -> vector<16xi32>
          %add3A_330 = arith.addi %add3A_314, %masked_cumsum3A_329 : vector<16xi32>
          %add3A_331 = arith.addi %sub3A_322, %mul3A_57 : vector<16xi32>
          tpu.vector_store_idx %arg10[%add3A_330], %add3A_331 masked %lt3A_325 : memref<4160xi32, #tpu.memory_space<vmem>>[vector<16xi32>], vector<16xi32>, vector<16xi1>
          %shift_right_logical3A_332 = arith.constant 1 : i32
          %shift_right_logical3A_333 = vector.broadcast %shift_right_logical3A_332 : i32 to vector<16xi32>
          %shift_right_logical3A_334 = arith.shrui %add3A_317, %shift_right_logical3A_333 : vector<16xi32>
          tpu.vector_store_idx %arg9[%add3A_330], %shift_right_logical3A_334 masked %lt3A_325 : memref<4160xi32, #tpu.memory_space<vmem>>[vector<16xi32>], vector<16xi32>, vector<16xi1>
          %all_reduce_population_count3A_335 = tpu.all_reduce %lt3A_325 {dim = 0 : i64, kind = #tpu.reduction_kind<sum>} : vector<16xi1> -> vector<16xi32>
          %add3A_336 = arith.addi %add3A_314, %all_reduce_population_count3A_335 : vector<16xi32>
          %add3A_337 = arith.constant 16 : i32
          %add3A_338 = vector.broadcast %add3A_337 : i32 to vector<16xi32>
          %add3A_339 = arith.addi %add3A_317, %add3A_338 : vector<16xi32>
          %scan3A_340 = arith.constant 9 : i32
          %scan3A_341 = arith.addi %scan3A_145, %scan3A_340 : i32
          %gather3A_342 = tpu.vector_load_idx %arg7[%add3A_339] : memref<16384xi32, #tpu.memory_space<vmem>>[vector<16xi32>], vector<16xi32>,
          %sub3A_343 = vector.broadcast %mul3A_17 : i32 to vector<16xi32>
          %sub3A_344 = arith.subi %gather3A_342, %sub3A_343 : vector<16xi32>
          %lt3A_345 = arith.constant 1280 : i32
          %lt3A_346 = vector.broadcast %lt3A_345 : i32 to vector<16xi32>
          %lt3A_347 = arith.cmpi ult, %sub3A_344, %lt3A_346 : vector<16xi32>
          %convert_element_type3A_348 = arith.extui %lt3A_347 : vector<16xi1> to vector<16xi32>
          %broadcast_in_dim3A_349 = arith.constant true
          %broadcast_in_dim3A_350 = vector.broadcast %broadcast_in_dim3A_349 : i1 to vector<16xi1>
          %masked_cumsum3A_351 = tpu.scan <sum>, %convert_element_type3A_348 masked %broadcast_in_dim3A_350 : vector<16xi32>, vector<16xi1> -> vector<16xi32>
          %add3A_352 = arith.addi %add3A_336, %masked_cumsum3A_351 : vector<16xi32>
          %add3A_353 = arith.addi %sub3A_344, %mul3A_57 : vector<16xi32>
          tpu.vector_store_idx %arg10[%add3A_352], %add3A_353 masked %lt3A_347 : memref<4160xi32, #tpu.memory_space<vmem>>[vector<16xi32>], vector<16xi32>, vector<16xi1>
          %shift_right_logical3A_354 = arith.constant 1 : i32
          %shift_right_logical3A_355 = vector.broadcast %shift_right_logical3A_354 : i32 to vector<16xi32>
          %shift_right_logical3A_356 = arith.shrui %add3A_339, %shift_right_logical3A_355 : vector<16xi32>
          tpu.vector_store_idx %arg9[%add3A_352], %shift_right_logical3A_356 masked %lt3A_347 : memref<4160xi32, #tpu.memory_space<vmem>>[vector<16xi32>], vector<16xi32>, vector<16xi1>
          %all_reduce_population_count3A_357 = tpu.all_reduce %lt3A_347 {dim = 0 : i64, kind = #tpu.reduction_kind<sum>} : vector<16xi1> -> vector<16xi32>
          %add3A_358 = arith.addi %add3A_336, %all_reduce_population_count3A_357 : vector<16xi32>
          %add3A_359 = arith.constant 16 : i32
          %add3A_360 = vector.broadcast %add3A_359 : i32 to vector<16xi32>
          %add3A_361 = arith.addi %add3A_339, %add3A_360 : vector<16xi32>
          %scan3A_362 = arith.constant 10 : i32
          %scan3A_363 = arith.addi %scan3A_145, %scan3A_362 : i32
          %gather3A_364 = tpu.vector_load_idx %arg7[%add3A_361] : memref<16384xi32, #tpu.memory_space<vmem>>[vector<16xi32>], vector<16xi32>,
          %sub3A_365 = vector.broadcast %mul3A_17 : i32 to vector<16xi32>
          %sub3A_366 = arith.subi %gather3A_364, %sub3A_365 : vector<16xi32>
          %lt3A_367 = arith.constant 1280 : i32
          %lt3A_368 = vector.broadcast %lt3A_367 : i32 to vector<16xi32>
          %lt3A_369 = arith.cmpi ult, %sub3A_366, %lt3A_368 : vector<16xi32>
          %convert_element_type3A_370 = arith.extui %lt3A_369 : vector<16xi1> to vector<16xi32>
          %broadcast_in_dim3A_371 = arith.constant true
          %broadcast_in_dim3A_372 = vector.broadcast %broadcast_in_dim3A_371 : i1 to vector<16xi1>
          %masked_cumsum3A_373 = tpu.scan <sum>, %convert_element_type3A_370 masked %broadcast_in_dim3A_372 : vector<16xi32>, vector<16xi1> -> vector<16xi32>
          %add3A_374 = arith.addi %add3A_358, %masked_cumsum3A_373 : vector<16xi32>
          %add3A_375 = arith.addi %sub3A_366, %mul3A_57 : vector<16xi32>
          tpu.vector_store_idx %arg10[%add3A_374], %add3A_375 masked %lt3A_369 : memref<4160xi32, #tpu.memory_space<vmem>>[vector<16xi32>], vector<16xi32>, vector<16xi1>
          %shift_right_logical3A_376 = arith.constant 1 : i32
          %shift_right_logical3A_377 = vector.broadcast %shift_right_logical3A_376 : i32 to vector<16xi32>
          %shift_right_logical3A_378 = arith.shrui %add3A_361, %shift_right_logical3A_377 : vector<16xi32>
          tpu.vector_store_idx %arg9[%add3A_374], %shift_right_logical3A_378 masked %lt3A_369 : memref<4160xi32, #tpu.memory_space<vmem>>[vector<16xi32>], vector<16xi32>, vector<16xi1>
          %all_reduce_population_count3A_379 = tpu.all_reduce %lt3A_369 {dim = 0 : i64, kind = #tpu.reduction_kind<sum>} : vector<16xi1> -> vector<16xi32>
          %add3A_380 = arith.addi %add3A_358, %all_reduce_population_count3A_379 : vector<16xi32>
          %add3A_381 = arith.constant 16 : i32
          %add3A_382 = vector.broadcast %add3A_381 : i32 to vector<16xi32>
          %add3A_383 = arith.addi %add3A_361, %add3A_382 : vector<16xi32>
          %scan3A_384 = arith.constant 11 : i32
          %scan3A_385 = arith.addi %scan3A_145, %scan3A_384 : i32
          %gather3A_386 = tpu.vector_load_idx %arg7[%add3A_383] : memref<16384xi32, #tpu.memory_space<vmem>>[vector<16xi32>], vector<16xi32>,
          %sub3A_387 = vector.broadcast %mul3A_17 : i32 to vector<16xi32>
          %sub3A_388 = arith.subi %gather3A_386, %sub3A_387 : vector<16xi32>
          %lt3A_389 = arith.constant 1280 : i32
          %lt3A_390 = vector.broadcast %lt3A_389 : i32 to vector<16xi32>
          %lt3A_391 = arith.cmpi ult, %sub3A_388, %lt3A_390 : vector<16xi32>
          %convert_element_type3A_392 = arith.extui %lt3A_391 : vector<16xi1> to vector<16xi32>
          %broadcast_in_dim3A_393 = arith.constant true
          %broadcast_in_dim3A_394 = vector.broadcast %broadcast_in_dim3A_393 : i1 to vector<16xi1>
          %masked_cumsum3A_395 = tpu.scan <sum>, %convert_element_type3A_392 masked %broadcast_in_dim3A_394 : vector<16xi32>, vector<16xi1> -> vector<16xi32>
          %add3A_396 = arith.addi %add3A_380, %masked_cumsum3A_395 : vector<16xi32>
          %add3A_397 = arith.addi %sub3A_388, %mul3A_57 : vector<16xi32>
          tpu.vector_store_idx %arg10[%add3A_396], %add3A_397 masked %lt3A_391 : memref<4160xi32, #tpu.memory_space<vmem>>[vector<16xi32>], vector<16xi32>, vector<16xi1>
          %shift_right_logical3A_398 = arith.constant 1 : i32
          %shift_right_logical3A_399 = vector.broadcast %shift_right_logical3A_398 : i32 to vector<16xi32>
          %shift_right_logical3A_400 = arith.shrui %add3A_383, %shift_right_logical3A_399 : vector<16xi32>
          tpu.vector_store_idx %arg9[%add3A_396], %shift_right_logical3A_400 masked %lt3A_391 : memref<4160xi32, #tpu.memory_space<vmem>>[vector<16xi32>], vector<16xi32>, vector<16xi1>
          %all_reduce_population_count3A_401 = tpu.all_reduce %lt3A_391 {dim = 0 : i64, kind = #tpu.reduction_kind<sum>} : vector<16xi1> -> vector<16xi32>
          %add3A_402 = arith.addi %add3A_380, %all_reduce_population_count3A_401 : vector<16xi32>
          %add3A_403 = arith.constant 16 : i32
          %add3A_404 = vector.broadcast %add3A_403 : i32 to vector<16xi32>
          %add3A_405 = arith.addi %add3A_383, %add3A_404 : vector<16xi32>
          %scan3A_406 = arith.constant 12 : i32
          %scan3A_407 = arith.addi %scan3A_145, %scan3A_406 : i32
          %gather3A_408 = tpu.vector_load_idx %arg7[%add3A_405] : memref<16384xi32, #tpu.memory_space<vmem>>[vector<16xi32>], vector<16xi32>,
          %sub3A_409 = vector.broadcast %mul3A_17 : i32 to vector<16xi32>
          %sub3A_410 = arith.subi %gather3A_408, %sub3A_409 : vector<16xi32>
          %lt3A_411 = arith.constant 1280 : i32
          %lt3A_412 = vector.broadcast %lt3A_411 : i32 to vector<16xi32>
          %lt3A_413 = arith.cmpi ult, %sub3A_410, %lt3A_412 : vector<16xi32>
          %convert_element_type3A_414 = arith.extui %lt3A_413 : vector<16xi1> to vector<16xi32>
          %broadcast_in_dim3A_415 = arith.constant true
          %broadcast_in_dim3A_416 = vector.broadcast %broadcast_in_dim3A_415 : i1 to vector<16xi1>
          %masked_cumsum3A_417 = tpu.scan <sum>, %convert_element_type3A_414 masked %broadcast_in_dim3A_416 : vector<16xi32>, vector<16xi1> -> vector<16xi32>
          %add3A_418 = arith.addi %add3A_402, %masked_cumsum3A_417 : vector<16xi32>
          %add3A_419 = arith.addi %sub3A_410, %mul3A_57 : vector<16xi32>
          tpu.vector_store_idx %arg10[%add3A_418], %add3A_419 masked %lt3A_413 : memref<4160xi32, #tpu.memory_space<vmem>>[vector<16xi32>], vector<16xi32>, vector<16xi1>
          %shift_right_logical3A_420 = arith.constant 1 : i32
          %shift_right_logical3A_421 = vector.broadcast %shift_right_logical3A_420 : i32 to vector<16xi32>
          %shift_right_logical3A_422 = arith.shrui %add3A_405, %shift_right_logical3A_421 : vector<16xi32>
          tpu.vector_store_idx %arg9[%add3A_418], %shift_right_logical3A_422 masked %lt3A_413 : memref<4160xi32, #tpu.memory_space<vmem>>[vector<16xi32>], vector<16xi32>, vector<16xi1>
          %all_reduce_population_count3A_423 = tpu.all_reduce %lt3A_413 {dim = 0 : i64, kind = #tpu.reduction_kind<sum>} : vector<16xi1> -> vector<16xi32>
          %add3A_424 = arith.addi %add3A_402, %all_reduce_population_count3A_423 : vector<16xi32>
          %add3A_425 = arith.constant 16 : i32
          %add3A_426 = vector.broadcast %add3A_425 : i32 to vector<16xi32>
          %add3A_427 = arith.addi %add3A_405, %add3A_426 : vector<16xi32>
          %scan3A_428 = arith.constant 13 : i32
          %scan3A_429 = arith.addi %scan3A_145, %scan3A_428 : i32
          %gather3A_430 = tpu.vector_load_idx %arg7[%add3A_427] : memref<16384xi32, #tpu.memory_space<vmem>>[vector<16xi32>], vector<16xi32>,
          %sub3A_431 = vector.broadcast %mul3A_17 : i32 to vector<16xi32>
          %sub3A_432 = arith.subi %gather3A_430, %sub3A_431 : vector<16xi32>
          %lt3A_433 = arith.constant 1280 : i32
          %lt3A_434 = vector.broadcast %lt3A_433 : i32 to vector<16xi32>
          %lt3A_435 = arith.cmpi ult, %sub3A_432, %lt3A_434 : vector<16xi32>
          %convert_element_type3A_436 = arith.extui %lt3A_435 : vector<16xi1> to vector<16xi32>
          %broadcast_in_dim3A_437 = arith.constant true
          %broadcast_in_dim3A_438 = vector.broadcast %broadcast_in_dim3A_437 : i1 to vector<16xi1>
          %masked_cumsum3A_439 = tpu.scan <sum>, %convert_element_type3A_436 masked %broadcast_in_dim3A_438 : vector<16xi32>, vector<16xi1> -> vector<16xi32>
          %add3A_440 = arith.addi %add3A_424, %masked_cumsum3A_439 : vector<16xi32>
          %add3A_441 = arith.addi %sub3A_432, %mul3A_57 : vector<16xi32>
          tpu.vector_store_idx %arg10[%add3A_440], %add3A_441 masked %lt3A_435 : memref<4160xi32, #tpu.memory_space<vmem>>[vector<16xi32>], vector<16xi32>, vector<16xi1>
          %shift_right_logical3A_442 = arith.constant 1 : i32
          %shift_right_logical3A_443 = vector.broadcast %shift_right_logical3A_442 : i32 to vector<16xi32>
          %shift_right_logical3A_444 = arith.shrui %add3A_427, %shift_right_logical3A_443 : vector<16xi32>
          tpu.vector_store_idx %arg9[%add3A_440], %shift_right_logical3A_444 masked %lt3A_435 : memref<4160xi32, #tpu.memory_space<vmem>>[vector<16xi32>], vector<16xi32>, vector<16xi1>
          %all_reduce_population_count3A_445 = tpu.all_reduce %lt3A_435 {dim = 0 : i64, kind = #tpu.reduction_kind<sum>} : vector<16xi1> -> vector<16xi32>
          %add3A_446 = arith.addi %add3A_424, %all_reduce_population_count3A_445 : vector<16xi32>
          %add3A_447 = arith.constant 16 : i32
          %add3A_448 = vector.broadcast %add3A_447 : i32 to vector<16xi32>
          %add3A_449 = arith.addi %add3A_427, %add3A_448 : vector<16xi32>
          %scan3A_450 = arith.constant 14 : i32
          %scan3A_451 = arith.addi %scan3A_145, %scan3A_450 : i32
          %gather3A_452 = tpu.vector_load_idx %arg7[%add3A_449] : memref<16384xi32, #tpu.memory_space<vmem>>[vector<16xi32>], vector<16xi32>,
          %sub3A_453 = vector.broadcast %mul3A_17 : i32 to vector<16xi32>
          %sub3A_454 = arith.subi %gather3A_452, %sub3A_453 : vector<16xi32>
          %lt3A_455 = arith.constant 1280 : i32
          %lt3A_456 = vector.broadcast %lt3A_455 : i32 to vector<16xi32>
          %lt3A_457 = arith.cmpi ult, %sub3A_454, %lt3A_456 : vector<16xi32>
          %convert_element_type3A_458 = arith.extui %lt3A_457 : vector<16xi1> to vector<16xi32>
          %broadcast_in_dim3A_459 = arith.constant true
          %broadcast_in_dim3A_460 = vector.broadcast %broadcast_in_dim3A_459 : i1 to vector<16xi1>
          %masked_cumsum3A_461 = tpu.scan <sum>, %convert_element_type3A_458 masked %broadcast_in_dim3A_460 : vector<16xi32>, vector<16xi1> -> vector<16xi32>
          %add3A_462 = arith.addi %add3A_446, %masked_cumsum3A_461 : vector<16xi32>
          %add3A_463 = arith.addi %sub3A_454, %mul3A_57 : vector<16xi32>
          tpu.vector_store_idx %arg10[%add3A_462], %add3A_463 masked %lt3A_457 : memref<4160xi32, #tpu.memory_space<vmem>>[vector<16xi32>], vector<16xi32>, vector<16xi1>
          %shift_right_logical3A_464 = arith.constant 1 : i32
          %shift_right_logical3A_465 = vector.broadcast %shift_right_logical3A_464 : i32 to vector<16xi32>
          %shift_right_logical3A_466 = arith.shrui %add3A_449, %shift_right_logical3A_465 : vector<16xi32>
          tpu.vector_store_idx %arg9[%add3A_462], %shift_right_logical3A_466 masked %lt3A_457 : memref<4160xi32, #tpu.memory_space<vmem>>[vector<16xi32>], vector<16xi32>, vector<16xi1>
          %all_reduce_population_count3A_467 = tpu.all_reduce %lt3A_457 {dim = 0 : i64, kind = #tpu.reduction_kind<sum>} : vector<16xi1> -> vector<16xi32>
          %add3A_468 = arith.addi %add3A_446, %all_reduce_population_count3A_467 : vector<16xi32>
          %add3A_469 = arith.constant 16 : i32
          %add3A_470 = vector.broadcast %add3A_469 : i32 to vector<16xi32>
          %add3A_471 = arith.addi %add3A_449, %add3A_470 : vector<16xi32>
          %scan3A_472 = arith.constant 15 : i32
          %scan3A_473 = arith.addi %scan3A_145, %scan3A_472 : i32
          %gather3A_474 = tpu.vector_load_idx %arg7[%add3A_471] : memref<16384xi32, #tpu.memory_space<vmem>>[vector<16xi32>], vector<16xi32>,
          %sub3A_475 = vector.broadcast %mul3A_17 : i32 to vector<16xi32>
          %sub3A_476 = arith.subi %gather3A_474, %sub3A_475 : vector<16xi32>
          %lt3A_477 = arith.constant 1280 : i32
          %lt3A_478 = vector.broadcast %lt3A_477 : i32 to vector<16xi32>
          %lt3A_479 = arith.cmpi ult, %sub3A_476, %lt3A_478 : vector<16xi32>
          %convert_element_type3A_480 = arith.extui %lt3A_479 : vector<16xi1> to vector<16xi32>
          %broadcast_in_dim3A_481 = arith.constant true
          %broadcast_in_dim3A_482 = vector.broadcast %broadcast_in_dim3A_481 : i1 to vector<16xi1>
          %masked_cumsum3A_483 = tpu.scan <sum>, %convert_element_type3A_480 masked %broadcast_in_dim3A_482 : vector<16xi32>, vector<16xi1> -> vector<16xi32>
          %add3A_484 = arith.addi %add3A_468, %masked_cumsum3A_483 : vector<16xi32>
          %add3A_485 = arith.addi %sub3A_476, %mul3A_57 : vector<16xi32>
          tpu.vector_store_idx %arg10[%add3A_484], %add3A_485 masked %lt3A_479 : memref<4160xi32, #tpu.memory_space<vmem>>[vector<16xi32>], vector<16xi32>, vector<16xi1>
          %shift_right_logical3A_486 = arith.constant 1 : i32
          %shift_right_logical3A_487 = vector.broadcast %shift_right_logical3A_486 : i32 to vector<16xi32>
          %shift_right_logical3A_488 = arith.shrui %add3A_471, %shift_right_logical3A_487 : vector<16xi32>
          tpu.vector_store_idx %arg9[%add3A_484], %shift_right_logical3A_488 masked %lt3A_479 : memref<4160xi32, #tpu.memory_space<vmem>>[vector<16xi32>], vector<16xi32>, vector<16xi1>
          %all_reduce_population_count3A_489 = tpu.all_reduce %lt3A_479 {dim = 0 : i64, kind = #tpu.reduction_kind<sum>} : vector<16xi1> -> vector<16xi32>
          %add3A_490 = arith.addi %add3A_468, %all_reduce_population_count3A_489 : vector<16xi32>
          %add3A_491 = arith.constant 16 : i32
          %add3A_492 = vector.broadcast %add3A_491 : i32 to vector<16xi32>
          %add3A_493 = arith.addi %add3A_471, %add3A_492 : vector<16xi32>
          scf.yield %add3A_490, %add3A_493 : vector<16xi32>, vector<16xi32>
        }
        %scan3A_69 = arith.constant 128 : i32
        %sub3A_70 = arith.subi %scan3A_68#0, %broadcast_in_dim3A_61 : vector<16xi32>
        %mul3A_71 = arith.constant 2080 : i32
        %mul3A_72 = arith.muli %and3A_49, %mul3A_71 : i32
        %add3A_73 = vector.broadcast %mul3A_72 : i32 to vector<16xi32>
        %add3A_74 = arith.addi %add3A_73, %sub3A_70 : vector<16xi32>
        %add3A_75 = arith.constant 0 : i32
        %add3A_76 = vector.broadcast %add3A_75 : i32 to vector<16xi32>
        %add3A_77 = arith.addi %add3A_74, %add3A_76 : vector<16xi32>
        %add3A_78 = arith.addi %add3A_77, %iota3A : vector<16xi32>
        %broadcast_in_dim3A_79 = arith.constant 1280 : i32
        %broadcast_in_dim3A_80 = vector.broadcast %broadcast_in_dim3A_79 : i32 to vector<16xi32>
        %add3A_81 = arith.addi %broadcast_in_dim3A_80, %iota3A : vector<16xi32>
        tpu.vector_store_idx %arg10[%add3A_78], %add3A_81 : memref<4160xi32, #tpu.memory_space<vmem>>[vector<16xi32>], vector<16xi32>,
        %mul3A_82 = arith.constant 256 : i32
        %mul3A_83 = arith.muli %add3A, %mul3A_82 : i32
        %add3A_84 = arith.constant 0 : i32
        %add3A_85 = arith.addi %mul3A_83, %add3A_84 : i32
        %add3A_86 = vector.broadcast %add3A_85 : i32 to vector<16xi32>
        %add3A_87 = arith.addi %add3A_86, %iota3A : vector<16xi32>
        %mul3A_88 = arith.constant 2080 : i32
        %mul3A_89 = arith.muli %and3A_49, %mul3A_88 : i32
        %add3A_90 = vector.broadcast %mul3A_89 : i32 to vector<16xi32>
        %add3A_91 = arith.addi %add3A_90, %sub3A_70 : vector<16xi32>
        %add3A_92 = arith.constant 0 : i32
        %add3A_93 = vector.broadcast %add3A_92 : i32 to vector<16xi32>
        %add3A_94 = arith.addi %add3A_91, %add3A_93 : vector<16xi32>
        %add3A_95 = arith.addi %add3A_94, %iota3A : vector<16xi32>
        tpu.vector_store_idx %arg9[%add3A_95], %add3A_87 : memref<4160xi32, #tpu.memory_space<vmem>>[vector<16xi32>], vector<16xi32>,
        %mul3A_96 = arith.constant 2080 : i32
        %mul3A_97 = arith.muli %and3A_49, %mul3A_96 : i32
        %add3A_98 = vector.broadcast %mul3A_97 : i32 to vector<16xi32>
        %add3A_99 = arith.addi %add3A_98, %sub3A_70 : vector<16xi32>
        %add3A_100 = arith.constant 16 : i32
        %add3A_101 = vector.broadcast %add3A_100 : i32 to vector<16xi32>
        %add3A_102 = arith.addi %add3A_99, %add3A_101 : vector<16xi32>
        %add3A_103 = arith.addi %add3A_102, %iota3A : vector<16xi32>
        %broadcast_in_dim3A_104 = arith.constant 1280 : i32
        %broadcast_in_dim3A_105 = vector.broadcast %broadcast_in_dim3A_104 : i32 to vector<16xi32>
        %add3A_106 = arith.addi %broadcast_in_dim3A_105, %iota3A : vector<16xi32>
        tpu.vector_store_idx %arg10[%add3A_103], %add3A_106 : memref<4160xi32, #tpu.memory_space<vmem>>[vector<16xi32>], vector<16xi32>,
        %mul3A_107 = arith.constant 256 : i32
        %mul3A_108 = arith.muli %add3A, %mul3A_107 : i32
        %add3A_109 = arith.constant 16 : i32
        %add3A_110 = arith.addi %mul3A_108, %add3A_109 : i32
        %add3A_111 = vector.broadcast %add3A_110 : i32 to vector<16xi32>
        %add3A_112 = arith.addi %add3A_111, %iota3A : vector<16xi32>
        %mul3A_113 = arith.constant 2080 : i32
        %mul3A_114 = arith.muli %and3A_49, %mul3A_113 : i32
        %add3A_115 = vector.broadcast %mul3A_114 : i32 to vector<16xi32>
        %add3A_116 = arith.addi %add3A_115, %sub3A_70 : vector<16xi32>
        %add3A_117 = arith.constant 16 : i32
        %add3A_118 = vector.broadcast %add3A_117 : i32 to vector<16xi32>
        %add3A_119 = arith.addi %add3A_116, %add3A_118 : vector<16xi32>
        %add3A_120 = arith.addi %add3A_119, %iota3A : vector<16xi32>
        tpu.vector_store_idx %arg9[%add3A_120], %add3A_112 : memref<4160xi32, #tpu.memory_space<vmem>>[vector<16xi32>], vector<16xi32>,
        %mul3A_121 = arith.constant 2080 : i32
        %mul3A_122 = arith.muli %and3A_49, %mul3A_121 : i32
        %dma_start3A = arith.constant 0 : i32
        %dma_start3A_123 = arith.constant 0 : i32
        %dma_start3A_124 = tpu.memref_slice %arg8[%and3A_49, %dma_start3A, %dma_start3A_123] : memref<2x32x128xf32, #tpu.memory_space<vmem>> -> memref<1x32x128xf32, #tpu.memory_space<vmem>>
        %dma_start3A_125 = tpu.memref_squeeze %dma_start3A_124 : memref<1x32x128xf32, #tpu.memory_space<vmem>> -> memref<32x128xf32, #tpu.memory_space<vmem>>
        %dma_start3A_126 = tpu.memref_slice %arg9[%mul3A_122] : memref<4160xi32, #tpu.memory_space<vmem>> -> memref<32xi32, #tpu.memory_space<vmem>>
        %dma_start3A_127 = arith.constant 0 : i32
        %dma_start3A_128 = arith.constant 0 : i32
        %dma_start3A_129 = tpu.memref_slice %arg4[%dma_start3A_127, %dma_start3A_128] : memref<8192x128xf32, #tpu.memory_space<hbm>> -> memref<8192x128xf32, #tpu.memory_space<hbm>>
        tpu.enqueue_indirect_dma source(%dma_start3A_129 : memref<8192x128xf32, #tpu.memory_space<hbm>>) target(%dma_start3A_125 : memref<32x128xf32, #tpu.memory_space<vmem>>) offsets(%dma_start3A_126 : memref<32xi32, #tpu.memory_space<vmem>>) semaphore(%arg12 : memref<!tpu.dma_semaphore, #tpu.memory_space<semaphore_mem>>)
        %eq3A_130 = arith.constant 0 : i32
        %eq3A_131 = arith.cmpi eq, %scan3A_46, %eq3A_130 : i32
        %convert_element_type3A_132 = arith.extui %eq3A_131 : i1 to i32
        %cond3A_133 = arith.constant 0 : i32
        %cond3A_134 = arith.cmpi ne, %convert_element_type3A_132, %cond3A_133 : i32
        scf.if %cond3A_134 {
          %convert_element_type3A_145 = arith.extui %gt3A_18 : i1 to i32
          %cond3A_146 = arith.constant 0 : i32
          %cond3A_147 = arith.cmpi ne, %convert_element_type3A_145, %cond3A_146 : i32
          scf.if %cond3A_147 {
            %dma_wait3A_158 = arith.constant 0 : i32
            %dma_wait3A_159 = arith.constant 0 : i32
            %dma_wait3A_160 = tpu.memref_slice %arg6[%dma_wait3A_158, %dma_wait3A_159] : memref<64x1296xf32, #tpu.memory_space<vmem>> -> memref<64x1280xf32, #tpu.memory_space<vmem>>
            %dma_wait3A_161 = arith.constant 0 : i32
            %dma_wait3A_162 = arith.constant 0 : i32
            %dma_wait3A_163 = tpu.memref_slice %arg2[%dma_wait3A_161, %dma_wait3A_162] : memref<64x100000xf32, #tpu.memory_space<hbm>> -> memref<64x1280xf32, #tpu.memory_space<hbm>>
            %dma_wait3A_164 = arith.constant 0 : i32
            %dma_wait3A_165 = arith.constant 0 : i32
            %dma_wait3A_166 = tpu.memref_slice %arg6[%dma_wait3A_164, %dma_wait3A_165] : memref<64x1296xf32, #tpu.memory_space<vmem>> -> memref<64x1280xf32, #tpu.memory_space<vmem>>
            %dma_wait3A_167 = arith.constant 0 : i32
            %dma_wait3A_168 = arith.constant 0 : i32
            %dma_wait3A_169 = tpu.memref_slice %arg2[%dma_wait3A_167, %dma_wait3A_168] : memref<64x100000xf32, #tpu.memory_space<hbm>> -> memref<64x1280xf32, #tpu.memory_space<hbm>>
            tpu.wait_dma2 semaphore(%arg13 : memref<!tpu.dma_semaphore, #tpu.memory_space<semaphore_mem>>) src(%dma_wait3A_169 : memref<64x1280xf32, #tpu.memory_space<hbm>>) dst(%dma_wait3A_166 : memref<64x1280xf32, #tpu.memory_space<vmem>>)
          } else {
          }
          %dma_start3A_148 = arith.constant 0 : i32
          %dma_start3A_149 = arith.constant 0 : i32
          %dma_start3A_150 = tpu.memref_slice %arg6[%dma_start3A_148, %dma_start3A_149] : memref<64x1296xf32, #tpu.memory_space<vmem>> -> memref<64x1280xf32, #tpu.memory_space<vmem>>
          %dma_start3A_151 = arith.constant 0 : i32
          %dma_start3A_152 = tpu.memref_slice %arg2[%dma_start3A_151, %mul3A_17] : memref<64x100000xf32, #tpu.memory_space<hbm>> -> memref<64x1280xf32, #tpu.memory_space<hbm>>
          %dma_start3A_153 = arith.constant 0 : i32
          %dma_start3A_154 = arith.constant 0 : i32
          %dma_start3A_155 = tpu.memref_slice %arg6[%dma_start3A_153, %dma_start3A_154] : memref<64x1296xf32, #tpu.memory_space<vmem>> -> memref<64x1280xf32, #tpu.memory_space<vmem>>
          %dma_start3A_156 = arith.constant 0 : i32
          %dma_start3A_157 = tpu.memref_slice %arg2[%dma_start3A_156, %mul3A_17] : memref<64x100000xf32, #tpu.memory_space<hbm>> -> memref<64x1280xf32, #tpu.memory_space<hbm>>
          tpu.enqueue_dma source(%dma_start3A_157 : memref<64x1280xf32, #tpu.memory_space<hbm>>) target(%dma_start3A_155 : memref<64x1280xf32, #tpu.memory_space<vmem>>) target_semaphore(%arg11 : memref<!tpu.dma_semaphore, #tpu.memory_space<semaphore_mem>>)
        } else {
        }
        %eq3A_135 = arith.constant 1 : i32
        %eq3A_136 = arith.cmpi eq, %scan3A_46, %eq3A_135 : i32
        %convert_element_type3A_137 = arith.extui %eq3A_136 : i1 to i32
        %cond3A_138 = arith.constant 0 : i32
        %cond3A_139 = arith.cmpi ne, %convert_element_type3A_137, %cond3A_138 : i32
        scf.if %cond3A_139 {
          %dma_wait3A_145 = arith.constant 0 : i32
          %dma_wait3A_146 = arith.constant 0 : i32
          %dma_wait3A_147 = tpu.memref_slice %arg6[%dma_wait3A_145, %dma_wait3A_146] : memref<64x1296xf32, #tpu.memory_space<vmem>> -> memref<64x1280xf32, #tpu.memory_space<vmem>>
          %dma_wait3A_148 = arith.constant 0 : i32
          %dma_wait3A_149 = tpu.memref_slice %arg2[%dma_wait3A_148, %mul3A_17] : memref<64x100000xf32, #tpu.memory_space<hbm>> -> memref<64x1280xf32, #tpu.memory_space<hbm>>
          %dma_wait3A_150 = arith.constant 0 : i32
          %dma_wait3A_151 = arith.constant 0 : i32
          %dma_wait3A_152 = tpu.memref_slice %arg6[%dma_wait3A_150, %dma_wait3A_151] : memref<64x1296xf32, #tpu.memory_space<vmem>> -> memref<64x1280xf32, #tpu.memory_space<vmem>>
          %dma_wait3A_153 = arith.constant 0 : i32
          %dma_wait3A_154 = tpu.memref_slice %arg2[%dma_wait3A_153, %mul3A_17] : memref<64x100000xf32, #tpu.memory_space<hbm>> -> memref<64x1280xf32, #tpu.memory_space<hbm>>
          tpu.wait_dma2 semaphore(%arg11 : memref<!tpu.dma_semaphore, #tpu.memory_space<semaphore_mem>>) src(%dma_wait3A_154 : memref<64x1280xf32, #tpu.memory_space<hbm>>) dst(%dma_wait3A_152 : memref<64x1280xf32, #tpu.memory_space<vmem>>)
        } else {
        }
        %gt3A_140 = arith.constant 0 : i32
        %gt3A_141 = arith.cmpi sgt, %scan3A_46, %gt3A_140 : i32
        %convert_element_type3A_142 = arith.extui %gt3A_141 : i1 to i32
        %cond3A_143 = arith.constant 0 : i32
        %cond3A_144 = arith.cmpi ne, %convert_element_type3A_142, %cond3A_143 : i32
        scf.if %cond3A_144 {
          %sub3A_145 = arith.constant 1 : i32
          %sub3A_146 = arith.subi %sub3A_145, %and3A_49 : i32
          %mul3A_147 = arith.constant 2080 : i32
          %mul3A_148 = arith.muli %sub3A_146, %mul3A_147 : i32
          %dma_wait3A_149 = arith.constant 0 : i32
          %dma_wait3A_150 = arith.constant 0 : i32
          %dma_wait3A_151 = tpu.memref_slice %arg8[%sub3A_146, %dma_wait3A_149, %dma_wait3A_150] : memref<2x32x128xf32, #tpu.memory_space<vmem>> -> memref<1x32x128xf32, #tpu.memory_space<vmem>>
          %dma_wait3A_152 = tpu.memref_squeeze %dma_wait3A_151 : memref<1x32x128xf32, #tpu.memory_space<vmem>> -> memref<32x128xf32, #tpu.memory_space<vmem>>
          %dma_wait3A_153 = tpu.memref_slice %arg9[%mul3A_148] : memref<4160xi32, #tpu.memory_space<vmem>> -> memref<32xi32, #tpu.memory_space<vmem>>
          %dma_wait3A_154 = arith.constant 0 : i32
          %dma_wait3A_155 = arith.constant 0 : i32
          %dma_wait3A_156 = tpu.memref_slice %arg4[%dma_wait3A_154, %dma_wait3A_155] : memref<8192x128xf32, #tpu.memory_space<hbm>> -> memref<8192x128xf32, #tpu.memory_space<hbm>>
          tpu.wait_indirect_dma semaphore(%arg12 : memref<!tpu.dma_semaphore, #tpu.memory_space<semaphore_mem>>) src(%dma_wait3A_156 : memref<8192x128xf32, #tpu.memory_space<hbm>>) dst(%dma_wait3A_152 : memref<32x128xf32, #tpu.memory_space<vmem>>)
          %while3A_157 = arith.constant 0 : i32
          %while3A_158 = scf.while (%while3A_159 = %while3A_157) : (i32) -> i32 {
            %mul3A_160 = arith.constant 32 : i32
            %mul3A_161 = arith.muli %while3A_159, %mul3A_160 : i32
            %gt3A_162 = vector.broadcast %mul3A_161 : i32 to vector<16xi32>
            %gt3A_163 = arith.cmpi sgt, %scan3A_47, %gt3A_162 : vector<16xi32>
            %reduce_or3A = arith.constant 1.000000e+00 : f32
            %reduce_or3A_164 = arith.constant 0.000000e+00 : f32
            %reduce_or3A_165 = vector.broadcast %reduce_or3A : f32 to vector<16xf32>
            %reduce_or3A_166 = vector.broadcast %reduce_or3A_164 : f32 to vector<16xf32>
            %reduce_or3A_167 = arith.select %gt3A_163, %reduce_or3A_165, %reduce_or3A_166 : vector<16xi1>, vector<16xf32>
            %reduce_or3A_168 = arith.constant true
            %reduce_or3A_169 = vector.broadcast %reduce_or3A_168 : i1 to vector<16xi1>
            %reduce_or3A_170 = tpu.scan <max>, %reduce_or3A_167 masked %reduce_or3A_169 : vector<16xf32>, vector<16xi1> -> vector<16xf32>
            %reduce_or3A_171 = vector.extract %reduce_or3A_170[15] : f32 from vector<16xf32>
            %reduce_or3A_172 = arith.constant 0.000000e+00 : f32
            %reduce_or3A_173 = arith.cmpf ogt, %reduce_or3A_171, %reduce_or3A_172 : f32
            scf.condition(%reduce_or3A_173) %while3A_159 : i32
          } do {
          ^bb0(%while3A_159: i32):
            %gt3A_160 = arith.constant 0 : i32
            %gt3A_161 = arith.cmpi sgt, %while3A_159, %gt3A_160 : i32
            %convert_element_type3A_162 = arith.extui %gt3A_161 : i1 to i32
            %cond3A_163 = arith.constant 0 : i32
            %cond3A_164 = arith.cmpi ne, %convert_element_type3A_162, %cond3A_163 : i32
            scf.if %cond3A_164 {
              %mul3A_173 = arith.constant 2080 : i32
              %mul3A_174 = arith.muli %sub3A_146, %mul3A_173 : i32
              %mul3A_175 = arith.constant 32 : i32
              %mul3A_176 = arith.muli %while3A_159, %mul3A_175 : i32
              %add3A_177 = arith.addi %mul3A_174, %mul3A_176 : i32
              "tpu.region"() ({
                %run_scoped3A = tpu.sem_alloc : memref<!tpu.dma_semaphore, #tpu.memory_space<semaphore_mem>>
                %dma_start3A_178 = arith.constant 0 : i32
                %dma_start3A_179 = arith.constant 0 : i32
                %dma_start3A_180 = tpu.memref_slice %arg8[%sub3A_146, %dma_start3A_178, %dma_start3A_179] : memref<2x32x128xf32, #tpu.memory_space<vmem>> -> memref<1x32x128xf32, #tpu.memory_space<vmem>>
                %dma_start3A_181 = tpu.memref_squeeze %dma_start3A_180 : memref<1x32x128xf32, #tpu.memory_space<vmem>> -> memref<32x128xf32, #tpu.memory_space<vmem>>
                %dma_start3A_182 = tpu.memref_slice %arg9[%add3A_177] : memref<4160xi32, #tpu.memory_space<vmem>> -> memref<32xi32, #tpu.memory_space<vmem>>
                %dma_start3A_183 = arith.constant 0 : i32
                %dma_start3A_184 = arith.constant 0 : i32
                %dma_start3A_185 = tpu.memref_slice %arg4[%dma_start3A_183, %dma_start3A_184] : memref<8192x128xf32, #tpu.memory_space<hbm>> -> memref<8192x128xf32, #tpu.memory_space<hbm>>
                tpu.enqueue_indirect_dma source(%dma_start3A_185 : memref<8192x128xf32, #tpu.memory_space<hbm>>) target(%dma_start3A_181 : memref<32x128xf32, #tpu.memory_space<vmem>>) offsets(%dma_start3A_182 : memref<32xi32, #tpu.memory_space<vmem>>) semaphore(%run_scoped3A : memref<!tpu.dma_semaphore, #tpu.memory_space<semaphore_mem>>)
                %dma_wait3A_186 = arith.constant 0 : i32
                %dma_wait3A_187 = arith.constant 0 : i32
                %dma_wait3A_188 = tpu.memref_slice %arg8[%sub3A_146, %dma_wait3A_186, %dma_wait3A_187] : memref<2x32x128xf32, #tpu.memory_space<vmem>> -> memref<1x32x128xf32, #tpu.memory_space<vmem>>
                %dma_wait3A_189 = tpu.memref_squeeze %dma_wait3A_188 : memref<1x32x128xf32, #tpu.memory_space<vmem>> -> memref<32x128xf32, #tpu.memory_space<vmem>>
                %dma_wait3A_190 = tpu.memref_slice %arg9[%add3A_177] : memref<4160xi32, #tpu.memory_space<vmem>> -> memref<32xi32, #tpu.memory_space<vmem>>
                %dma_wait3A_191 = arith.constant 0 : i32
                %dma_wait3A_192 = arith.constant 0 : i32
                %dma_wait3A_193 = tpu.memref_slice %arg4[%dma_wait3A_191, %dma_wait3A_192] : memref<8192x128xf32, #tpu.memory_space<hbm>> -> memref<8192x128xf32, #tpu.memory_space<hbm>>
                tpu.wait_indirect_dma semaphore(%run_scoped3A : memref<!tpu.dma_semaphore, #tpu.memory_space<semaphore_mem>>) src(%dma_wait3A_193 : memref<8192x128xf32, #tpu.memory_space<hbm>>) dst(%dma_wait3A_189 : memref<32x128xf32, #tpu.memory_space<vmem>>)
                tpu.yield
              }) : () -> ()
            } else {
            }
            %scan3A_165 = arith.constant 0 : i32
            %scan3A_166 = arith.constant 0 : i32
            %scan3A_167 = arith.constant 32 : i32
            %scan3A_168 = arith.addi %scan3A_166, %scan3A_167 : i32
            %scan3A_169 = arith.constant 4 : i32
            scf.for %scan3A_173 = %scan3A_166 to %scan3A_168 step %scan3A_169  : i32 {
              %mul3A_174 = arith.constant 2080 : i32
              %mul3A_175 = arith.muli %sub3A_146, %mul3A_174 : i32
              %mul3A_176 = arith.constant 32 : i32
              %mul3A_177 = arith.muli %while3A_159, %mul3A_176 : i32
              %add3A_178 = arith.addi %mul3A_175, %mul3A_177 : i32
              %add3A_179 = arith.addi %add3A_178, %scan3A_173 : i32
              %broadcast_in_dim3A_180 = vector.broadcast %add3A_179 : i32 to vector<16xi32>
              %gather3A = tpu.vector_load_idx %arg10[%broadcast_in_dim3A_180] : memref<4160xi32, #tpu.memory_space<vmem>>[vector<16xi32>], vector<16xi32>,
              %and3A_181 = arith.constant 4095 : i32
              %and3A_182 = vector.broadcast %and3A_181 : i32 to vector<16xi32>
              %and3A_183 = arith.andi %gather3A, %and3A_182 : vector<16xi32>
              %shift_right_logical3A = arith.constant 12 : i32
              %shift_right_logical3A_184 = vector.broadcast %shift_right_logical3A : i32 to vector<16xi32>
              %shift_right_logical3A_185 = arith.shrui %gather3A, %shift_right_logical3A_184 : vector<16xi32>
              %mul3A_186 = arith.constant 64 : i32
              %mul3A_187 = vector.broadcast %mul3A_186 : i32 to vector<16xi32>
              %mul3A_188 = arith.muli %shift_right_logical3A_185, %mul3A_187 : vector<16xi32>
              %broadcast_in_dim3A_189 = vector.broadcast %scan3A_173 : i32 to vector<16xi32>
              %add3A_190 = arith.constant 0 : i32
              %add3A_191 = vector.broadcast %add3A_190 : i32 to vector<16xi32>
              %add3A_192 = arith.addi %mul3A_188, %add3A_191 : vector<16xi32>
              %add3A_193 = arith.addi %add3A_192, %iota3A : vector<16xi32>
              %gather3A_194 = arith.constant 0 : i32
              %gather3A_195 = arith.constant 0 : i32
              %gather3A_196 = tpu.memref_slice %arg8[%sub3A_146, %gather3A_194, %gather3A_195] : memref<2x32x128xf32, #tpu.memory_space<vmem>> -> memref<1x32x128xf32, #tpu.memory_space<vmem>>
              %gather3A_197 = tpu.memref_squeeze %gather3A_196 : memref<1x32x128xf32, #tpu.memory_space<vmem>> -> memref<32x128xf32, #tpu.memory_space<vmem>>
              %gather3A_198 = tpu.vector_load_idx %gather3A_197[%broadcast_in_dim3A_189, %add3A_193] : memref<32x128xf32, #tpu.memory_space<vmem>>[vector<16xi32>, vector<16xi32>], vector<16xf32>,
              %add3A_199 = arith.constant 0 : i32
              %add3A_200 = vector.broadcast %add3A_199 : i32 to vector<16xi32>
              %add3A_201 = arith.addi %add3A_200, %iota3A : vector<16xi32>
              tpu.vector_store_idx %arg6[%add3A_201, %and3A_183], %gather3A_198 {add = true} : memref<64x1296xf32, #tpu.memory_space<vmem>>[vector<16xi32>, vector<16xi32>], vector<16xf32>,
              %add3A_202 = arith.constant 16 : i32
              %add3A_203 = vector.broadcast %add3A_202 : i32 to vector<16xi32>
              %add3A_204 = arith.addi %mul3A_188, %add3A_203 : vector<16xi32>
              %add3A_205 = arith.addi %add3A_204, %iota3A : vector<16xi32>
              %gather3A_206 = arith.constant 0 : i32
              %gather3A_207 = arith.constant 0 : i32
              %gather3A_208 = tpu.memref_slice %arg8[%sub3A_146, %gather3A_206, %gather3A_207] : memref<2x32x128xf32, #tpu.memory_space<vmem>> -> memref<1x32x128xf32, #tpu.memory_space<vmem>>
              %gather3A_209 = tpu.memref_squeeze %gather3A_208 : memref<1x32x128xf32, #tpu.memory_space<vmem>> -> memref<32x128xf32, #tpu.memory_space<vmem>>
              %gather3A_210 = tpu.vector_load_idx %gather3A_209[%broadcast_in_dim3A_189, %add3A_205] : memref<32x128xf32, #tpu.memory_space<vmem>>[vector<16xi32>, vector<16xi32>], vector<16xf32>,
              %add3A_211 = arith.constant 16 : i32
              %add3A_212 = vector.broadcast %add3A_211 : i32 to vector<16xi32>
              %add3A_213 = arith.addi %add3A_212, %iota3A : vector<16xi32>
              tpu.vector_store_idx %arg6[%add3A_213, %and3A_183], %gather3A_210 {add = true} : memref<64x1296xf32, #tpu.memory_space<vmem>>[vector<16xi32>, vector<16xi32>], vector<16xf32>,
              %add3A_214 = arith.constant 32 : i32
              %add3A_215 = vector.broadcast %add3A_214 : i32 to vector<16xi32>
              %add3A_216 = arith.addi %mul3A_188, %add3A_215 : vector<16xi32>
              %add3A_217 = arith.addi %add3A_216, %iota3A : vector<16xi32>
              %gather3A_218 = arith.constant 0 : i32
              %gather3A_219 = arith.constant 0 : i32
              %gather3A_220 = tpu.memref_slice %arg8[%sub3A_146, %gather3A_218, %gather3A_219] : memref<2x32x128xf32, #tpu.memory_space<vmem>> -> memref<1x32x128xf32, #tpu.memory_space<vmem>>
              %gather3A_221 = tpu.memref_squeeze %gather3A_220 : memref<1x32x128xf32, #tpu.memory_space<vmem>> -> memref<32x128xf32, #tpu.memory_space<vmem>>
              %gather3A_222 = tpu.vector_load_idx %gather3A_221[%broadcast_in_dim3A_189, %add3A_217] : memref<32x128xf32, #tpu.memory_space<vmem>>[vector<16xi32>, vector<16xi32>], vector<16xf32>,
              %add3A_223 = arith.constant 32 : i32
              %add3A_224 = vector.broadcast %add3A_223 : i32 to vector<16xi32>
              %add3A_225 = arith.addi %add3A_224, %iota3A : vector<16xi32>
              tpu.vector_store_idx %arg6[%add3A_225, %and3A_183], %gather3A_222 {add = true} : memref<64x1296xf32, #tpu.memory_space<vmem>>[vector<16xi32>, vector<16xi32>], vector<16xf32>,
              %add3A_226 = arith.constant 48 : i32
              %add3A_227 = vector.broadcast %add3A_226 : i32 to vector<16xi32>
              %add3A_228 = arith.addi %mul3A_188, %add3A_227 : vector<16xi32>
              %add3A_229 = arith.addi %add3A_228, %iota3A : vector<16xi32>
              %gather3A_230 = arith.constant 0 : i32
              %gather3A_231 = arith.constant 0 : i32
              %gather3A_232 = tpu.memref_slice %arg8[%sub3A_146, %gather3A_230, %gather3A_231] : memref<2x32x128xf32, #tpu.memory_space<vmem>> -> memref<1x32x128xf32, #tpu.memory_space<vmem>>
              %gather3A_233 = tpu.memref_squeeze %gather3A_232 : memref<1x32x128xf32, #tpu.memory_space<vmem>> -> memref<32x128xf32, #tpu.memory_space<vmem>>
              %gather3A_234 = tpu.vector_load_idx %gather3A_233[%broadcast_in_dim3A_189, %add3A_229] : memref<32x128xf32, #tpu.memory_space<vmem>>[vector<16xi32>, vector<16xi32>], vector<16xf32>,
              %add3A_235 = arith.constant 48 : i32
              %add3A_236 = vector.broadcast %add3A_235 : i32 to vector<16xi32>
              %add3A_237 = arith.addi %add3A_236, %iota3A : vector<16xi32>
              tpu.vector_store_idx %arg6[%add3A_237, %and3A_183], %gather3A_234 {add = true} : memref<64x1296xf32, #tpu.memory_space<vmem>>[vector<16xi32>, vector<16xi32>], vector<16xf32>,
              %scan3A_238 = arith.constant 1 : i32
              %scan3A_239 = arith.addi %scan3A_173, %scan3A_238 : i32
              %mul3A_240 = arith.constant 2080 : i32
              %mul3A_241 = arith.muli %sub3A_146, %mul3A_240 : i32
              %mul3A_242 = arith.constant 32 : i32
              %mul3A_243 = arith.muli %while3A_159, %mul3A_242 : i32
              %add3A_244 = arith.addi %mul3A_241, %mul3A_243 : i32
              %add3A_245 = arith.addi %add3A_244, %scan3A_239 : i32
              %broadcast_in_dim3A_246 = vector.broadcast %add3A_245 : i32 to vector<16xi32>
              %gather3A_247 = tpu.vector_load_idx %arg10[%broadcast_in_dim3A_246] : memref<4160xi32, #tpu.memory_space<vmem>>[vector<16xi32>], vector<16xi32>,
              %and3A_248 = arith.constant 4095 : i32
              %and3A_249 = vector.broadcast %and3A_248 : i32 to vector<16xi32>
              %and3A_250 = arith.andi %gather3A_247, %and3A_249 : vector<16xi32>
              %shift_right_logical3A_251 = arith.constant 12 : i32
              %shift_right_logical3A_252 = vector.broadcast %shift_right_logical3A_251 : i32 to vector<16xi32>
              %shift_right_logical3A_253 = arith.shrui %gather3A_247, %shift_right_logical3A_252 : vector<16xi32>
              %mul3A_254 = arith.constant 64 : i32
              %mul3A_255 = vector.broadcast %mul3A_254 : i32 to vector<16xi32>
              %mul3A_256 = arith.muli %shift_right_logical3A_253, %mul3A_255 : vector<16xi32>
              %broadcast_in_dim3A_257 = vector.broadcast %scan3A_239 : i32 to vector<16xi32>
              %add3A_258 = arith.constant 0 : i32
              %add3A_259 = vector.broadcast %add3A_258 : i32 to vector<16xi32>
              %add3A_260 = arith.addi %mul3A_256, %add3A_259 : vector<16xi32>
              %add3A_261 = arith.addi %add3A_260, %iota3A : vector<16xi32>
              %gather3A_262 = arith.constant 0 : i32
              %gather3A_263 = arith.constant 0 : i32
              %gather3A_264 = tpu.memref_slice %arg8[%sub3A_146, %gather3A_262, %gather3A_263] : memref<2x32x128xf32, #tpu.memory_space<vmem>> -> memref<1x32x128xf32, #tpu.memory_space<vmem>>
              %gather3A_265 = tpu.memref_squeeze %gather3A_264 : memref<1x32x128xf32, #tpu.memory_space<vmem>> -> memref<32x128xf32, #tpu.memory_space<vmem>>
              %gather3A_266 = tpu.vector_load_idx %gather3A_265[%broadcast_in_dim3A_257, %add3A_261] : memref<32x128xf32, #tpu.memory_space<vmem>>[vector<16xi32>, vector<16xi32>], vector<16xf32>,
              %add3A_267 = arith.constant 0 : i32
              %add3A_268 = vector.broadcast %add3A_267 : i32 to vector<16xi32>
              %add3A_269 = arith.addi %add3A_268, %iota3A : vector<16xi32>
              tpu.vector_store_idx %arg6[%add3A_269, %and3A_250], %gather3A_266 {add = true} : memref<64x1296xf32, #tpu.memory_space<vmem>>[vector<16xi32>, vector<16xi32>], vector<16xf32>,
              %add3A_270 = arith.constant 16 : i32
              %add3A_271 = vector.broadcast %add3A_270 : i32 to vector<16xi32>
              %add3A_272 = arith.addi %mul3A_256, %add3A_271 : vector<16xi32>
              %add3A_273 = arith.addi %add3A_272, %iota3A : vector<16xi32>
              %gather3A_274 = arith.constant 0 : i32
              %gather3A_275 = arith.constant 0 : i32
              %gather3A_276 = tpu.memref_slice %arg8[%sub3A_146, %gather3A_274, %gather3A_275] : memref<2x32x128xf32, #tpu.memory_space<vmem>> -> memref<1x32x128xf32, #tpu.memory_space<vmem>>
              %gather3A_277 = tpu.memref_squeeze %gather3A_276 : memref<1x32x128xf32, #tpu.memory_space<vmem>> -> memref<32x128xf32, #tpu.memory_space<vmem>>
              %gather3A_278 = tpu.vector_load_idx %gather3A_277[%broadcast_in_dim3A_257, %add3A_273] : memref<32x128xf32, #tpu.memory_space<vmem>>[vector<16xi32>, vector<16xi32>], vector<16xf32>,
              %add3A_279 = arith.constant 16 : i32
              %add3A_280 = vector.broadcast %add3A_279 : i32 to vector<16xi32>
              %add3A_281 = arith.addi %add3A_280, %iota3A : vector<16xi32>
              tpu.vector_store_idx %arg6[%add3A_281, %and3A_250], %gather3A_278 {add = true} : memref<64x1296xf32, #tpu.memory_space<vmem>>[vector<16xi32>, vector<16xi32>], vector<16xf32>,
              %add3A_282 = arith.constant 32 : i32
              %add3A_283 = vector.broadcast %add3A_282 : i32 to vector<16xi32>
              %add3A_284 = arith.addi %mul3A_256, %add3A_283 : vector<16xi32>
              %add3A_285 = arith.addi %add3A_284, %iota3A : vector<16xi32>
              %gather3A_286 = arith.constant 0 : i32
              %gather3A_287 = arith.constant 0 : i32
              %gather3A_288 = tpu.memref_slice %arg8[%sub3A_146, %gather3A_286, %gather3A_287] : memref<2x32x128xf32, #tpu.memory_space<vmem>> -> memref<1x32x128xf32, #tpu.memory_space<vmem>>
              %gather3A_289 = tpu.memref_squeeze %gather3A_288 : memref<1x32x128xf32, #tpu.memory_space<vmem>> -> memref<32x128xf32, #tpu.memory_space<vmem>>
              %gather3A_290 = tpu.vector_load_idx %gather3A_289[%broadcast_in_dim3A_257, %add3A_285] : memref<32x128xf32, #tpu.memory_space<vmem>>[vector<16xi32>, vector<16xi32>], vector<16xf32>,
              %add3A_291 = arith.constant 32 : i32
              %add3A_292 = vector.broadcast %add3A_291 : i32 to vector<16xi32>
              %add3A_293 = arith.addi %add3A_292, %iota3A : vector<16xi32>
              tpu.vector_store_idx %arg6[%add3A_293, %and3A_250], %gather3A_290 {add = true} : memref<64x1296xf32, #tpu.memory_space<vmem>>[vector<16xi32>, vector<16xi32>], vector<16xf32>,
              %add3A_294 = arith.constant 48 : i32
              %add3A_295 = vector.broadcast %add3A_294 : i32 to vector<16xi32>
              %add3A_296 = arith.addi %mul3A_256, %add3A_295 : vector<16xi32>
              %add3A_297 = arith.addi %add3A_296, %iota3A : vector<16xi32>
              %gather3A_298 = arith.constant 0 : i32
              %gather3A_299 = arith.constant 0 : i32
              %gather3A_300 = tpu.memref_slice %arg8[%sub3A_146, %gather3A_298, %gather3A_299] : memref<2x32x128xf32, #tpu.memory_space<vmem>> -> memref<1x32x128xf32, #tpu.memory_space<vmem>>
              %gather3A_301 = tpu.memref_squeeze %gather3A_300 : memref<1x32x128xf32, #tpu.memory_space<vmem>> -> memref<32x128xf32, #tpu.memory_space<vmem>>
              %gather3A_302 = tpu.vector_load_idx %gather3A_301[%broadcast_in_dim3A_257, %add3A_297] : memref<32x128xf32, #tpu.memory_space<vmem>>[vector<16xi32>, vector<16xi32>], vector<16xf32>,
              %add3A_303 = arith.constant 48 : i32
              %add3A_304 = vector.broadcast %add3A_303 : i32 to vector<16xi32>
              %add3A_305 = arith.addi %add3A_304, %iota3A : vector<16xi32>
              tpu.vector_store_idx %arg6[%add3A_305, %and3A_250], %gather3A_302 {add = true} : memref<64x1296xf32, #tpu.memory_space<vmem>>[vector<16xi32>, vector<16xi32>], vector<16xf32>,
              %scan3A_306 = arith.constant 2 : i32
              %scan3A_307 = arith.addi %scan3A_173, %scan3A_306 : i32
              %mul3A_308 = arith.constant 2080 : i32
              %mul3A_309 = arith.muli %sub3A_146, %mul3A_308 : i32
              %mul3A_310 = arith.constant 32 : i32
              %mul3A_311 = arith.muli %while3A_159, %mul3A_310 : i32
              %add3A_312 = arith.addi %mul3A_309, %mul3A_311 : i32
              %add3A_313 = arith.addi %add3A_312, %scan3A_307 : i32
              %broadcast_in_dim3A_314 = vector.broadcast %add3A_313 : i32 to vector<16xi32>
              %gather3A_315 = tpu.vector_load_idx %arg10[%broadcast_in_dim3A_314] : memref<4160xi32, #tpu.memory_space<vmem>>[vector<16xi32>], vector<16xi32>,
              %and3A_316 = arith.constant 4095 : i32
              %and3A_317 = vector.broadcast %and3A_316 : i32 to vector<16xi32>
              %and3A_318 = arith.andi %gather3A_315, %and3A_317 : vector<16xi32>
              %shift_right_logical3A_319 = arith.constant 12 : i32
              %shift_right_logical3A_320 = vector.broadcast %shift_right_logical3A_319 : i32 to vector<16xi32>
              %shift_right_logical3A_321 = arith.shrui %gather3A_315, %shift_right_logical3A_320 : vector<16xi32>
              %mul3A_322 = arith.constant 64 : i32
              %mul3A_323 = vector.broadcast %mul3A_322 : i32 to vector<16xi32>
              %mul3A_324 = arith.muli %shift_right_logical3A_321, %mul3A_323 : vector<16xi32>
              %broadcast_in_dim3A_325 = vector.broadcast %scan3A_307 : i32 to vector<16xi32>
              %add3A_326 = arith.constant 0 : i32
              %add3A_327 = vector.broadcast %add3A_326 : i32 to vector<16xi32>
              %add3A_328 = arith.addi %mul3A_324, %add3A_327 : vector<16xi32>
              %add3A_329 = arith.addi %add3A_328, %iota3A : vector<16xi32>
              %gather3A_330 = arith.constant 0 : i32
              %gather3A_331 = arith.constant 0 : i32
              %gather3A_332 = tpu.memref_slice %arg8[%sub3A_146, %gather3A_330, %gather3A_331] : memref<2x32x128xf32, #tpu.memory_space<vmem>> -> memref<1x32x128xf32, #tpu.memory_space<vmem>>
              %gather3A_333 = tpu.memref_squeeze %gather3A_332 : memref<1x32x128xf32, #tpu.memory_space<vmem>> -> memref<32x128xf32, #tpu.memory_space<vmem>>
              %gather3A_334 = tpu.vector_load_idx %gather3A_333[%broadcast_in_dim3A_325, %add3A_329] : memref<32x128xf32, #tpu.memory_space<vmem>>[vector<16xi32>, vector<16xi32>], vector<16xf32>,
              %add3A_335 = arith.constant 0 : i32
              %add3A_336 = vector.broadcast %add3A_335 : i32 to vector<16xi32>
              %add3A_337 = arith.addi %add3A_336, %iota3A : vector<16xi32>
              tpu.vector_store_idx %arg6[%add3A_337, %and3A_318], %gather3A_334 {add = true} : memref<64x1296xf32, #tpu.memory_space<vmem>>[vector<16xi32>, vector<16xi32>], vector<16xf32>,
              %add3A_338 = arith.constant 16 : i32
              %add3A_339 = vector.broadcast %add3A_338 : i32 to vector<16xi32>
              %add3A_340 = arith.addi %mul3A_324, %add3A_339 : vector<16xi32>
              %add3A_341 = arith.addi %add3A_340, %iota3A : vector<16xi32>
              %gather3A_342 = arith.constant 0 : i32
              %gather3A_343 = arith.constant 0 : i32
              %gather3A_344 = tpu.memref_slice %arg8[%sub3A_146, %gather3A_342, %gather3A_343] : memref<2x32x128xf32, #tpu.memory_space<vmem>> -> memref<1x32x128xf32, #tpu.memory_space<vmem>>
              %gather3A_345 = tpu.memref_squeeze %gather3A_344 : memref<1x32x128xf32, #tpu.memory_space<vmem>> -> memref<32x128xf32, #tpu.memory_space<vmem>>
              %gather3A_346 = tpu.vector_load_idx %gather3A_345[%broadcast_in_dim3A_325, %add3A_341] : memref<32x128xf32, #tpu.memory_space<vmem>>[vector<16xi32>, vector<16xi32>], vector<16xf32>,
              %add3A_347 = arith.constant 16 : i32
              %add3A_348 = vector.broadcast %add3A_347 : i32 to vector<16xi32>
              %add3A_349 = arith.addi %add3A_348, %iota3A : vector<16xi32>
              tpu.vector_store_idx %arg6[%add3A_349, %and3A_318], %gather3A_346 {add = true} : memref<64x1296xf32, #tpu.memory_space<vmem>>[vector<16xi32>, vector<16xi32>], vector<16xf32>,
              %add3A_350 = arith.constant 32 : i32
              %add3A_351 = vector.broadcast %add3A_350 : i32 to vector<16xi32>
              %add3A_352 = arith.addi %mul3A_324, %add3A_351 : vector<16xi32>
              %add3A_353 = arith.addi %add3A_352, %iota3A : vector<16xi32>
              %gather3A_354 = arith.constant 0 : i32
              %gather3A_355 = arith.constant 0 : i32
              %gather3A_356 = tpu.memref_slice %arg8[%sub3A_146, %gather3A_354, %gather3A_355] : memref<2x32x128xf32, #tpu.memory_space<vmem>> -> memref<1x32x128xf32, #tpu.memory_space<vmem>>
              %gather3A_357 = tpu.memref_squeeze %gather3A_356 : memref<1x32x128xf32, #tpu.memory_space<vmem>> -> memref<32x128xf32, #tpu.memory_space<vmem>>
              %gather3A_358 = tpu.vector_load_idx %gather3A_357[%broadcast_in_dim3A_325, %add3A_353] : memref<32x128xf32, #tpu.memory_space<vmem>>[vector<16xi32>, vector<16xi32>], vector<16xf32>,
              %add3A_359 = arith.constant 32 : i32
              %add3A_360 = vector.broadcast %add3A_359 : i32 to vector<16xi32>
              %add3A_361 = arith.addi %add3A_360, %iota3A : vector<16xi32>
              tpu.vector_store_idx %arg6[%add3A_361, %and3A_318], %gather3A_358 {add = true} : memref<64x1296xf32, #tpu.memory_space<vmem>>[vector<16xi32>, vector<16xi32>], vector<16xf32>,
              %add3A_362 = arith.constant 48 : i32
              %add3A_363 = vector.broadcast %add3A_362 : i32 to vector<16xi32>
              %add3A_364 = arith.addi %mul3A_324, %add3A_363 : vector<16xi32>
              %add3A_365 = arith.addi %add3A_364, %iota3A : vector<16xi32>
              %gather3A_366 = arith.constant 0 : i32
              %gather3A_367 = arith.constant 0 : i32
              %gather3A_368 = tpu.memref_slice %arg8[%sub3A_146, %gather3A_366, %gather3A_367] : memref<2x32x128xf32, #tpu.memory_space<vmem>> -> memref<1x32x128xf32, #tpu.memory_space<vmem>>
              %gather3A_369 = tpu.memref_squeeze %gather3A_368 : memref<1x32x128xf32, #tpu.memory_space<vmem>> -> memref<32x128xf32, #tpu.memory_space<vmem>>
              %gather3A_370 = tpu.vector_load_idx %gather3A_369[%broadcast_in_dim3A_325, %add3A_365] : memref<32x128xf32, #tpu.memory_space<vmem>>[vector<16xi32>, vector<16xi32>], vector<16xf32>,
              %add3A_371 = arith.constant 48 : i32
              %add3A_372 = vector.broadcast %add3A_371 : i32 to vector<16xi32>
              %add3A_373 = arith.addi %add3A_372, %iota3A : vector<16xi32>
              tpu.vector_store_idx %arg6[%add3A_373, %and3A_318], %gather3A_370 {add = true} : memref<64x1296xf32, #tpu.memory_space<vmem>>[vector<16xi32>, vector<16xi32>], vector<16xf32>,
              %scan3A_374 = arith.constant 3 : i32
              %scan3A_375 = arith.addi %scan3A_173, %scan3A_374 : i32
              %mul3A_376 = arith.constant 2080 : i32
              %mul3A_377 = arith.muli %sub3A_146, %mul3A_376 : i32
              %mul3A_378 = arith.constant 32 : i32
              %mul3A_379 = arith.muli %while3A_159, %mul3A_378 : i32
              %add3A_380 = arith.addi %mul3A_377, %mul3A_379 : i32
              %add3A_381 = arith.addi %add3A_380, %scan3A_375 : i32
              %broadcast_in_dim3A_382 = vector.broadcast %add3A_381 : i32 to vector<16xi32>
              %gather3A_383 = tpu.vector_load_idx %arg10[%broadcast_in_dim3A_382] : memref<4160xi32, #tpu.memory_space<vmem>>[vector<16xi32>], vector<16xi32>,
              %and3A_384 = arith.constant 4095 : i32
              %and3A_385 = vector.broadcast %and3A_384 : i32 to vector<16xi32>
              %and3A_386 = arith.andi %gather3A_383, %and3A_385 : vector<16xi32>
              %shift_right_logical3A_387 = arith.constant 12 : i32
              %shift_right_logical3A_388 = vector.broadcast %shift_right_logical3A_387 : i32 to vector<16xi32>
              %shift_right_logical3A_389 = arith.shrui %gather3A_383, %shift_right_logical3A_388 : vector<16xi32>
              %mul3A_390 = arith.constant 64 : i32
              %mul3A_391 = vector.broadcast %mul3A_390 : i32 to vector<16xi32>
              %mul3A_392 = arith.muli %shift_right_logical3A_389, %mul3A_391 : vector<16xi32>
              %broadcast_in_dim3A_393 = vector.broadcast %scan3A_375 : i32 to vector<16xi32>
              %add3A_394 = arith.constant 0 : i32
              %add3A_395 = vector.broadcast %add3A_394 : i32 to vector<16xi32>
              %add3A_396 = arith.addi %mul3A_392, %add3A_395 : vector<16xi32>
              %add3A_397 = arith.addi %add3A_396, %iota3A : vector<16xi32>
              %gather3A_398 = arith.constant 0 : i32
              %gather3A_399 = arith.constant 0 : i32
              %gather3A_400 = tpu.memref_slice %arg8[%sub3A_146, %gather3A_398, %gather3A_399] : memref<2x32x128xf32, #tpu.memory_space<vmem>> -> memref<1x32x128xf32, #tpu.memory_space<vmem>>
              %gather3A_401 = tpu.memref_squeeze %gather3A_400 : memref<1x32x128xf32, #tpu.memory_space<vmem>> -> memref<32x128xf32, #tpu.memory_space<vmem>>
              %gather3A_402 = tpu.vector_load_idx %gather3A_401[%broadcast_in_dim3A_393, %add3A_397] : memref<32x128xf32, #tpu.memory_space<vmem>>[vector<16xi32>, vector<16xi32>], vector<16xf32>,
              %add3A_403 = arith.constant 0 : i32
              %add3A_404 = vector.broadcast %add3A_403 : i32 to vector<16xi32>
              %add3A_405 = arith.addi %add3A_404, %iota3A : vector<16xi32>
              tpu.vector_store_idx %arg6[%add3A_405, %and3A_386], %gather3A_402 {add = true} : memref<64x1296xf32, #tpu.memory_space<vmem>>[vector<16xi32>, vector<16xi32>], vector<16xf32>,
              %add3A_406 = arith.constant 16 : i32
              %add3A_407 = vector.broadcast %add3A_406 : i32 to vector<16xi32>
              %add3A_408 = arith.addi %mul3A_392, %add3A_407 : vector<16xi32>
              %add3A_409 = arith.addi %add3A_408, %iota3A : vector<16xi32>
              %gather3A_410 = arith.constant 0 : i32
              %gather3A_411 = arith.constant 0 : i32
              %gather3A_412 = tpu.memref_slice %arg8[%sub3A_146, %gather3A_410, %gather3A_411] : memref<2x32x128xf32, #tpu.memory_space<vmem>> -> memref<1x32x128xf32, #tpu.memory_space<vmem>>
              %gather3A_413 = tpu.memref_squeeze %gather3A_412 : memref<1x32x128xf32, #tpu.memory_space<vmem>> -> memref<32x128xf32, #tpu.memory_space<vmem>>
              %gather3A_414 = tpu.vector_load_idx %gather3A_413[%broadcast_in_dim3A_393, %add3A_409] : memref<32x128xf32, #tpu.memory_space<vmem>>[vector<16xi32>, vector<16xi32>], vector<16xf32>,
              %add3A_415 = arith.constant 16 : i32
              %add3A_416 = vector.broadcast %add3A_415 : i32 to vector<16xi32>
              %add3A_417 = arith.addi %add3A_416, %iota3A : vector<16xi32>
              tpu.vector_store_idx %arg6[%add3A_417, %and3A_386], %gather3A_414 {add = true} : memref<64x1296xf32, #tpu.memory_space<vmem>>[vector<16xi32>, vector<16xi32>], vector<16xf32>,
              %add3A_418 = arith.constant 32 : i32
              %add3A_419 = vector.broadcast %add3A_418 : i32 to vector<16xi32>
              %add3A_420 = arith.addi %mul3A_392, %add3A_419 : vector<16xi32>
              %add3A_421 = arith.addi %add3A_420, %iota3A : vector<16xi32>
              %gather3A_422 = arith.constant 0 : i32
              %gather3A_423 = arith.constant 0 : i32
              %gather3A_424 = tpu.memref_slice %arg8[%sub3A_146, %gather3A_422, %gather3A_423] : memref<2x32x128xf32, #tpu.memory_space<vmem>> -> memref<1x32x128xf32, #tpu.memory_space<vmem>>
              %gather3A_425 = tpu.memref_squeeze %gather3A_424 : memref<1x32x128xf32, #tpu.memory_space<vmem>> -> memref<32x128xf32, #tpu.memory_space<vmem>>
              %gather3A_426 = tpu.vector_load_idx %gather3A_425[%broadcast_in_dim3A_393, %add3A_421] : memref<32x128xf32, #tpu.memory_space<vmem>>[vector<16xi32>, vector<16xi32>], vector<16xf32>,
              %add3A_427 = arith.constant 32 : i32
              %add3A_428 = vector.broadcast %add3A_427 : i32 to vector<16xi32>
              %add3A_429 = arith.addi %add3A_428, %iota3A : vector<16xi32>
              tpu.vector_store_idx %arg6[%add3A_429, %and3A_386], %gather3A_426 {add = true} : memref<64x1296xf32, #tpu.memory_space<vmem>>[vector<16xi32>, vector<16xi32>], vector<16xf32>,
              %add3A_430 = arith.constant 48 : i32
              %add3A_431 = vector.broadcast %add3A_430 : i32 to vector<16xi32>
              %add3A_432 = arith.addi %mul3A_392, %add3A_431 : vector<16xi32>
              %add3A_433 = arith.addi %add3A_432, %iota3A : vector<16xi32>
              %gather3A_434 = arith.constant 0 : i32
              %gather3A_435 = arith.constant 0 : i32
              %gather3A_436 = tpu.memref_slice %arg8[%sub3A_146, %gather3A_434, %gather3A_435] : memref<2x32x128xf32, #tpu.memory_space<vmem>> -> memref<1x32x128xf32, #tpu.memory_space<vmem>>
              %gather3A_437 = tpu.memref_squeeze %gather3A_436 : memref<1x32x128xf32, #tpu.memory_space<vmem>> -> memref<32x128xf32, #tpu.memory_space<vmem>>
              %gather3A_438 = tpu.vector_load_idx %gather3A_437[%broadcast_in_dim3A_393, %add3A_433] : memref<32x128xf32, #tpu.memory_space<vmem>>[vector<16xi32>, vector<16xi32>], vector<16xf32>,
              %add3A_439 = arith.constant 48 : i32
              %add3A_440 = vector.broadcast %add3A_439 : i32 to vector<16xi32>
              %add3A_441 = arith.addi %add3A_440, %iota3A : vector<16xi32>
              tpu.vector_store_idx %arg6[%add3A_441, %and3A_386], %gather3A_438 {add = true} : memref<64x1296xf32, #tpu.memory_space<vmem>>[vector<16xi32>, vector<16xi32>], vector<16xf32>,
            }
            %scan3A_170 = arith.constant 32 : i32
            %add3A_171 = arith.constant 1 : i32
            %add3A_172 = arith.addi %while3A_159, %add3A_171 : i32
            scf.yield %add3A_172 : i32
          }
        } else {
        }
        scf.yield %sub3A_70 : vector<16xi32>
      }
      %scan3A_28 = arith.constant 8 : i32
      %dma_wait3A = arith.constant 1 : i32
      %dma_wait3A_29 = arith.constant 0 : i32
      %dma_wait3A_30 = arith.constant 0 : i32
      %dma_wait3A_31 = tpu.memref_slice %arg8[%dma_wait3A, %dma_wait3A_29, %dma_wait3A_30] : memref<2x32x128xf32, #tpu.memory_space<vmem>> -> memref<1x32x128xf32, #tpu.memory_space<vmem>>
      %dma_wait3A_32 = tpu.memref_squeeze %dma_wait3A_31 : memref<1x32x128xf32, #tpu.memory_space<vmem>> -> memref<32x128xf32, #tpu.memory_space<vmem>>
      %dma_wait3A_33 = arith.constant 2080 : i32
      %dma_wait3A_34 = tpu.memref_slice %arg9[%dma_wait3A_33] : memref<4160xi32, #tpu.memory_space<vmem>> -> memref<32xi32, #tpu.memory_space<vmem>>
      %dma_wait3A_35 = arith.constant 0 : i32
      %dma_wait3A_36 = arith.constant 0 : i32
      %dma_wait3A_37 = tpu.memref_slice %arg4[%dma_wait3A_35, %dma_wait3A_36] : memref<8192x128xf32, #tpu.memory_space<hbm>> -> memref<8192x128xf32, #tpu.memory_space<hbm>>
      tpu.wait_indirect_dma semaphore(%arg12 : memref<!tpu.dma_semaphore, #tpu.memory_space<semaphore_mem>>) src(%dma_wait3A_37 : memref<8192x128xf32, #tpu.memory_space<hbm>>) dst(%dma_wait3A_32 : memref<32x128xf32, #tpu.memory_space<vmem>>)
      %while3A = arith.constant 0 : i32
      %while3A_38 = scf.while (%while3A_46 = %while3A) : (i32) -> i32 {
        %mul3A_47 = arith.constant 32 : i32
        %mul3A_48 = arith.muli %while3A_46, %mul3A_47 : i32
        %gt3A_49 = vector.broadcast %mul3A_48 : i32 to vector<16xi32>
        %gt3A_50 = arith.cmpi sgt, %scan3A_27, %gt3A_49 : vector<16xi32>
        %reduce_or3A = arith.constant 1.000000e+00 : f32
        %reduce_or3A_51 = arith.constant 0.000000e+00 : f32
        %reduce_or3A_52 = vector.broadcast %reduce_or3A : f32 to vector<16xf32>
        %reduce_or3A_53 = vector.broadcast %reduce_or3A_51 : f32 to vector<16xf32>
        %reduce_or3A_54 = arith.select %gt3A_50, %reduce_or3A_52, %reduce_or3A_53 : vector<16xi1>, vector<16xf32>
        %reduce_or3A_55 = arith.constant true
        %reduce_or3A_56 = vector.broadcast %reduce_or3A_55 : i1 to vector<16xi1>
        %reduce_or3A_57 = tpu.scan <max>, %reduce_or3A_54 masked %reduce_or3A_56 : vector<16xf32>, vector<16xi1> -> vector<16xf32>
        %reduce_or3A_58 = vector.extract %reduce_or3A_57[15] : f32 from vector<16xf32>
        %reduce_or3A_59 = arith.constant 0.000000e+00 : f32
        %reduce_or3A_60 = arith.cmpf ogt, %reduce_or3A_58, %reduce_or3A_59 : f32
        scf.condition(%reduce_or3A_60) %while3A_46 : i32
      } do {
      ^bb0(%while3A_46: i32):
        %gt3A_47 = arith.constant 0 : i32
        %gt3A_48 = arith.cmpi sgt, %while3A_46, %gt3A_47 : i32
        %convert_element_type3A_49 = arith.extui %gt3A_48 : i1 to i32
        %cond3A_50 = arith.constant 0 : i32
        %cond3A_51 = arith.cmpi ne, %convert_element_type3A_49, %cond3A_50 : i32
        scf.if %cond3A_51 {
          %mul3A_60 = arith.constant 32 : i32
          %mul3A_61 = arith.muli %while3A_46, %mul3A_60 : i32
          %add3A_62 = arith.constant 2080 : i32
          %add3A_63 = arith.addi %add3A_62, %mul3A_61 : i32
          %run_scoped3A = arith.constant 1 : i32
          "tpu.region"() ({
            %run_scoped3A_64 = tpu.sem_alloc : memref<!tpu.dma_semaphore, #tpu.memory_space<semaphore_mem>>
            %dma_start3A = arith.constant 0 : i32
            %dma_start3A_65 = arith.constant 0 : i32
            %dma_start3A_66 = tpu.memref_slice %arg8[%run_scoped3A, %dma_start3A, %dma_start3A_65] : memref<2x32x128xf32, #tpu.memory_space<vmem>> -> memref<1x32x128xf32, #tpu.memory_space<vmem>>
            %dma_start3A_67 = tpu.memref_squeeze %dma_start3A_66 : memref<1x32x128xf32, #tpu.memory_space<vmem>> -> memref<32x128xf32, #tpu.memory_space<vmem>>
            %dma_start3A_68 = tpu.memref_slice %arg9[%add3A_63] : memref<4160xi32, #tpu.memory_space<vmem>> -> memref<32xi32, #tpu.memory_space<vmem>>
            %dma_start3A_69 = arith.constant 0 : i32
            %dma_start3A_70 = arith.constant 0 : i32
            %dma_start3A_71 = tpu.memref_slice %arg4[%dma_start3A_69, %dma_start3A_70] : memref<8192x128xf32, #tpu.memory_space<hbm>> -> memref<8192x128xf32, #tpu.memory_space<hbm>>
            tpu.enqueue_indirect_dma source(%dma_start3A_71 : memref<8192x128xf32, #tpu.memory_space<hbm>>) target(%dma_start3A_67 : memref<32x128xf32, #tpu.memory_space<vmem>>) offsets(%dma_start3A_68 : memref<32xi32, #tpu.memory_space<vmem>>) semaphore(%run_scoped3A_64 : memref<!tpu.dma_semaphore, #tpu.memory_space<semaphore_mem>>)
            %dma_wait3A_72 = arith.constant 0 : i32
            %dma_wait3A_73 = arith.constant 0 : i32
            %dma_wait3A_74 = tpu.memref_slice %arg8[%run_scoped3A, %dma_wait3A_72, %dma_wait3A_73] : memref<2x32x128xf32, #tpu.memory_space<vmem>> -> memref<1x32x128xf32, #tpu.memory_space<vmem>>
            %dma_wait3A_75 = tpu.memref_squeeze %dma_wait3A_74 : memref<1x32x128xf32, #tpu.memory_space<vmem>> -> memref<32x128xf32, #tpu.memory_space<vmem>>
            %dma_wait3A_76 = tpu.memref_slice %arg9[%add3A_63] : memref<4160xi32, #tpu.memory_space<vmem>> -> memref<32xi32, #tpu.memory_space<vmem>>
            %dma_wait3A_77 = arith.constant 0 : i32
            %dma_wait3A_78 = arith.constant 0 : i32
            %dma_wait3A_79 = tpu.memref_slice %arg4[%dma_wait3A_77, %dma_wait3A_78] : memref<8192x128xf32, #tpu.memory_space<hbm>> -> memref<8192x128xf32, #tpu.memory_space<hbm>>
            tpu.wait_indirect_dma semaphore(%run_scoped3A_64 : memref<!tpu.dma_semaphore, #tpu.memory_space<semaphore_mem>>) src(%dma_wait3A_79 : memref<8192x128xf32, #tpu.memory_space<hbm>>) dst(%dma_wait3A_75 : memref<32x128xf32, #tpu.memory_space<vmem>>)
            tpu.yield
          }) : () -> ()
        } else {
        }
        %scan3A_52 = arith.constant 0 : i32
        %scan3A_53 = arith.constant 0 : i32
        %scan3A_54 = arith.constant 32 : i32
        %scan3A_55 = arith.addi %scan3A_53, %scan3A_54 : i32
        %scan3A_56 = arith.constant 4 : i32
        scf.for %scan3A_60 = %scan3A_53 to %scan3A_55 step %scan3A_56  : i32 {
          %mul3A_61 = arith.constant 32 : i32
          %mul3A_62 = arith.muli %while3A_46, %mul3A_61 : i32
          %add3A_63 = arith.constant 2080 : i32
          %add3A_64 = arith.addi %add3A_63, %mul3A_62 : i32
          %add3A_65 = arith.addi %add3A_64, %scan3A_60 : i32
          %broadcast_in_dim3A_66 = vector.broadcast %add3A_65 : i32 to vector<16xi32>
          %gather3A = tpu.vector_load_idx %arg10[%broadcast_in_dim3A_66] : memref<4160xi32, #tpu.memory_space<vmem>>[vector<16xi32>], vector<16xi32>,
          %and3A_67 = arith.constant 4095 : i32
          %and3A_68 = vector.broadcast %and3A_67 : i32 to vector<16xi32>
          %and3A_69 = arith.andi %gather3A, %and3A_68 : vector<16xi32>
          %shift_right_logical3A = arith.constant 12 : i32
          %shift_right_logical3A_70 = vector.broadcast %shift_right_logical3A : i32 to vector<16xi32>
          %shift_right_logical3A_71 = arith.shrui %gather3A, %shift_right_logical3A_70 : vector<16xi32>
          %mul3A_72 = arith.constant 64 : i32
          %mul3A_73 = vector.broadcast %mul3A_72 : i32 to vector<16xi32>
          %mul3A_74 = arith.muli %shift_right_logical3A_71, %mul3A_73 : vector<16xi32>
          %broadcast_in_dim3A_75 = vector.broadcast %scan3A_60 : i32 to vector<16xi32>
          %add3A_76 = arith.constant 0 : i32
          %add3A_77 = vector.broadcast %add3A_76 : i32 to vector<16xi32>
          %add3A_78 = arith.addi %mul3A_74, %add3A_77 : vector<16xi32>
          %add3A_79 = arith.addi %add3A_78, %iota3A : vector<16xi32>
          %gather3A_80 = arith.constant 1 : i32
          %gather3A_81 = arith.constant 0 : i32
          %gather3A_82 = arith.constant 0 : i32
          %gather3A_83 = tpu.memref_slice %arg8[%gather3A_80, %gather3A_81, %gather3A_82] : memref<2x32x128xf32, #tpu.memory_space<vmem>> -> memref<1x32x128xf32, #tpu.memory_space<vmem>>
          %gather3A_84 = tpu.memref_squeeze %gather3A_83 : memref<1x32x128xf32, #tpu.memory_space<vmem>> -> memref<32x128xf32, #tpu.memory_space<vmem>>
          %gather3A_85 = tpu.vector_load_idx %gather3A_84[%broadcast_in_dim3A_75, %add3A_79] : memref<32x128xf32, #tpu.memory_space<vmem>>[vector<16xi32>, vector<16xi32>], vector<16xf32>,
          %add3A_86 = arith.constant 0 : i32
          %add3A_87 = vector.broadcast %add3A_86 : i32 to vector<16xi32>
          %add3A_88 = arith.addi %add3A_87, %iota3A : vector<16xi32>
          tpu.vector_store_idx %arg6[%add3A_88, %and3A_69], %gather3A_85 {add = true} : memref<64x1296xf32, #tpu.memory_space<vmem>>[vector<16xi32>, vector<16xi32>], vector<16xf32>,
          %add3A_89 = arith.constant 16 : i32
          %add3A_90 = vector.broadcast %add3A_89 : i32 to vector<16xi32>
          %add3A_91 = arith.addi %mul3A_74, %add3A_90 : vector<16xi32>
          %add3A_92 = arith.addi %add3A_91, %iota3A : vector<16xi32>
          %gather3A_93 = arith.constant 1 : i32
          %gather3A_94 = arith.constant 0 : i32
          %gather3A_95 = arith.constant 0 : i32
          %gather3A_96 = tpu.memref_slice %arg8[%gather3A_93, %gather3A_94, %gather3A_95] : memref<2x32x128xf32, #tpu.memory_space<vmem>> -> memref<1x32x128xf32, #tpu.memory_space<vmem>>
          %gather3A_97 = tpu.memref_squeeze %gather3A_96 : memref<1x32x128xf32, #tpu.memory_space<vmem>> -> memref<32x128xf32, #tpu.memory_space<vmem>>
          %gather3A_98 = tpu.vector_load_idx %gather3A_97[%broadcast_in_dim3A_75, %add3A_92] : memref<32x128xf32, #tpu.memory_space<vmem>>[vector<16xi32>, vector<16xi32>], vector<16xf32>,
          %add3A_99 = arith.constant 16 : i32
          %add3A_100 = vector.broadcast %add3A_99 : i32 to vector<16xi32>
          %add3A_101 = arith.addi %add3A_100, %iota3A : vector<16xi32>
          tpu.vector_store_idx %arg6[%add3A_101, %and3A_69], %gather3A_98 {add = true} : memref<64x1296xf32, #tpu.memory_space<vmem>>[vector<16xi32>, vector<16xi32>], vector<16xf32>,
          %add3A_102 = arith.constant 32 : i32
          %add3A_103 = vector.broadcast %add3A_102 : i32 to vector<16xi32>
          %add3A_104 = arith.addi %mul3A_74, %add3A_103 : vector<16xi32>
          %add3A_105 = arith.addi %add3A_104, %iota3A : vector<16xi32>
          %gather3A_106 = arith.constant 1 : i32
          %gather3A_107 = arith.constant 0 : i32
          %gather3A_108 = arith.constant 0 : i32
          %gather3A_109 = tpu.memref_slice %arg8[%gather3A_106, %gather3A_107, %gather3A_108] : memref<2x32x128xf32, #tpu.memory_space<vmem>> -> memref<1x32x128xf32, #tpu.memory_space<vmem>>
          %gather3A_110 = tpu.memref_squeeze %gather3A_109 : memref<1x32x128xf32, #tpu.memory_space<vmem>> -> memref<32x128xf32, #tpu.memory_space<vmem>>
          %gather3A_111 = tpu.vector_load_idx %gather3A_110[%broadcast_in_dim3A_75, %add3A_105] : memref<32x128xf32, #tpu.memory_space<vmem>>[vector<16xi32>, vector<16xi32>], vector<16xf32>,
          %add3A_112 = arith.constant 32 : i32
          %add3A_113 = vector.broadcast %add3A_112 : i32 to vector<16xi32>
          %add3A_114 = arith.addi %add3A_113, %iota3A : vector<16xi32>
          tpu.vector_store_idx %arg6[%add3A_114, %and3A_69], %gather3A_111 {add = true} : memref<64x1296xf32, #tpu.memory_space<vmem>>[vector<16xi32>, vector<16xi32>], vector<16xf32>,
          %add3A_115 = arith.constant 48 : i32
          %add3A_116 = vector.broadcast %add3A_115 : i32 to vector<16xi32>
          %add3A_117 = arith.addi %mul3A_74, %add3A_116 : vector<16xi32>
          %add3A_118 = arith.addi %add3A_117, %iota3A : vector<16xi32>
          %gather3A_119 = arith.constant 1 : i32
          %gather3A_120 = arith.constant 0 : i32
          %gather3A_121 = arith.constant 0 : i32
          %gather3A_122 = tpu.memref_slice %arg8[%gather3A_119, %gather3A_120, %gather3A_121] : memref<2x32x128xf32, #tpu.memory_space<vmem>> -> memref<1x32x128xf32, #tpu.memory_space<vmem>>
          %gather3A_123 = tpu.memref_squeeze %gather3A_122 : memref<1x32x128xf32, #tpu.memory_space<vmem>> -> memref<32x128xf32, #tpu.memory_space<vmem>>
          %gather3A_124 = tpu.vector_load_idx %gather3A_123[%broadcast_in_dim3A_75, %add3A_118] : memref<32x128xf32, #tpu.memory_space<vmem>>[vector<16xi32>, vector<16xi32>], vector<16xf32>,
          %add3A_125 = arith.constant 48 : i32
          %add3A_126 = vector.broadcast %add3A_125 : i32 to vector<16xi32>
          %add3A_127 = arith.addi %add3A_126, %iota3A : vector<16xi32>
          tpu.vector_store_idx %arg6[%add3A_127, %and3A_69], %gather3A_124 {add = true} : memref<64x1296xf32, #tpu.memory_space<vmem>>[vector<16xi32>, vector<16xi32>], vector<16xf32>,
          %scan3A_128 = arith.constant 1 : i32
          %scan3A_129 = arith.addi %scan3A_60, %scan3A_128 : i32
          %mul3A_130 = arith.constant 32 : i32
          %mul3A_131 = arith.muli %while3A_46, %mul3A_130 : i32
          %add3A_132 = arith.constant 2080 : i32
          %add3A_133 = arith.addi %add3A_132, %mul3A_131 : i32
          %add3A_134 = arith.addi %add3A_133, %scan3A_129 : i32
          %broadcast_in_dim3A_135 = vector.broadcast %add3A_134 : i32 to vector<16xi32>
          %gather3A_136 = tpu.vector_load_idx %arg10[%broadcast_in_dim3A_135] : memref<4160xi32, #tpu.memory_space<vmem>>[vector<16xi32>], vector<16xi32>,
          %and3A_137 = arith.constant 4095 : i32
          %and3A_138 = vector.broadcast %and3A_137 : i32 to vector<16xi32>
          %and3A_139 = arith.andi %gather3A_136, %and3A_138 : vector<16xi32>
          %shift_right_logical3A_140 = arith.constant 12 : i32
          %shift_right_logical3A_141 = vector.broadcast %shift_right_logical3A_140 : i32 to vector<16xi32>
          %shift_right_logical3A_142 = arith.shrui %gather3A_136, %shift_right_logical3A_141 : vector<16xi32>
          %mul3A_143 = arith.constant 64 : i32
          %mul3A_144 = vector.broadcast %mul3A_143 : i32 to vector<16xi32>
          %mul3A_145 = arith.muli %shift_right_logical3A_142, %mul3A_144 : vector<16xi32>
          %broadcast_in_dim3A_146 = vector.broadcast %scan3A_129 : i32 to vector<16xi32>
          %add3A_147 = arith.constant 0 : i32
          %add3A_148 = vector.broadcast %add3A_147 : i32 to vector<16xi32>
          %add3A_149 = arith.addi %mul3A_145, %add3A_148 : vector<16xi32>
          %add3A_150 = arith.addi %add3A_149, %iota3A : vector<16xi32>
          %gather3A_151 = arith.constant 1 : i32
          %gather3A_152 = arith.constant 0 : i32
          %gather3A_153 = arith.constant 0 : i32
          %gather3A_154 = tpu.memref_slice %arg8[%gather3A_151, %gather3A_152, %gather3A_153] : memref<2x32x128xf32, #tpu.memory_space<vmem>> -> memref<1x32x128xf32, #tpu.memory_space<vmem>>
          %gather3A_155 = tpu.memref_squeeze %gather3A_154 : memref<1x32x128xf32, #tpu.memory_space<vmem>> -> memref<32x128xf32, #tpu.memory_space<vmem>>
          %gather3A_156 = tpu.vector_load_idx %gather3A_155[%broadcast_in_dim3A_146, %add3A_150] : memref<32x128xf32, #tpu.memory_space<vmem>>[vector<16xi32>, vector<16xi32>], vector<16xf32>,
          %add3A_157 = arith.constant 0 : i32
          %add3A_158 = vector.broadcast %add3A_157 : i32 to vector<16xi32>
          %add3A_159 = arith.addi %add3A_158, %iota3A : vector<16xi32>
          tpu.vector_store_idx %arg6[%add3A_159, %and3A_139], %gather3A_156 {add = true} : memref<64x1296xf32, #tpu.memory_space<vmem>>[vector<16xi32>, vector<16xi32>], vector<16xf32>,
          %add3A_160 = arith.constant 16 : i32
          %add3A_161 = vector.broadcast %add3A_160 : i32 to vector<16xi32>
          %add3A_162 = arith.addi %mul3A_145, %add3A_161 : vector<16xi32>
          %add3A_163 = arith.addi %add3A_162, %iota3A : vector<16xi32>
          %gather3A_164 = arith.constant 1 : i32
          %gather3A_165 = arith.constant 0 : i32
          %gather3A_166 = arith.constant 0 : i32
          %gather3A_167 = tpu.memref_slice %arg8[%gather3A_164, %gather3A_165, %gather3A_166] : memref<2x32x128xf32, #tpu.memory_space<vmem>> -> memref<1x32x128xf32, #tpu.memory_space<vmem>>
          %gather3A_168 = tpu.memref_squeeze %gather3A_167 : memref<1x32x128xf32, #tpu.memory_space<vmem>> -> memref<32x128xf32, #tpu.memory_space<vmem>>
          %gather3A_169 = tpu.vector_load_idx %gather3A_168[%broadcast_in_dim3A_146, %add3A_163] : memref<32x128xf32, #tpu.memory_space<vmem>>[vector<16xi32>, vector<16xi32>], vector<16xf32>,
          %add3A_170 = arith.constant 16 : i32
          %add3A_171 = vector.broadcast %add3A_170 : i32 to vector<16xi32>
          %add3A_172 = arith.addi %add3A_171, %iota3A : vector<16xi32>
          tpu.vector_store_idx %arg6[%add3A_172, %and3A_139], %gather3A_169 {add = true} : memref<64x1296xf32, #tpu.memory_space<vmem>>[vector<16xi32>, vector<16xi32>], vector<16xf32>,
          %add3A_173 = arith.constant 32 : i32
          %add3A_174 = vector.broadcast %add3A_173 : i32 to vector<16xi32>
          %add3A_175 = arith.addi %mul3A_145, %add3A_174 : vector<16xi32>
          %add3A_176 = arith.addi %add3A_175, %iota3A : vector<16xi32>
          %gather3A_177 = arith.constant 1 : i32
          %gather3A_178 = arith.constant 0 : i32
          %gather3A_179 = arith.constant 0 : i32
          %gather3A_180 = tpu.memref_slice %arg8[%gather3A_177, %gather3A_178, %gather3A_179] : memref<2x32x128xf32, #tpu.memory_space<vmem>> -> memref<1x32x128xf32, #tpu.memory_space<vmem>>
          %gather3A_181 = tpu.memref_squeeze %gather3A_180 : memref<1x32x128xf32, #tpu.memory_space<vmem>> -> memref<32x128xf32, #tpu.memory_space<vmem>>
          %gather3A_182 = tpu.vector_load_idx %gather3A_181[%broadcast_in_dim3A_146, %add3A_176] : memref<32x128xf32, #tpu.memory_space<vmem>>[vector<16xi32>, vector<16xi32>], vector<16xf32>,
          %add3A_183 = arith.constant 32 : i32
          %add3A_184 = vector.broadcast %add3A_183 : i32 to vector<16xi32>
          %add3A_185 = arith.addi %add3A_184, %iota3A : vector<16xi32>
          tpu.vector_store_idx %arg6[%add3A_185, %and3A_139], %gather3A_182 {add = true} : memref<64x1296xf32, #tpu.memory_space<vmem>>[vector<16xi32>, vector<16xi32>], vector<16xf32>,
          %add3A_186 = arith.constant 48 : i32
          %add3A_187 = vector.broadcast %add3A_186 : i32 to vector<16xi32>
          %add3A_188 = arith.addi %mul3A_145, %add3A_187 : vector<16xi32>
          %add3A_189 = arith.addi %add3A_188, %iota3A : vector<16xi32>
          %gather3A_190 = arith.constant 1 : i32
          %gather3A_191 = arith.constant 0 : i32
          %gather3A_192 = arith.constant 0 : i32
          %gather3A_193 = tpu.memref_slice %arg8[%gather3A_190, %gather3A_191, %gather3A_192] : memref<2x32x128xf32, #tpu.memory_space<vmem>> -> memref<1x32x128xf32, #tpu.memory_space<vmem>>
          %gather3A_194 = tpu.memref_squeeze %gather3A_193 : memref<1x32x128xf32, #tpu.memory_space<vmem>> -> memref<32x128xf32, #tpu.memory_space<vmem>>
          %gather3A_195 = tpu.vector_load_idx %gather3A_194[%broadcast_in_dim3A_146, %add3A_189] : memref<32x128xf32, #tpu.memory_space<vmem>>[vector<16xi32>, vector<16xi32>], vector<16xf32>,
          %add3A_196 = arith.constant 48 : i32
          %add3A_197 = vector.broadcast %add3A_196 : i32 to vector<16xi32>
          %add3A_198 = arith.addi %add3A_197, %iota3A : vector<16xi32>
          tpu.vector_store_idx %arg6[%add3A_198, %and3A_139], %gather3A_195 {add = true} : memref<64x1296xf32, #tpu.memory_space<vmem>>[vector<16xi32>, vector<16xi32>], vector<16xf32>,
          %scan3A_199 = arith.constant 2 : i32
          %scan3A_200 = arith.addi %scan3A_60, %scan3A_199 : i32
          %mul3A_201 = arith.constant 32 : i32
          %mul3A_202 = arith.muli %while3A_46, %mul3A_201 : i32
          %add3A_203 = arith.constant 2080 : i32
          %add3A_204 = arith.addi %add3A_203, %mul3A_202 : i32
          %add3A_205 = arith.addi %add3A_204, %scan3A_200 : i32
          %broadcast_in_dim3A_206 = vector.broadcast %add3A_205 : i32 to vector<16xi32>
          %gather3A_207 = tpu.vector_load_idx %arg10[%broadcast_in_dim3A_206] : memref<4160xi32, #tpu.memory_space<vmem>>[vector<16xi32>], vector<16xi32>,
          %and3A_208 = arith.constant 4095 : i32
          %and3A_209 = vector.broadcast %and3A_208 : i32 to vector<16xi32>
          %and3A_210 = arith.andi %gather3A_207, %and3A_209 : vector<16xi32>
          %shift_right_logical3A_211 = arith.constant 12 : i32
          %shift_right_logical3A_212 = vector.broadcast %shift_right_logical3A_211 : i32 to vector<16xi32>
          %shift_right_logical3A_213 = arith.shrui %gather3A_207, %shift_right_logical3A_212 : vector<16xi32>
          %mul3A_214 = arith.constant 64 : i32
          %mul3A_215 = vector.broadcast %mul3A_214 : i32 to vector<16xi32>
          %mul3A_216 = arith.muli %shift_right_logical3A_213, %mul3A_215 : vector<16xi32>
          %broadcast_in_dim3A_217 = vector.broadcast %scan3A_200 : i32 to vector<16xi32>
          %add3A_218 = arith.constant 0 : i32
          %add3A_219 = vector.broadcast %add3A_218 : i32 to vector<16xi32>
          %add3A_220 = arith.addi %mul3A_216, %add3A_219 : vector<16xi32>
          %add3A_221 = arith.addi %add3A_220, %iota3A : vector<16xi32>
          %gather3A_222 = arith.constant 1 : i32
          %gather3A_223 = arith.constant 0 : i32
          %gather3A_224 = arith.constant 0 : i32
          %gather3A_225 = tpu.memref_slice %arg8[%gather3A_222, %gather3A_223, %gather3A_224] : memref<2x32x128xf32, #tpu.memory_space<vmem>> -> memref<1x32x128xf32, #tpu.memory_space<vmem>>
          %gather3A_226 = tpu.memref_squeeze %gather3A_225 : memref<1x32x128xf32, #tpu.memory_space<vmem>> -> memref<32x128xf32, #tpu.memory_space<vmem>>
          %gather3A_227 = tpu.vector_load_idx %gather3A_226[%broadcast_in_dim3A_217, %add3A_221] : memref<32x128xf32, #tpu.memory_space<vmem>>[vector<16xi32>, vector<16xi32>], vector<16xf32>,
          %add3A_228 = arith.constant 0 : i32
          %add3A_229 = vector.broadcast %add3A_228 : i32 to vector<16xi32>
          %add3A_230 = arith.addi %add3A_229, %iota3A : vector<16xi32>
          tpu.vector_store_idx %arg6[%add3A_230, %and3A_210], %gather3A_227 {add = true} : memref<64x1296xf32, #tpu.memory_space<vmem>>[vector<16xi32>, vector<16xi32>], vector<16xf32>,
          %add3A_231 = arith.constant 16 : i32
          %add3A_232 = vector.broadcast %add3A_231 : i32 to vector<16xi32>
          %add3A_233 = arith.addi %mul3A_216, %add3A_232 : vector<16xi32>
          %add3A_234 = arith.addi %add3A_233, %iota3A : vector<16xi32>
          %gather3A_235 = arith.constant 1 : i32
          %gather3A_236 = arith.constant 0 : i32
          %gather3A_237 = arith.constant 0 : i32
          %gather3A_238 = tpu.memref_slice %arg8[%gather3A_235, %gather3A_236, %gather3A_237] : memref<2x32x128xf32, #tpu.memory_space<vmem>> -> memref<1x32x128xf32, #tpu.memory_space<vmem>>
          %gather3A_239 = tpu.memref_squeeze %gather3A_238 : memref<1x32x128xf32, #tpu.memory_space<vmem>> -> memref<32x128xf32, #tpu.memory_space<vmem>>
          %gather3A_240 = tpu.vector_load_idx %gather3A_239[%broadcast_in_dim3A_217, %add3A_234] : memref<32x128xf32, #tpu.memory_space<vmem>>[vector<16xi32>, vector<16xi32>], vector<16xf32>,
          %add3A_241 = arith.constant 16 : i32
          %add3A_242 = vector.broadcast %add3A_241 : i32 to vector<16xi32>
          %add3A_243 = arith.addi %add3A_242, %iota3A : vector<16xi32>
          tpu.vector_store_idx %arg6[%add3A_243, %and3A_210], %gather3A_240 {add = true} : memref<64x1296xf32, #tpu.memory_space<vmem>>[vector<16xi32>, vector<16xi32>], vector<16xf32>,
          %add3A_244 = arith.constant 32 : i32
          %add3A_245 = vector.broadcast %add3A_244 : i32 to vector<16xi32>
          %add3A_246 = arith.addi %mul3A_216, %add3A_245 : vector<16xi32>
          %add3A_247 = arith.addi %add3A_246, %iota3A : vector<16xi32>
          %gather3A_248 = arith.constant 1 : i32
          %gather3A_249 = arith.constant 0 : i32
          %gather3A_250 = arith.constant 0 : i32
          %gather3A_251 = tpu.memref_slice %arg8[%gather3A_248, %gather3A_249, %gather3A_250] : memref<2x32x128xf32, #tpu.memory_space<vmem>> -> memref<1x32x128xf32, #tpu.memory_space<vmem>>
          %gather3A_252 = tpu.memref_squeeze %gather3A_251 : memref<1x32x128xf32, #tpu.memory_space<vmem>> -> memref<32x128xf32, #tpu.memory_space<vmem>>
          %gather3A_253 = tpu.vector_load_idx %gather3A_252[%broadcast_in_dim3A_217, %add3A_247] : memref<32x128xf32, #tpu.memory_space<vmem>>[vector<16xi32>, vector<16xi32>], vector<16xf32>,
          %add3A_254 = arith.constant 32 : i32
          %add3A_255 = vector.broadcast %add3A_254 : i32 to vector<16xi32>
          %add3A_256 = arith.addi %add3A_255, %iota3A : vector<16xi32>
          tpu.vector_store_idx %arg6[%add3A_256, %and3A_210], %gather3A_253 {add = true} : memref<64x1296xf32, #tpu.memory_space<vmem>>[vector<16xi32>, vector<16xi32>], vector<16xf32>,
          %add3A_257 = arith.constant 48 : i32
          %add3A_258 = vector.broadcast %add3A_257 : i32 to vector<16xi32>
          %add3A_259 = arith.addi %mul3A_216, %add3A_258 : vector<16xi32>
          %add3A_260 = arith.addi %add3A_259, %iota3A : vector<16xi32>
          %gather3A_261 = arith.constant 1 : i32
          %gather3A_262 = arith.constant 0 : i32
          %gather3A_263 = arith.constant 0 : i32
          %gather3A_264 = tpu.memref_slice %arg8[%gather3A_261, %gather3A_262, %gather3A_263] : memref<2x32x128xf32, #tpu.memory_space<vmem>> -> memref<1x32x128xf32, #tpu.memory_space<vmem>>
          %gather3A_265 = tpu.memref_squeeze %gather3A_264 : memref<1x32x128xf32, #tpu.memory_space<vmem>> -> memref<32x128xf32, #tpu.memory_space<vmem>>
          %gather3A_266 = tpu.vector_load_idx %gather3A_265[%broadcast_in_dim3A_217, %add3A_260] : memref<32x128xf32, #tpu.memory_space<vmem>>[vector<16xi32>, vector<16xi32>], vector<16xf32>,
          %add3A_267 = arith.constant 48 : i32
          %add3A_268 = vector.broadcast %add3A_267 : i32 to vector<16xi32>
          %add3A_269 = arith.addi %add3A_268, %iota3A : vector<16xi32>
          tpu.vector_store_idx %arg6[%add3A_269, %and3A_210], %gather3A_266 {add = true} : memref<64x1296xf32, #tpu.memory_space<vmem>>[vector<16xi32>, vector<16xi32>], vector<16xf32>,
          %scan3A_270 = arith.constant 3 : i32
          %scan3A_271 = arith.addi %scan3A_60, %scan3A_270 : i32
          %mul3A_272 = arith.constant 32 : i32
          %mul3A_273 = arith.muli %while3A_46, %mul3A_272 : i32
          %add3A_274 = arith.constant 2080 : i32
          %add3A_275 = arith.addi %add3A_274, %mul3A_273 : i32
          %add3A_276 = arith.addi %add3A_275, %scan3A_271 : i32
          %broadcast_in_dim3A_277 = vector.broadcast %add3A_276 : i32 to vector<16xi32>
          %gather3A_278 = tpu.vector_load_idx %arg10[%broadcast_in_dim3A_277] : memref<4160xi32, #tpu.memory_space<vmem>>[vector<16xi32>], vector<16xi32>,
          %and3A_279 = arith.constant 4095 : i32
          %and3A_280 = vector.broadcast %and3A_279 : i32 to vector<16xi32>
          %and3A_281 = arith.andi %gather3A_278, %and3A_280 : vector<16xi32>
          %shift_right_logical3A_282 = arith.constant 12 : i32
          %shift_right_logical3A_283 = vector.broadcast %shift_right_logical3A_282 : i32 to vector<16xi32>
          %shift_right_logical3A_284 = arith.shrui %gather3A_278, %shift_right_logical3A_283 : vector<16xi32>
          %mul3A_285 = arith.constant 64 : i32
          %mul3A_286 = vector.broadcast %mul3A_285 : i32 to vector<16xi32>
          %mul3A_287 = arith.muli %shift_right_logical3A_284, %mul3A_286 : vector<16xi32>
          %broadcast_in_dim3A_288 = vector.broadcast %scan3A_271 : i32 to vector<16xi32>
          %add3A_289 = arith.constant 0 : i32
          %add3A_290 = vector.broadcast %add3A_289 : i32 to vector<16xi32>
          %add3A_291 = arith.addi %mul3A_287, %add3A_290 : vector<16xi32>
          %add3A_292 = arith.addi %add3A_291, %iota3A : vector<16xi32>
          %gather3A_293 = arith.constant 1 : i32
          %gather3A_294 = arith.constant 0 : i32
          %gather3A_295 = arith.constant 0 : i32
          %gather3A_296 = tpu.memref_slice %arg8[%gather3A_293, %gather3A_294, %gather3A_295] : memref<2x32x128xf32, #tpu.memory_space<vmem>> -> memref<1x32x128xf32, #tpu.memory_space<vmem>>
          %gather3A_297 = tpu.memref_squeeze %gather3A_296 : memref<1x32x128xf32, #tpu.memory_space<vmem>> -> memref<32x128xf32, #tpu.memory_space<vmem>>
          %gather3A_298 = tpu.vector_load_idx %gather3A_297[%broadcast_in_dim3A_288, %add3A_292] : memref<32x128xf32, #tpu.memory_space<vmem>>[vector<16xi32>, vector<16xi32>], vector<16xf32>,
          %add3A_299 = arith.constant 0 : i32
          %add3A_300 = vector.broadcast %add3A_299 : i32 to vector<16xi32>
          %add3A_301 = arith.addi %add3A_300, %iota3A : vector<16xi32>
          tpu.vector_store_idx %arg6[%add3A_301, %and3A_281], %gather3A_298 {add = true} : memref<64x1296xf32, #tpu.memory_space<vmem>>[vector<16xi32>, vector<16xi32>], vector<16xf32>,
          %add3A_302 = arith.constant 16 : i32
          %add3A_303 = vector.broadcast %add3A_302 : i32 to vector<16xi32>
          %add3A_304 = arith.addi %mul3A_287, %add3A_303 : vector<16xi32>
          %add3A_305 = arith.addi %add3A_304, %iota3A : vector<16xi32>
          %gather3A_306 = arith.constant 1 : i32
          %gather3A_307 = arith.constant 0 : i32
          %gather3A_308 = arith.constant 0 : i32
          %gather3A_309 = tpu.memref_slice %arg8[%gather3A_306, %gather3A_307, %gather3A_308] : memref<2x32x128xf32, #tpu.memory_space<vmem>> -> memref<1x32x128xf32, #tpu.memory_space<vmem>>
          %gather3A_310 = tpu.memref_squeeze %gather3A_309 : memref<1x32x128xf32, #tpu.memory_space<vmem>> -> memref<32x128xf32, #tpu.memory_space<vmem>>
          %gather3A_311 = tpu.vector_load_idx %gather3A_310[%broadcast_in_dim3A_288, %add3A_305] : memref<32x128xf32, #tpu.memory_space<vmem>>[vector<16xi32>, vector<16xi32>], vector<16xf32>,
          %add3A_312 = arith.constant 16 : i32
          %add3A_313 = vector.broadcast %add3A_312 : i32 to vector<16xi32>
          %add3A_314 = arith.addi %add3A_313, %iota3A : vector<16xi32>
          tpu.vector_store_idx %arg6[%add3A_314, %and3A_281], %gather3A_311 {add = true} : memref<64x1296xf32, #tpu.memory_space<vmem>>[vector<16xi32>, vector<16xi32>], vector<16xf32>,
          %add3A_315 = arith.constant 32 : i32
          %add3A_316 = vector.broadcast %add3A_315 : i32 to vector<16xi32>
          %add3A_317 = arith.addi %mul3A_287, %add3A_316 : vector<16xi32>
          %add3A_318 = arith.addi %add3A_317, %iota3A : vector<16xi32>
          %gather3A_319 = arith.constant 1 : i32
          %gather3A_320 = arith.constant 0 : i32
          %gather3A_321 = arith.constant 0 : i32
          %gather3A_322 = tpu.memref_slice %arg8[%gather3A_319, %gather3A_320, %gather3A_321] : memref<2x32x128xf32, #tpu.memory_space<vmem>> -> memref<1x32x128xf32, #tpu.memory_space<vmem>>
          %gather3A_323 = tpu.memref_squeeze %gather3A_322 : memref<1x32x128xf32, #tpu.memory_space<vmem>> -> memref<32x128xf32, #tpu.memory_space<vmem>>
          %gather3A_324 = tpu.vector_load_idx %gather3A_323[%broadcast_in_dim3A_288, %add3A_318] : memref<32x128xf32, #tpu.memory_space<vmem>>[vector<16xi32>, vector<16xi32>], vector<16xf32>,
          %add3A_325 = arith.constant 32 : i32
          %add3A_326 = vector.broadcast %add3A_325 : i32 to vector<16xi32>
          %add3A_327 = arith.addi %add3A_326, %iota3A : vector<16xi32>
          tpu.vector_store_idx %arg6[%add3A_327, %and3A_281], %gather3A_324 {add = true} : memref<64x1296xf32, #tpu.memory_space<vmem>>[vector<16xi32>, vector<16xi32>], vector<16xf32>,
          %add3A_328 = arith.constant 48 : i32
          %add3A_329 = vector.broadcast %add3A_328 : i32 to vector<16xi32>
          %add3A_330 = arith.addi %mul3A_287, %add3A_329 : vector<16xi32>
          %add3A_331 = arith.addi %add3A_330, %iota3A : vector<16xi32>
          %gather3A_332 = arith.constant 1 : i32
          %gather3A_333 = arith.constant 0 : i32
          %gather3A_334 = arith.constant 0 : i32
          %gather3A_335 = tpu.memref_slice %arg8[%gather3A_332, %gather3A_333, %gather3A_334] : memref<2x32x128xf32, #tpu.memory_space<vmem>> -> memref<1x32x128xf32, #tpu.memory_space<vmem>>
          %gather3A_336 = tpu.memref_squeeze %gather3A_335 : memref<1x32x128xf32, #tpu.memory_space<vmem>> -> memref<32x128xf32, #tpu.memory_space<vmem>>
          %gather3A_337 = tpu.vector_load_idx %gather3A_336[%broadcast_in_dim3A_288, %add3A_331] : memref<32x128xf32, #tpu.memory_space<vmem>>[vector<16xi32>, vector<16xi32>], vector<16xf32>,
          %add3A_338 = arith.constant 48 : i32
          %add3A_339 = vector.broadcast %add3A_338 : i32 to vector<16xi32>
          %add3A_340 = arith.addi %add3A_339, %iota3A : vector<16xi32>
          tpu.vector_store_idx %arg6[%add3A_340, %and3A_281], %gather3A_337 {add = true} : memref<64x1296xf32, #tpu.memory_space<vmem>>[vector<16xi32>, vector<16xi32>], vector<16xf32>,
        }
        %scan3A_57 = arith.constant 32 : i32
        %add3A_58 = arith.constant 1 : i32
        %add3A_59 = arith.addi %while3A_46, %add3A_58 : i32
        scf.yield %add3A_59 : i32
      }
      %convert_element_type3A_39 = arith.extui %and3A : i1 to i32
      %cond3A_40 = arith.constant 0 : i32
      %cond3A_41 = arith.cmpi ne, %convert_element_type3A_39, %cond3A_40 : i32
      scf.if %cond3A_41 {
        "tpu.region"() ({
          %run_scoped3A = tpu.sem_alloc : memref<!tpu.dma_semaphore, #tpu.memory_space<semaphore_mem>>
          %dma_start3A = arith.constant 0 : i32
          %dma_start3A_46 = arith.constant 0 : i32
          %dma_start3A_47 = tpu.memref_slice %arg6[%dma_start3A, %dma_start3A_46] : memref<64x1296xf32, #tpu.memory_space<vmem>> -> memref<64x1280xf32, #tpu.memory_space<vmem>>
          %dma_start3A_48 = arith.constant 0 : i32
          %dma_start3A_49 = tpu.memref_slice %arg5[%dma_start3A_48, %mul3A_17] : memref<64x100000xf32, #tpu.memory_space<hbm>> -> memref<64x1280xf32, #tpu.memory_space<hbm>>
          %dma_start3A_50 = arith.constant 0 : i32
          %dma_start3A_51 = tpu.memref_slice %arg5[%dma_start3A_50, %mul3A_17] : memref<64x100000xf32, #tpu.memory_space<hbm>> -> memref<64x1280xf32, #tpu.memory_space<hbm>>
          %dma_start3A_52 = arith.constant 0 : i32
          %dma_start3A_53 = arith.constant 0 : i32
          %dma_start3A_54 = tpu.memref_slice %arg6[%dma_start3A_52, %dma_start3A_53] : memref<64x1296xf32, #tpu.memory_space<vmem>> -> memref<64x1280xf32, #tpu.memory_space<vmem>>
          tpu.enqueue_dma source(%dma_start3A_54 : memref<64x1280xf32, #tpu.memory_space<vmem>>) target(%dma_start3A_51 : memref<64x1280xf32, #tpu.memory_space<hbm>>) target_semaphore(%run_scoped3A : memref<!tpu.dma_semaphore, #tpu.memory_space<semaphore_mem>>)
          %dma_wait3A_55 = arith.constant 0 : i32
          %dma_wait3A_56 = arith.constant 0 : i32
          %dma_wait3A_57 = tpu.memref_slice %arg6[%dma_wait3A_55, %dma_wait3A_56] : memref<64x1296xf32, #tpu.memory_space<vmem>> -> memref<64x1280xf32, #tpu.memory_space<vmem>>
          %dma_wait3A_58 = arith.constant 0 : i32
          %dma_wait3A_59 = tpu.memref_slice %arg5[%dma_wait3A_58, %mul3A_17] : memref<64x100000xf32, #tpu.memory_space<hbm>> -> memref<64x1280xf32, #tpu.memory_space<hbm>>
          %dma_wait3A_60 = arith.constant 0 : i32
          %dma_wait3A_61 = tpu.memref_slice %arg5[%dma_wait3A_60, %mul3A_17] : memref<64x100000xf32, #tpu.memory_space<hbm>> -> memref<64x1280xf32, #tpu.memory_space<hbm>>
          %dma_wait3A_62 = arith.constant 0 : i32
          %dma_wait3A_63 = arith.constant 0 : i32
          %dma_wait3A_64 = tpu.memref_slice %arg6[%dma_wait3A_62, %dma_wait3A_63] : memref<64x1296xf32, #tpu.memory_space<vmem>> -> memref<64x1280xf32, #tpu.memory_space<vmem>>
          tpu.wait_dma2 semaphore(%run_scoped3A : memref<!tpu.dma_semaphore, #tpu.memory_space<semaphore_mem>>) src(%dma_wait3A_64 : memref<64x1280xf32, #tpu.memory_space<vmem>>) dst(%dma_wait3A_61 : memref<64x1280xf32, #tpu.memory_space<hbm>>)
          tpu.yield
        }) : () -> ()
      } else {
      }
      %not3A = arith.constant true
      %not3A_42 = arith.xori %and3A, %not3A : i1
      %convert_element_type3A_43 = arith.extui %not3A_42 : i1 to i32
      %cond3A_44 = arith.constant 0 : i32
      %cond3A_45 = arith.cmpi ne, %convert_element_type3A_43, %cond3A_44 : i32
      scf.if %cond3A_45 {
        %dma_start3A = arith.constant 0 : i32
        %dma_start3A_46 = arith.constant 0 : i32
        %dma_start3A_47 = tpu.memref_slice %arg6[%dma_start3A, %dma_start3A_46] : memref<64x1296xf32, #tpu.memory_space<vmem>> -> memref<64x1280xf32, #tpu.memory_space<vmem>>
        %dma_start3A_48 = arith.constant 0 : i32
        %dma_start3A_49 = tpu.memref_slice %arg5[%dma_start3A_48, %mul3A_17] : memref<64x100000xf32, #tpu.memory_space<hbm>> -> memref<64x1280xf32, #tpu.memory_space<hbm>>
        %dma_start3A_50 = arith.constant 0 : i32
        %dma_start3A_51 = tpu.memref_slice %arg5[%dma_start3A_50, %mul3A_17] : memref<64x100000xf32, #tpu.memory_space<hbm>> -> memref<64x1280xf32, #tpu.memory_space<hbm>>
        %dma_start3A_52 = arith.constant 0 : i32
        %dma_start3A_53 = arith.constant 0 : i32
        %dma_start3A_54 = tpu.memref_slice %arg6[%dma_start3A_52, %dma_start3A_53] : memref<64x1296xf32, #tpu.memory_space<vmem>> -> memref<64x1280xf32, #tpu.memory_space<vmem>>
        tpu.enqueue_dma source(%dma_start3A_54 : memref<64x1280xf32, #tpu.memory_space<vmem>>) target(%dma_start3A_51 : memref<64x1280xf32, #tpu.memory_space<hbm>>) target_semaphore(%arg13 : memref<!tpu.dma_semaphore, #tpu.memory_space<semaphore_mem>>)
      } else {
      }
    }
    %scan3A_5 = arith.constant 2 : i32
    %lt3A = arith.constant 14 : i32
    %lt3A_6 = arith.cmpi slt, %add3A, %lt3A : i32
    %convert_element_type3A = arith.extui %lt3A_6 : i1 to i32
    %cond3A = arith.constant 0 : i32
    %cond3A_7 = arith.cmpi ne, %convert_element_type3A, %cond3A : i32
    scf.if %cond3A_7 {
      %add3A_12 = arith.constant 64 : i32
      %add3A_13 = arith.addi %add3A, %add3A_12 : i32
      %mul3A_14 = arith.constant 1280 : i32
      %mul3A_15 = arith.muli %add3A_13, %mul3A_14 : i32
      %broadcast_in_dim3A = arith.constant 0 : i32
      %broadcast_in_dim3A_16 = vector.broadcast %broadcast_in_dim3A : i32 to vector<16xi32>
      %scan3A_17 = arith.constant true
      %scan3A_18 = arith.constant 0 : i32
      %scan3A_19 = arith.constant 8 : i32
      %scan3A_20 = arith.addi %scan3A_18, %scan3A_19 : i32
      %scan3A_21 = arith.constant 1 : i32
      %scan3A_22 = scf.for %scan3A_40 = %scan3A_18 to %scan3A_20 step %scan3A_21 iter_args(%scan3A_41 = %broadcast_in_dim3A_16) -> (vector<16xi32>)  : i32 {
        %and3A = arith.constant 1 : i32
        %and3A_42 = arith.andi %scan3A_40, %and3A : i32
        %mul3A_43 = arith.constant 2048 : i32
        %mul3A_44 = arith.muli %scan3A_40, %mul3A_43 : i32
        %and3A_45 = arith.constant 1 : i32
        %and3A_46 = vector.broadcast %and3A_45 : i32 to vector<16xi32>
        %and3A_47 = arith.andi %iota3A, %and3A_46 : vector<16xi32>
        %mul3A_48 = arith.constant 4096 : i32
        %mul3A_49 = vector.broadcast %mul3A_48 : i32 to vector<16xi32>
        %mul3A_50 = arith.muli %and3A_47, %mul3A_49 : vector<16xi32>
        %mul3A_51 = arith.constant 2080 : i32
        %mul3A_52 = arith.muli %and3A_42, %mul3A_51 : i32
        %sub3A = arith.constant 1 : i32
        %sub3A_53 = arith.subi %mul3A_52, %sub3A : i32
        %broadcast_in_dim3A_54 = vector.broadcast %sub3A_53 : i32 to vector<16xi32>
        %add3A_55 = vector.broadcast %mul3A_44 : i32 to vector<16xi32>
        %add3A_56 = arith.addi %add3A_55, %iota3A : vector<16xi32>
        %scan3A_57 = arith.constant 0 : i32
        %scan3A_58 = arith.constant 128 : i32
        %scan3A_59 = arith.addi %scan3A_57, %scan3A_58 : i32
        %scan3A_60 = arith.constant 16 : i32
        %scan3A_61:2 = scf.for %scan3A_137 = %scan3A_57 to %scan3A_59 step %scan3A_60 iter_args(%scan3A_138 = %broadcast_in_dim3A_54, %scan3A_139 = %add3A_56) -> (vector<16xi32>, vector<16xi32>)  : i32 {
          %gather3A = tpu.vector_load_idx %arg7[%scan3A_139] : memref<16384xi32, #tpu.memory_space<vmem>>[vector<16xi32>], vector<16xi32>,
          %sub3A_140 = vector.broadcast %mul3A_15 : i32 to vector<16xi32>
          %sub3A_141 = arith.subi %gather3A, %sub3A_140 : vector<16xi32>
          %lt3A_142 = arith.constant 1280 : i32
          %lt3A_143 = vector.broadcast %lt3A_142 : i32 to vector<16xi32>
          %lt3A_144 = arith.cmpi ult, %sub3A_141, %lt3A_143 : vector<16xi32>
          %convert_element_type3A_145 = arith.extui %lt3A_144 : vector<16xi1> to vector<16xi32>
          %broadcast_in_dim3A_146 = arith.constant true
          %broadcast_in_dim3A_147 = vector.broadcast %broadcast_in_dim3A_146 : i1 to vector<16xi1>
          %masked_cumsum3A = tpu.scan <sum>, %convert_element_type3A_145 masked %broadcast_in_dim3A_147 : vector<16xi32>, vector<16xi1> -> vector<16xi32>
          %add3A_148 = arith.addi %scan3A_138, %masked_cumsum3A : vector<16xi32>
          %add3A_149 = arith.addi %sub3A_141, %mul3A_50 : vector<16xi32>
          tpu.vector_store_idx %arg10[%add3A_148], %add3A_149 masked %lt3A_144 : memref<4160xi32, #tpu.memory_space<vmem>>[vector<16xi32>], vector<16xi32>, vector<16xi1>
          %shift_right_logical3A = arith.constant 1 : i32
          %shift_right_logical3A_150 = vector.broadcast %shift_right_logical3A : i32 to vector<16xi32>
          %shift_right_logical3A_151 = arith.shrui %scan3A_139, %shift_right_logical3A_150 : vector<16xi32>
          tpu.vector_store_idx %arg9[%add3A_148], %shift_right_logical3A_151 masked %lt3A_144 : memref<4160xi32, #tpu.memory_space<vmem>>[vector<16xi32>], vector<16xi32>, vector<16xi1>
          %all_reduce_population_count3A = tpu.all_reduce %lt3A_144 {dim = 0 : i64, kind = #tpu.reduction_kind<sum>} : vector<16xi1> -> vector<16xi32>
          %add3A_152 = arith.addi %scan3A_138, %all_reduce_population_count3A : vector<16xi32>
          %add3A_153 = arith.constant 16 : i32
          %add3A_154 = vector.broadcast %add3A_153 : i32 to vector<16xi32>
          %add3A_155 = arith.addi %scan3A_139, %add3A_154 : vector<16xi32>
          %scan3A_156 = arith.constant 1 : i32
          %scan3A_157 = arith.addi %scan3A_137, %scan3A_156 : i32
          %gather3A_158 = tpu.vector_load_idx %arg7[%add3A_155] : memref<16384xi32, #tpu.memory_space<vmem>>[vector<16xi32>], vector<16xi32>,
          %sub3A_159 = vector.broadcast %mul3A_15 : i32 to vector<16xi32>
          %sub3A_160 = arith.subi %gather3A_158, %sub3A_159 : vector<16xi32>
          %lt3A_161 = arith.constant 1280 : i32
          %lt3A_162 = vector.broadcast %lt3A_161 : i32 to vector<16xi32>
          %lt3A_163 = arith.cmpi ult, %sub3A_160, %lt3A_162 : vector<16xi32>
          %convert_element_type3A_164 = arith.extui %lt3A_163 : vector<16xi1> to vector<16xi32>
          %broadcast_in_dim3A_165 = arith.constant true
          %broadcast_in_dim3A_166 = vector.broadcast %broadcast_in_dim3A_165 : i1 to vector<16xi1>
          %masked_cumsum3A_167 = tpu.scan <sum>, %convert_element_type3A_164 masked %broadcast_in_dim3A_166 : vector<16xi32>, vector<16xi1> -> vector<16xi32>
          %add3A_168 = arith.addi %add3A_152, %masked_cumsum3A_167 : vector<16xi32>
          %add3A_169 = arith.addi %sub3A_160, %mul3A_50 : vector<16xi32>
          tpu.vector_store_idx %arg10[%add3A_168], %add3A_169 masked %lt3A_163 : memref<4160xi32, #tpu.memory_space<vmem>>[vector<16xi32>], vector<16xi32>, vector<16xi1>
          %shift_right_logical3A_170 = arith.constant 1 : i32
          %shift_right_logical3A_171 = vector.broadcast %shift_right_logical3A_170 : i32 to vector<16xi32>
          %shift_right_logical3A_172 = arith.shrui %add3A_155, %shift_right_logical3A_171 : vector<16xi32>
          tpu.vector_store_idx %arg9[%add3A_168], %shift_right_logical3A_172 masked %lt3A_163 : memref<4160xi32, #tpu.memory_space<vmem>>[vector<16xi32>], vector<16xi32>, vector<16xi1>
          %all_reduce_population_count3A_173 = tpu.all_reduce %lt3A_163 {dim = 0 : i64, kind = #tpu.reduction_kind<sum>} : vector<16xi1> -> vector<16xi32>
          %add3A_174 = arith.addi %add3A_152, %all_reduce_population_count3A_173 : vector<16xi32>
          %add3A_175 = arith.constant 16 : i32
          %add3A_176 = vector.broadcast %add3A_175 : i32 to vector<16xi32>
          %add3A_177 = arith.addi %add3A_155, %add3A_176 : vector<16xi32>
          %scan3A_178 = arith.constant 2 : i32
          %scan3A_179 = arith.addi %scan3A_137, %scan3A_178 : i32
          %gather3A_180 = tpu.vector_load_idx %arg7[%add3A_177] : memref<16384xi32, #tpu.memory_space<vmem>>[vector<16xi32>], vector<16xi32>,
          %sub3A_181 = vector.broadcast %mul3A_15 : i32 to vector<16xi32>
          %sub3A_182 = arith.subi %gather3A_180, %sub3A_181 : vector<16xi32>
          %lt3A_183 = arith.constant 1280 : i32
          %lt3A_184 = vector.broadcast %lt3A_183 : i32 to vector<16xi32>
          %lt3A_185 = arith.cmpi ult, %sub3A_182, %lt3A_184 : vector<16xi32>
          %convert_element_type3A_186 = arith.extui %lt3A_185 : vector<16xi1> to vector<16xi32>
          %broadcast_in_dim3A_187 = arith.constant true
          %broadcast_in_dim3A_188 = vector.broadcast %broadcast_in_dim3A_187 : i1 to vector<16xi1>
          %masked_cumsum3A_189 = tpu.scan <sum>, %convert_element_type3A_186 masked %broadcast_in_dim3A_188 : vector<16xi32>, vector<16xi1> -> vector<16xi32>
          %add3A_190 = arith.addi %add3A_174, %masked_cumsum3A_189 : vector<16xi32>
          %add3A_191 = arith.addi %sub3A_182, %mul3A_50 : vector<16xi32>
          tpu.vector_store_idx %arg10[%add3A_190], %add3A_191 masked %lt3A_185 : memref<4160xi32, #tpu.memory_space<vmem>>[vector<16xi32>], vector<16xi32>, vector<16xi1>
          %shift_right_logical3A_192 = arith.constant 1 : i32
          %shift_right_logical3A_193 = vector.broadcast %shift_right_logical3A_192 : i32 to vector<16xi32>
          %shift_right_logical3A_194 = arith.shrui %add3A_177, %shift_right_logical3A_193 : vector<16xi32>
          tpu.vector_store_idx %arg9[%add3A_190], %shift_right_logical3A_194 masked %lt3A_185 : memref<4160xi32, #tpu.memory_space<vmem>>[vector<16xi32>], vector<16xi32>, vector<16xi1>
          %all_reduce_population_count3A_195 = tpu.all_reduce %lt3A_185 {dim = 0 : i64, kind = #tpu.reduction_kind<sum>} : vector<16xi1> -> vector<16xi32>
          %add3A_196 = arith.addi %add3A_174, %all_reduce_population_count3A_195 : vector<16xi32>
          %add3A_197 = arith.constant 16 : i32
          %add3A_198 = vector.broadcast %add3A_197 : i32 to vector<16xi32>
          %add3A_199 = arith.addi %add3A_177, %add3A_198 : vector<16xi32>
          %scan3A_200 = arith.constant 3 : i32
          %scan3A_201 = arith.addi %scan3A_137, %scan3A_200 : i32
          %gather3A_202 = tpu.vector_load_idx %arg7[%add3A_199] : memref<16384xi32, #tpu.memory_space<vmem>>[vector<16xi32>], vector<16xi32>,
          %sub3A_203 = vector.broadcast %mul3A_15 : i32 to vector<16xi32>
          %sub3A_204 = arith.subi %gather3A_202, %sub3A_203 : vector<16xi32>
          %lt3A_205 = arith.constant 1280 : i32
          %lt3A_206 = vector.broadcast %lt3A_205 : i32 to vector<16xi32>
          %lt3A_207 = arith.cmpi ult, %sub3A_204, %lt3A_206 : vector<16xi32>
          %convert_element_type3A_208 = arith.extui %lt3A_207 : vector<16xi1> to vector<16xi32>
          %broadcast_in_dim3A_209 = arith.constant true
          %broadcast_in_dim3A_210 = vector.broadcast %broadcast_in_dim3A_209 : i1 to vector<16xi1>
          %masked_cumsum3A_211 = tpu.scan <sum>, %convert_element_type3A_208 masked %broadcast_in_dim3A_210 : vector<16xi32>, vector<16xi1> -> vector<16xi32>
          %add3A_212 = arith.addi %add3A_196, %masked_cumsum3A_211 : vector<16xi32>
          %add3A_213 = arith.addi %sub3A_204, %mul3A_50 : vector<16xi32>
          tpu.vector_store_idx %arg10[%add3A_212], %add3A_213 masked %lt3A_207 : memref<4160xi32, #tpu.memory_space<vmem>>[vector<16xi32>], vector<16xi32>, vector<16xi1>
          %shift_right_logical3A_214 = arith.constant 1 : i32
          %shift_right_logical3A_215 = vector.broadcast %shift_right_logical3A_214 : i32 to vector<16xi32>
          %shift_right_logical3A_216 = arith.shrui %add3A_199, %shift_right_logical3A_215 : vector<16xi32>
          tpu.vector_store_idx %arg9[%add3A_212], %shift_right_logical3A_216 masked %lt3A_207 : memref<4160xi32, #tpu.memory_space<vmem>>[vector<16xi32>], vector<16xi32>, vector<16xi1>
          %all_reduce_population_count3A_217 = tpu.all_reduce %lt3A_207 {dim = 0 : i64, kind = #tpu.reduction_kind<sum>} : vector<16xi1> -> vector<16xi32>
          %add3A_218 = arith.addi %add3A_196, %all_reduce_population_count3A_217 : vector<16xi32>
          %add3A_219 = arith.constant 16 : i32
          %add3A_220 = vector.broadcast %add3A_219 : i32 to vector<16xi32>
          %add3A_221 = arith.addi %add3A_199, %add3A_220 : vector<16xi32>
          %scan3A_222 = arith.constant 4 : i32
          %scan3A_223 = arith.addi %scan3A_137, %scan3A_222 : i32
          %gather3A_224 = tpu.vector_load_idx %arg7[%add3A_221] : memref<16384xi32, #tpu.memory_space<vmem>>[vector<16xi32>], vector<16xi32>,
          %sub3A_225 = vector.broadcast %mul3A_15 : i32 to vector<16xi32>
          %sub3A_226 = arith.subi %gather3A_224, %sub3A_225 : vector<16xi32>
          %lt3A_227 = arith.constant 1280 : i32
          %lt3A_228 = vector.broadcast %lt3A_227 : i32 to vector<16xi32>
          %lt3A_229 = arith.cmpi ult, %sub3A_226, %lt3A_228 : vector<16xi32>
          %convert_element_type3A_230 = arith.extui %lt3A_229 : vector<16xi1> to vector<16xi32>
          %broadcast_in_dim3A_231 = arith.constant true
          %broadcast_in_dim3A_232 = vector.broadcast %broadcast_in_dim3A_231 : i1 to vector<16xi1>
          %masked_cumsum3A_233 = tpu.scan <sum>, %convert_element_type3A_230 masked %broadcast_in_dim3A_232 : vector<16xi32>, vector<16xi1> -> vector<16xi32>
          %add3A_234 = arith.addi %add3A_218, %masked_cumsum3A_233 : vector<16xi32>
          %add3A_235 = arith.addi %sub3A_226, %mul3A_50 : vector<16xi32>
          tpu.vector_store_idx %arg10[%add3A_234], %add3A_235 masked %lt3A_229 : memref<4160xi32, #tpu.memory_space<vmem>>[vector<16xi32>], vector<16xi32>, vector<16xi1>
          %shift_right_logical3A_236 = arith.constant 1 : i32
          %shift_right_logical3A_237 = vector.broadcast %shift_right_logical3A_236 : i32 to vector<16xi32>
          %shift_right_logical3A_238 = arith.shrui %add3A_221, %shift_right_logical3A_237 : vector<16xi32>
          tpu.vector_store_idx %arg9[%add3A_234], %shift_right_logical3A_238 masked %lt3A_229 : memref<4160xi32, #tpu.memory_space<vmem>>[vector<16xi32>], vector<16xi32>, vector<16xi1>
          %all_reduce_population_count3A_239 = tpu.all_reduce %lt3A_229 {dim = 0 : i64, kind = #tpu.reduction_kind<sum>} : vector<16xi1> -> vector<16xi32>
          %add3A_240 = arith.addi %add3A_218, %all_reduce_population_count3A_239 : vector<16xi32>
          %add3A_241 = arith.constant 16 : i32
          %add3A_242 = vector.broadcast %add3A_241 : i32 to vector<16xi32>
          %add3A_243 = arith.addi %add3A_221, %add3A_242 : vector<16xi32>
          %scan3A_244 = arith.constant 5 : i32
          %scan3A_245 = arith.addi %scan3A_137, %scan3A_244 : i32
          %gather3A_246 = tpu.vector_load_idx %arg7[%add3A_243] : memref<16384xi32, #tpu.memory_space<vmem>>[vector<16xi32>], vector<16xi32>,
          %sub3A_247 = vector.broadcast %mul3A_15 : i32 to vector<16xi32>
          %sub3A_248 = arith.subi %gather3A_246, %sub3A_247 : vector<16xi32>
          %lt3A_249 = arith.constant 1280 : i32
          %lt3A_250 = vector.broadcast %lt3A_249 : i32 to vector<16xi32>
          %lt3A_251 = arith.cmpi ult, %sub3A_248, %lt3A_250 : vector<16xi32>
          %convert_element_type3A_252 = arith.extui %lt3A_251 : vector<16xi1> to vector<16xi32>
          %broadcast_in_dim3A_253 = arith.constant true
          %broadcast_in_dim3A_254 = vector.broadcast %broadcast_in_dim3A_253 : i1 to vector<16xi1>
          %masked_cumsum3A_255 = tpu.scan <sum>, %convert_element_type3A_252 masked %broadcast_in_dim3A_254 : vector<16xi32>, vector<16xi1> -> vector<16xi32>
          %add3A_256 = arith.addi %add3A_240, %masked_cumsum3A_255 : vector<16xi32>
          %add3A_257 = arith.addi %sub3A_248, %mul3A_50 : vector<16xi32>
          tpu.vector_store_idx %arg10[%add3A_256], %add3A_257 masked %lt3A_251 : memref<4160xi32, #tpu.memory_space<vmem>>[vector<16xi32>], vector<16xi32>, vector<16xi1>
          %shift_right_logical3A_258 = arith.constant 1 : i32
          %shift_right_logical3A_259 = vector.broadcast %shift_right_logical3A_258 : i32 to vector<16xi32>
          %shift_right_logical3A_260 = arith.shrui %add3A_243, %shift_right_logical3A_259 : vector<16xi32>
          tpu.vector_store_idx %arg9[%add3A_256], %shift_right_logical3A_260 masked %lt3A_251 : memref<4160xi32, #tpu.memory_space<vmem>>[vector<16xi32>], vector<16xi32>, vector<16xi1>
          %all_reduce_population_count3A_261 = tpu.all_reduce %lt3A_251 {dim = 0 : i64, kind = #tpu.reduction_kind<sum>} : vector<16xi1> -> vector<16xi32>
          %add3A_262 = arith.addi %add3A_240, %all_reduce_population_count3A_261 : vector<16xi32>
          %add3A_263 = arith.constant 16 : i32
          %add3A_264 = vector.broadcast %add3A_263 : i32 to vector<16xi32>
          %add3A_265 = arith.addi %add3A_243, %add3A_264 : vector<16xi32>
          %scan3A_266 = arith.constant 6 : i32
          %scan3A_267 = arith.addi %scan3A_137, %scan3A_266 : i32
          %gather3A_268 = tpu.vector_load_idx %arg7[%add3A_265] : memref<16384xi32, #tpu.memory_space<vmem>>[vector<16xi32>], vector<16xi32>,
          %sub3A_269 = vector.broadcast %mul3A_15 : i32 to vector<16xi32>
          %sub3A_270 = arith.subi %gather3A_268, %sub3A_269 : vector<16xi32>
          %lt3A_271 = arith.constant 1280 : i32
          %lt3A_272 = vector.broadcast %lt3A_271 : i32 to vector<16xi32>
          %lt3A_273 = arith.cmpi ult, %sub3A_270, %lt3A_272 : vector<16xi32>
          %convert_element_type3A_274 = arith.extui %lt3A_273 : vector<16xi1> to vector<16xi32>
          %broadcast_in_dim3A_275 = arith.constant true
          %broadcast_in_dim3A_276 = vector.broadcast %broadcast_in_dim3A_275 : i1 to vector<16xi1>
          %masked_cumsum3A_277 = tpu.scan <sum>, %convert_element_type3A_274 masked %broadcast_in_dim3A_276 : vector<16xi32>, vector<16xi1> -> vector<16xi32>
          %add3A_278 = arith.addi %add3A_262, %masked_cumsum3A_277 : vector<16xi32>
          %add3A_279 = arith.addi %sub3A_270, %mul3A_50 : vector<16xi32>
          tpu.vector_store_idx %arg10[%add3A_278], %add3A_279 masked %lt3A_273 : memref<4160xi32, #tpu.memory_space<vmem>>[vector<16xi32>], vector<16xi32>, vector<16xi1>
          %shift_right_logical3A_280 = arith.constant 1 : i32
          %shift_right_logical3A_281 = vector.broadcast %shift_right_logical3A_280 : i32 to vector<16xi32>
          %shift_right_logical3A_282 = arith.shrui %add3A_265, %shift_right_logical3A_281 : vector<16xi32>
          tpu.vector_store_idx %arg9[%add3A_278], %shift_right_logical3A_282 masked %lt3A_273 : memref<4160xi32, #tpu.memory_space<vmem>>[vector<16xi32>], vector<16xi32>, vector<16xi1>
          %all_reduce_population_count3A_283 = tpu.all_reduce %lt3A_273 {dim = 0 : i64, kind = #tpu.reduction_kind<sum>} : vector<16xi1> -> vector<16xi32>
          %add3A_284 = arith.addi %add3A_262, %all_reduce_population_count3A_283 : vector<16xi32>
          %add3A_285 = arith.constant 16 : i32
          %add3A_286 = vector.broadcast %add3A_285 : i32 to vector<16xi32>
          %add3A_287 = arith.addi %add3A_265, %add3A_286 : vector<16xi32>
          %scan3A_288 = arith.constant 7 : i32
          %scan3A_289 = arith.addi %scan3A_137, %scan3A_288 : i32
          %gather3A_290 = tpu.vector_load_idx %arg7[%add3A_287] : memref<16384xi32, #tpu.memory_space<vmem>>[vector<16xi32>], vector<16xi32>,
          %sub3A_291 = vector.broadcast %mul3A_15 : i32 to vector<16xi32>
          %sub3A_292 = arith.subi %gather3A_290, %sub3A_291 : vector<16xi32>
          %lt3A_293 = arith.constant 1280 : i32
          %lt3A_294 = vector.broadcast %lt3A_293 : i32 to vector<16xi32>
          %lt3A_295 = arith.cmpi ult, %sub3A_292, %lt3A_294 : vector<16xi32>
          %convert_element_type3A_296 = arith.extui %lt3A_295 : vector<16xi1> to vector<16xi32>
          %broadcast_in_dim3A_297 = arith.constant true
          %broadcast_in_dim3A_298 = vector.broadcast %broadcast_in_dim3A_297 : i1 to vector<16xi1>
          %masked_cumsum3A_299 = tpu.scan <sum>, %convert_element_type3A_296 masked %broadcast_in_dim3A_298 : vector<16xi32>, vector<16xi1> -> vector<16xi32>
          %add3A_300 = arith.addi %add3A_284, %masked_cumsum3A_299 : vector<16xi32>
          %add3A_301 = arith.addi %sub3A_292, %mul3A_50 : vector<16xi32>
          tpu.vector_store_idx %arg10[%add3A_300], %add3A_301 masked %lt3A_295 : memref<4160xi32, #tpu.memory_space<vmem>>[vector<16xi32>], vector<16xi32>, vector<16xi1>
          %shift_right_logical3A_302 = arith.constant 1 : i32
          %shift_right_logical3A_303 = vector.broadcast %shift_right_logical3A_302 : i32 to vector<16xi32>
          %shift_right_logical3A_304 = arith.shrui %add3A_287, %shift_right_logical3A_303 : vector<16xi32>
          tpu.vector_store_idx %arg9[%add3A_300], %shift_right_logical3A_304 masked %lt3A_295 : memref<4160xi32, #tpu.memory_space<vmem>>[vector<16xi32>], vector<16xi32>, vector<16xi1>
          %all_reduce_population_count3A_305 = tpu.all_reduce %lt3A_295 {dim = 0 : i64, kind = #tpu.reduction_kind<sum>} : vector<16xi1> -> vector<16xi32>
          %add3A_306 = arith.addi %add3A_284, %all_reduce_population_count3A_305 : vector<16xi32>
          %add3A_307 = arith.constant 16 : i32
          %add3A_308 = vector.broadcast %add3A_307 : i32 to vector<16xi32>
          %add3A_309 = arith.addi %add3A_287, %add3A_308 : vector<16xi32>
          %scan3A_310 = arith.constant 8 : i32
          %scan3A_311 = arith.addi %scan3A_137, %scan3A_310 : i32
          %gather3A_312 = tpu.vector_load_idx %arg7[%add3A_309] : memref<16384xi32, #tpu.memory_space<vmem>>[vector<16xi32>], vector<16xi32>,
          %sub3A_313 = vector.broadcast %mul3A_15 : i32 to vector<16xi32>
          %sub3A_314 = arith.subi %gather3A_312, %sub3A_313 : vector<16xi32>
          %lt3A_315 = arith.constant 1280 : i32
          %lt3A_316 = vector.broadcast %lt3A_315 : i32 to vector<16xi32>
          %lt3A_317 = arith.cmpi ult, %sub3A_314, %lt3A_316 : vector<16xi32>
          %convert_element_type3A_318 = arith.extui %lt3A_317 : vector<16xi1> to vector<16xi32>
          %broadcast_in_dim3A_319 = arith.constant true
          %broadcast_in_dim3A_320 = vector.broadcast %broadcast_in_dim3A_319 : i1 to vector<16xi1>
          %masked_cumsum3A_321 = tpu.scan <sum>, %convert_element_type3A_318 masked %broadcast_in_dim3A_320 : vector<16xi32>, vector<16xi1> -> vector<16xi32>
          %add3A_322 = arith.addi %add3A_306, %masked_cumsum3A_321 : vector<16xi32>
          %add3A_323 = arith.addi %sub3A_314, %mul3A_50 : vector<16xi32>
          tpu.vector_store_idx %arg10[%add3A_322], %add3A_323 masked %lt3A_317 : memref<4160xi32, #tpu.memory_space<vmem>>[vector<16xi32>], vector<16xi32>, vector<16xi1>
          %shift_right_logical3A_324 = arith.constant 1 : i32
          %shift_right_logical3A_325 = vector.broadcast %shift_right_logical3A_324 : i32 to vector<16xi32>
          %shift_right_logical3A_326 = arith.shrui %add3A_309, %shift_right_logical3A_325 : vector<16xi32>
          tpu.vector_store_idx %arg9[%add3A_322], %shift_right_logical3A_326 masked %lt3A_317 : memref<4160xi32, #tpu.memory_space<vmem>>[vector<16xi32>], vector<16xi32>, vector<16xi1>
          %all_reduce_population_count3A_327 = tpu.all_reduce %lt3A_317 {dim = 0 : i64, kind = #tpu.reduction_kind<sum>} : vector<16xi1> -> vector<16xi32>
          %add3A_328 = arith.addi %add3A_306, %all_reduce_population_count3A_327 : vector<16xi32>
          %add3A_329 = arith.constant 16 : i32
          %add3A_330 = vector.broadcast %add3A_329 : i32 to vector<16xi32>
          %add3A_331 = arith.addi %add3A_309, %add3A_330 : vector<16xi32>
          %scan3A_332 = arith.constant 9 : i32
          %scan3A_333 = arith.addi %scan3A_137, %scan3A_332 : i32
          %gather3A_334 = tpu.vector_load_idx %arg7[%add3A_331] : memref<16384xi32, #tpu.memory_space<vmem>>[vector<16xi32>], vector<16xi32>,
          %sub3A_335 = vector.broadcast %mul3A_15 : i32 to vector<16xi32>
          %sub3A_336 = arith.subi %gather3A_334, %sub3A_335 : vector<16xi32>
          %lt3A_337 = arith.constant 1280 : i32
          %lt3A_338 = vector.broadcast %lt3A_337 : i32 to vector<16xi32>
          %lt3A_339 = arith.cmpi ult, %sub3A_336, %lt3A_338 : vector<16xi32>
          %convert_element_type3A_340 = arith.extui %lt3A_339 : vector<16xi1> to vector<16xi32>
          %broadcast_in_dim3A_341 = arith.constant true
          %broadcast_in_dim3A_342 = vector.broadcast %broadcast_in_dim3A_341 : i1 to vector<16xi1>
          %masked_cumsum3A_343 = tpu.scan <sum>, %convert_element_type3A_340 masked %broadcast_in_dim3A_342 : vector<16xi32>, vector<16xi1> -> vector<16xi32>
          %add3A_344 = arith.addi %add3A_328, %masked_cumsum3A_343 : vector<16xi32>
          %add3A_345 = arith.addi %sub3A_336, %mul3A_50 : vector<16xi32>
          tpu.vector_store_idx %arg10[%add3A_344], %add3A_345 masked %lt3A_339 : memref<4160xi32, #tpu.memory_space<vmem>>[vector<16xi32>], vector<16xi32>, vector<16xi1>
          %shift_right_logical3A_346 = arith.constant 1 : i32
          %shift_right_logical3A_347 = vector.broadcast %shift_right_logical3A_346 : i32 to vector<16xi32>
          %shift_right_logical3A_348 = arith.shrui %add3A_331, %shift_right_logical3A_347 : vector<16xi32>
          tpu.vector_store_idx %arg9[%add3A_344], %shift_right_logical3A_348 masked %lt3A_339 : memref<4160xi32, #tpu.memory_space<vmem>>[vector<16xi32>], vector<16xi32>, vector<16xi1>
          %all_reduce_population_count3A_349 = tpu.all_reduce %lt3A_339 {dim = 0 : i64, kind = #tpu.reduction_kind<sum>} : vector<16xi1> -> vector<16xi32>
          %add3A_350 = arith.addi %add3A_328, %all_reduce_population_count3A_349 : vector<16xi32>
          %add3A_351 = arith.constant 16 : i32
          %add3A_352 = vector.broadcast %add3A_351 : i32 to vector<16xi32>
          %add3A_353 = arith.addi %add3A_331, %add3A_352 : vector<16xi32>
          %scan3A_354 = arith.constant 10 : i32
          %scan3A_355 = arith.addi %scan3A_137, %scan3A_354 : i32
          %gather3A_356 = tpu.vector_load_idx %arg7[%add3A_353] : memref<16384xi32, #tpu.memory_space<vmem>>[vector<16xi32>], vector<16xi32>,
          %sub3A_357 = vector.broadcast %mul3A_15 : i32 to vector<16xi32>
          %sub3A_358 = arith.subi %gather3A_356, %sub3A_357 : vector<16xi32>
          %lt3A_359 = arith.constant 1280 : i32
          %lt3A_360 = vector.broadcast %lt3A_359 : i32 to vector<16xi32>
          %lt3A_361 = arith.cmpi ult, %sub3A_358, %lt3A_360 : vector<16xi32>
          %convert_element_type3A_362 = arith.extui %lt3A_361 : vector<16xi1> to vector<16xi32>
          %broadcast_in_dim3A_363 = arith.constant true
          %broadcast_in_dim3A_364 = vector.broadcast %broadcast_in_dim3A_363 : i1 to vector<16xi1>
          %masked_cumsum3A_365 = tpu.scan <sum>, %convert_element_type3A_362 masked %broadcast_in_dim3A_364 : vector<16xi32>, vector<16xi1> -> vector<16xi32>
          %add3A_366 = arith.addi %add3A_350, %masked_cumsum3A_365 : vector<16xi32>
          %add3A_367 = arith.addi %sub3A_358, %mul3A_50 : vector<16xi32>
          tpu.vector_store_idx %arg10[%add3A_366], %add3A_367 masked %lt3A_361 : memref<4160xi32, #tpu.memory_space<vmem>>[vector<16xi32>], vector<16xi32>, vector<16xi1>
          %shift_right_logical3A_368 = arith.constant 1 : i32
          %shift_right_logical3A_369 = vector.broadcast %shift_right_logical3A_368 : i32 to vector<16xi32>
          %shift_right_logical3A_370 = arith.shrui %add3A_353, %shift_right_logical3A_369 : vector<16xi32>
          tpu.vector_store_idx %arg9[%add3A_366], %shift_right_logical3A_370 masked %lt3A_361 : memref<4160xi32, #tpu.memory_space<vmem>>[vector<16xi32>], vector<16xi32>, vector<16xi1>
          %all_reduce_population_count3A_371 = tpu.all_reduce %lt3A_361 {dim = 0 : i64, kind = #tpu.reduction_kind<sum>} : vector<16xi1> -> vector<16xi32>
          %add3A_372 = arith.addi %add3A_350, %all_reduce_population_count3A_371 : vector<16xi32>
          %add3A_373 = arith.constant 16 : i32
          %add3A_374 = vector.broadcast %add3A_373 : i32 to vector<16xi32>
          %add3A_375 = arith.addi %add3A_353, %add3A_374 : vector<16xi32>
          %scan3A_376 = arith.constant 11 : i32
          %scan3A_377 = arith.addi %scan3A_137, %scan3A_376 : i32
          %gather3A_378 = tpu.vector_load_idx %arg7[%add3A_375] : memref<16384xi32, #tpu.memory_space<vmem>>[vector<16xi32>], vector<16xi32>,
          %sub3A_379 = vector.broadcast %mul3A_15 : i32 to vector<16xi32>
          %sub3A_380 = arith.subi %gather3A_378, %sub3A_379 : vector<16xi32>
          %lt3A_381 = arith.constant 1280 : i32
          %lt3A_382 = vector.broadcast %lt3A_381 : i32 to vector<16xi32>
          %lt3A_383 = arith.cmpi ult, %sub3A_380, %lt3A_382 : vector<16xi32>
          %convert_element_type3A_384 = arith.extui %lt3A_383 : vector<16xi1> to vector<16xi32>
          %broadcast_in_dim3A_385 = arith.constant true
          %broadcast_in_dim3A_386 = vector.broadcast %broadcast_in_dim3A_385 : i1 to vector<16xi1>
          %masked_cumsum3A_387 = tpu.scan <sum>, %convert_element_type3A_384 masked %broadcast_in_dim3A_386 : vector<16xi32>, vector<16xi1> -> vector<16xi32>
          %add3A_388 = arith.addi %add3A_372, %masked_cumsum3A_387 : vector<16xi32>
          %add3A_389 = arith.addi %sub3A_380, %mul3A_50 : vector<16xi32>
          tpu.vector_store_idx %arg10[%add3A_388], %add3A_389 masked %lt3A_383 : memref<4160xi32, #tpu.memory_space<vmem>>[vector<16xi32>], vector<16xi32>, vector<16xi1>
          %shift_right_logical3A_390 = arith.constant 1 : i32
          %shift_right_logical3A_391 = vector.broadcast %shift_right_logical3A_390 : i32 to vector<16xi32>
          %shift_right_logical3A_392 = arith.shrui %add3A_375, %shift_right_logical3A_391 : vector<16xi32>
          tpu.vector_store_idx %arg9[%add3A_388], %shift_right_logical3A_392 masked %lt3A_383 : memref<4160xi32, #tpu.memory_space<vmem>>[vector<16xi32>], vector<16xi32>, vector<16xi1>
          %all_reduce_population_count3A_393 = tpu.all_reduce %lt3A_383 {dim = 0 : i64, kind = #tpu.reduction_kind<sum>} : vector<16xi1> -> vector<16xi32>
          %add3A_394 = arith.addi %add3A_372, %all_reduce_population_count3A_393 : vector<16xi32>
          %add3A_395 = arith.constant 16 : i32
          %add3A_396 = vector.broadcast %add3A_395 : i32 to vector<16xi32>
          %add3A_397 = arith.addi %add3A_375, %add3A_396 : vector<16xi32>
          %scan3A_398 = arith.constant 12 : i32
          %scan3A_399 = arith.addi %scan3A_137, %scan3A_398 : i32
          %gather3A_400 = tpu.vector_load_idx %arg7[%add3A_397] : memref<16384xi32, #tpu.memory_space<vmem>>[vector<16xi32>], vector<16xi32>,
          %sub3A_401 = vector.broadcast %mul3A_15 : i32 to vector<16xi32>
          %sub3A_402 = arith.subi %gather3A_400, %sub3A_401 : vector<16xi32>
          %lt3A_403 = arith.constant 1280 : i32
          %lt3A_404 = vector.broadcast %lt3A_403 : i32 to vector<16xi32>
          %lt3A_405 = arith.cmpi ult, %sub3A_402, %lt3A_404 : vector<16xi32>
          %convert_element_type3A_406 = arith.extui %lt3A_405 : vector<16xi1> to vector<16xi32>
          %broadcast_in_dim3A_407 = arith.constant true
          %broadcast_in_dim3A_408 = vector.broadcast %broadcast_in_dim3A_407 : i1 to vector<16xi1>
          %masked_cumsum3A_409 = tpu.scan <sum>, %convert_element_type3A_406 masked %broadcast_in_dim3A_408 : vector<16xi32>, vector<16xi1> -> vector<16xi32>
          %add3A_410 = arith.addi %add3A_394, %masked_cumsum3A_409 : vector<16xi32>
          %add3A_411 = arith.addi %sub3A_402, %mul3A_50 : vector<16xi32>
          tpu.vector_store_idx %arg10[%add3A_410], %add3A_411 masked %lt3A_405 : memref<4160xi32, #tpu.memory_space<vmem>>[vector<16xi32>], vector<16xi32>, vector<16xi1>
          %shift_right_logical3A_412 = arith.constant 1 : i32
          %shift_right_logical3A_413 = vector.broadcast %shift_right_logical3A_412 : i32 to vector<16xi32>
          %shift_right_logical3A_414 = arith.shrui %add3A_397, %shift_right_logical3A_413 : vector<16xi32>
          tpu.vector_store_idx %arg9[%add3A_410], %shift_right_logical3A_414 masked %lt3A_405 : memref<4160xi32, #tpu.memory_space<vmem>>[vector<16xi32>], vector<16xi32>, vector<16xi1>
          %all_reduce_population_count3A_415 = tpu.all_reduce %lt3A_405 {dim = 0 : i64, kind = #tpu.reduction_kind<sum>} : vector<16xi1> -> vector<16xi32>
          %add3A_416 = arith.addi %add3A_394, %all_reduce_population_count3A_415 : vector<16xi32>
          %add3A_417 = arith.constant 16 : i32
          %add3A_418 = vector.broadcast %add3A_417 : i32 to vector<16xi32>
          %add3A_419 = arith.addi %add3A_397, %add3A_418 : vector<16xi32>
          %scan3A_420 = arith.constant 13 : i32
          %scan3A_421 = arith.addi %scan3A_137, %scan3A_420 : i32
          %gather3A_422 = tpu.vector_load_idx %arg7[%add3A_419] : memref<16384xi32, #tpu.memory_space<vmem>>[vector<16xi32>], vector<16xi32>,
          %sub3A_423 = vector.broadcast %mul3A_15 : i32 to vector<16xi32>
          %sub3A_424 = arith.subi %gather3A_422, %sub3A_423 : vector<16xi32>
          %lt3A_425 = arith.constant 1280 : i32
          %lt3A_426 = vector.broadcast %lt3A_425 : i32 to vector<16xi32>
          %lt3A_427 = arith.cmpi ult, %sub3A_424, %lt3A_426 : vector<16xi32>
          %convert_element_type3A_428 = arith.extui %lt3A_427 : vector<16xi1> to vector<16xi32>
          %broadcast_in_dim3A_429 = arith.constant true
          %broadcast_in_dim3A_430 = vector.broadcast %broadcast_in_dim3A_429 : i1 to vector<16xi1>
          %masked_cumsum3A_431 = tpu.scan <sum>, %convert_element_type3A_428 masked %broadcast_in_dim3A_430 : vector<16xi32>, vector<16xi1> -> vector<16xi32>
          %add3A_432 = arith.addi %add3A_416, %masked_cumsum3A_431 : vector<16xi32>
          %add3A_433 = arith.addi %sub3A_424, %mul3A_50 : vector<16xi32>
          tpu.vector_store_idx %arg10[%add3A_432], %add3A_433 masked %lt3A_427 : memref<4160xi32, #tpu.memory_space<vmem>>[vector<16xi32>], vector<16xi32>, vector<16xi1>
          %shift_right_logical3A_434 = arith.constant 1 : i32
          %shift_right_logical3A_435 = vector.broadcast %shift_right_logical3A_434 : i32 to vector<16xi32>
          %shift_right_logical3A_436 = arith.shrui %add3A_419, %shift_right_logical3A_435 : vector<16xi32>
          tpu.vector_store_idx %arg9[%add3A_432], %shift_right_logical3A_436 masked %lt3A_427 : memref<4160xi32, #tpu.memory_space<vmem>>[vector<16xi32>], vector<16xi32>, vector<16xi1>
          %all_reduce_population_count3A_437 = tpu.all_reduce %lt3A_427 {dim = 0 : i64, kind = #tpu.reduction_kind<sum>} : vector<16xi1> -> vector<16xi32>
          %add3A_438 = arith.addi %add3A_416, %all_reduce_population_count3A_437 : vector<16xi32>
          %add3A_439 = arith.constant 16 : i32
          %add3A_440 = vector.broadcast %add3A_439 : i32 to vector<16xi32>
          %add3A_441 = arith.addi %add3A_419, %add3A_440 : vector<16xi32>
          %scan3A_442 = arith.constant 14 : i32
          %scan3A_443 = arith.addi %scan3A_137, %scan3A_442 : i32
          %gather3A_444 = tpu.vector_load_idx %arg7[%add3A_441] : memref<16384xi32, #tpu.memory_space<vmem>>[vector<16xi32>], vector<16xi32>,
          %sub3A_445 = vector.broadcast %mul3A_15 : i32 to vector<16xi32>
          %sub3A_446 = arith.subi %gather3A_444, %sub3A_445 : vector<16xi32>
          %lt3A_447 = arith.constant 1280 : i32
          %lt3A_448 = vector.broadcast %lt3A_447 : i32 to vector<16xi32>
          %lt3A_449 = arith.cmpi ult, %sub3A_446, %lt3A_448 : vector<16xi32>
          %convert_element_type3A_450 = arith.extui %lt3A_449 : vector<16xi1> to vector<16xi32>
          %broadcast_in_dim3A_451 = arith.constant true
          %broadcast_in_dim3A_452 = vector.broadcast %broadcast_in_dim3A_451 : i1 to vector<16xi1>
          %masked_cumsum3A_453 = tpu.scan <sum>, %convert_element_type3A_450 masked %broadcast_in_dim3A_452 : vector<16xi32>, vector<16xi1> -> vector<16xi32>
          %add3A_454 = arith.addi %add3A_438, %masked_cumsum3A_453 : vector<16xi32>
          %add3A_455 = arith.addi %sub3A_446, %mul3A_50 : vector<16xi32>
          tpu.vector_store_idx %arg10[%add3A_454], %add3A_455 masked %lt3A_449 : memref<4160xi32, #tpu.memory_space<vmem>>[vector<16xi32>], vector<16xi32>, vector<16xi1>
          %shift_right_logical3A_456 = arith.constant 1 : i32
          %shift_right_logical3A_457 = vector.broadcast %shift_right_logical3A_456 : i32 to vector<16xi32>
          %shift_right_logical3A_458 = arith.shrui %add3A_441, %shift_right_logical3A_457 : vector<16xi32>
          tpu.vector_store_idx %arg9[%add3A_454], %shift_right_logical3A_458 masked %lt3A_449 : memref<4160xi32, #tpu.memory_space<vmem>>[vector<16xi32>], vector<16xi32>, vector<16xi1>
          %all_reduce_population_count3A_459 = tpu.all_reduce %lt3A_449 {dim = 0 : i64, kind = #tpu.reduction_kind<sum>} : vector<16xi1> -> vector<16xi32>
          %add3A_460 = arith.addi %add3A_438, %all_reduce_population_count3A_459 : vector<16xi32>
          %add3A_461 = arith.constant 16 : i32
          %add3A_462 = vector.broadcast %add3A_461 : i32 to vector<16xi32>
          %add3A_463 = arith.addi %add3A_441, %add3A_462 : vector<16xi32>
          %scan3A_464 = arith.constant 15 : i32
          %scan3A_465 = arith.addi %scan3A_137, %scan3A_464 : i32
          %gather3A_466 = tpu.vector_load_idx %arg7[%add3A_463] : memref<16384xi32, #tpu.memory_space<vmem>>[vector<16xi32>], vector<16xi32>,
          %sub3A_467 = vector.broadcast %mul3A_15 : i32 to vector<16xi32>
          %sub3A_468 = arith.subi %gather3A_466, %sub3A_467 : vector<16xi32>
          %lt3A_469 = arith.constant 1280 : i32
          %lt3A_470 = vector.broadcast %lt3A_469 : i32 to vector<16xi32>
          %lt3A_471 = arith.cmpi ult, %sub3A_468, %lt3A_470 : vector<16xi32>
          %convert_element_type3A_472 = arith.extui %lt3A_471 : vector<16xi1> to vector<16xi32>
          %broadcast_in_dim3A_473 = arith.constant true
          %broadcast_in_dim3A_474 = vector.broadcast %broadcast_in_dim3A_473 : i1 to vector<16xi1>
          %masked_cumsum3A_475 = tpu.scan <sum>, %convert_element_type3A_472 masked %broadcast_in_dim3A_474 : vector<16xi32>, vector<16xi1> -> vector<16xi32>
          %add3A_476 = arith.addi %add3A_460, %masked_cumsum3A_475 : vector<16xi32>
          %add3A_477 = arith.addi %sub3A_468, %mul3A_50 : vector<16xi32>
          tpu.vector_store_idx %arg10[%add3A_476], %add3A_477 masked %lt3A_471 : memref<4160xi32, #tpu.memory_space<vmem>>[vector<16xi32>], vector<16xi32>, vector<16xi1>
          %shift_right_logical3A_478 = arith.constant 1 : i32
          %shift_right_logical3A_479 = vector.broadcast %shift_right_logical3A_478 : i32 to vector<16xi32>
          %shift_right_logical3A_480 = arith.shrui %add3A_463, %shift_right_logical3A_479 : vector<16xi32>
          tpu.vector_store_idx %arg9[%add3A_476], %shift_right_logical3A_480 masked %lt3A_471 : memref<4160xi32, #tpu.memory_space<vmem>>[vector<16xi32>], vector<16xi32>, vector<16xi1>
          %all_reduce_population_count3A_481 = tpu.all_reduce %lt3A_471 {dim = 0 : i64, kind = #tpu.reduction_kind<sum>} : vector<16xi1> -> vector<16xi32>
          %add3A_482 = arith.addi %add3A_460, %all_reduce_population_count3A_481 : vector<16xi32>
          %add3A_483 = arith.constant 16 : i32
          %add3A_484 = vector.broadcast %add3A_483 : i32 to vector<16xi32>
          %add3A_485 = arith.addi %add3A_463, %add3A_484 : vector<16xi32>
          scf.yield %add3A_482, %add3A_485 : vector<16xi32>, vector<16xi32>
        }
        %scan3A_62 = arith.constant 128 : i32
        %sub3A_63 = arith.subi %scan3A_61#0, %broadcast_in_dim3A_54 : vector<16xi32>
        %mul3A_64 = arith.constant 2080 : i32
        %mul3A_65 = arith.muli %and3A_42, %mul3A_64 : i32
        %add3A_66 = vector.broadcast %mul3A_65 : i32 to vector<16xi32>
        %add3A_67 = arith.addi %add3A_66, %sub3A_63 : vector<16xi32>
        %add3A_68 = arith.constant 0 : i32
        %add3A_69 = vector.broadcast %add3A_68 : i32 to vector<16xi32>
        %add3A_70 = arith.addi %add3A_67, %add3A_69 : vector<16xi32>
        %add3A_71 = arith.addi %add3A_70, %iota3A : vector<16xi32>
        %broadcast_in_dim3A_72 = arith.constant 1280 : i32
        %broadcast_in_dim3A_73 = vector.broadcast %broadcast_in_dim3A_72 : i32 to vector<16xi32>
        %add3A_74 = arith.addi %broadcast_in_dim3A_73, %iota3A : vector<16xi32>
        tpu.vector_store_idx %arg10[%add3A_71], %add3A_74 : memref<4160xi32, #tpu.memory_space<vmem>>[vector<16xi32>], vector<16xi32>,
        %mul3A_75 = arith.constant 256 : i32
        %mul3A_76 = arith.muli %add3A, %mul3A_75 : i32
        %add3A_77 = arith.constant 0 : i32
        %add3A_78 = arith.addi %mul3A_76, %add3A_77 : i32
        %add3A_79 = vector.broadcast %add3A_78 : i32 to vector<16xi32>
        %add3A_80 = arith.addi %add3A_79, %iota3A : vector<16xi32>
        %mul3A_81 = arith.constant 2080 : i32
        %mul3A_82 = arith.muli %and3A_42, %mul3A_81 : i32
        %add3A_83 = vector.broadcast %mul3A_82 : i32 to vector<16xi32>
        %add3A_84 = arith.addi %add3A_83, %sub3A_63 : vector<16xi32>
        %add3A_85 = arith.constant 0 : i32
        %add3A_86 = vector.broadcast %add3A_85 : i32 to vector<16xi32>
        %add3A_87 = arith.addi %add3A_84, %add3A_86 : vector<16xi32>
        %add3A_88 = arith.addi %add3A_87, %iota3A : vector<16xi32>
        tpu.vector_store_idx %arg9[%add3A_88], %add3A_80 : memref<4160xi32, #tpu.memory_space<vmem>>[vector<16xi32>], vector<16xi32>,
        %mul3A_89 = arith.constant 2080 : i32
        %mul3A_90 = arith.muli %and3A_42, %mul3A_89 : i32
        %add3A_91 = vector.broadcast %mul3A_90 : i32 to vector<16xi32>
        %add3A_92 = arith.addi %add3A_91, %sub3A_63 : vector<16xi32>
        %add3A_93 = arith.constant 16 : i32
        %add3A_94 = vector.broadcast %add3A_93 : i32 to vector<16xi32>
        %add3A_95 = arith.addi %add3A_92, %add3A_94 : vector<16xi32>
        %add3A_96 = arith.addi %add3A_95, %iota3A : vector<16xi32>
        %broadcast_in_dim3A_97 = arith.constant 1280 : i32
        %broadcast_in_dim3A_98 = vector.broadcast %broadcast_in_dim3A_97 : i32 to vector<16xi32>
        %add3A_99 = arith.addi %broadcast_in_dim3A_98, %iota3A : vector<16xi32>
        tpu.vector_store_idx %arg10[%add3A_96], %add3A_99 : memref<4160xi32, #tpu.memory_space<vmem>>[vector<16xi32>], vector<16xi32>,
        %mul3A_100 = arith.constant 256 : i32
        %mul3A_101 = arith.muli %add3A, %mul3A_100 : i32
        %add3A_102 = arith.constant 16 : i32
        %add3A_103 = arith.addi %mul3A_101, %add3A_102 : i32
        %add3A_104 = vector.broadcast %add3A_103 : i32 to vector<16xi32>
        %add3A_105 = arith.addi %add3A_104, %iota3A : vector<16xi32>
        %mul3A_106 = arith.constant 2080 : i32
        %mul3A_107 = arith.muli %and3A_42, %mul3A_106 : i32
        %add3A_108 = vector.broadcast %mul3A_107 : i32 to vector<16xi32>
        %add3A_109 = arith.addi %add3A_108, %sub3A_63 : vector<16xi32>
        %add3A_110 = arith.constant 16 : i32
        %add3A_111 = vector.broadcast %add3A_110 : i32 to vector<16xi32>
        %add3A_112 = arith.addi %add3A_109, %add3A_111 : vector<16xi32>
        %add3A_113 = arith.addi %add3A_112, %iota3A : vector<16xi32>
        tpu.vector_store_idx %arg9[%add3A_113], %add3A_105 : memref<4160xi32, #tpu.memory_space<vmem>>[vector<16xi32>], vector<16xi32>,
        %mul3A_114 = arith.constant 2080 : i32
        %mul3A_115 = arith.muli %and3A_42, %mul3A_114 : i32
        %dma_start3A = arith.constant 0 : i32
        %dma_start3A_116 = arith.constant 0 : i32
        %dma_start3A_117 = tpu.memref_slice %arg8[%and3A_42, %dma_start3A, %dma_start3A_116] : memref<2x32x128xf32, #tpu.memory_space<vmem>> -> memref<1x32x128xf32, #tpu.memory_space<vmem>>
        %dma_start3A_118 = tpu.memref_squeeze %dma_start3A_117 : memref<1x32x128xf32, #tpu.memory_space<vmem>> -> memref<32x128xf32, #tpu.memory_space<vmem>>
        %dma_start3A_119 = tpu.memref_slice %arg9[%mul3A_115] : memref<4160xi32, #tpu.memory_space<vmem>> -> memref<32xi32, #tpu.memory_space<vmem>>
        %dma_start3A_120 = arith.constant 0 : i32
        %dma_start3A_121 = arith.constant 0 : i32
        %dma_start3A_122 = tpu.memref_slice %arg4[%dma_start3A_120, %dma_start3A_121] : memref<8192x128xf32, #tpu.memory_space<hbm>> -> memref<8192x128xf32, #tpu.memory_space<hbm>>
        tpu.enqueue_indirect_dma source(%dma_start3A_122 : memref<8192x128xf32, #tpu.memory_space<hbm>>) target(%dma_start3A_118 : memref<32x128xf32, #tpu.memory_space<vmem>>) offsets(%dma_start3A_119 : memref<32xi32, #tpu.memory_space<vmem>>) semaphore(%arg12 : memref<!tpu.dma_semaphore, #tpu.memory_space<semaphore_mem>>)
        %eq3A_123 = arith.constant 0 : i32
        %eq3A_124 = arith.cmpi eq, %scan3A_40, %eq3A_123 : i32
        %convert_element_type3A_125 = arith.extui %eq3A_124 : i1 to i32
        %cond3A_126 = arith.constant 0 : i32
        %cond3A_127 = arith.cmpi ne, %convert_element_type3A_125, %cond3A_126 : i32
        scf.if %cond3A_127 {
          %convert_element_type3A_137 = arith.extui %scan3A_17 : i1 to i32
          %cond3A_138 = arith.constant 0 : i32
          %cond3A_139 = arith.cmpi ne, %convert_element_type3A_137, %cond3A_138 : i32
          scf.if %cond3A_139 {
            %dma_wait3A_150 = arith.constant 0 : i32
            %dma_wait3A_151 = arith.constant 0 : i32
            %dma_wait3A_152 = tpu.memref_slice %arg6[%dma_wait3A_150, %dma_wait3A_151] : memref<64x1296xf32, #tpu.memory_space<vmem>> -> memref<64x1280xf32, #tpu.memory_space<vmem>>
            %dma_wait3A_153 = arith.constant 0 : i32
            %dma_wait3A_154 = arith.constant 0 : i32
            %dma_wait3A_155 = tpu.memref_slice %arg2[%dma_wait3A_153, %dma_wait3A_154] : memref<64x100000xf32, #tpu.memory_space<hbm>> -> memref<64x1280xf32, #tpu.memory_space<hbm>>
            %dma_wait3A_156 = arith.constant 0 : i32
            %dma_wait3A_157 = arith.constant 0 : i32
            %dma_wait3A_158 = tpu.memref_slice %arg6[%dma_wait3A_156, %dma_wait3A_157] : memref<64x1296xf32, #tpu.memory_space<vmem>> -> memref<64x1280xf32, #tpu.memory_space<vmem>>
            %dma_wait3A_159 = arith.constant 0 : i32
            %dma_wait3A_160 = arith.constant 0 : i32
            %dma_wait3A_161 = tpu.memref_slice %arg2[%dma_wait3A_159, %dma_wait3A_160] : memref<64x100000xf32, #tpu.memory_space<hbm>> -> memref<64x1280xf32, #tpu.memory_space<hbm>>
            tpu.wait_dma2 semaphore(%arg13 : memref<!tpu.dma_semaphore, #tpu.memory_space<semaphore_mem>>) src(%dma_wait3A_161 : memref<64x1280xf32, #tpu.memory_space<hbm>>) dst(%dma_wait3A_158 : memref<64x1280xf32, #tpu.memory_space<vmem>>)
          } else {
          }
          %dma_start3A_140 = arith.constant 0 : i32
          %dma_start3A_141 = arith.constant 0 : i32
          %dma_start3A_142 = tpu.memref_slice %arg6[%dma_start3A_140, %dma_start3A_141] : memref<64x1296xf32, #tpu.memory_space<vmem>> -> memref<64x1280xf32, #tpu.memory_space<vmem>>
          %dma_start3A_143 = arith.constant 0 : i32
          %dma_start3A_144 = tpu.memref_slice %arg2[%dma_start3A_143, %mul3A_15] : memref<64x100000xf32, #tpu.memory_space<hbm>> -> memref<64x1280xf32, #tpu.memory_space<hbm>>
          %dma_start3A_145 = arith.constant 0 : i32
          %dma_start3A_146 = arith.constant 0 : i32
          %dma_start3A_147 = tpu.memref_slice %arg6[%dma_start3A_145, %dma_start3A_146] : memref<64x1296xf32, #tpu.memory_space<vmem>> -> memref<64x1280xf32, #tpu.memory_space<vmem>>
          %dma_start3A_148 = arith.constant 0 : i32
          %dma_start3A_149 = tpu.memref_slice %arg2[%dma_start3A_148, %mul3A_15] : memref<64x100000xf32, #tpu.memory_space<hbm>> -> memref<64x1280xf32, #tpu.memory_space<hbm>>
          tpu.enqueue_dma source(%dma_start3A_149 : memref<64x1280xf32, #tpu.memory_space<hbm>>) target(%dma_start3A_147 : memref<64x1280xf32, #tpu.memory_space<vmem>>) target_semaphore(%arg11 : memref<!tpu.dma_semaphore, #tpu.memory_space<semaphore_mem>>)
        } else {
        }
        %eq3A_128 = arith.constant 1 : i32
        %eq3A_129 = arith.cmpi eq, %scan3A_40, %eq3A_128 : i32
        %convert_element_type3A_130 = arith.extui %eq3A_129 : i1 to i32
        %cond3A_131 = arith.constant 0 : i32
        %cond3A_132 = arith.cmpi ne, %convert_element_type3A_130, %cond3A_131 : i32
        scf.if %cond3A_132 {
          %dma_wait3A_137 = arith.constant 0 : i32
          %dma_wait3A_138 = arith.constant 0 : i32
          %dma_wait3A_139 = tpu.memref_slice %arg6[%dma_wait3A_137, %dma_wait3A_138] : memref<64x1296xf32, #tpu.memory_space<vmem>> -> memref<64x1280xf32, #tpu.memory_space<vmem>>
          %dma_wait3A_140 = arith.constant 0 : i32
          %dma_wait3A_141 = tpu.memref_slice %arg2[%dma_wait3A_140, %mul3A_15] : memref<64x100000xf32, #tpu.memory_space<hbm>> -> memref<64x1280xf32, #tpu.memory_space<hbm>>
          %dma_wait3A_142 = arith.constant 0 : i32
          %dma_wait3A_143 = arith.constant 0 : i32
          %dma_wait3A_144 = tpu.memref_slice %arg6[%dma_wait3A_142, %dma_wait3A_143] : memref<64x1296xf32, #tpu.memory_space<vmem>> -> memref<64x1280xf32, #tpu.memory_space<vmem>>
          %dma_wait3A_145 = arith.constant 0 : i32
          %dma_wait3A_146 = tpu.memref_slice %arg2[%dma_wait3A_145, %mul3A_15] : memref<64x100000xf32, #tpu.memory_space<hbm>> -> memref<64x1280xf32, #tpu.memory_space<hbm>>
          tpu.wait_dma2 semaphore(%arg11 : memref<!tpu.dma_semaphore, #tpu.memory_space<semaphore_mem>>) src(%dma_wait3A_146 : memref<64x1280xf32, #tpu.memory_space<hbm>>) dst(%dma_wait3A_144 : memref<64x1280xf32, #tpu.memory_space<vmem>>)
        } else {
        }
        %gt3A = arith.constant 0 : i32
        %gt3A_133 = arith.cmpi sgt, %scan3A_40, %gt3A : i32
        %convert_element_type3A_134 = arith.extui %gt3A_133 : i1 to i32
        %cond3A_135 = arith.constant 0 : i32
        %cond3A_136 = arith.cmpi ne, %convert_element_type3A_134, %cond3A_135 : i32
        scf.if %cond3A_136 {
          %sub3A_137 = arith.constant 1 : i32
          %sub3A_138 = arith.subi %sub3A_137, %and3A_42 : i32
          %mul3A_139 = arith.constant 2080 : i32
          %mul3A_140 = arith.muli %sub3A_138, %mul3A_139 : i32
          %dma_wait3A_141 = arith.constant 0 : i32
          %dma_wait3A_142 = arith.constant 0 : i32
          %dma_wait3A_143 = tpu.memref_slice %arg8[%sub3A_138, %dma_wait3A_141, %dma_wait3A_142] : memref<2x32x128xf32, #tpu.memory_space<vmem>> -> memref<1x32x128xf32, #tpu.memory_space<vmem>>
          %dma_wait3A_144 = tpu.memref_squeeze %dma_wait3A_143 : memref<1x32x128xf32, #tpu.memory_space<vmem>> -> memref<32x128xf32, #tpu.memory_space<vmem>>
          %dma_wait3A_145 = tpu.memref_slice %arg9[%mul3A_140] : memref<4160xi32, #tpu.memory_space<vmem>> -> memref<32xi32, #tpu.memory_space<vmem>>
          %dma_wait3A_146 = arith.constant 0 : i32
          %dma_wait3A_147 = arith.constant 0 : i32
          %dma_wait3A_148 = tpu.memref_slice %arg4[%dma_wait3A_146, %dma_wait3A_147] : memref<8192x128xf32, #tpu.memory_space<hbm>> -> memref<8192x128xf32, #tpu.memory_space<hbm>>
          tpu.wait_indirect_dma semaphore(%arg12 : memref<!tpu.dma_semaphore, #tpu.memory_space<semaphore_mem>>) src(%dma_wait3A_148 : memref<8192x128xf32, #tpu.memory_space<hbm>>) dst(%dma_wait3A_144 : memref<32x128xf32, #tpu.memory_space<vmem>>)
          %while3A_149 = arith.constant 0 : i32
          %while3A_150 = scf.while (%while3A_151 = %while3A_149) : (i32) -> i32 {
            %mul3A_152 = arith.constant 32 : i32
            %mul3A_153 = arith.muli %while3A_151, %mul3A_152 : i32
            %gt3A_154 = vector.broadcast %mul3A_153 : i32 to vector<16xi32>
            %gt3A_155 = arith.cmpi sgt, %scan3A_41, %gt3A_154 : vector<16xi32>
            %reduce_or3A = arith.constant 1.000000e+00 : f32
            %reduce_or3A_156 = arith.constant 0.000000e+00 : f32
            %reduce_or3A_157 = vector.broadcast %reduce_or3A : f32 to vector<16xf32>
            %reduce_or3A_158 = vector.broadcast %reduce_or3A_156 : f32 to vector<16xf32>
            %reduce_or3A_159 = arith.select %gt3A_155, %reduce_or3A_157, %reduce_or3A_158 : vector<16xi1>, vector<16xf32>
            %reduce_or3A_160 = arith.constant true
            %reduce_or3A_161 = vector.broadcast %reduce_or3A_160 : i1 to vector<16xi1>
            %reduce_or3A_162 = tpu.scan <max>, %reduce_or3A_159 masked %reduce_or3A_161 : vector<16xf32>, vector<16xi1> -> vector<16xf32>
            %reduce_or3A_163 = vector.extract %reduce_or3A_162[15] : f32 from vector<16xf32>
            %reduce_or3A_164 = arith.constant 0.000000e+00 : f32
            %reduce_or3A_165 = arith.cmpf ogt, %reduce_or3A_163, %reduce_or3A_164 : f32
            scf.condition(%reduce_or3A_165) %while3A_151 : i32
          } do {
          ^bb0(%while3A_151: i32):
            %gt3A_152 = arith.constant 0 : i32
            %gt3A_153 = arith.cmpi sgt, %while3A_151, %gt3A_152 : i32
            %convert_element_type3A_154 = arith.extui %gt3A_153 : i1 to i32
            %cond3A_155 = arith.constant 0 : i32
            %cond3A_156 = arith.cmpi ne, %convert_element_type3A_154, %cond3A_155 : i32
            scf.if %cond3A_156 {
              %mul3A_165 = arith.constant 2080 : i32
              %mul3A_166 = arith.muli %sub3A_138, %mul3A_165 : i32
              %mul3A_167 = arith.constant 32 : i32
              %mul3A_168 = arith.muli %while3A_151, %mul3A_167 : i32
              %add3A_169 = arith.addi %mul3A_166, %mul3A_168 : i32
              "tpu.region"() ({
                %run_scoped3A = tpu.sem_alloc : memref<!tpu.dma_semaphore, #tpu.memory_space<semaphore_mem>>
                %dma_start3A_170 = arith.constant 0 : i32
                %dma_start3A_171 = arith.constant 0 : i32
                %dma_start3A_172 = tpu.memref_slice %arg8[%sub3A_138, %dma_start3A_170, %dma_start3A_171] : memref<2x32x128xf32, #tpu.memory_space<vmem>> -> memref<1x32x128xf32, #tpu.memory_space<vmem>>
                %dma_start3A_173 = tpu.memref_squeeze %dma_start3A_172 : memref<1x32x128xf32, #tpu.memory_space<vmem>> -> memref<32x128xf32, #tpu.memory_space<vmem>>
                %dma_start3A_174 = tpu.memref_slice %arg9[%add3A_169] : memref<4160xi32, #tpu.memory_space<vmem>> -> memref<32xi32, #tpu.memory_space<vmem>>
                %dma_start3A_175 = arith.constant 0 : i32
                %dma_start3A_176 = arith.constant 0 : i32
                %dma_start3A_177 = tpu.memref_slice %arg4[%dma_start3A_175, %dma_start3A_176] : memref<8192x128xf32, #tpu.memory_space<hbm>> -> memref<8192x128xf32, #tpu.memory_space<hbm>>
                tpu.enqueue_indirect_dma source(%dma_start3A_177 : memref<8192x128xf32, #tpu.memory_space<hbm>>) target(%dma_start3A_173 : memref<32x128xf32, #tpu.memory_space<vmem>>) offsets(%dma_start3A_174 : memref<32xi32, #tpu.memory_space<vmem>>) semaphore(%run_scoped3A : memref<!tpu.dma_semaphore, #tpu.memory_space<semaphore_mem>>)
                %dma_wait3A_178 = arith.constant 0 : i32
                %dma_wait3A_179 = arith.constant 0 : i32
                %dma_wait3A_180 = tpu.memref_slice %arg8[%sub3A_138, %dma_wait3A_178, %dma_wait3A_179] : memref<2x32x128xf32, #tpu.memory_space<vmem>> -> memref<1x32x128xf32, #tpu.memory_space<vmem>>
                %dma_wait3A_181 = tpu.memref_squeeze %dma_wait3A_180 : memref<1x32x128xf32, #tpu.memory_space<vmem>> -> memref<32x128xf32, #tpu.memory_space<vmem>>
                %dma_wait3A_182 = tpu.memref_slice %arg9[%add3A_169] : memref<4160xi32, #tpu.memory_space<vmem>> -> memref<32xi32, #tpu.memory_space<vmem>>
                %dma_wait3A_183 = arith.constant 0 : i32
                %dma_wait3A_184 = arith.constant 0 : i32
                %dma_wait3A_185 = tpu.memref_slice %arg4[%dma_wait3A_183, %dma_wait3A_184] : memref<8192x128xf32, #tpu.memory_space<hbm>> -> memref<8192x128xf32, #tpu.memory_space<hbm>>
                tpu.wait_indirect_dma semaphore(%run_scoped3A : memref<!tpu.dma_semaphore, #tpu.memory_space<semaphore_mem>>) src(%dma_wait3A_185 : memref<8192x128xf32, #tpu.memory_space<hbm>>) dst(%dma_wait3A_181 : memref<32x128xf32, #tpu.memory_space<vmem>>)
                tpu.yield
              }) : () -> ()
            } else {
            }
            %scan3A_157 = arith.constant 0 : i32
            %scan3A_158 = arith.constant 0 : i32
            %scan3A_159 = arith.constant 32 : i32
            %scan3A_160 = arith.addi %scan3A_158, %scan3A_159 : i32
            %scan3A_161 = arith.constant 4 : i32
            scf.for %scan3A_165 = %scan3A_158 to %scan3A_160 step %scan3A_161  : i32 {
              %mul3A_166 = arith.constant 2080 : i32
              %mul3A_167 = arith.muli %sub3A_138, %mul3A_166 : i32
              %mul3A_168 = arith.constant 32 : i32
              %mul3A_169 = arith.muli %while3A_151, %mul3A_168 : i32
              %add3A_170 = arith.addi %mul3A_167, %mul3A_169 : i32
              %add3A_171 = arith.addi %add3A_170, %scan3A_165 : i32
              %broadcast_in_dim3A_172 = vector.broadcast %add3A_171 : i32 to vector<16xi32>
              %gather3A = tpu.vector_load_idx %arg10[%broadcast_in_dim3A_172] : memref<4160xi32, #tpu.memory_space<vmem>>[vector<16xi32>], vector<16xi32>,
              %and3A_173 = arith.constant 4095 : i32
              %and3A_174 = vector.broadcast %and3A_173 : i32 to vector<16xi32>
              %and3A_175 = arith.andi %gather3A, %and3A_174 : vector<16xi32>
              %shift_right_logical3A = arith.constant 12 : i32
              %shift_right_logical3A_176 = vector.broadcast %shift_right_logical3A : i32 to vector<16xi32>
              %shift_right_logical3A_177 = arith.shrui %gather3A, %shift_right_logical3A_176 : vector<16xi32>
              %mul3A_178 = arith.constant 64 : i32
              %mul3A_179 = vector.broadcast %mul3A_178 : i32 to vector<16xi32>
              %mul3A_180 = arith.muli %shift_right_logical3A_177, %mul3A_179 : vector<16xi32>
              %broadcast_in_dim3A_181 = vector.broadcast %scan3A_165 : i32 to vector<16xi32>
              %add3A_182 = arith.constant 0 : i32
              %add3A_183 = vector.broadcast %add3A_182 : i32 to vector<16xi32>
              %add3A_184 = arith.addi %mul3A_180, %add3A_183 : vector<16xi32>
              %add3A_185 = arith.addi %add3A_184, %iota3A : vector<16xi32>
              %gather3A_186 = arith.constant 0 : i32
              %gather3A_187 = arith.constant 0 : i32
              %gather3A_188 = tpu.memref_slice %arg8[%sub3A_138, %gather3A_186, %gather3A_187] : memref<2x32x128xf32, #tpu.memory_space<vmem>> -> memref<1x32x128xf32, #tpu.memory_space<vmem>>
              %gather3A_189 = tpu.memref_squeeze %gather3A_188 : memref<1x32x128xf32, #tpu.memory_space<vmem>> -> memref<32x128xf32, #tpu.memory_space<vmem>>
              %gather3A_190 = tpu.vector_load_idx %gather3A_189[%broadcast_in_dim3A_181, %add3A_185] : memref<32x128xf32, #tpu.memory_space<vmem>>[vector<16xi32>, vector<16xi32>], vector<16xf32>,
              %add3A_191 = arith.constant 0 : i32
              %add3A_192 = vector.broadcast %add3A_191 : i32 to vector<16xi32>
              %add3A_193 = arith.addi %add3A_192, %iota3A : vector<16xi32>
              tpu.vector_store_idx %arg6[%add3A_193, %and3A_175], %gather3A_190 {add = true} : memref<64x1296xf32, #tpu.memory_space<vmem>>[vector<16xi32>, vector<16xi32>], vector<16xf32>,
              %add3A_194 = arith.constant 16 : i32
              %add3A_195 = vector.broadcast %add3A_194 : i32 to vector<16xi32>
              %add3A_196 = arith.addi %mul3A_180, %add3A_195 : vector<16xi32>
              %add3A_197 = arith.addi %add3A_196, %iota3A : vector<16xi32>
              %gather3A_198 = arith.constant 0 : i32
              %gather3A_199 = arith.constant 0 : i32
              %gather3A_200 = tpu.memref_slice %arg8[%sub3A_138, %gather3A_198, %gather3A_199] : memref<2x32x128xf32, #tpu.memory_space<vmem>> -> memref<1x32x128xf32, #tpu.memory_space<vmem>>
              %gather3A_201 = tpu.memref_squeeze %gather3A_200 : memref<1x32x128xf32, #tpu.memory_space<vmem>> -> memref<32x128xf32, #tpu.memory_space<vmem>>
              %gather3A_202 = tpu.vector_load_idx %gather3A_201[%broadcast_in_dim3A_181, %add3A_197] : memref<32x128xf32, #tpu.memory_space<vmem>>[vector<16xi32>, vector<16xi32>], vector<16xf32>,
              %add3A_203 = arith.constant 16 : i32
              %add3A_204 = vector.broadcast %add3A_203 : i32 to vector<16xi32>
              %add3A_205 = arith.addi %add3A_204, %iota3A : vector<16xi32>
              tpu.vector_store_idx %arg6[%add3A_205, %and3A_175], %gather3A_202 {add = true} : memref<64x1296xf32, #tpu.memory_space<vmem>>[vector<16xi32>, vector<16xi32>], vector<16xf32>,
              %add3A_206 = arith.constant 32 : i32
              %add3A_207 = vector.broadcast %add3A_206 : i32 to vector<16xi32>
              %add3A_208 = arith.addi %mul3A_180, %add3A_207 : vector<16xi32>
              %add3A_209 = arith.addi %add3A_208, %iota3A : vector<16xi32>
              %gather3A_210 = arith.constant 0 : i32
              %gather3A_211 = arith.constant 0 : i32
              %gather3A_212 = tpu.memref_slice %arg8[%sub3A_138, %gather3A_210, %gather3A_211] : memref<2x32x128xf32, #tpu.memory_space<vmem>> -> memref<1x32x128xf32, #tpu.memory_space<vmem>>
              %gather3A_213 = tpu.memref_squeeze %gather3A_212 : memref<1x32x128xf32, #tpu.memory_space<vmem>> -> memref<32x128xf32, #tpu.memory_space<vmem>>
              %gather3A_214 = tpu.vector_load_idx %gather3A_213[%broadcast_in_dim3A_181, %add3A_209] : memref<32x128xf32, #tpu.memory_space<vmem>>[vector<16xi32>, vector<16xi32>], vector<16xf32>,
              %add3A_215 = arith.constant 32 : i32
              %add3A_216 = vector.broadcast %add3A_215 : i32 to vector<16xi32>
              %add3A_217 = arith.addi %add3A_216, %iota3A : vector<16xi32>
              tpu.vector_store_idx %arg6[%add3A_217, %and3A_175], %gather3A_214 {add = true} : memref<64x1296xf32, #tpu.memory_space<vmem>>[vector<16xi32>, vector<16xi32>], vector<16xf32>,
              %add3A_218 = arith.constant 48 : i32
              %add3A_219 = vector.broadcast %add3A_218 : i32 to vector<16xi32>
              %add3A_220 = arith.addi %mul3A_180, %add3A_219 : vector<16xi32>
              %add3A_221 = arith.addi %add3A_220, %iota3A : vector<16xi32>
              %gather3A_222 = arith.constant 0 : i32
              %gather3A_223 = arith.constant 0 : i32
              %gather3A_224 = tpu.memref_slice %arg8[%sub3A_138, %gather3A_222, %gather3A_223] : memref<2x32x128xf32, #tpu.memory_space<vmem>> -> memref<1x32x128xf32, #tpu.memory_space<vmem>>
              %gather3A_225 = tpu.memref_squeeze %gather3A_224 : memref<1x32x128xf32, #tpu.memory_space<vmem>> -> memref<32x128xf32, #tpu.memory_space<vmem>>
              %gather3A_226 = tpu.vector_load_idx %gather3A_225[%broadcast_in_dim3A_181, %add3A_221] : memref<32x128xf32, #tpu.memory_space<vmem>>[vector<16xi32>, vector<16xi32>], vector<16xf32>,
              %add3A_227 = arith.constant 48 : i32
              %add3A_228 = vector.broadcast %add3A_227 : i32 to vector<16xi32>
              %add3A_229 = arith.addi %add3A_228, %iota3A : vector<16xi32>
              tpu.vector_store_idx %arg6[%add3A_229, %and3A_175], %gather3A_226 {add = true} : memref<64x1296xf32, #tpu.memory_space<vmem>>[vector<16xi32>, vector<16xi32>], vector<16xf32>,
              %scan3A_230 = arith.constant 1 : i32
              %scan3A_231 = arith.addi %scan3A_165, %scan3A_230 : i32
              %mul3A_232 = arith.constant 2080 : i32
              %mul3A_233 = arith.muli %sub3A_138, %mul3A_232 : i32
              %mul3A_234 = arith.constant 32 : i32
              %mul3A_235 = arith.muli %while3A_151, %mul3A_234 : i32
              %add3A_236 = arith.addi %mul3A_233, %mul3A_235 : i32
              %add3A_237 = arith.addi %add3A_236, %scan3A_231 : i32
              %broadcast_in_dim3A_238 = vector.broadcast %add3A_237 : i32 to vector<16xi32>
              %gather3A_239 = tpu.vector_load_idx %arg10[%broadcast_in_dim3A_238] : memref<4160xi32, #tpu.memory_space<vmem>>[vector<16xi32>], vector<16xi32>,
              %and3A_240 = arith.constant 4095 : i32
              %and3A_241 = vector.broadcast %and3A_240 : i32 to vector<16xi32>
              %and3A_242 = arith.andi %gather3A_239, %and3A_241 : vector<16xi32>
              %shift_right_logical3A_243 = arith.constant 12 : i32
              %shift_right_logical3A_244 = vector.broadcast %shift_right_logical3A_243 : i32 to vector<16xi32>
              %shift_right_logical3A_245 = arith.shrui %gather3A_239, %shift_right_logical3A_244 : vector<16xi32>
              %mul3A_246 = arith.constant 64 : i32
              %mul3A_247 = vector.broadcast %mul3A_246 : i32 to vector<16xi32>
              %mul3A_248 = arith.muli %shift_right_logical3A_245, %mul3A_247 : vector<16xi32>
              %broadcast_in_dim3A_249 = vector.broadcast %scan3A_231 : i32 to vector<16xi32>
              %add3A_250 = arith.constant 0 : i32
              %add3A_251 = vector.broadcast %add3A_250 : i32 to vector<16xi32>
              %add3A_252 = arith.addi %mul3A_248, %add3A_251 : vector<16xi32>
              %add3A_253 = arith.addi %add3A_252, %iota3A : vector<16xi32>
              %gather3A_254 = arith.constant 0 : i32
              %gather3A_255 = arith.constant 0 : i32
              %gather3A_256 = tpu.memref_slice %arg8[%sub3A_138, %gather3A_254, %gather3A_255] : memref<2x32x128xf32, #tpu.memory_space<vmem>> -> memref<1x32x128xf32, #tpu.memory_space<vmem>>
              %gather3A_257 = tpu.memref_squeeze %gather3A_256 : memref<1x32x128xf32, #tpu.memory_space<vmem>> -> memref<32x128xf32, #tpu.memory_space<vmem>>
              %gather3A_258 = tpu.vector_load_idx %gather3A_257[%broadcast_in_dim3A_249, %add3A_253] : memref<32x128xf32, #tpu.memory_space<vmem>>[vector<16xi32>, vector<16xi32>], vector<16xf32>,
              %add3A_259 = arith.constant 0 : i32
              %add3A_260 = vector.broadcast %add3A_259 : i32 to vector<16xi32>
              %add3A_261 = arith.addi %add3A_260, %iota3A : vector<16xi32>
              tpu.vector_store_idx %arg6[%add3A_261, %and3A_242], %gather3A_258 {add = true} : memref<64x1296xf32, #tpu.memory_space<vmem>>[vector<16xi32>, vector<16xi32>], vector<16xf32>,
              %add3A_262 = arith.constant 16 : i32
              %add3A_263 = vector.broadcast %add3A_262 : i32 to vector<16xi32>
              %add3A_264 = arith.addi %mul3A_248, %add3A_263 : vector<16xi32>
              %add3A_265 = arith.addi %add3A_264, %iota3A : vector<16xi32>
              %gather3A_266 = arith.constant 0 : i32
              %gather3A_267 = arith.constant 0 : i32
              %gather3A_268 = tpu.memref_slice %arg8[%sub3A_138, %gather3A_266, %gather3A_267] : memref<2x32x128xf32, #tpu.memory_space<vmem>> -> memref<1x32x128xf32, #tpu.memory_space<vmem>>
              %gather3A_269 = tpu.memref_squeeze %gather3A_268 : memref<1x32x128xf32, #tpu.memory_space<vmem>> -> memref<32x128xf32, #tpu.memory_space<vmem>>
              %gather3A_270 = tpu.vector_load_idx %gather3A_269[%broadcast_in_dim3A_249, %add3A_265] : memref<32x128xf32, #tpu.memory_space<vmem>>[vector<16xi32>, vector<16xi32>], vector<16xf32>,
              %add3A_271 = arith.constant 16 : i32
              %add3A_272 = vector.broadcast %add3A_271 : i32 to vector<16xi32>
              %add3A_273 = arith.addi %add3A_272, %iota3A : vector<16xi32>
              tpu.vector_store_idx %arg6[%add3A_273, %and3A_242], %gather3A_270 {add = true} : memref<64x1296xf32, #tpu.memory_space<vmem>>[vector<16xi32>, vector<16xi32>], vector<16xf32>,
              %add3A_274 = arith.constant 32 : i32
              %add3A_275 = vector.broadcast %add3A_274 : i32 to vector<16xi32>
              %add3A_276 = arith.addi %mul3A_248, %add3A_275 : vector<16xi32>
              %add3A_277 = arith.addi %add3A_276, %iota3A : vector<16xi32>
              %gather3A_278 = arith.constant 0 : i32
              %gather3A_279 = arith.constant 0 : i32
              %gather3A_280 = tpu.memref_slice %arg8[%sub3A_138, %gather3A_278, %gather3A_279] : memref<2x32x128xf32, #tpu.memory_space<vmem>> -> memref<1x32x128xf32, #tpu.memory_space<vmem>>
              %gather3A_281 = tpu.memref_squeeze %gather3A_280 : memref<1x32x128xf32, #tpu.memory_space<vmem>> -> memref<32x128xf32, #tpu.memory_space<vmem>>
              %gather3A_282 = tpu.vector_load_idx %gather3A_281[%broadcast_in_dim3A_249, %add3A_277] : memref<32x128xf32, #tpu.memory_space<vmem>>[vector<16xi32>, vector<16xi32>], vector<16xf32>,
              %add3A_283 = arith.constant 32 : i32
              %add3A_284 = vector.broadcast %add3A_283 : i32 to vector<16xi32>
              %add3A_285 = arith.addi %add3A_284, %iota3A : vector<16xi32>
              tpu.vector_store_idx %arg6[%add3A_285, %and3A_242], %gather3A_282 {add = true} : memref<64x1296xf32, #tpu.memory_space<vmem>>[vector<16xi32>, vector<16xi32>], vector<16xf32>,
              %add3A_286 = arith.constant 48 : i32
              %add3A_287 = vector.broadcast %add3A_286 : i32 to vector<16xi32>
              %add3A_288 = arith.addi %mul3A_248, %add3A_287 : vector<16xi32>
              %add3A_289 = arith.addi %add3A_288, %iota3A : vector<16xi32>
              %gather3A_290 = arith.constant 0 : i32
              %gather3A_291 = arith.constant 0 : i32
              %gather3A_292 = tpu.memref_slice %arg8[%sub3A_138, %gather3A_290, %gather3A_291] : memref<2x32x128xf32, #tpu.memory_space<vmem>> -> memref<1x32x128xf32, #tpu.memory_space<vmem>>
              %gather3A_293 = tpu.memref_squeeze %gather3A_292 : memref<1x32x128xf32, #tpu.memory_space<vmem>> -> memref<32x128xf32, #tpu.memory_space<vmem>>
              %gather3A_294 = tpu.vector_load_idx %gather3A_293[%broadcast_in_dim3A_249, %add3A_289] : memref<32x128xf32, #tpu.memory_space<vmem>>[vector<16xi32>, vector<16xi32>], vector<16xf32>,
              %add3A_295 = arith.constant 48 : i32
              %add3A_296 = vector.broadcast %add3A_295 : i32 to vector<16xi32>
              %add3A_297 = arith.addi %add3A_296, %iota3A : vector<16xi32>
              tpu.vector_store_idx %arg6[%add3A_297, %and3A_242], %gather3A_294 {add = true} : memref<64x1296xf32, #tpu.memory_space<vmem>>[vector<16xi32>, vector<16xi32>], vector<16xf32>,
              %scan3A_298 = arith.constant 2 : i32
              %scan3A_299 = arith.addi %scan3A_165, %scan3A_298 : i32
              %mul3A_300 = arith.constant 2080 : i32
              %mul3A_301 = arith.muli %sub3A_138, %mul3A_300 : i32
              %mul3A_302 = arith.constant 32 : i32
              %mul3A_303 = arith.muli %while3A_151, %mul3A_302 : i32
              %add3A_304 = arith.addi %mul3A_301, %mul3A_303 : i32
              %add3A_305 = arith.addi %add3A_304, %scan3A_299 : i32
              %broadcast_in_dim3A_306 = vector.broadcast %add3A_305 : i32 to vector<16xi32>
              %gather3A_307 = tpu.vector_load_idx %arg10[%broadcast_in_dim3A_306] : memref<4160xi32, #tpu.memory_space<vmem>>[vector<16xi32>], vector<16xi32>,
              %and3A_308 = arith.constant 4095 : i32
              %and3A_309 = vector.broadcast %and3A_308 : i32 to vector<16xi32>
              %and3A_310 = arith.andi %gather3A_307, %and3A_309 : vector<16xi32>
              %shift_right_logical3A_311 = arith.constant 12 : i32
              %shift_right_logical3A_312 = vector.broadcast %shift_right_logical3A_311 : i32 to vector<16xi32>
              %shift_right_logical3A_313 = arith.shrui %gather3A_307, %shift_right_logical3A_312 : vector<16xi32>
              %mul3A_314 = arith.constant 64 : i32
              %mul3A_315 = vector.broadcast %mul3A_314 : i32 to vector<16xi32>
              %mul3A_316 = arith.muli %shift_right_logical3A_313, %mul3A_315 : vector<16xi32>
              %broadcast_in_dim3A_317 = vector.broadcast %scan3A_299 : i32 to vector<16xi32>
              %add3A_318 = arith.constant 0 : i32
              %add3A_319 = vector.broadcast %add3A_318 : i32 to vector<16xi32>
              %add3A_320 = arith.addi %mul3A_316, %add3A_319 : vector<16xi32>
              %add3A_321 = arith.addi %add3A_320, %iota3A : vector<16xi32>
              %gather3A_322 = arith.constant 0 : i32
              %gather3A_323 = arith.constant 0 : i32
              %gather3A_324 = tpu.memref_slice %arg8[%sub3A_138, %gather3A_322, %gather3A_323] : memref<2x32x128xf32, #tpu.memory_space<vmem>> -> memref<1x32x128xf32, #tpu.memory_space<vmem>>
              %gather3A_325 = tpu.memref_squeeze %gather3A_324 : memref<1x32x128xf32, #tpu.memory_space<vmem>> -> memref<32x128xf32, #tpu.memory_space<vmem>>
              %gather3A_326 = tpu.vector_load_idx %gather3A_325[%broadcast_in_dim3A_317, %add3A_321] : memref<32x128xf32, #tpu.memory_space<vmem>>[vector<16xi32>, vector<16xi32>], vector<16xf32>,
              %add3A_327 = arith.constant 0 : i32
              %add3A_328 = vector.broadcast %add3A_327 : i32 to vector<16xi32>
              %add3A_329 = arith.addi %add3A_328, %iota3A : vector<16xi32>
              tpu.vector_store_idx %arg6[%add3A_329, %and3A_310], %gather3A_326 {add = true} : memref<64x1296xf32, #tpu.memory_space<vmem>>[vector<16xi32>, vector<16xi32>], vector<16xf32>,
              %add3A_330 = arith.constant 16 : i32
              %add3A_331 = vector.broadcast %add3A_330 : i32 to vector<16xi32>
              %add3A_332 = arith.addi %mul3A_316, %add3A_331 : vector<16xi32>
              %add3A_333 = arith.addi %add3A_332, %iota3A : vector<16xi32>
              %gather3A_334 = arith.constant 0 : i32
              %gather3A_335 = arith.constant 0 : i32
              %gather3A_336 = tpu.memref_slice %arg8[%sub3A_138, %gather3A_334, %gather3A_335] : memref<2x32x128xf32, #tpu.memory_space<vmem>> -> memref<1x32x128xf32, #tpu.memory_space<vmem>>
              %gather3A_337 = tpu.memref_squeeze %gather3A_336 : memref<1x32x128xf32, #tpu.memory_space<vmem>> -> memref<32x128xf32, #tpu.memory_space<vmem>>
              %gather3A_338 = tpu.vector_load_idx %gather3A_337[%broadcast_in_dim3A_317, %add3A_333] : memref<32x128xf32, #tpu.memory_space<vmem>>[vector<16xi32>, vector<16xi32>], vector<16xf32>,
              %add3A_339 = arith.constant 16 : i32
              %add3A_340 = vector.broadcast %add3A_339 : i32 to vector<16xi32>
              %add3A_341 = arith.addi %add3A_340, %iota3A : vector<16xi32>
              tpu.vector_store_idx %arg6[%add3A_341, %and3A_310], %gather3A_338 {add = true} : memref<64x1296xf32, #tpu.memory_space<vmem>>[vector<16xi32>, vector<16xi32>], vector<16xf32>,
              %add3A_342 = arith.constant 32 : i32
              %add3A_343 = vector.broadcast %add3A_342 : i32 to vector<16xi32>
              %add3A_344 = arith.addi %mul3A_316, %add3A_343 : vector<16xi32>
              %add3A_345 = arith.addi %add3A_344, %iota3A : vector<16xi32>
              %gather3A_346 = arith.constant 0 : i32
              %gather3A_347 = arith.constant 0 : i32
              %gather3A_348 = tpu.memref_slice %arg8[%sub3A_138, %gather3A_346, %gather3A_347] : memref<2x32x128xf32, #tpu.memory_space<vmem>> -> memref<1x32x128xf32, #tpu.memory_space<vmem>>
              %gather3A_349 = tpu.memref_squeeze %gather3A_348 : memref<1x32x128xf32, #tpu.memory_space<vmem>> -> memref<32x128xf32, #tpu.memory_space<vmem>>
              %gather3A_350 = tpu.vector_load_idx %gather3A_349[%broadcast_in_dim3A_317, %add3A_345] : memref<32x128xf32, #tpu.memory_space<vmem>>[vector<16xi32>, vector<16xi32>], vector<16xf32>,
              %add3A_351 = arith.constant 32 : i32
              %add3A_352 = vector.broadcast %add3A_351 : i32 to vector<16xi32>
              %add3A_353 = arith.addi %add3A_352, %iota3A : vector<16xi32>
              tpu.vector_store_idx %arg6[%add3A_353, %and3A_310], %gather3A_350 {add = true} : memref<64x1296xf32, #tpu.memory_space<vmem>>[vector<16xi32>, vector<16xi32>], vector<16xf32>,
              %add3A_354 = arith.constant 48 : i32
              %add3A_355 = vector.broadcast %add3A_354 : i32 to vector<16xi32>
              %add3A_356 = arith.addi %mul3A_316, %add3A_355 : vector<16xi32>
              %add3A_357 = arith.addi %add3A_356, %iota3A : vector<16xi32>
              %gather3A_358 = arith.constant 0 : i32
              %gather3A_359 = arith.constant 0 : i32
              %gather3A_360 = tpu.memref_slice %arg8[%sub3A_138, %gather3A_358, %gather3A_359] : memref<2x32x128xf32, #tpu.memory_space<vmem>> -> memref<1x32x128xf32, #tpu.memory_space<vmem>>
              %gather3A_361 = tpu.memref_squeeze %gather3A_360 : memref<1x32x128xf32, #tpu.memory_space<vmem>> -> memref<32x128xf32, #tpu.memory_space<vmem>>
              %gather3A_362 = tpu.vector_load_idx %gather3A_361[%broadcast_in_dim3A_317, %add3A_357] : memref<32x128xf32, #tpu.memory_space<vmem>>[vector<16xi32>, vector<16xi32>], vector<16xf32>,
              %add3A_363 = arith.constant 48 : i32
              %add3A_364 = vector.broadcast %add3A_363 : i32 to vector<16xi32>
              %add3A_365 = arith.addi %add3A_364, %iota3A : vector<16xi32>
              tpu.vector_store_idx %arg6[%add3A_365, %and3A_310], %gather3A_362 {add = true} : memref<64x1296xf32, #tpu.memory_space<vmem>>[vector<16xi32>, vector<16xi32>], vector<16xf32>,
              %scan3A_366 = arith.constant 3 : i32
              %scan3A_367 = arith.addi %scan3A_165, %scan3A_366 : i32
              %mul3A_368 = arith.constant 2080 : i32
              %mul3A_369 = arith.muli %sub3A_138, %mul3A_368 : i32
              %mul3A_370 = arith.constant 32 : i32
              %mul3A_371 = arith.muli %while3A_151, %mul3A_370 : i32
              %add3A_372 = arith.addi %mul3A_369, %mul3A_371 : i32
              %add3A_373 = arith.addi %add3A_372, %scan3A_367 : i32
              %broadcast_in_dim3A_374 = vector.broadcast %add3A_373 : i32 to vector<16xi32>
              %gather3A_375 = tpu.vector_load_idx %arg10[%broadcast_in_dim3A_374] : memref<4160xi32, #tpu.memory_space<vmem>>[vector<16xi32>], vector<16xi32>,
              %and3A_376 = arith.constant 4095 : i32
              %and3A_377 = vector.broadcast %and3A_376 : i32 to vector<16xi32>
              %and3A_378 = arith.andi %gather3A_375, %and3A_377 : vector<16xi32>
              %shift_right_logical3A_379 = arith.constant 12 : i32
              %shift_right_logical3A_380 = vector.broadcast %shift_right_logical3A_379 : i32 to vector<16xi32>
              %shift_right_logical3A_381 = arith.shrui %gather3A_375, %shift_right_logical3A_380 : vector<16xi32>
              %mul3A_382 = arith.constant 64 : i32
              %mul3A_383 = vector.broadcast %mul3A_382 : i32 to vector<16xi32>
              %mul3A_384 = arith.muli %shift_right_logical3A_381, %mul3A_383 : vector<16xi32>
              %broadcast_in_dim3A_385 = vector.broadcast %scan3A_367 : i32 to vector<16xi32>
              %add3A_386 = arith.constant 0 : i32
              %add3A_387 = vector.broadcast %add3A_386 : i32 to vector<16xi32>
              %add3A_388 = arith.addi %mul3A_384, %add3A_387 : vector<16xi32>
              %add3A_389 = arith.addi %add3A_388, %iota3A : vector<16xi32>
              %gather3A_390 = arith.constant 0 : i32
              %gather3A_391 = arith.constant 0 : i32
              %gather3A_392 = tpu.memref_slice %arg8[%sub3A_138, %gather3A_390, %gather3A_391] : memref<2x32x128xf32, #tpu.memory_space<vmem>> -> memref<1x32x128xf32, #tpu.memory_space<vmem>>
              %gather3A_393 = tpu.memref_squeeze %gather3A_392 : memref<1x32x128xf32, #tpu.memory_space<vmem>> -> memref<32x128xf32, #tpu.memory_space<vmem>>
              %gather3A_394 = tpu.vector_load_idx %gather3A_393[%broadcast_in_dim3A_385, %add3A_389] : memref<32x128xf32, #tpu.memory_space<vmem>>[vector<16xi32>, vector<16xi32>], vector<16xf32>,
              %add3A_395 = arith.constant 0 : i32
              %add3A_396 = vector.broadcast %add3A_395 : i32 to vector<16xi32>
              %add3A_397 = arith.addi %add3A_396, %iota3A : vector<16xi32>
              tpu.vector_store_idx %arg6[%add3A_397, %and3A_378], %gather3A_394 {add = true} : memref<64x1296xf32, #tpu.memory_space<vmem>>[vector<16xi32>, vector<16xi32>], vector<16xf32>,
              %add3A_398 = arith.constant 16 : i32
              %add3A_399 = vector.broadcast %add3A_398 : i32 to vector<16xi32>
              %add3A_400 = arith.addi %mul3A_384, %add3A_399 : vector<16xi32>
              %add3A_401 = arith.addi %add3A_400, %iota3A : vector<16xi32>
              %gather3A_402 = arith.constant 0 : i32
              %gather3A_403 = arith.constant 0 : i32
              %gather3A_404 = tpu.memref_slice %arg8[%sub3A_138, %gather3A_402, %gather3A_403] : memref<2x32x128xf32, #tpu.memory_space<vmem>> -> memref<1x32x128xf32, #tpu.memory_space<vmem>>
              %gather3A_405 = tpu.memref_squeeze %gather3A_404 : memref<1x32x128xf32, #tpu.memory_space<vmem>> -> memref<32x128xf32, #tpu.memory_space<vmem>>
              %gather3A_406 = tpu.vector_load_idx %gather3A_405[%broadcast_in_dim3A_385, %add3A_401] : memref<32x128xf32, #tpu.memory_space<vmem>>[vector<16xi32>, vector<16xi32>], vector<16xf32>,
              %add3A_407 = arith.constant 16 : i32
              %add3A_408 = vector.broadcast %add3A_407 : i32 to vector<16xi32>
              %add3A_409 = arith.addi %add3A_408, %iota3A : vector<16xi32>
              tpu.vector_store_idx %arg6[%add3A_409, %and3A_378], %gather3A_406 {add = true} : memref<64x1296xf32, #tpu.memory_space<vmem>>[vector<16xi32>, vector<16xi32>], vector<16xf32>,
              %add3A_410 = arith.constant 32 : i32
              %add3A_411 = vector.broadcast %add3A_410 : i32 to vector<16xi32>
              %add3A_412 = arith.addi %mul3A_384, %add3A_411 : vector<16xi32>
              %add3A_413 = arith.addi %add3A_412, %iota3A : vector<16xi32>
              %gather3A_414 = arith.constant 0 : i32
              %gather3A_415 = arith.constant 0 : i32
              %gather3A_416 = tpu.memref_slice %arg8[%sub3A_138, %gather3A_414, %gather3A_415] : memref<2x32x128xf32, #tpu.memory_space<vmem>> -> memref<1x32x128xf32, #tpu.memory_space<vmem>>
              %gather3A_417 = tpu.memref_squeeze %gather3A_416 : memref<1x32x128xf32, #tpu.memory_space<vmem>> -> memref<32x128xf32, #tpu.memory_space<vmem>>
              %gather3A_418 = tpu.vector_load_idx %gather3A_417[%broadcast_in_dim3A_385, %add3A_413] : memref<32x128xf32, #tpu.memory_space<vmem>>[vector<16xi32>, vector<16xi32>], vector<16xf32>,
              %add3A_419 = arith.constant 32 : i32
              %add3A_420 = vector.broadcast %add3A_419 : i32 to vector<16xi32>
              %add3A_421 = arith.addi %add3A_420, %iota3A : vector<16xi32>
              tpu.vector_store_idx %arg6[%add3A_421, %and3A_378], %gather3A_418 {add = true} : memref<64x1296xf32, #tpu.memory_space<vmem>>[vector<16xi32>, vector<16xi32>], vector<16xf32>,
              %add3A_422 = arith.constant 48 : i32
              %add3A_423 = vector.broadcast %add3A_422 : i32 to vector<16xi32>
              %add3A_424 = arith.addi %mul3A_384, %add3A_423 : vector<16xi32>
              %add3A_425 = arith.addi %add3A_424, %iota3A : vector<16xi32>
              %gather3A_426 = arith.constant 0 : i32
              %gather3A_427 = arith.constant 0 : i32
              %gather3A_428 = tpu.memref_slice %arg8[%sub3A_138, %gather3A_426, %gather3A_427] : memref<2x32x128xf32, #tpu.memory_space<vmem>> -> memref<1x32x128xf32, #tpu.memory_space<vmem>>
              %gather3A_429 = tpu.memref_squeeze %gather3A_428 : memref<1x32x128xf32, #tpu.memory_space<vmem>> -> memref<32x128xf32, #tpu.memory_space<vmem>>
              %gather3A_430 = tpu.vector_load_idx %gather3A_429[%broadcast_in_dim3A_385, %add3A_425] : memref<32x128xf32, #tpu.memory_space<vmem>>[vector<16xi32>, vector<16xi32>], vector<16xf32>,
              %add3A_431 = arith.constant 48 : i32
              %add3A_432 = vector.broadcast %add3A_431 : i32 to vector<16xi32>
              %add3A_433 = arith.addi %add3A_432, %iota3A : vector<16xi32>
              tpu.vector_store_idx %arg6[%add3A_433, %and3A_378], %gather3A_430 {add = true} : memref<64x1296xf32, #tpu.memory_space<vmem>>[vector<16xi32>, vector<16xi32>], vector<16xf32>,
            }
            %scan3A_162 = arith.constant 32 : i32
            %add3A_163 = arith.constant 1 : i32
            %add3A_164 = arith.addi %while3A_151, %add3A_163 : i32
            scf.yield %add3A_164 : i32
          }
        } else {
        }
        scf.yield %sub3A_63 : vector<16xi32>
      }
      %scan3A_23 = arith.constant 8 : i32
      %dma_wait3A = arith.constant 1 : i32
      %dma_wait3A_24 = arith.constant 0 : i32
      %dma_wait3A_25 = arith.constant 0 : i32
      %dma_wait3A_26 = tpu.memref_slice %arg8[%dma_wait3A, %dma_wait3A_24, %dma_wait3A_25] : memref<2x32x128xf32, #tpu.memory_space<vmem>> -> memref<1x32x128xf32, #tpu.memory_space<vmem>>
      %dma_wait3A_27 = tpu.memref_squeeze %dma_wait3A_26 : memref<1x32x128xf32, #tpu.memory_space<vmem>> -> memref<32x128xf32, #tpu.memory_space<vmem>>
      %dma_wait3A_28 = arith.constant 2080 : i32
      %dma_wait3A_29 = tpu.memref_slice %arg9[%dma_wait3A_28] : memref<4160xi32, #tpu.memory_space<vmem>> -> memref<32xi32, #tpu.memory_space<vmem>>
      %dma_wait3A_30 = arith.constant 0 : i32
      %dma_wait3A_31 = arith.constant 0 : i32
      %dma_wait3A_32 = tpu.memref_slice %arg4[%dma_wait3A_30, %dma_wait3A_31] : memref<8192x128xf32, #tpu.memory_space<hbm>> -> memref<8192x128xf32, #tpu.memory_space<hbm>>
      tpu.wait_indirect_dma semaphore(%arg12 : memref<!tpu.dma_semaphore, #tpu.memory_space<semaphore_mem>>) src(%dma_wait3A_32 : memref<8192x128xf32, #tpu.memory_space<hbm>>) dst(%dma_wait3A_27 : memref<32x128xf32, #tpu.memory_space<vmem>>)
      %while3A = arith.constant 0 : i32
      %while3A_33 = scf.while (%while3A_40 = %while3A) : (i32) -> i32 {
        %mul3A_41 = arith.constant 32 : i32
        %mul3A_42 = arith.muli %while3A_40, %mul3A_41 : i32
        %gt3A = vector.broadcast %mul3A_42 : i32 to vector<16xi32>
        %gt3A_43 = arith.cmpi sgt, %scan3A_22, %gt3A : vector<16xi32>
        %reduce_or3A = arith.constant 1.000000e+00 : f32
        %reduce_or3A_44 = arith.constant 0.000000e+00 : f32
        %reduce_or3A_45 = vector.broadcast %reduce_or3A : f32 to vector<16xf32>
        %reduce_or3A_46 = vector.broadcast %reduce_or3A_44 : f32 to vector<16xf32>
        %reduce_or3A_47 = arith.select %gt3A_43, %reduce_or3A_45, %reduce_or3A_46 : vector<16xi1>, vector<16xf32>
        %reduce_or3A_48 = arith.constant true
        %reduce_or3A_49 = vector.broadcast %reduce_or3A_48 : i1 to vector<16xi1>
        %reduce_or3A_50 = tpu.scan <max>, %reduce_or3A_47 masked %reduce_or3A_49 : vector<16xf32>, vector<16xi1> -> vector<16xf32>
        %reduce_or3A_51 = vector.extract %reduce_or3A_50[15] : f32 from vector<16xf32>
        %reduce_or3A_52 = arith.constant 0.000000e+00 : f32
        %reduce_or3A_53 = arith.cmpf ogt, %reduce_or3A_51, %reduce_or3A_52 : f32
        scf.condition(%reduce_or3A_53) %while3A_40 : i32
      } do {
      ^bb0(%while3A_40: i32):
        %gt3A = arith.constant 0 : i32
        %gt3A_41 = arith.cmpi sgt, %while3A_40, %gt3A : i32
        %convert_element_type3A_42 = arith.extui %gt3A_41 : i1 to i32
        %cond3A_43 = arith.constant 0 : i32
        %cond3A_44 = arith.cmpi ne, %convert_element_type3A_42, %cond3A_43 : i32
        scf.if %cond3A_44 {
          %mul3A_53 = arith.constant 32 : i32
          %mul3A_54 = arith.muli %while3A_40, %mul3A_53 : i32
          %add3A_55 = arith.constant 2080 : i32
          %add3A_56 = arith.addi %add3A_55, %mul3A_54 : i32
          %run_scoped3A = arith.constant 1 : i32
          "tpu.region"() ({
            %run_scoped3A_57 = tpu.sem_alloc : memref<!tpu.dma_semaphore, #tpu.memory_space<semaphore_mem>>
            %dma_start3A = arith.constant 0 : i32
            %dma_start3A_58 = arith.constant 0 : i32
            %dma_start3A_59 = tpu.memref_slice %arg8[%run_scoped3A, %dma_start3A, %dma_start3A_58] : memref<2x32x128xf32, #tpu.memory_space<vmem>> -> memref<1x32x128xf32, #tpu.memory_space<vmem>>
            %dma_start3A_60 = tpu.memref_squeeze %dma_start3A_59 : memref<1x32x128xf32, #tpu.memory_space<vmem>> -> memref<32x128xf32, #tpu.memory_space<vmem>>
            %dma_start3A_61 = tpu.memref_slice %arg9[%add3A_56] : memref<4160xi32, #tpu.memory_space<vmem>> -> memref<32xi32, #tpu.memory_space<vmem>>
            %dma_start3A_62 = arith.constant 0 : i32
            %dma_start3A_63 = arith.constant 0 : i32
            %dma_start3A_64 = tpu.memref_slice %arg4[%dma_start3A_62, %dma_start3A_63] : memref<8192x128xf32, #tpu.memory_space<hbm>> -> memref<8192x128xf32, #tpu.memory_space<hbm>>
            tpu.enqueue_indirect_dma source(%dma_start3A_64 : memref<8192x128xf32, #tpu.memory_space<hbm>>) target(%dma_start3A_60 : memref<32x128xf32, #tpu.memory_space<vmem>>) offsets(%dma_start3A_61 : memref<32xi32, #tpu.memory_space<vmem>>) semaphore(%run_scoped3A_57 : memref<!tpu.dma_semaphore, #tpu.memory_space<semaphore_mem>>)
            %dma_wait3A_65 = arith.constant 0 : i32
            %dma_wait3A_66 = arith.constant 0 : i32
            %dma_wait3A_67 = tpu.memref_slice %arg8[%run_scoped3A, %dma_wait3A_65, %dma_wait3A_66] : memref<2x32x128xf32, #tpu.memory_space<vmem>> -> memref<1x32x128xf32, #tpu.memory_space<vmem>>
            %dma_wait3A_68 = tpu.memref_squeeze %dma_wait3A_67 : memref<1x32x128xf32, #tpu.memory_space<vmem>> -> memref<32x128xf32, #tpu.memory_space<vmem>>
            %dma_wait3A_69 = tpu.memref_slice %arg9[%add3A_56] : memref<4160xi32, #tpu.memory_space<vmem>> -> memref<32xi32, #tpu.memory_space<vmem>>
            %dma_wait3A_70 = arith.constant 0 : i32
            %dma_wait3A_71 = arith.constant 0 : i32
            %dma_wait3A_72 = tpu.memref_slice %arg4[%dma_wait3A_70, %dma_wait3A_71] : memref<8192x128xf32, #tpu.memory_space<hbm>> -> memref<8192x128xf32, #tpu.memory_space<hbm>>
            tpu.wait_indirect_dma semaphore(%run_scoped3A_57 : memref<!tpu.dma_semaphore, #tpu.memory_space<semaphore_mem>>) src(%dma_wait3A_72 : memref<8192x128xf32, #tpu.memory_space<hbm>>) dst(%dma_wait3A_68 : memref<32x128xf32, #tpu.memory_space<vmem>>)
            tpu.yield
          }) : () -> ()
        } else {
        }
        %scan3A_45 = arith.constant 0 : i32
        %scan3A_46 = arith.constant 0 : i32
        %scan3A_47 = arith.constant 32 : i32
        %scan3A_48 = arith.addi %scan3A_46, %scan3A_47 : i32
        %scan3A_49 = arith.constant 4 : i32
        scf.for %scan3A_53 = %scan3A_46 to %scan3A_48 step %scan3A_49  : i32 {
          %mul3A_54 = arith.constant 32 : i32
          %mul3A_55 = arith.muli %while3A_40, %mul3A_54 : i32
          %add3A_56 = arith.constant 2080 : i32
          %add3A_57 = arith.addi %add3A_56, %mul3A_55 : i32
          %add3A_58 = arith.addi %add3A_57, %scan3A_53 : i32
          %broadcast_in_dim3A_59 = vector.broadcast %add3A_58 : i32 to vector<16xi32>
          %gather3A = tpu.vector_load_idx %arg10[%broadcast_in_dim3A_59] : memref<4160xi32, #tpu.memory_space<vmem>>[vector<16xi32>], vector<16xi32>,
          %and3A = arith.constant 4095 : i32
          %and3A_60 = vector.broadcast %and3A : i32 to vector<16xi32>
          %and3A_61 = arith.andi %gather3A, %and3A_60 : vector<16xi32>
          %shift_right_logical3A = arith.constant 12 : i32
          %shift_right_logical3A_62 = vector.broadcast %shift_right_logical3A : i32 to vector<16xi32>
          %shift_right_logical3A_63 = arith.shrui %gather3A, %shift_right_logical3A_62 : vector<16xi32>
          %mul3A_64 = arith.constant 64 : i32
          %mul3A_65 = vector.broadcast %mul3A_64 : i32 to vector<16xi32>
          %mul3A_66 = arith.muli %shift_right_logical3A_63, %mul3A_65 : vector<16xi32>
          %broadcast_in_dim3A_67 = vector.broadcast %scan3A_53 : i32 to vector<16xi32>
          %add3A_68 = arith.constant 0 : i32
          %add3A_69 = vector.broadcast %add3A_68 : i32 to vector<16xi32>
          %add3A_70 = arith.addi %mul3A_66, %add3A_69 : vector<16xi32>
          %add3A_71 = arith.addi %add3A_70, %iota3A : vector<16xi32>
          %gather3A_72 = arith.constant 1 : i32
          %gather3A_73 = arith.constant 0 : i32
          %gather3A_74 = arith.constant 0 : i32
          %gather3A_75 = tpu.memref_slice %arg8[%gather3A_72, %gather3A_73, %gather3A_74] : memref<2x32x128xf32, #tpu.memory_space<vmem>> -> memref<1x32x128xf32, #tpu.memory_space<vmem>>
          %gather3A_76 = tpu.memref_squeeze %gather3A_75 : memref<1x32x128xf32, #tpu.memory_space<vmem>> -> memref<32x128xf32, #tpu.memory_space<vmem>>
          %gather3A_77 = tpu.vector_load_idx %gather3A_76[%broadcast_in_dim3A_67, %add3A_71] : memref<32x128xf32, #tpu.memory_space<vmem>>[vector<16xi32>, vector<16xi32>], vector<16xf32>,
          %add3A_78 = arith.constant 0 : i32
          %add3A_79 = vector.broadcast %add3A_78 : i32 to vector<16xi32>
          %add3A_80 = arith.addi %add3A_79, %iota3A : vector<16xi32>
          tpu.vector_store_idx %arg6[%add3A_80, %and3A_61], %gather3A_77 {add = true} : memref<64x1296xf32, #tpu.memory_space<vmem>>[vector<16xi32>, vector<16xi32>], vector<16xf32>,
          %add3A_81 = arith.constant 16 : i32
          %add3A_82 = vector.broadcast %add3A_81 : i32 to vector<16xi32>
          %add3A_83 = arith.addi %mul3A_66, %add3A_82 : vector<16xi32>
          %add3A_84 = arith.addi %add3A_83, %iota3A : vector<16xi32>
          %gather3A_85 = arith.constant 1 : i32
          %gather3A_86 = arith.constant 0 : i32
          %gather3A_87 = arith.constant 0 : i32
          %gather3A_88 = tpu.memref_slice %arg8[%gather3A_85, %gather3A_86, %gather3A_87] : memref<2x32x128xf32, #tpu.memory_space<vmem>> -> memref<1x32x128xf32, #tpu.memory_space<vmem>>
          %gather3A_89 = tpu.memref_squeeze %gather3A_88 : memref<1x32x128xf32, #tpu.memory_space<vmem>> -> memref<32x128xf32, #tpu.memory_space<vmem>>
          %gather3A_90 = tpu.vector_load_idx %gather3A_89[%broadcast_in_dim3A_67, %add3A_84] : memref<32x128xf32, #tpu.memory_space<vmem>>[vector<16xi32>, vector<16xi32>], vector<16xf32>,
          %add3A_91 = arith.constant 16 : i32
          %add3A_92 = vector.broadcast %add3A_91 : i32 to vector<16xi32>
          %add3A_93 = arith.addi %add3A_92, %iota3A : vector<16xi32>
          tpu.vector_store_idx %arg6[%add3A_93, %and3A_61], %gather3A_90 {add = true} : memref<64x1296xf32, #tpu.memory_space<vmem>>[vector<16xi32>, vector<16xi32>], vector<16xf32>,
          %add3A_94 = arith.constant 32 : i32
          %add3A_95 = vector.broadcast %add3A_94 : i32 to vector<16xi32>
          %add3A_96 = arith.addi %mul3A_66, %add3A_95 : vector<16xi32>
          %add3A_97 = arith.addi %add3A_96, %iota3A : vector<16xi32>
          %gather3A_98 = arith.constant 1 : i32
          %gather3A_99 = arith.constant 0 : i32
          %gather3A_100 = arith.constant 0 : i32
          %gather3A_101 = tpu.memref_slice %arg8[%gather3A_98, %gather3A_99, %gather3A_100] : memref<2x32x128xf32, #tpu.memory_space<vmem>> -> memref<1x32x128xf32, #tpu.memory_space<vmem>>
          %gather3A_102 = tpu.memref_squeeze %gather3A_101 : memref<1x32x128xf32, #tpu.memory_space<vmem>> -> memref<32x128xf32, #tpu.memory_space<vmem>>
          %gather3A_103 = tpu.vector_load_idx %gather3A_102[%broadcast_in_dim3A_67, %add3A_97] : memref<32x128xf32, #tpu.memory_space<vmem>>[vector<16xi32>, vector<16xi32>], vector<16xf32>,
          %add3A_104 = arith.constant 32 : i32
          %add3A_105 = vector.broadcast %add3A_104 : i32 to vector<16xi32>
          %add3A_106 = arith.addi %add3A_105, %iota3A : vector<16xi32>
          tpu.vector_store_idx %arg6[%add3A_106, %and3A_61], %gather3A_103 {add = true} : memref<64x1296xf32, #tpu.memory_space<vmem>>[vector<16xi32>, vector<16xi32>], vector<16xf32>,
          %add3A_107 = arith.constant 48 : i32
          %add3A_108 = vector.broadcast %add3A_107 : i32 to vector<16xi32>
          %add3A_109 = arith.addi %mul3A_66, %add3A_108 : vector<16xi32>
          %add3A_110 = arith.addi %add3A_109, %iota3A : vector<16xi32>
          %gather3A_111 = arith.constant 1 : i32
          %gather3A_112 = arith.constant 0 : i32
          %gather3A_113 = arith.constant 0 : i32
          %gather3A_114 = tpu.memref_slice %arg8[%gather3A_111, %gather3A_112, %gather3A_113] : memref<2x32x128xf32, #tpu.memory_space<vmem>> -> memref<1x32x128xf32, #tpu.memory_space<vmem>>
          %gather3A_115 = tpu.memref_squeeze %gather3A_114 : memref<1x32x128xf32, #tpu.memory_space<vmem>> -> memref<32x128xf32, #tpu.memory_space<vmem>>
          %gather3A_116 = tpu.vector_load_idx %gather3A_115[%broadcast_in_dim3A_67, %add3A_110] : memref<32x128xf32, #tpu.memory_space<vmem>>[vector<16xi32>, vector<16xi32>], vector<16xf32>,
          %add3A_117 = arith.constant 48 : i32
          %add3A_118 = vector.broadcast %add3A_117 : i32 to vector<16xi32>
          %add3A_119 = arith.addi %add3A_118, %iota3A : vector<16xi32>
          tpu.vector_store_idx %arg6[%add3A_119, %and3A_61], %gather3A_116 {add = true} : memref<64x1296xf32, #tpu.memory_space<vmem>>[vector<16xi32>, vector<16xi32>], vector<16xf32>,
          %scan3A_120 = arith.constant 1 : i32
          %scan3A_121 = arith.addi %scan3A_53, %scan3A_120 : i32
          %mul3A_122 = arith.constant 32 : i32
          %mul3A_123 = arith.muli %while3A_40, %mul3A_122 : i32
          %add3A_124 = arith.constant 2080 : i32
          %add3A_125 = arith.addi %add3A_124, %mul3A_123 : i32
          %add3A_126 = arith.addi %add3A_125, %scan3A_121 : i32
          %broadcast_in_dim3A_127 = vector.broadcast %add3A_126 : i32 to vector<16xi32>
          %gather3A_128 = tpu.vector_load_idx %arg10[%broadcast_in_dim3A_127] : memref<4160xi32, #tpu.memory_space<vmem>>[vector<16xi32>], vector<16xi32>,
          %and3A_129 = arith.constant 4095 : i32
          %and3A_130 = vector.broadcast %and3A_129 : i32 to vector<16xi32>
          %and3A_131 = arith.andi %gather3A_128, %and3A_130 : vector<16xi32>
          %shift_right_logical3A_132 = arith.constant 12 : i32
          %shift_right_logical3A_133 = vector.broadcast %shift_right_logical3A_132 : i32 to vector<16xi32>
          %shift_right_logical3A_134 = arith.shrui %gather3A_128, %shift_right_logical3A_133 : vector<16xi32>
          %mul3A_135 = arith.constant 64 : i32
          %mul3A_136 = vector.broadcast %mul3A_135 : i32 to vector<16xi32>
          %mul3A_137 = arith.muli %shift_right_logical3A_134, %mul3A_136 : vector<16xi32>
          %broadcast_in_dim3A_138 = vector.broadcast %scan3A_121 : i32 to vector<16xi32>
          %add3A_139 = arith.constant 0 : i32
          %add3A_140 = vector.broadcast %add3A_139 : i32 to vector<16xi32>
          %add3A_141 = arith.addi %mul3A_137, %add3A_140 : vector<16xi32>
          %add3A_142 = arith.addi %add3A_141, %iota3A : vector<16xi32>
          %gather3A_143 = arith.constant 1 : i32
          %gather3A_144 = arith.constant 0 : i32
          %gather3A_145 = arith.constant 0 : i32
          %gather3A_146 = tpu.memref_slice %arg8[%gather3A_143, %gather3A_144, %gather3A_145] : memref<2x32x128xf32, #tpu.memory_space<vmem>> -> memref<1x32x128xf32, #tpu.memory_space<vmem>>
          %gather3A_147 = tpu.memref_squeeze %gather3A_146 : memref<1x32x128xf32, #tpu.memory_space<vmem>> -> memref<32x128xf32, #tpu.memory_space<vmem>>
          %gather3A_148 = tpu.vector_load_idx %gather3A_147[%broadcast_in_dim3A_138, %add3A_142] : memref<32x128xf32, #tpu.memory_space<vmem>>[vector<16xi32>, vector<16xi32>], vector<16xf32>,
          %add3A_149 = arith.constant 0 : i32
          %add3A_150 = vector.broadcast %add3A_149 : i32 to vector<16xi32>
          %add3A_151 = arith.addi %add3A_150, %iota3A : vector<16xi32>
          tpu.vector_store_idx %arg6[%add3A_151, %and3A_131], %gather3A_148 {add = true} : memref<64x1296xf32, #tpu.memory_space<vmem>>[vector<16xi32>, vector<16xi32>], vector<16xf32>,
          %add3A_152 = arith.constant 16 : i32
          %add3A_153 = vector.broadcast %add3A_152 : i32 to vector<16xi32>
          %add3A_154 = arith.addi %mul3A_137, %add3A_153 : vector<16xi32>
          %add3A_155 = arith.addi %add3A_154, %iota3A : vector<16xi32>
          %gather3A_156 = arith.constant 1 : i32
          %gather3A_157 = arith.constant 0 : i32
          %gather3A_158 = arith.constant 0 : i32
          %gather3A_159 = tpu.memref_slice %arg8[%gather3A_156, %gather3A_157, %gather3A_158] : memref<2x32x128xf32, #tpu.memory_space<vmem>> -> memref<1x32x128xf32, #tpu.memory_space<vmem>>
          %gather3A_160 = tpu.memref_squeeze %gather3A_159 : memref<1x32x128xf32, #tpu.memory_space<vmem>> -> memref<32x128xf32, #tpu.memory_space<vmem>>
          %gather3A_161 = tpu.vector_load_idx %gather3A_160[%broadcast_in_dim3A_138, %add3A_155] : memref<32x128xf32, #tpu.memory_space<vmem>>[vector<16xi32>, vector<16xi32>], vector<16xf32>,
          %add3A_162 = arith.constant 16 : i32
          %add3A_163 = vector.broadcast %add3A_162 : i32 to vector<16xi32>
          %add3A_164 = arith.addi %add3A_163, %iota3A : vector<16xi32>
          tpu.vector_store_idx %arg6[%add3A_164, %and3A_131], %gather3A_161 {add = true} : memref<64x1296xf32, #tpu.memory_space<vmem>>[vector<16xi32>, vector<16xi32>], vector<16xf32>,
          %add3A_165 = arith.constant 32 : i32
          %add3A_166 = vector.broadcast %add3A_165 : i32 to vector<16xi32>
          %add3A_167 = arith.addi %mul3A_137, %add3A_166 : vector<16xi32>
          %add3A_168 = arith.addi %add3A_167, %iota3A : vector<16xi32>
          %gather3A_169 = arith.constant 1 : i32
          %gather3A_170 = arith.constant 0 : i32
          %gather3A_171 = arith.constant 0 : i32
          %gather3A_172 = tpu.memref_slice %arg8[%gather3A_169, %gather3A_170, %gather3A_171] : memref<2x32x128xf32, #tpu.memory_space<vmem>> -> memref<1x32x128xf32, #tpu.memory_space<vmem>>
          %gather3A_173 = tpu.memref_squeeze %gather3A_172 : memref<1x32x128xf32, #tpu.memory_space<vmem>> -> memref<32x128xf32, #tpu.memory_space<vmem>>
          %gather3A_174 = tpu.vector_load_idx %gather3A_173[%broadcast_in_dim3A_138, %add3A_168] : memref<32x128xf32, #tpu.memory_space<vmem>>[vector<16xi32>, vector<16xi32>], vector<16xf32>,
          %add3A_175 = arith.constant 32 : i32
          %add3A_176 = vector.broadcast %add3A_175 : i32 to vector<16xi32>
          %add3A_177 = arith.addi %add3A_176, %iota3A : vector<16xi32>
          tpu.vector_store_idx %arg6[%add3A_177, %and3A_131], %gather3A_174 {add = true} : memref<64x1296xf32, #tpu.memory_space<vmem>>[vector<16xi32>, vector<16xi32>], vector<16xf32>,
          %add3A_178 = arith.constant 48 : i32
          %add3A_179 = vector.broadcast %add3A_178 : i32 to vector<16xi32>
          %add3A_180 = arith.addi %mul3A_137, %add3A_179 : vector<16xi32>
          %add3A_181 = arith.addi %add3A_180, %iota3A : vector<16xi32>
          %gather3A_182 = arith.constant 1 : i32
          %gather3A_183 = arith.constant 0 : i32
          %gather3A_184 = arith.constant 0 : i32
          %gather3A_185 = tpu.memref_slice %arg8[%gather3A_182, %gather3A_183, %gather3A_184] : memref<2x32x128xf32, #tpu.memory_space<vmem>> -> memref<1x32x128xf32, #tpu.memory_space<vmem>>
          %gather3A_186 = tpu.memref_squeeze %gather3A_185 : memref<1x32x128xf32, #tpu.memory_space<vmem>> -> memref<32x128xf32, #tpu.memory_space<vmem>>
          %gather3A_187 = tpu.vector_load_idx %gather3A_186[%broadcast_in_dim3A_138, %add3A_181] : memref<32x128xf32, #tpu.memory_space<vmem>>[vector<16xi32>, vector<16xi32>], vector<16xf32>,
          %add3A_188 = arith.constant 48 : i32
          %add3A_189 = vector.broadcast %add3A_188 : i32 to vector<16xi32>
          %add3A_190 = arith.addi %add3A_189, %iota3A : vector<16xi32>
          tpu.vector_store_idx %arg6[%add3A_190, %and3A_131], %gather3A_187 {add = true} : memref<64x1296xf32, #tpu.memory_space<vmem>>[vector<16xi32>, vector<16xi32>], vector<16xf32>,
          %scan3A_191 = arith.constant 2 : i32
          %scan3A_192 = arith.addi %scan3A_53, %scan3A_191 : i32
          %mul3A_193 = arith.constant 32 : i32
          %mul3A_194 = arith.muli %while3A_40, %mul3A_193 : i32
          %add3A_195 = arith.constant 2080 : i32
          %add3A_196 = arith.addi %add3A_195, %mul3A_194 : i32
          %add3A_197 = arith.addi %add3A_196, %scan3A_192 : i32
          %broadcast_in_dim3A_198 = vector.broadcast %add3A_197 : i32 to vector<16xi32>
          %gather3A_199 = tpu.vector_load_idx %arg10[%broadcast_in_dim3A_198] : memref<4160xi32, #tpu.memory_space<vmem>>[vector<16xi32>], vector<16xi32>,
          %and3A_200 = arith.constant 4095 : i32
          %and3A_201 = vector.broadcast %and3A_200 : i32 to vector<16xi32>
          %and3A_202 = arith.andi %gather3A_199, %and3A_201 : vector<16xi32>
          %shift_right_logical3A_203 = arith.constant 12 : i32
          %shift_right_logical3A_204 = vector.broadcast %shift_right_logical3A_203 : i32 to vector<16xi32>
          %shift_right_logical3A_205 = arith.shrui %gather3A_199, %shift_right_logical3A_204 : vector<16xi32>
          %mul3A_206 = arith.constant 64 : i32
          %mul3A_207 = vector.broadcast %mul3A_206 : i32 to vector<16xi32>
          %mul3A_208 = arith.muli %shift_right_logical3A_205, %mul3A_207 : vector<16xi32>
          %broadcast_in_dim3A_209 = vector.broadcast %scan3A_192 : i32 to vector<16xi32>
          %add3A_210 = arith.constant 0 : i32
          %add3A_211 = vector.broadcast %add3A_210 : i32 to vector<16xi32>
          %add3A_212 = arith.addi %mul3A_208, %add3A_211 : vector<16xi32>
          %add3A_213 = arith.addi %add3A_212, %iota3A : vector<16xi32>
          %gather3A_214 = arith.constant 1 : i32
          %gather3A_215 = arith.constant 0 : i32
          %gather3A_216 = arith.constant 0 : i32
          %gather3A_217 = tpu.memref_slice %arg8[%gather3A_214, %gather3A_215, %gather3A_216] : memref<2x32x128xf32, #tpu.memory_space<vmem>> -> memref<1x32x128xf32, #tpu.memory_space<vmem>>
          %gather3A_218 = tpu.memref_squeeze %gather3A_217 : memref<1x32x128xf32, #tpu.memory_space<vmem>> -> memref<32x128xf32, #tpu.memory_space<vmem>>
          %gather3A_219 = tpu.vector_load_idx %gather3A_218[%broadcast_in_dim3A_209, %add3A_213] : memref<32x128xf32, #tpu.memory_space<vmem>>[vector<16xi32>, vector<16xi32>], vector<16xf32>,
          %add3A_220 = arith.constant 0 : i32
          %add3A_221 = vector.broadcast %add3A_220 : i32 to vector<16xi32>
          %add3A_222 = arith.addi %add3A_221, %iota3A : vector<16xi32>
          tpu.vector_store_idx %arg6[%add3A_222, %and3A_202], %gather3A_219 {add = true} : memref<64x1296xf32, #tpu.memory_space<vmem>>[vector<16xi32>, vector<16xi32>], vector<16xf32>,
          %add3A_223 = arith.constant 16 : i32
          %add3A_224 = vector.broadcast %add3A_223 : i32 to vector<16xi32>
          %add3A_225 = arith.addi %mul3A_208, %add3A_224 : vector<16xi32>
          %add3A_226 = arith.addi %add3A_225, %iota3A : vector<16xi32>
          %gather3A_227 = arith.constant 1 : i32
          %gather3A_228 = arith.constant 0 : i32
          %gather3A_229 = arith.constant 0 : i32
          %gather3A_230 = tpu.memref_slice %arg8[%gather3A_227, %gather3A_228, %gather3A_229] : memref<2x32x128xf32, #tpu.memory_space<vmem>> -> memref<1x32x128xf32, #tpu.memory_space<vmem>>
          %gather3A_231 = tpu.memref_squeeze %gather3A_230 : memref<1x32x128xf32, #tpu.memory_space<vmem>> -> memref<32x128xf32, #tpu.memory_space<vmem>>
          %gather3A_232 = tpu.vector_load_idx %gather3A_231[%broadcast_in_dim3A_209, %add3A_226] : memref<32x128xf32, #tpu.memory_space<vmem>>[vector<16xi32>, vector<16xi32>], vector<16xf32>,
          %add3A_233 = arith.constant 16 : i32
          %add3A_234 = vector.broadcast %add3A_233 : i32 to vector<16xi32>
          %add3A_235 = arith.addi %add3A_234, %iota3A : vector<16xi32>
          tpu.vector_store_idx %arg6[%add3A_235, %and3A_202], %gather3A_232 {add = true} : memref<64x1296xf32, #tpu.memory_space<vmem>>[vector<16xi32>, vector<16xi32>], vector<16xf32>,
          %add3A_236 = arith.constant 32 : i32
          %add3A_237 = vector.broadcast %add3A_236 : i32 to vector<16xi32>
          %add3A_238 = arith.addi %mul3A_208, %add3A_237 : vector<16xi32>
          %add3A_239 = arith.addi %add3A_238, %iota3A : vector<16xi32>
          %gather3A_240 = arith.constant 1 : i32
          %gather3A_241 = arith.constant 0 : i32
          %gather3A_242 = arith.constant 0 : i32
          %gather3A_243 = tpu.memref_slice %arg8[%gather3A_240, %gather3A_241, %gather3A_242] : memref<2x32x128xf32, #tpu.memory_space<vmem>> -> memref<1x32x128xf32, #tpu.memory_space<vmem>>
          %gather3A_244 = tpu.memref_squeeze %gather3A_243 : memref<1x32x128xf32, #tpu.memory_space<vmem>> -> memref<32x128xf32, #tpu.memory_space<vmem>>
          %gather3A_245 = tpu.vector_load_idx %gather3A_244[%broadcast_in_dim3A_209, %add3A_239] : memref<32x128xf32, #tpu.memory_space<vmem>>[vector<16xi32>, vector<16xi32>], vector<16xf32>,
          %add3A_246 = arith.constant 32 : i32
          %add3A_247 = vector.broadcast %add3A_246 : i32 to vector<16xi32>
          %add3A_248 = arith.addi %add3A_247, %iota3A : vector<16xi32>
          tpu.vector_store_idx %arg6[%add3A_248, %and3A_202], %gather3A_245 {add = true} : memref<64x1296xf32, #tpu.memory_space<vmem>>[vector<16xi32>, vector<16xi32>], vector<16xf32>,
          %add3A_249 = arith.constant 48 : i32
          %add3A_250 = vector.broadcast %add3A_249 : i32 to vector<16xi32>
          %add3A_251 = arith.addi %mul3A_208, %add3A_250 : vector<16xi32>
          %add3A_252 = arith.addi %add3A_251, %iota3A : vector<16xi32>
          %gather3A_253 = arith.constant 1 : i32
          %gather3A_254 = arith.constant 0 : i32
          %gather3A_255 = arith.constant 0 : i32
          %gather3A_256 = tpu.memref_slice %arg8[%gather3A_253, %gather3A_254, %gather3A_255] : memref<2x32x128xf32, #tpu.memory_space<vmem>> -> memref<1x32x128xf32, #tpu.memory_space<vmem>>
          %gather3A_257 = tpu.memref_squeeze %gather3A_256 : memref<1x32x128xf32, #tpu.memory_space<vmem>> -> memref<32x128xf32, #tpu.memory_space<vmem>>
          %gather3A_258 = tpu.vector_load_idx %gather3A_257[%broadcast_in_dim3A_209, %add3A_252] : memref<32x128xf32, #tpu.memory_space<vmem>>[vector<16xi32>, vector<16xi32>], vector<16xf32>,
          %add3A_259 = arith.constant 48 : i32
          %add3A_260 = vector.broadcast %add3A_259 : i32 to vector<16xi32>
          %add3A_261 = arith.addi %add3A_260, %iota3A : vector<16xi32>
          tpu.vector_store_idx %arg6[%add3A_261, %and3A_202], %gather3A_258 {add = true} : memref<64x1296xf32, #tpu.memory_space<vmem>>[vector<16xi32>, vector<16xi32>], vector<16xf32>,
          %scan3A_262 = arith.constant 3 : i32
          %scan3A_263 = arith.addi %scan3A_53, %scan3A_262 : i32
          %mul3A_264 = arith.constant 32 : i32
          %mul3A_265 = arith.muli %while3A_40, %mul3A_264 : i32
          %add3A_266 = arith.constant 2080 : i32
          %add3A_267 = arith.addi %add3A_266, %mul3A_265 : i32
          %add3A_268 = arith.addi %add3A_267, %scan3A_263 : i32
          %broadcast_in_dim3A_269 = vector.broadcast %add3A_268 : i32 to vector<16xi32>
          %gather3A_270 = tpu.vector_load_idx %arg10[%broadcast_in_dim3A_269] : memref<4160xi32, #tpu.memory_space<vmem>>[vector<16xi32>], vector<16xi32>,
          %and3A_271 = arith.constant 4095 : i32
          %and3A_272 = vector.broadcast %and3A_271 : i32 to vector<16xi32>
          %and3A_273 = arith.andi %gather3A_270, %and3A_272 : vector<16xi32>
          %shift_right_logical3A_274 = arith.constant 12 : i32
          %shift_right_logical3A_275 = vector.broadcast %shift_right_logical3A_274 : i32 to vector<16xi32>
          %shift_right_logical3A_276 = arith.shrui %gather3A_270, %shift_right_logical3A_275 : vector<16xi32>
          %mul3A_277 = arith.constant 64 : i32
          %mul3A_278 = vector.broadcast %mul3A_277 : i32 to vector<16xi32>
          %mul3A_279 = arith.muli %shift_right_logical3A_276, %mul3A_278 : vector<16xi32>
          %broadcast_in_dim3A_280 = vector.broadcast %scan3A_263 : i32 to vector<16xi32>
          %add3A_281 = arith.constant 0 : i32
          %add3A_282 = vector.broadcast %add3A_281 : i32 to vector<16xi32>
          %add3A_283 = arith.addi %mul3A_279, %add3A_282 : vector<16xi32>
          %add3A_284 = arith.addi %add3A_283, %iota3A : vector<16xi32>
          %gather3A_285 = arith.constant 1 : i32
          %gather3A_286 = arith.constant 0 : i32
          %gather3A_287 = arith.constant 0 : i32
          %gather3A_288 = tpu.memref_slice %arg8[%gather3A_285, %gather3A_286, %gather3A_287] : memref<2x32x128xf32, #tpu.memory_space<vmem>> -> memref<1x32x128xf32, #tpu.memory_space<vmem>>
          %gather3A_289 = tpu.memref_squeeze %gather3A_288 : memref<1x32x128xf32, #tpu.memory_space<vmem>> -> memref<32x128xf32, #tpu.memory_space<vmem>>
          %gather3A_290 = tpu.vector_load_idx %gather3A_289[%broadcast_in_dim3A_280, %add3A_284] : memref<32x128xf32, #tpu.memory_space<vmem>>[vector<16xi32>, vector<16xi32>], vector<16xf32>,
          %add3A_291 = arith.constant 0 : i32
          %add3A_292 = vector.broadcast %add3A_291 : i32 to vector<16xi32>
          %add3A_293 = arith.addi %add3A_292, %iota3A : vector<16xi32>
          tpu.vector_store_idx %arg6[%add3A_293, %and3A_273], %gather3A_290 {add = true} : memref<64x1296xf32, #tpu.memory_space<vmem>>[vector<16xi32>, vector<16xi32>], vector<16xf32>,
          %add3A_294 = arith.constant 16 : i32
          %add3A_295 = vector.broadcast %add3A_294 : i32 to vector<16xi32>
          %add3A_296 = arith.addi %mul3A_279, %add3A_295 : vector<16xi32>
          %add3A_297 = arith.addi %add3A_296, %iota3A : vector<16xi32>
          %gather3A_298 = arith.constant 1 : i32
          %gather3A_299 = arith.constant 0 : i32
          %gather3A_300 = arith.constant 0 : i32
          %gather3A_301 = tpu.memref_slice %arg8[%gather3A_298, %gather3A_299, %gather3A_300] : memref<2x32x128xf32, #tpu.memory_space<vmem>> -> memref<1x32x128xf32, #tpu.memory_space<vmem>>
          %gather3A_302 = tpu.memref_squeeze %gather3A_301 : memref<1x32x128xf32, #tpu.memory_space<vmem>> -> memref<32x128xf32, #tpu.memory_space<vmem>>
          %gather3A_303 = tpu.vector_load_idx %gather3A_302[%broadcast_in_dim3A_280, %add3A_297] : memref<32x128xf32, #tpu.memory_space<vmem>>[vector<16xi32>, vector<16xi32>], vector<16xf32>,
          %add3A_304 = arith.constant 16 : i32
          %add3A_305 = vector.broadcast %add3A_304 : i32 to vector<16xi32>
          %add3A_306 = arith.addi %add3A_305, %iota3A : vector<16xi32>
          tpu.vector_store_idx %arg6[%add3A_306, %and3A_273], %gather3A_303 {add = true} : memref<64x1296xf32, #tpu.memory_space<vmem>>[vector<16xi32>, vector<16xi32>], vector<16xf32>,
          %add3A_307 = arith.constant 32 : i32
          %add3A_308 = vector.broadcast %add3A_307 : i32 to vector<16xi32>
          %add3A_309 = arith.addi %mul3A_279, %add3A_308 : vector<16xi32>
          %add3A_310 = arith.addi %add3A_309, %iota3A : vector<16xi32>
          %gather3A_311 = arith.constant 1 : i32
          %gather3A_312 = arith.constant 0 : i32
          %gather3A_313 = arith.constant 0 : i32
          %gather3A_314 = tpu.memref_slice %arg8[%gather3A_311, %gather3A_312, %gather3A_313] : memref<2x32x128xf32, #tpu.memory_space<vmem>> -> memref<1x32x128xf32, #tpu.memory_space<vmem>>
          %gather3A_315 = tpu.memref_squeeze %gather3A_314 : memref<1x32x128xf32, #tpu.memory_space<vmem>> -> memref<32x128xf32, #tpu.memory_space<vmem>>
          %gather3A_316 = tpu.vector_load_idx %gather3A_315[%broadcast_in_dim3A_280, %add3A_310] : memref<32x128xf32, #tpu.memory_space<vmem>>[vector<16xi32>, vector<16xi32>], vector<16xf32>,
          %add3A_317 = arith.constant 32 : i32
          %add3A_318 = vector.broadcast %add3A_317 : i32 to vector<16xi32>
          %add3A_319 = arith.addi %add3A_318, %iota3A : vector<16xi32>
          tpu.vector_store_idx %arg6[%add3A_319, %and3A_273], %gather3A_316 {add = true} : memref<64x1296xf32, #tpu.memory_space<vmem>>[vector<16xi32>, vector<16xi32>], vector<16xf32>,
          %add3A_320 = arith.constant 48 : i32
          %add3A_321 = vector.broadcast %add3A_320 : i32 to vector<16xi32>
          %add3A_322 = arith.addi %mul3A_279, %add3A_321 : vector<16xi32>
          %add3A_323 = arith.addi %add3A_322, %iota3A : vector<16xi32>
          %gather3A_324 = arith.constant 1 : i32
          %gather3A_325 = arith.constant 0 : i32
          %gather3A_326 = arith.constant 0 : i32
          %gather3A_327 = tpu.memref_slice %arg8[%gather3A_324, %gather3A_325, %gather3A_326] : memref<2x32x128xf32, #tpu.memory_space<vmem>> -> memref<1x32x128xf32, #tpu.memory_space<vmem>>
          %gather3A_328 = tpu.memref_squeeze %gather3A_327 : memref<1x32x128xf32, #tpu.memory_space<vmem>> -> memref<32x128xf32, #tpu.memory_space<vmem>>
          %gather3A_329 = tpu.vector_load_idx %gather3A_328[%broadcast_in_dim3A_280, %add3A_323] : memref<32x128xf32, #tpu.memory_space<vmem>>[vector<16xi32>, vector<16xi32>], vector<16xf32>,
          %add3A_330 = arith.constant 48 : i32
          %add3A_331 = vector.broadcast %add3A_330 : i32 to vector<16xi32>
          %add3A_332 = arith.addi %add3A_331, %iota3A : vector<16xi32>
          tpu.vector_store_idx %arg6[%add3A_332, %and3A_273], %gather3A_329 {add = true} : memref<64x1296xf32, #tpu.memory_space<vmem>>[vector<16xi32>, vector<16xi32>], vector<16xf32>,
        }
        %scan3A_50 = arith.constant 32 : i32
        %add3A_51 = arith.constant 1 : i32
        %add3A_52 = arith.addi %while3A_40, %add3A_51 : i32
        scf.yield %add3A_52 : i32
      }
      %cond3A_34 = arith.constant 1 : i32
      "tpu.region"() ({
        %run_scoped3A = tpu.sem_alloc : memref<!tpu.dma_semaphore, #tpu.memory_space<semaphore_mem>>
        %dma_start3A = arith.constant 0 : i32
        %dma_start3A_40 = arith.constant 0 : i32
        %dma_start3A_41 = tpu.memref_slice %arg6[%dma_start3A, %dma_start3A_40] : memref<64x1296xf32, #tpu.memory_space<vmem>> -> memref<64x1280xf32, #tpu.memory_space<vmem>>
        %dma_start3A_42 = arith.constant 0 : i32
        %dma_start3A_43 = tpu.memref_slice %arg5[%dma_start3A_42, %mul3A_15] : memref<64x100000xf32, #tpu.memory_space<hbm>> -> memref<64x1280xf32, #tpu.memory_space<hbm>>
        %dma_start3A_44 = arith.constant 0 : i32
        %dma_start3A_45 = tpu.memref_slice %arg5[%dma_start3A_44, %mul3A_15] : memref<64x100000xf32, #tpu.memory_space<hbm>> -> memref<64x1280xf32, #tpu.memory_space<hbm>>
        %dma_start3A_46 = arith.constant 0 : i32
        %dma_start3A_47 = arith.constant 0 : i32
        %dma_start3A_48 = tpu.memref_slice %arg6[%dma_start3A_46, %dma_start3A_47] : memref<64x1296xf32, #tpu.memory_space<vmem>> -> memref<64x1280xf32, #tpu.memory_space<vmem>>
        tpu.enqueue_dma source(%dma_start3A_48 : memref<64x1280xf32, #tpu.memory_space<vmem>>) target(%dma_start3A_45 : memref<64x1280xf32, #tpu.memory_space<hbm>>) target_semaphore(%run_scoped3A : memref<!tpu.dma_semaphore, #tpu.memory_space<semaphore_mem>>)
        %dma_wait3A_49 = arith.constant 0 : i32
        %dma_wait3A_50 = arith.constant 0 : i32
        %dma_wait3A_51 = tpu.memref_slice %arg6[%dma_wait3A_49, %dma_wait3A_50] : memref<64x1296xf32, #tpu.memory_space<vmem>> -> memref<64x1280xf32, #tpu.memory_space<vmem>>
        %dma_wait3A_52 = arith.constant 0 : i32
        %dma_wait3A_53 = tpu.memref_slice %arg5[%dma_wait3A_52, %mul3A_15] : memref<64x100000xf32, #tpu.memory_space<hbm>> -> memref<64x1280xf32, #tpu.memory_space<hbm>>
        %dma_wait3A_54 = arith.constant 0 : i32
        %dma_wait3A_55 = tpu.memref_slice %arg5[%dma_wait3A_54, %mul3A_15] : memref<64x100000xf32, #tpu.memory_space<hbm>> -> memref<64x1280xf32, #tpu.memory_space<hbm>>
        %dma_wait3A_56 = arith.constant 0 : i32
        %dma_wait3A_57 = arith.constant 0 : i32
        %dma_wait3A_58 = tpu.memref_slice %arg6[%dma_wait3A_56, %dma_wait3A_57] : memref<64x1296xf32, #tpu.memory_space<vmem>> -> memref<64x1280xf32, #tpu.memory_space<vmem>>
        tpu.wait_dma2 semaphore(%run_scoped3A : memref<!tpu.dma_semaphore, #tpu.memory_space<semaphore_mem>>) src(%dma_wait3A_58 : memref<64x1280xf32, #tpu.memory_space<vmem>>) dst(%dma_wait3A_55 : memref<64x1280xf32, #tpu.memory_space<hbm>>)
        tpu.yield
      }) : () -> ()
      %not3A = arith.constant true
      %not3A_35 = arith.constant true
      %not3A_36 = arith.xori %not3A, %not3A_35 : i1
      %convert_element_type3A_37 = arith.extui %not3A_36 : i1 to i32
      %cond3A_38 = arith.constant 0 : i32
      %cond3A_39 = arith.cmpi ne, %convert_element_type3A_37, %cond3A_38 : i32
      scf.if %cond3A_39 {
        %dma_start3A = arith.constant 0 : i32
        %dma_start3A_40 = arith.constant 0 : i32
        %dma_start3A_41 = tpu.memref_slice %arg6[%dma_start3A, %dma_start3A_40] : memref<64x1296xf32, #tpu.memory_space<vmem>> -> memref<64x1280xf32, #tpu.memory_space<vmem>>
        %dma_start3A_42 = arith.constant 0 : i32
        %dma_start3A_43 = tpu.memref_slice %arg5[%dma_start3A_42, %mul3A_15] : memref<64x100000xf32, #tpu.memory_space<hbm>> -> memref<64x1280xf32, #tpu.memory_space<hbm>>
        %dma_start3A_44 = arith.constant 0 : i32
        %dma_start3A_45 = tpu.memref_slice %arg5[%dma_start3A_44, %mul3A_15] : memref<64x100000xf32, #tpu.memory_space<hbm>> -> memref<64x1280xf32, #tpu.memory_space<hbm>>
        %dma_start3A_46 = arith.constant 0 : i32
        %dma_start3A_47 = arith.constant 0 : i32
        %dma_start3A_48 = tpu.memref_slice %arg6[%dma_start3A_46, %dma_start3A_47] : memref<64x1296xf32, #tpu.memory_space<vmem>> -> memref<64x1280xf32, #tpu.memory_space<vmem>>
        tpu.enqueue_dma source(%dma_start3A_48 : memref<64x1280xf32, #tpu.memory_space<vmem>>) target(%dma_start3A_45 : memref<64x1280xf32, #tpu.memory_space<hbm>>) target_semaphore(%arg13 : memref<!tpu.dma_semaphore, #tpu.memory_space<semaphore_mem>>)
      } else {
      }
    } else {
    }
    %eq3A = arith.constant 14 : i32
    %eq3A_8 = arith.cmpi eq, %add3A, %eq3A : i32
    %convert_element_type3A_9 = arith.extui %eq3A_8 : i1 to i32
    %cond3A_10 = arith.constant 0 : i32
    %cond3A_11 = arith.cmpi ne, %convert_element_type3A_9, %cond3A_10 : i32
    scf.if %cond3A_11 {
      %broadcast_in_dim3A = arith.constant 0 : i32
      %broadcast_in_dim3A_12 = vector.broadcast %broadcast_in_dim3A : i32 to vector<16xi32>
      %scan3A_13 = arith.constant true
      %scan3A_14 = arith.constant 0 : i32
      %scan3A_15 = arith.constant 8 : i32
      %scan3A_16 = arith.addi %scan3A_14, %scan3A_15 : i32
      %scan3A_17 = arith.constant 1 : i32
      %scan3A_18 = scf.for %scan3A_36 = %scan3A_14 to %scan3A_16 step %scan3A_17 iter_args(%scan3A_37 = %broadcast_in_dim3A_12) -> (vector<16xi32>)  : i32 {
        %and3A = arith.constant 1 : i32
        %and3A_38 = arith.andi %scan3A_36, %and3A : i32
        %mul3A_39 = arith.constant 2048 : i32
        %mul3A_40 = arith.muli %scan3A_36, %mul3A_39 : i32
        %and3A_41 = arith.constant 1 : i32
        %and3A_42 = vector.broadcast %and3A_41 : i32 to vector<16xi32>
        %and3A_43 = arith.andi %iota3A, %and3A_42 : vector<16xi32>
        %mul3A_44 = arith.constant 4096 : i32
        %mul3A_45 = vector.broadcast %mul3A_44 : i32 to vector<16xi32>
        %mul3A_46 = arith.muli %and3A_43, %mul3A_45 : vector<16xi32>
        %mul3A_47 = arith.constant 2080 : i32
        %mul3A_48 = arith.muli %and3A_38, %mul3A_47 : i32
        %sub3A = arith.constant 1 : i32
        %sub3A_49 = arith.subi %mul3A_48, %sub3A : i32
        %broadcast_in_dim3A_50 = vector.broadcast %sub3A_49 : i32 to vector<16xi32>
        %add3A_51 = vector.broadcast %mul3A_40 : i32 to vector<16xi32>
        %add3A_52 = arith.addi %add3A_51, %iota3A : vector<16xi32>
        %scan3A_53 = arith.constant 0 : i32
        %scan3A_54 = arith.constant 128 : i32
        %scan3A_55 = arith.addi %scan3A_53, %scan3A_54 : i32
        %scan3A_56 = arith.constant 16 : i32
        %scan3A_57:2 = scf.for %scan3A_133 = %scan3A_53 to %scan3A_55 step %scan3A_56 iter_args(%scan3A_134 = %broadcast_in_dim3A_50, %scan3A_135 = %add3A_52) -> (vector<16xi32>, vector<16xi32>)  : i32 {
          %gather3A = tpu.vector_load_idx %arg7[%scan3A_135] : memref<16384xi32, #tpu.memory_space<vmem>>[vector<16xi32>], vector<16xi32>,
          %sub3A_136 = arith.constant 99840 : i32
          %sub3A_137 = vector.broadcast %sub3A_136 : i32 to vector<16xi32>
          %sub3A_138 = arith.subi %gather3A, %sub3A_137 : vector<16xi32>
          %lt3A_139 = arith.constant 128 : i32
          %lt3A_140 = vector.broadcast %lt3A_139 : i32 to vector<16xi32>
          %lt3A_141 = arith.cmpi ult, %sub3A_138, %lt3A_140 : vector<16xi32>
          %convert_element_type3A_142 = arith.extui %lt3A_141 : vector<16xi1> to vector<16xi32>
          %broadcast_in_dim3A_143 = arith.constant true
          %broadcast_in_dim3A_144 = vector.broadcast %broadcast_in_dim3A_143 : i1 to vector<16xi1>
          %masked_cumsum3A = tpu.scan <sum>, %convert_element_type3A_142 masked %broadcast_in_dim3A_144 : vector<16xi32>, vector<16xi1> -> vector<16xi32>
          %add3A_145 = arith.addi %scan3A_134, %masked_cumsum3A : vector<16xi32>
          %add3A_146 = arith.addi %sub3A_138, %mul3A_46 : vector<16xi32>
          tpu.vector_store_idx %arg10[%add3A_145], %add3A_146 masked %lt3A_141 : memref<4160xi32, #tpu.memory_space<vmem>>[vector<16xi32>], vector<16xi32>, vector<16xi1>
          %shift_right_logical3A = arith.constant 1 : i32
          %shift_right_logical3A_147 = vector.broadcast %shift_right_logical3A : i32 to vector<16xi32>
          %shift_right_logical3A_148 = arith.shrui %scan3A_135, %shift_right_logical3A_147 : vector<16xi32>
          tpu.vector_store_idx %arg9[%add3A_145], %shift_right_logical3A_148 masked %lt3A_141 : memref<4160xi32, #tpu.memory_space<vmem>>[vector<16xi32>], vector<16xi32>, vector<16xi1>
          %all_reduce_population_count3A = tpu.all_reduce %lt3A_141 {dim = 0 : i64, kind = #tpu.reduction_kind<sum>} : vector<16xi1> -> vector<16xi32>
          %add3A_149 = arith.addi %scan3A_134, %all_reduce_population_count3A : vector<16xi32>
          %add3A_150 = arith.constant 16 : i32
          %add3A_151 = vector.broadcast %add3A_150 : i32 to vector<16xi32>
          %add3A_152 = arith.addi %scan3A_135, %add3A_151 : vector<16xi32>
          %scan3A_153 = arith.constant 1 : i32
          %scan3A_154 = arith.addi %scan3A_133, %scan3A_153 : i32
          %gather3A_155 = tpu.vector_load_idx %arg7[%add3A_152] : memref<16384xi32, #tpu.memory_space<vmem>>[vector<16xi32>], vector<16xi32>,
          %sub3A_156 = arith.constant 99840 : i32
          %sub3A_157 = vector.broadcast %sub3A_156 : i32 to vector<16xi32>
          %sub3A_158 = arith.subi %gather3A_155, %sub3A_157 : vector<16xi32>
          %lt3A_159 = arith.constant 128 : i32
          %lt3A_160 = vector.broadcast %lt3A_159 : i32 to vector<16xi32>
          %lt3A_161 = arith.cmpi ult, %sub3A_158, %lt3A_160 : vector<16xi32>
          %convert_element_type3A_162 = arith.extui %lt3A_161 : vector<16xi1> to vector<16xi32>
          %broadcast_in_dim3A_163 = arith.constant true
          %broadcast_in_dim3A_164 = vector.broadcast %broadcast_in_dim3A_163 : i1 to vector<16xi1>
          %masked_cumsum3A_165 = tpu.scan <sum>, %convert_element_type3A_162 masked %broadcast_in_dim3A_164 : vector<16xi32>, vector<16xi1> -> vector<16xi32>
          %add3A_166 = arith.addi %add3A_149, %masked_cumsum3A_165 : vector<16xi32>
          %add3A_167 = arith.addi %sub3A_158, %mul3A_46 : vector<16xi32>
          tpu.vector_store_idx %arg10[%add3A_166], %add3A_167 masked %lt3A_161 : memref<4160xi32, #tpu.memory_space<vmem>>[vector<16xi32>], vector<16xi32>, vector<16xi1>
          %shift_right_logical3A_168 = arith.constant 1 : i32
          %shift_right_logical3A_169 = vector.broadcast %shift_right_logical3A_168 : i32 to vector<16xi32>
          %shift_right_logical3A_170 = arith.shrui %add3A_152, %shift_right_logical3A_169 : vector<16xi32>
          tpu.vector_store_idx %arg9[%add3A_166], %shift_right_logical3A_170 masked %lt3A_161 : memref<4160xi32, #tpu.memory_space<vmem>>[vector<16xi32>], vector<16xi32>, vector<16xi1>
          %all_reduce_population_count3A_171 = tpu.all_reduce %lt3A_161 {dim = 0 : i64, kind = #tpu.reduction_kind<sum>} : vector<16xi1> -> vector<16xi32>
          %add3A_172 = arith.addi %add3A_149, %all_reduce_population_count3A_171 : vector<16xi32>
          %add3A_173 = arith.constant 16 : i32
          %add3A_174 = vector.broadcast %add3A_173 : i32 to vector<16xi32>
          %add3A_175 = arith.addi %add3A_152, %add3A_174 : vector<16xi32>
          %scan3A_176 = arith.constant 2 : i32
          %scan3A_177 = arith.addi %scan3A_133, %scan3A_176 : i32
          %gather3A_178 = tpu.vector_load_idx %arg7[%add3A_175] : memref<16384xi32, #tpu.memory_space<vmem>>[vector<16xi32>], vector<16xi32>,
          %sub3A_179 = arith.constant 99840 : i32
          %sub3A_180 = vector.broadcast %sub3A_179 : i32 to vector<16xi32>
          %sub3A_181 = arith.subi %gather3A_178, %sub3A_180 : vector<16xi32>
          %lt3A_182 = arith.constant 128 : i32
          %lt3A_183 = vector.broadcast %lt3A_182 : i32 to vector<16xi32>
          %lt3A_184 = arith.cmpi ult, %sub3A_181, %lt3A_183 : vector<16xi32>
          %convert_element_type3A_185 = arith.extui %lt3A_184 : vector<16xi1> to vector<16xi32>
          %broadcast_in_dim3A_186 = arith.constant true
          %broadcast_in_dim3A_187 = vector.broadcast %broadcast_in_dim3A_186 : i1 to vector<16xi1>
          %masked_cumsum3A_188 = tpu.scan <sum>, %convert_element_type3A_185 masked %broadcast_in_dim3A_187 : vector<16xi32>, vector<16xi1> -> vector<16xi32>
          %add3A_189 = arith.addi %add3A_172, %masked_cumsum3A_188 : vector<16xi32>
          %add3A_190 = arith.addi %sub3A_181, %mul3A_46 : vector<16xi32>
          tpu.vector_store_idx %arg10[%add3A_189], %add3A_190 masked %lt3A_184 : memref<4160xi32, #tpu.memory_space<vmem>>[vector<16xi32>], vector<16xi32>, vector<16xi1>
          %shift_right_logical3A_191 = arith.constant 1 : i32
          %shift_right_logical3A_192 = vector.broadcast %shift_right_logical3A_191 : i32 to vector<16xi32>
          %shift_right_logical3A_193 = arith.shrui %add3A_175, %shift_right_logical3A_192 : vector<16xi32>
          tpu.vector_store_idx %arg9[%add3A_189], %shift_right_logical3A_193 masked %lt3A_184 : memref<4160xi32, #tpu.memory_space<vmem>>[vector<16xi32>], vector<16xi32>, vector<16xi1>
          %all_reduce_population_count3A_194 = tpu.all_reduce %lt3A_184 {dim = 0 : i64, kind = #tpu.reduction_kind<sum>} : vector<16xi1> -> vector<16xi32>
          %add3A_195 = arith.addi %add3A_172, %all_reduce_population_count3A_194 : vector<16xi32>
          %add3A_196 = arith.constant 16 : i32
          %add3A_197 = vector.broadcast %add3A_196 : i32 to vector<16xi32>
          %add3A_198 = arith.addi %add3A_175, %add3A_197 : vector<16xi32>
          %scan3A_199 = arith.constant 3 : i32
          %scan3A_200 = arith.addi %scan3A_133, %scan3A_199 : i32
          %gather3A_201 = tpu.vector_load_idx %arg7[%add3A_198] : memref<16384xi32, #tpu.memory_space<vmem>>[vector<16xi32>], vector<16xi32>,
          %sub3A_202 = arith.constant 99840 : i32
          %sub3A_203 = vector.broadcast %sub3A_202 : i32 to vector<16xi32>
          %sub3A_204 = arith.subi %gather3A_201, %sub3A_203 : vector<16xi32>
          %lt3A_205 = arith.constant 128 : i32
          %lt3A_206 = vector.broadcast %lt3A_205 : i32 to vector<16xi32>
          %lt3A_207 = arith.cmpi ult, %sub3A_204, %lt3A_206 : vector<16xi32>
          %convert_element_type3A_208 = arith.extui %lt3A_207 : vector<16xi1> to vector<16xi32>
          %broadcast_in_dim3A_209 = arith.constant true
          %broadcast_in_dim3A_210 = vector.broadcast %broadcast_in_dim3A_209 : i1 to vector<16xi1>
          %masked_cumsum3A_211 = tpu.scan <sum>, %convert_element_type3A_208 masked %broadcast_in_dim3A_210 : vector<16xi32>, vector<16xi1> -> vector<16xi32>
          %add3A_212 = arith.addi %add3A_195, %masked_cumsum3A_211 : vector<16xi32>
          %add3A_213 = arith.addi %sub3A_204, %mul3A_46 : vector<16xi32>
          tpu.vector_store_idx %arg10[%add3A_212], %add3A_213 masked %lt3A_207 : memref<4160xi32, #tpu.memory_space<vmem>>[vector<16xi32>], vector<16xi32>, vector<16xi1>
          %shift_right_logical3A_214 = arith.constant 1 : i32
          %shift_right_logical3A_215 = vector.broadcast %shift_right_logical3A_214 : i32 to vector<16xi32>
          %shift_right_logical3A_216 = arith.shrui %add3A_198, %shift_right_logical3A_215 : vector<16xi32>
          tpu.vector_store_idx %arg9[%add3A_212], %shift_right_logical3A_216 masked %lt3A_207 : memref<4160xi32, #tpu.memory_space<vmem>>[vector<16xi32>], vector<16xi32>, vector<16xi1>
          %all_reduce_population_count3A_217 = tpu.all_reduce %lt3A_207 {dim = 0 : i64, kind = #tpu.reduction_kind<sum>} : vector<16xi1> -> vector<16xi32>
          %add3A_218 = arith.addi %add3A_195, %all_reduce_population_count3A_217 : vector<16xi32>
          %add3A_219 = arith.constant 16 : i32
          %add3A_220 = vector.broadcast %add3A_219 : i32 to vector<16xi32>
          %add3A_221 = arith.addi %add3A_198, %add3A_220 : vector<16xi32>
          %scan3A_222 = arith.constant 4 : i32
          %scan3A_223 = arith.addi %scan3A_133, %scan3A_222 : i32
          %gather3A_224 = tpu.vector_load_idx %arg7[%add3A_221] : memref<16384xi32, #tpu.memory_space<vmem>>[vector<16xi32>], vector<16xi32>,
          %sub3A_225 = arith.constant 99840 : i32
          %sub3A_226 = vector.broadcast %sub3A_225 : i32 to vector<16xi32>
          %sub3A_227 = arith.subi %gather3A_224, %sub3A_226 : vector<16xi32>
          %lt3A_228 = arith.constant 128 : i32
          %lt3A_229 = vector.broadcast %lt3A_228 : i32 to vector<16xi32>
          %lt3A_230 = arith.cmpi ult, %sub3A_227, %lt3A_229 : vector<16xi32>
          %convert_element_type3A_231 = arith.extui %lt3A_230 : vector<16xi1> to vector<16xi32>
          %broadcast_in_dim3A_232 = arith.constant true
          %broadcast_in_dim3A_233 = vector.broadcast %broadcast_in_dim3A_232 : i1 to vector<16xi1>
          %masked_cumsum3A_234 = tpu.scan <sum>, %convert_element_type3A_231 masked %broadcast_in_dim3A_233 : vector<16xi32>, vector<16xi1> -> vector<16xi32>
          %add3A_235 = arith.addi %add3A_218, %masked_cumsum3A_234 : vector<16xi32>
          %add3A_236 = arith.addi %sub3A_227, %mul3A_46 : vector<16xi32>
          tpu.vector_store_idx %arg10[%add3A_235], %add3A_236 masked %lt3A_230 : memref<4160xi32, #tpu.memory_space<vmem>>[vector<16xi32>], vector<16xi32>, vector<16xi1>
          %shift_right_logical3A_237 = arith.constant 1 : i32
          %shift_right_logical3A_238 = vector.broadcast %shift_right_logical3A_237 : i32 to vector<16xi32>
          %shift_right_logical3A_239 = arith.shrui %add3A_221, %shift_right_logical3A_238 : vector<16xi32>
          tpu.vector_store_idx %arg9[%add3A_235], %shift_right_logical3A_239 masked %lt3A_230 : memref<4160xi32, #tpu.memory_space<vmem>>[vector<16xi32>], vector<16xi32>, vector<16xi1>
          %all_reduce_population_count3A_240 = tpu.all_reduce %lt3A_230 {dim = 0 : i64, kind = #tpu.reduction_kind<sum>} : vector<16xi1> -> vector<16xi32>
          %add3A_241 = arith.addi %add3A_218, %all_reduce_population_count3A_240 : vector<16xi32>
          %add3A_242 = arith.constant 16 : i32
          %add3A_243 = vector.broadcast %add3A_242 : i32 to vector<16xi32>
          %add3A_244 = arith.addi %add3A_221, %add3A_243 : vector<16xi32>
          %scan3A_245 = arith.constant 5 : i32
          %scan3A_246 = arith.addi %scan3A_133, %scan3A_245 : i32
          %gather3A_247 = tpu.vector_load_idx %arg7[%add3A_244] : memref<16384xi32, #tpu.memory_space<vmem>>[vector<16xi32>], vector<16xi32>,
          %sub3A_248 = arith.constant 99840 : i32
          %sub3A_249 = vector.broadcast %sub3A_248 : i32 to vector<16xi32>
          %sub3A_250 = arith.subi %gather3A_247, %sub3A_249 : vector<16xi32>
          %lt3A_251 = arith.constant 128 : i32
          %lt3A_252 = vector.broadcast %lt3A_251 : i32 to vector<16xi32>
          %lt3A_253 = arith.cmpi ult, %sub3A_250, %lt3A_252 : vector<16xi32>
          %convert_element_type3A_254 = arith.extui %lt3A_253 : vector<16xi1> to vector<16xi32>
          %broadcast_in_dim3A_255 = arith.constant true
          %broadcast_in_dim3A_256 = vector.broadcast %broadcast_in_dim3A_255 : i1 to vector<16xi1>
          %masked_cumsum3A_257 = tpu.scan <sum>, %convert_element_type3A_254 masked %broadcast_in_dim3A_256 : vector<16xi32>, vector<16xi1> -> vector<16xi32>
          %add3A_258 = arith.addi %add3A_241, %masked_cumsum3A_257 : vector<16xi32>
          %add3A_259 = arith.addi %sub3A_250, %mul3A_46 : vector<16xi32>
          tpu.vector_store_idx %arg10[%add3A_258], %add3A_259 masked %lt3A_253 : memref<4160xi32, #tpu.memory_space<vmem>>[vector<16xi32>], vector<16xi32>, vector<16xi1>
          %shift_right_logical3A_260 = arith.constant 1 : i32
          %shift_right_logical3A_261 = vector.broadcast %shift_right_logical3A_260 : i32 to vector<16xi32>
          %shift_right_logical3A_262 = arith.shrui %add3A_244, %shift_right_logical3A_261 : vector<16xi32>
          tpu.vector_store_idx %arg9[%add3A_258], %shift_right_logical3A_262 masked %lt3A_253 : memref<4160xi32, #tpu.memory_space<vmem>>[vector<16xi32>], vector<16xi32>, vector<16xi1>
          %all_reduce_population_count3A_263 = tpu.all_reduce %lt3A_253 {dim = 0 : i64, kind = #tpu.reduction_kind<sum>} : vector<16xi1> -> vector<16xi32>
          %add3A_264 = arith.addi %add3A_241, %all_reduce_population_count3A_263 : vector<16xi32>
          %add3A_265 = arith.constant 16 : i32
          %add3A_266 = vector.broadcast %add3A_265 : i32 to vector<16xi32>
          %add3A_267 = arith.addi %add3A_244, %add3A_266 : vector<16xi32>
          %scan3A_268 = arith.constant 6 : i32
          %scan3A_269 = arith.addi %scan3A_133, %scan3A_268 : i32
          %gather3A_270 = tpu.vector_load_idx %arg7[%add3A_267] : memref<16384xi32, #tpu.memory_space<vmem>>[vector<16xi32>], vector<16xi32>,
          %sub3A_271 = arith.constant 99840 : i32
          %sub3A_272 = vector.broadcast %sub3A_271 : i32 to vector<16xi32>
          %sub3A_273 = arith.subi %gather3A_270, %sub3A_272 : vector<16xi32>
          %lt3A_274 = arith.constant 128 : i32
          %lt3A_275 = vector.broadcast %lt3A_274 : i32 to vector<16xi32>
          %lt3A_276 = arith.cmpi ult, %sub3A_273, %lt3A_275 : vector<16xi32>
          %convert_element_type3A_277 = arith.extui %lt3A_276 : vector<16xi1> to vector<16xi32>
          %broadcast_in_dim3A_278 = arith.constant true
          %broadcast_in_dim3A_279 = vector.broadcast %broadcast_in_dim3A_278 : i1 to vector<16xi1>
          %masked_cumsum3A_280 = tpu.scan <sum>, %convert_element_type3A_277 masked %broadcast_in_dim3A_279 : vector<16xi32>, vector<16xi1> -> vector<16xi32>
          %add3A_281 = arith.addi %add3A_264, %masked_cumsum3A_280 : vector<16xi32>
          %add3A_282 = arith.addi %sub3A_273, %mul3A_46 : vector<16xi32>
          tpu.vector_store_idx %arg10[%add3A_281], %add3A_282 masked %lt3A_276 : memref<4160xi32, #tpu.memory_space<vmem>>[vector<16xi32>], vector<16xi32>, vector<16xi1>
          %shift_right_logical3A_283 = arith.constant 1 : i32
          %shift_right_logical3A_284 = vector.broadcast %shift_right_logical3A_283 : i32 to vector<16xi32>
          %shift_right_logical3A_285 = arith.shrui %add3A_267, %shift_right_logical3A_284 : vector<16xi32>
          tpu.vector_store_idx %arg9[%add3A_281], %shift_right_logical3A_285 masked %lt3A_276 : memref<4160xi32, #tpu.memory_space<vmem>>[vector<16xi32>], vector<16xi32>, vector<16xi1>
          %all_reduce_population_count3A_286 = tpu.all_reduce %lt3A_276 {dim = 0 : i64, kind = #tpu.reduction_kind<sum>} : vector<16xi1> -> vector<16xi32>
          %add3A_287 = arith.addi %add3A_264, %all_reduce_population_count3A_286 : vector<16xi32>
          %add3A_288 = arith.constant 16 : i32
          %add3A_289 = vector.broadcast %add3A_288 : i32 to vector<16xi32>
          %add3A_290 = arith.addi %add3A_267, %add3A_289 : vector<16xi32>
          %scan3A_291 = arith.constant 7 : i32
          %scan3A_292 = arith.addi %scan3A_133, %scan3A_291 : i32
          %gather3A_293 = tpu.vector_load_idx %arg7[%add3A_290] : memref<16384xi32, #tpu.memory_space<vmem>>[vector<16xi32>], vector<16xi32>,
          %sub3A_294 = arith.constant 99840 : i32
          %sub3A_295 = vector.broadcast %sub3A_294 : i32 to vector<16xi32>
          %sub3A_296 = arith.subi %gather3A_293, %sub3A_295 : vector<16xi32>
          %lt3A_297 = arith.constant 128 : i32
          %lt3A_298 = vector.broadcast %lt3A_297 : i32 to vector<16xi32>
          %lt3A_299 = arith.cmpi ult, %sub3A_296, %lt3A_298 : vector<16xi32>
          %convert_element_type3A_300 = arith.extui %lt3A_299 : vector<16xi1> to vector<16xi32>
          %broadcast_in_dim3A_301 = arith.constant true
          %broadcast_in_dim3A_302 = vector.broadcast %broadcast_in_dim3A_301 : i1 to vector<16xi1>
          %masked_cumsum3A_303 = tpu.scan <sum>, %convert_element_type3A_300 masked %broadcast_in_dim3A_302 : vector<16xi32>, vector<16xi1> -> vector<16xi32>
          %add3A_304 = arith.addi %add3A_287, %masked_cumsum3A_303 : vector<16xi32>
          %add3A_305 = arith.addi %sub3A_296, %mul3A_46 : vector<16xi32>
          tpu.vector_store_idx %arg10[%add3A_304], %add3A_305 masked %lt3A_299 : memref<4160xi32, #tpu.memory_space<vmem>>[vector<16xi32>], vector<16xi32>, vector<16xi1>
          %shift_right_logical3A_306 = arith.constant 1 : i32
          %shift_right_logical3A_307 = vector.broadcast %shift_right_logical3A_306 : i32 to vector<16xi32>
          %shift_right_logical3A_308 = arith.shrui %add3A_290, %shift_right_logical3A_307 : vector<16xi32>
          tpu.vector_store_idx %arg9[%add3A_304], %shift_right_logical3A_308 masked %lt3A_299 : memref<4160xi32, #tpu.memory_space<vmem>>[vector<16xi32>], vector<16xi32>, vector<16xi1>
          %all_reduce_population_count3A_309 = tpu.all_reduce %lt3A_299 {dim = 0 : i64, kind = #tpu.reduction_kind<sum>} : vector<16xi1> -> vector<16xi32>
          %add3A_310 = arith.addi %add3A_287, %all_reduce_population_count3A_309 : vector<16xi32>
          %add3A_311 = arith.constant 16 : i32
          %add3A_312 = vector.broadcast %add3A_311 : i32 to vector<16xi32>
          %add3A_313 = arith.addi %add3A_290, %add3A_312 : vector<16xi32>
          %scan3A_314 = arith.constant 8 : i32
          %scan3A_315 = arith.addi %scan3A_133, %scan3A_314 : i32
          %gather3A_316 = tpu.vector_load_idx %arg7[%add3A_313] : memref<16384xi32, #tpu.memory_space<vmem>>[vector<16xi32>], vector<16xi32>,
          %sub3A_317 = arith.constant 99840 : i32
          %sub3A_318 = vector.broadcast %sub3A_317 : i32 to vector<16xi32>
          %sub3A_319 = arith.subi %gather3A_316, %sub3A_318 : vector<16xi32>
          %lt3A_320 = arith.constant 128 : i32
          %lt3A_321 = vector.broadcast %lt3A_320 : i32 to vector<16xi32>
          %lt3A_322 = arith.cmpi ult, %sub3A_319, %lt3A_321 : vector<16xi32>
          %convert_element_type3A_323 = arith.extui %lt3A_322 : vector<16xi1> to vector<16xi32>
          %broadcast_in_dim3A_324 = arith.constant true
          %broadcast_in_dim3A_325 = vector.broadcast %broadcast_in_dim3A_324 : i1 to vector<16xi1>
          %masked_cumsum3A_326 = tpu.scan <sum>, %convert_element_type3A_323 masked %broadcast_in_dim3A_325 : vector<16xi32>, vector<16xi1> -> vector<16xi32>
          %add3A_327 = arith.addi %add3A_310, %masked_cumsum3A_326 : vector<16xi32>
          %add3A_328 = arith.addi %sub3A_319, %mul3A_46 : vector<16xi32>
          tpu.vector_store_idx %arg10[%add3A_327], %add3A_328 masked %lt3A_322 : memref<4160xi32, #tpu.memory_space<vmem>>[vector<16xi32>], vector<16xi32>, vector<16xi1>
          %shift_right_logical3A_329 = arith.constant 1 : i32
          %shift_right_logical3A_330 = vector.broadcast %shift_right_logical3A_329 : i32 to vector<16xi32>
          %shift_right_logical3A_331 = arith.shrui %add3A_313, %shift_right_logical3A_330 : vector<16xi32>
          tpu.vector_store_idx %arg9[%add3A_327], %shift_right_logical3A_331 masked %lt3A_322 : memref<4160xi32, #tpu.memory_space<vmem>>[vector<16xi32>], vector<16xi32>, vector<16xi1>
          %all_reduce_population_count3A_332 = tpu.all_reduce %lt3A_322 {dim = 0 : i64, kind = #tpu.reduction_kind<sum>} : vector<16xi1> -> vector<16xi32>
          %add3A_333 = arith.addi %add3A_310, %all_reduce_population_count3A_332 : vector<16xi32>
          %add3A_334 = arith.constant 16 : i32
          %add3A_335 = vector.broadcast %add3A_334 : i32 to vector<16xi32>
          %add3A_336 = arith.addi %add3A_313, %add3A_335 : vector<16xi32>
          %scan3A_337 = arith.constant 9 : i32
          %scan3A_338 = arith.addi %scan3A_133, %scan3A_337 : i32
          %gather3A_339 = tpu.vector_load_idx %arg7[%add3A_336] : memref<16384xi32, #tpu.memory_space<vmem>>[vector<16xi32>], vector<16xi32>,
          %sub3A_340 = arith.constant 99840 : i32
          %sub3A_341 = vector.broadcast %sub3A_340 : i32 to vector<16xi32>
          %sub3A_342 = arith.subi %gather3A_339, %sub3A_341 : vector<16xi32>
          %lt3A_343 = arith.constant 128 : i32
          %lt3A_344 = vector.broadcast %lt3A_343 : i32 to vector<16xi32>
          %lt3A_345 = arith.cmpi ult, %sub3A_342, %lt3A_344 : vector<16xi32>
          %convert_element_type3A_346 = arith.extui %lt3A_345 : vector<16xi1> to vector<16xi32>
          %broadcast_in_dim3A_347 = arith.constant true
          %broadcast_in_dim3A_348 = vector.broadcast %broadcast_in_dim3A_347 : i1 to vector<16xi1>
          %masked_cumsum3A_349 = tpu.scan <sum>, %convert_element_type3A_346 masked %broadcast_in_dim3A_348 : vector<16xi32>, vector<16xi1> -> vector<16xi32>
          %add3A_350 = arith.addi %add3A_333, %masked_cumsum3A_349 : vector<16xi32>
          %add3A_351 = arith.addi %sub3A_342, %mul3A_46 : vector<16xi32>
          tpu.vector_store_idx %arg10[%add3A_350], %add3A_351 masked %lt3A_345 : memref<4160xi32, #tpu.memory_space<vmem>>[vector<16xi32>], vector<16xi32>, vector<16xi1>
          %shift_right_logical3A_352 = arith.constant 1 : i32
          %shift_right_logical3A_353 = vector.broadcast %shift_right_logical3A_352 : i32 to vector<16xi32>
          %shift_right_logical3A_354 = arith.shrui %add3A_336, %shift_right_logical3A_353 : vector<16xi32>
          tpu.vector_store_idx %arg9[%add3A_350], %shift_right_logical3A_354 masked %lt3A_345 : memref<4160xi32, #tpu.memory_space<vmem>>[vector<16xi32>], vector<16xi32>, vector<16xi1>
          %all_reduce_population_count3A_355 = tpu.all_reduce %lt3A_345 {dim = 0 : i64, kind = #tpu.reduction_kind<sum>} : vector<16xi1> -> vector<16xi32>
          %add3A_356 = arith.addi %add3A_333, %all_reduce_population_count3A_355 : vector<16xi32>
          %add3A_357 = arith.constant 16 : i32
          %add3A_358 = vector.broadcast %add3A_357 : i32 to vector<16xi32>
          %add3A_359 = arith.addi %add3A_336, %add3A_358 : vector<16xi32>
          %scan3A_360 = arith.constant 10 : i32
          %scan3A_361 = arith.addi %scan3A_133, %scan3A_360 : i32
          %gather3A_362 = tpu.vector_load_idx %arg7[%add3A_359] : memref<16384xi32, #tpu.memory_space<vmem>>[vector<16xi32>], vector<16xi32>,
          %sub3A_363 = arith.constant 99840 : i32
          %sub3A_364 = vector.broadcast %sub3A_363 : i32 to vector<16xi32>
          %sub3A_365 = arith.subi %gather3A_362, %sub3A_364 : vector<16xi32>
          %lt3A_366 = arith.constant 128 : i32
          %lt3A_367 = vector.broadcast %lt3A_366 : i32 to vector<16xi32>
          %lt3A_368 = arith.cmpi ult, %sub3A_365, %lt3A_367 : vector<16xi32>
          %convert_element_type3A_369 = arith.extui %lt3A_368 : vector<16xi1> to vector<16xi32>
          %broadcast_in_dim3A_370 = arith.constant true
          %broadcast_in_dim3A_371 = vector.broadcast %broadcast_in_dim3A_370 : i1 to vector<16xi1>
          %masked_cumsum3A_372 = tpu.scan <sum>, %convert_element_type3A_369 masked %broadcast_in_dim3A_371 : vector<16xi32>, vector<16xi1> -> vector<16xi32>
          %add3A_373 = arith.addi %add3A_356, %masked_cumsum3A_372 : vector<16xi32>
          %add3A_374 = arith.addi %sub3A_365, %mul3A_46 : vector<16xi32>
          tpu.vector_store_idx %arg10[%add3A_373], %add3A_374 masked %lt3A_368 : memref<4160xi32, #tpu.memory_space<vmem>>[vector<16xi32>], vector<16xi32>, vector<16xi1>
          %shift_right_logical3A_375 = arith.constant 1 : i32
          %shift_right_logical3A_376 = vector.broadcast %shift_right_logical3A_375 : i32 to vector<16xi32>
          %shift_right_logical3A_377 = arith.shrui %add3A_359, %shift_right_logical3A_376 : vector<16xi32>
          tpu.vector_store_idx %arg9[%add3A_373], %shift_right_logical3A_377 masked %lt3A_368 : memref<4160xi32, #tpu.memory_space<vmem>>[vector<16xi32>], vector<16xi32>, vector<16xi1>
          %all_reduce_population_count3A_378 = tpu.all_reduce %lt3A_368 {dim = 0 : i64, kind = #tpu.reduction_kind<sum>} : vector<16xi1> -> vector<16xi32>
          %add3A_379 = arith.addi %add3A_356, %all_reduce_population_count3A_378 : vector<16xi32>
          %add3A_380 = arith.constant 16 : i32
          %add3A_381 = vector.broadcast %add3A_380 : i32 to vector<16xi32>
          %add3A_382 = arith.addi %add3A_359, %add3A_381 : vector<16xi32>
          %scan3A_383 = arith.constant 11 : i32
          %scan3A_384 = arith.addi %scan3A_133, %scan3A_383 : i32
          %gather3A_385 = tpu.vector_load_idx %arg7[%add3A_382] : memref<16384xi32, #tpu.memory_space<vmem>>[vector<16xi32>], vector<16xi32>,
          %sub3A_386 = arith.constant 99840 : i32
          %sub3A_387 = vector.broadcast %sub3A_386 : i32 to vector<16xi32>
          %sub3A_388 = arith.subi %gather3A_385, %sub3A_387 : vector<16xi32>
          %lt3A_389 = arith.constant 128 : i32
          %lt3A_390 = vector.broadcast %lt3A_389 : i32 to vector<16xi32>
          %lt3A_391 = arith.cmpi ult, %sub3A_388, %lt3A_390 : vector<16xi32>
          %convert_element_type3A_392 = arith.extui %lt3A_391 : vector<16xi1> to vector<16xi32>
          %broadcast_in_dim3A_393 = arith.constant true
          %broadcast_in_dim3A_394 = vector.broadcast %broadcast_in_dim3A_393 : i1 to vector<16xi1>
          %masked_cumsum3A_395 = tpu.scan <sum>, %convert_element_type3A_392 masked %broadcast_in_dim3A_394 : vector<16xi32>, vector<16xi1> -> vector<16xi32>
          %add3A_396 = arith.addi %add3A_379, %masked_cumsum3A_395 : vector<16xi32>
          %add3A_397 = arith.addi %sub3A_388, %mul3A_46 : vector<16xi32>
          tpu.vector_store_idx %arg10[%add3A_396], %add3A_397 masked %lt3A_391 : memref<4160xi32, #tpu.memory_space<vmem>>[vector<16xi32>], vector<16xi32>, vector<16xi1>
          %shift_right_logical3A_398 = arith.constant 1 : i32
          %shift_right_logical3A_399 = vector.broadcast %shift_right_logical3A_398 : i32 to vector<16xi32>
          %shift_right_logical3A_400 = arith.shrui %add3A_382, %shift_right_logical3A_399 : vector<16xi32>
          tpu.vector_store_idx %arg9[%add3A_396], %shift_right_logical3A_400 masked %lt3A_391 : memref<4160xi32, #tpu.memory_space<vmem>>[vector<16xi32>], vector<16xi32>, vector<16xi1>
          %all_reduce_population_count3A_401 = tpu.all_reduce %lt3A_391 {dim = 0 : i64, kind = #tpu.reduction_kind<sum>} : vector<16xi1> -> vector<16xi32>
          %add3A_402 = arith.addi %add3A_379, %all_reduce_population_count3A_401 : vector<16xi32>
          %add3A_403 = arith.constant 16 : i32
          %add3A_404 = vector.broadcast %add3A_403 : i32 to vector<16xi32>
          %add3A_405 = arith.addi %add3A_382, %add3A_404 : vector<16xi32>
          %scan3A_406 = arith.constant 12 : i32
          %scan3A_407 = arith.addi %scan3A_133, %scan3A_406 : i32
          %gather3A_408 = tpu.vector_load_idx %arg7[%add3A_405] : memref<16384xi32, #tpu.memory_space<vmem>>[vector<16xi32>], vector<16xi32>,
          %sub3A_409 = arith.constant 99840 : i32
          %sub3A_410 = vector.broadcast %sub3A_409 : i32 to vector<16xi32>
          %sub3A_411 = arith.subi %gather3A_408, %sub3A_410 : vector<16xi32>
          %lt3A_412 = arith.constant 128 : i32
          %lt3A_413 = vector.broadcast %lt3A_412 : i32 to vector<16xi32>
          %lt3A_414 = arith.cmpi ult, %sub3A_411, %lt3A_413 : vector<16xi32>
          %convert_element_type3A_415 = arith.extui %lt3A_414 : vector<16xi1> to vector<16xi32>
          %broadcast_in_dim3A_416 = arith.constant true
          %broadcast_in_dim3A_417 = vector.broadcast %broadcast_in_dim3A_416 : i1 to vector<16xi1>
          %masked_cumsum3A_418 = tpu.scan <sum>, %convert_element_type3A_415 masked %broadcast_in_dim3A_417 : vector<16xi32>, vector<16xi1> -> vector<16xi32>
          %add3A_419 = arith.addi %add3A_402, %masked_cumsum3A_418 : vector<16xi32>
          %add3A_420 = arith.addi %sub3A_411, %mul3A_46 : vector<16xi32>
          tpu.vector_store_idx %arg10[%add3A_419], %add3A_420 masked %lt3A_414 : memref<4160xi32, #tpu.memory_space<vmem>>[vector<16xi32>], vector<16xi32>, vector<16xi1>
          %shift_right_logical3A_421 = arith.constant 1 : i32
          %shift_right_logical3A_422 = vector.broadcast %shift_right_logical3A_421 : i32 to vector<16xi32>
          %shift_right_logical3A_423 = arith.shrui %add3A_405, %shift_right_logical3A_422 : vector<16xi32>
          tpu.vector_store_idx %arg9[%add3A_419], %shift_right_logical3A_423 masked %lt3A_414 : memref<4160xi32, #tpu.memory_space<vmem>>[vector<16xi32>], vector<16xi32>, vector<16xi1>
          %all_reduce_population_count3A_424 = tpu.all_reduce %lt3A_414 {dim = 0 : i64, kind = #tpu.reduction_kind<sum>} : vector<16xi1> -> vector<16xi32>
          %add3A_425 = arith.addi %add3A_402, %all_reduce_population_count3A_424 : vector<16xi32>
          %add3A_426 = arith.constant 16 : i32
          %add3A_427 = vector.broadcast %add3A_426 : i32 to vector<16xi32>
          %add3A_428 = arith.addi %add3A_405, %add3A_427 : vector<16xi32>
          %scan3A_429 = arith.constant 13 : i32
          %scan3A_430 = arith.addi %scan3A_133, %scan3A_429 : i32
          %gather3A_431 = tpu.vector_load_idx %arg7[%add3A_428] : memref<16384xi32, #tpu.memory_space<vmem>>[vector<16xi32>], vector<16xi32>,
          %sub3A_432 = arith.constant 99840 : i32
          %sub3A_433 = vector.broadcast %sub3A_432 : i32 to vector<16xi32>
          %sub3A_434 = arith.subi %gather3A_431, %sub3A_433 : vector<16xi32>
          %lt3A_435 = arith.constant 128 : i32
          %lt3A_436 = vector.broadcast %lt3A_435 : i32 to vector<16xi32>
          %lt3A_437 = arith.cmpi ult, %sub3A_434, %lt3A_436 : vector<16xi32>
          %convert_element_type3A_438 = arith.extui %lt3A_437 : vector<16xi1> to vector<16xi32>
          %broadcast_in_dim3A_439 = arith.constant true
          %broadcast_in_dim3A_440 = vector.broadcast %broadcast_in_dim3A_439 : i1 to vector<16xi1>
          %masked_cumsum3A_441 = tpu.scan <sum>, %convert_element_type3A_438 masked %broadcast_in_dim3A_440 : vector<16xi32>, vector<16xi1> -> vector<16xi32>
          %add3A_442 = arith.addi %add3A_425, %masked_cumsum3A_441 : vector<16xi32>
          %add3A_443 = arith.addi %sub3A_434, %mul3A_46 : vector<16xi32>
          tpu.vector_store_idx %arg10[%add3A_442], %add3A_443 masked %lt3A_437 : memref<4160xi32, #tpu.memory_space<vmem>>[vector<16xi32>], vector<16xi32>, vector<16xi1>
          %shift_right_logical3A_444 = arith.constant 1 : i32
          %shift_right_logical3A_445 = vector.broadcast %shift_right_logical3A_444 : i32 to vector<16xi32>
          %shift_right_logical3A_446 = arith.shrui %add3A_428, %shift_right_logical3A_445 : vector<16xi32>
          tpu.vector_store_idx %arg9[%add3A_442], %shift_right_logical3A_446 masked %lt3A_437 : memref<4160xi32, #tpu.memory_space<vmem>>[vector<16xi32>], vector<16xi32>, vector<16xi1>
          %all_reduce_population_count3A_447 = tpu.all_reduce %lt3A_437 {dim = 0 : i64, kind = #tpu.reduction_kind<sum>} : vector<16xi1> -> vector<16xi32>
          %add3A_448 = arith.addi %add3A_425, %all_reduce_population_count3A_447 : vector<16xi32>
          %add3A_449 = arith.constant 16 : i32
          %add3A_450 = vector.broadcast %add3A_449 : i32 to vector<16xi32>
          %add3A_451 = arith.addi %add3A_428, %add3A_450 : vector<16xi32>
          %scan3A_452 = arith.constant 14 : i32
          %scan3A_453 = arith.addi %scan3A_133, %scan3A_452 : i32
          %gather3A_454 = tpu.vector_load_idx %arg7[%add3A_451] : memref<16384xi32, #tpu.memory_space<vmem>>[vector<16xi32>], vector<16xi32>,
          %sub3A_455 = arith.constant 99840 : i32
          %sub3A_456 = vector.broadcast %sub3A_455 : i32 to vector<16xi32>
          %sub3A_457 = arith.subi %gather3A_454, %sub3A_456 : vector<16xi32>
          %lt3A_458 = arith.constant 128 : i32
          %lt3A_459 = vector.broadcast %lt3A_458 : i32 to vector<16xi32>
          %lt3A_460 = arith.cmpi ult, %sub3A_457, %lt3A_459 : vector<16xi32>
          %convert_element_type3A_461 = arith.extui %lt3A_460 : vector<16xi1> to vector<16xi32>
          %broadcast_in_dim3A_462 = arith.constant true
          %broadcast_in_dim3A_463 = vector.broadcast %broadcast_in_dim3A_462 : i1 to vector<16xi1>
          %masked_cumsum3A_464 = tpu.scan <sum>, %convert_element_type3A_461 masked %broadcast_in_dim3A_463 : vector<16xi32>, vector<16xi1> -> vector<16xi32>
          %add3A_465 = arith.addi %add3A_448, %masked_cumsum3A_464 : vector<16xi32>
          %add3A_466 = arith.addi %sub3A_457, %mul3A_46 : vector<16xi32>
          tpu.vector_store_idx %arg10[%add3A_465], %add3A_466 masked %lt3A_460 : memref<4160xi32, #tpu.memory_space<vmem>>[vector<16xi32>], vector<16xi32>, vector<16xi1>
          %shift_right_logical3A_467 = arith.constant 1 : i32
          %shift_right_logical3A_468 = vector.broadcast %shift_right_logical3A_467 : i32 to vector<16xi32>
          %shift_right_logical3A_469 = arith.shrui %add3A_451, %shift_right_logical3A_468 : vector<16xi32>
          tpu.vector_store_idx %arg9[%add3A_465], %shift_right_logical3A_469 masked %lt3A_460 : memref<4160xi32, #tpu.memory_space<vmem>>[vector<16xi32>], vector<16xi32>, vector<16xi1>
          %all_reduce_population_count3A_470 = tpu.all_reduce %lt3A_460 {dim = 0 : i64, kind = #tpu.reduction_kind<sum>} : vector<16xi1> -> vector<16xi32>
          %add3A_471 = arith.addi %add3A_448, %all_reduce_population_count3A_470 : vector<16xi32>
          %add3A_472 = arith.constant 16 : i32
          %add3A_473 = vector.broadcast %add3A_472 : i32 to vector<16xi32>
          %add3A_474 = arith.addi %add3A_451, %add3A_473 : vector<16xi32>
          %scan3A_475 = arith.constant 15 : i32
          %scan3A_476 = arith.addi %scan3A_133, %scan3A_475 : i32
          %gather3A_477 = tpu.vector_load_idx %arg7[%add3A_474] : memref<16384xi32, #tpu.memory_space<vmem>>[vector<16xi32>], vector<16xi32>,
          %sub3A_478 = arith.constant 99840 : i32
          %sub3A_479 = vector.broadcast %sub3A_478 : i32 to vector<16xi32>
          %sub3A_480 = arith.subi %gather3A_477, %sub3A_479 : vector<16xi32>
          %lt3A_481 = arith.constant 128 : i32
          %lt3A_482 = vector.broadcast %lt3A_481 : i32 to vector<16xi32>
          %lt3A_483 = arith.cmpi ult, %sub3A_480, %lt3A_482 : vector<16xi32>
          %convert_element_type3A_484 = arith.extui %lt3A_483 : vector<16xi1> to vector<16xi32>
          %broadcast_in_dim3A_485 = arith.constant true
          %broadcast_in_dim3A_486 = vector.broadcast %broadcast_in_dim3A_485 : i1 to vector<16xi1>
          %masked_cumsum3A_487 = tpu.scan <sum>, %convert_element_type3A_484 masked %broadcast_in_dim3A_486 : vector<16xi32>, vector<16xi1> -> vector<16xi32>
          %add3A_488 = arith.addi %add3A_471, %masked_cumsum3A_487 : vector<16xi32>
          %add3A_489 = arith.addi %sub3A_480, %mul3A_46 : vector<16xi32>
          tpu.vector_store_idx %arg10[%add3A_488], %add3A_489 masked %lt3A_483 : memref<4160xi32, #tpu.memory_space<vmem>>[vector<16xi32>], vector<16xi32>, vector<16xi1>
          %shift_right_logical3A_490 = arith.constant 1 : i32
          %shift_right_logical3A_491 = vector.broadcast %shift_right_logical3A_490 : i32 to vector<16xi32>
          %shift_right_logical3A_492 = arith.shrui %add3A_474, %shift_right_logical3A_491 : vector<16xi32>
          tpu.vector_store_idx %arg9[%add3A_488], %shift_right_logical3A_492 masked %lt3A_483 : memref<4160xi32, #tpu.memory_space<vmem>>[vector<16xi32>], vector<16xi32>, vector<16xi1>
          %all_reduce_population_count3A_493 = tpu.all_reduce %lt3A_483 {dim = 0 : i64, kind = #tpu.reduction_kind<sum>} : vector<16xi1> -> vector<16xi32>
          %add3A_494 = arith.addi %add3A_471, %all_reduce_population_count3A_493 : vector<16xi32>
          %add3A_495 = arith.constant 16 : i32
          %add3A_496 = vector.broadcast %add3A_495 : i32 to vector<16xi32>
          %add3A_497 = arith.addi %add3A_474, %add3A_496 : vector<16xi32>
          scf.yield %add3A_494, %add3A_497 : vector<16xi32>, vector<16xi32>
        }
        %scan3A_58 = arith.constant 128 : i32
        %sub3A_59 = arith.subi %scan3A_57#0, %broadcast_in_dim3A_50 : vector<16xi32>
        %mul3A_60 = arith.constant 2080 : i32
        %mul3A_61 = arith.muli %and3A_38, %mul3A_60 : i32
        %add3A_62 = vector.broadcast %mul3A_61 : i32 to vector<16xi32>
        %add3A_63 = arith.addi %add3A_62, %sub3A_59 : vector<16xi32>
        %add3A_64 = arith.constant 0 : i32
        %add3A_65 = vector.broadcast %add3A_64 : i32 to vector<16xi32>
        %add3A_66 = arith.addi %add3A_63, %add3A_65 : vector<16xi32>
        %add3A_67 = arith.addi %add3A_66, %iota3A : vector<16xi32>
        %broadcast_in_dim3A_68 = arith.constant 1280 : i32
        %broadcast_in_dim3A_69 = vector.broadcast %broadcast_in_dim3A_68 : i32 to vector<16xi32>
        %add3A_70 = arith.addi %broadcast_in_dim3A_69, %iota3A : vector<16xi32>
        tpu.vector_store_idx %arg10[%add3A_67], %add3A_70 : memref<4160xi32, #tpu.memory_space<vmem>>[vector<16xi32>], vector<16xi32>,
        %mul3A_71 = arith.constant 256 : i32
        %mul3A_72 = arith.muli %add3A, %mul3A_71 : i32
        %add3A_73 = arith.constant 0 : i32
        %add3A_74 = arith.addi %mul3A_72, %add3A_73 : i32
        %add3A_75 = vector.broadcast %add3A_74 : i32 to vector<16xi32>
        %add3A_76 = arith.addi %add3A_75, %iota3A : vector<16xi32>
        %mul3A_77 = arith.constant 2080 : i32
        %mul3A_78 = arith.muli %and3A_38, %mul3A_77 : i32
        %add3A_79 = vector.broadcast %mul3A_78 : i32 to vector<16xi32>
        %add3A_80 = arith.addi %add3A_79, %sub3A_59 : vector<16xi32>
        %add3A_81 = arith.constant 0 : i32
        %add3A_82 = vector.broadcast %add3A_81 : i32 to vector<16xi32>
        %add3A_83 = arith.addi %add3A_80, %add3A_82 : vector<16xi32>
        %add3A_84 = arith.addi %add3A_83, %iota3A : vector<16xi32>
        tpu.vector_store_idx %arg9[%add3A_84], %add3A_76 : memref<4160xi32, #tpu.memory_space<vmem>>[vector<16xi32>], vector<16xi32>,
        %mul3A_85 = arith.constant 2080 : i32
        %mul3A_86 = arith.muli %and3A_38, %mul3A_85 : i32
        %add3A_87 = vector.broadcast %mul3A_86 : i32 to vector<16xi32>
        %add3A_88 = arith.addi %add3A_87, %sub3A_59 : vector<16xi32>
        %add3A_89 = arith.constant 16 : i32
        %add3A_90 = vector.broadcast %add3A_89 : i32 to vector<16xi32>
        %add3A_91 = arith.addi %add3A_88, %add3A_90 : vector<16xi32>
        %add3A_92 = arith.addi %add3A_91, %iota3A : vector<16xi32>
        %broadcast_in_dim3A_93 = arith.constant 1280 : i32
        %broadcast_in_dim3A_94 = vector.broadcast %broadcast_in_dim3A_93 : i32 to vector<16xi32>
        %add3A_95 = arith.addi %broadcast_in_dim3A_94, %iota3A : vector<16xi32>
        tpu.vector_store_idx %arg10[%add3A_92], %add3A_95 : memref<4160xi32, #tpu.memory_space<vmem>>[vector<16xi32>], vector<16xi32>,
        %mul3A_96 = arith.constant 256 : i32
        %mul3A_97 = arith.muli %add3A, %mul3A_96 : i32
        %add3A_98 = arith.constant 16 : i32
        %add3A_99 = arith.addi %mul3A_97, %add3A_98 : i32
        %add3A_100 = vector.broadcast %add3A_99 : i32 to vector<16xi32>
        %add3A_101 = arith.addi %add3A_100, %iota3A : vector<16xi32>
        %mul3A_102 = arith.constant 2080 : i32
        %mul3A_103 = arith.muli %and3A_38, %mul3A_102 : i32
        %add3A_104 = vector.broadcast %mul3A_103 : i32 to vector<16xi32>
        %add3A_105 = arith.addi %add3A_104, %sub3A_59 : vector<16xi32>
        %add3A_106 = arith.constant 16 : i32
        %add3A_107 = vector.broadcast %add3A_106 : i32 to vector<16xi32>
        %add3A_108 = arith.addi %add3A_105, %add3A_107 : vector<16xi32>
        %add3A_109 = arith.addi %add3A_108, %iota3A : vector<16xi32>
        tpu.vector_store_idx %arg9[%add3A_109], %add3A_101 : memref<4160xi32, #tpu.memory_space<vmem>>[vector<16xi32>], vector<16xi32>,
        %mul3A_110 = arith.constant 2080 : i32
        %mul3A_111 = arith.muli %and3A_38, %mul3A_110 : i32
        %dma_start3A = arith.constant 0 : i32
        %dma_start3A_112 = arith.constant 0 : i32
        %dma_start3A_113 = tpu.memref_slice %arg8[%and3A_38, %dma_start3A, %dma_start3A_112] : memref<2x32x128xf32, #tpu.memory_space<vmem>> -> memref<1x32x128xf32, #tpu.memory_space<vmem>>
        %dma_start3A_114 = tpu.memref_squeeze %dma_start3A_113 : memref<1x32x128xf32, #tpu.memory_space<vmem>> -> memref<32x128xf32, #tpu.memory_space<vmem>>
        %dma_start3A_115 = tpu.memref_slice %arg9[%mul3A_111] : memref<4160xi32, #tpu.memory_space<vmem>> -> memref<32xi32, #tpu.memory_space<vmem>>
        %dma_start3A_116 = arith.constant 0 : i32
        %dma_start3A_117 = arith.constant 0 : i32
        %dma_start3A_118 = tpu.memref_slice %arg4[%dma_start3A_116, %dma_start3A_117] : memref<8192x128xf32, #tpu.memory_space<hbm>> -> memref<8192x128xf32, #tpu.memory_space<hbm>>
        tpu.enqueue_indirect_dma source(%dma_start3A_118 : memref<8192x128xf32, #tpu.memory_space<hbm>>) target(%dma_start3A_114 : memref<32x128xf32, #tpu.memory_space<vmem>>) offsets(%dma_start3A_115 : memref<32xi32, #tpu.memory_space<vmem>>) semaphore(%arg12 : memref<!tpu.dma_semaphore, #tpu.memory_space<semaphore_mem>>)
        %eq3A_119 = arith.constant 0 : i32
        %eq3A_120 = arith.cmpi eq, %scan3A_36, %eq3A_119 : i32
        %convert_element_type3A_121 = arith.extui %eq3A_120 : i1 to i32
        %cond3A_122 = arith.constant 0 : i32
        %cond3A_123 = arith.cmpi ne, %convert_element_type3A_121, %cond3A_122 : i32
        scf.if %cond3A_123 {
          %convert_element_type3A_133 = arith.extui %scan3A_13 : i1 to i32
          %cond3A_134 = arith.constant 0 : i32
          %cond3A_135 = arith.cmpi ne, %convert_element_type3A_133, %cond3A_134 : i32
          scf.if %cond3A_135 {
            %dma_wait3A_148 = arith.constant 0 : i32
            %dma_wait3A_149 = arith.constant 0 : i32
            %dma_wait3A_150 = tpu.memref_slice %arg6[%dma_wait3A_148, %dma_wait3A_149] : memref<64x1296xf32, #tpu.memory_space<vmem>> -> memref<64x1280xf32, #tpu.memory_space<vmem>>
            %dma_wait3A_151 = arith.constant 0 : i32
            %dma_wait3A_152 = arith.constant 0 : i32
            %dma_wait3A_153 = tpu.memref_slice %arg2[%dma_wait3A_151, %dma_wait3A_152] : memref<64x100000xf32, #tpu.memory_space<hbm>> -> memref<64x1280xf32, #tpu.memory_space<hbm>>
            %dma_wait3A_154 = arith.constant 0 : i32
            %dma_wait3A_155 = arith.constant 0 : i32
            %dma_wait3A_156 = tpu.memref_slice %arg6[%dma_wait3A_154, %dma_wait3A_155] : memref<64x1296xf32, #tpu.memory_space<vmem>> -> memref<64x1280xf32, #tpu.memory_space<vmem>>
            %dma_wait3A_157 = arith.constant 0 : i32
            %dma_wait3A_158 = arith.constant 0 : i32
            %dma_wait3A_159 = tpu.memref_slice %arg2[%dma_wait3A_157, %dma_wait3A_158] : memref<64x100000xf32, #tpu.memory_space<hbm>> -> memref<64x1280xf32, #tpu.memory_space<hbm>>
            tpu.wait_dma2 semaphore(%arg13 : memref<!tpu.dma_semaphore, #tpu.memory_space<semaphore_mem>>) src(%dma_wait3A_159 : memref<64x1280xf32, #tpu.memory_space<hbm>>) dst(%dma_wait3A_156 : memref<64x1280xf32, #tpu.memory_space<vmem>>)
          } else {
          }
          %dma_start3A_136 = arith.constant 0 : i32
          %dma_start3A_137 = arith.constant 0 : i32
          %dma_start3A_138 = tpu.memref_slice %arg6[%dma_start3A_136, %dma_start3A_137] : memref<64x1296xf32, #tpu.memory_space<vmem>> -> memref<64x128xf32, #tpu.memory_space<vmem>>
          %dma_start3A_139 = arith.constant 0 : i32
          %dma_start3A_140 = arith.constant 99840 : i32
          %dma_start3A_141 = tpu.memref_slice %arg2[%dma_start3A_139, %dma_start3A_140] : memref<64x100000xf32, #tpu.memory_space<hbm>> -> memref<64x128xf32, #tpu.memory_space<hbm>>
          %dma_start3A_142 = arith.constant 0 : i32
          %dma_start3A_143 = arith.constant 0 : i32
          %dma_start3A_144 = tpu.memref_slice %arg6[%dma_start3A_142, %dma_start3A_143] : memref<64x1296xf32, #tpu.memory_space<vmem>> -> memref<64x128xf32, #tpu.memory_space<vmem>>
          %dma_start3A_145 = arith.constant 0 : i32
          %dma_start3A_146 = arith.constant 99840 : i32
          %dma_start3A_147 = tpu.memref_slice %arg2[%dma_start3A_145, %dma_start3A_146] : memref<64x100000xf32, #tpu.memory_space<hbm>> -> memref<64x128xf32, #tpu.memory_space<hbm>>
          tpu.enqueue_dma source(%dma_start3A_147 : memref<64x128xf32, #tpu.memory_space<hbm>>) target(%dma_start3A_144 : memref<64x128xf32, #tpu.memory_space<vmem>>) target_semaphore(%arg11 : memref<!tpu.dma_semaphore, #tpu.memory_space<semaphore_mem>>)
        } else {
        }
        %eq3A_124 = arith.constant 1 : i32
        %eq3A_125 = arith.cmpi eq, %scan3A_36, %eq3A_124 : i32
        %convert_element_type3A_126 = arith.extui %eq3A_125 : i1 to i32
        %cond3A_127 = arith.constant 0 : i32
        %cond3A_128 = arith.cmpi ne, %convert_element_type3A_126, %cond3A_127 : i32
        scf.if %cond3A_128 {
          %dma_wait3A_133 = arith.constant 0 : i32
          %dma_wait3A_134 = arith.constant 0 : i32
          %dma_wait3A_135 = tpu.memref_slice %arg6[%dma_wait3A_133, %dma_wait3A_134] : memref<64x1296xf32, #tpu.memory_space<vmem>> -> memref<64x128xf32, #tpu.memory_space<vmem>>
          %dma_wait3A_136 = arith.constant 0 : i32
          %dma_wait3A_137 = arith.constant 99840 : i32
          %dma_wait3A_138 = tpu.memref_slice %arg2[%dma_wait3A_136, %dma_wait3A_137] : memref<64x100000xf32, #tpu.memory_space<hbm>> -> memref<64x128xf32, #tpu.memory_space<hbm>>
          %dma_wait3A_139 = arith.constant 0 : i32
          %dma_wait3A_140 = arith.constant 0 : i32
          %dma_wait3A_141 = tpu.memref_slice %arg6[%dma_wait3A_139, %dma_wait3A_140] : memref<64x1296xf32, #tpu.memory_space<vmem>> -> memref<64x128xf32, #tpu.memory_space<vmem>>
          %dma_wait3A_142 = arith.constant 0 : i32
          %dma_wait3A_143 = arith.constant 99840 : i32
          %dma_wait3A_144 = tpu.memref_slice %arg2[%dma_wait3A_142, %dma_wait3A_143] : memref<64x100000xf32, #tpu.memory_space<hbm>> -> memref<64x128xf32, #tpu.memory_space<hbm>>
          tpu.wait_dma2 semaphore(%arg11 : memref<!tpu.dma_semaphore, #tpu.memory_space<semaphore_mem>>) src(%dma_wait3A_144 : memref<64x128xf32, #tpu.memory_space<hbm>>) dst(%dma_wait3A_141 : memref<64x128xf32, #tpu.memory_space<vmem>>)
        } else {
        }
        %gt3A = arith.constant 0 : i32
        %gt3A_129 = arith.cmpi sgt, %scan3A_36, %gt3A : i32
        %convert_element_type3A_130 = arith.extui %gt3A_129 : i1 to i32
        %cond3A_131 = arith.constant 0 : i32
        %cond3A_132 = arith.cmpi ne, %convert_element_type3A_130, %cond3A_131 : i32
        scf.if %cond3A_132 {
          %sub3A_133 = arith.constant 1 : i32
          %sub3A_134 = arith.subi %sub3A_133, %and3A_38 : i32
          %mul3A_135 = arith.constant 2080 : i32
          %mul3A_136 = arith.muli %sub3A_134, %mul3A_135 : i32
          %dma_wait3A_137 = arith.constant 0 : i32
          %dma_wait3A_138 = arith.constant 0 : i32
          %dma_wait3A_139 = tpu.memref_slice %arg8[%sub3A_134, %dma_wait3A_137, %dma_wait3A_138] : memref<2x32x128xf32, #tpu.memory_space<vmem>> -> memref<1x32x128xf32, #tpu.memory_space<vmem>>
          %dma_wait3A_140 = tpu.memref_squeeze %dma_wait3A_139 : memref<1x32x128xf32, #tpu.memory_space<vmem>> -> memref<32x128xf32, #tpu.memory_space<vmem>>
          %dma_wait3A_141 = tpu.memref_slice %arg9[%mul3A_136] : memref<4160xi32, #tpu.memory_space<vmem>> -> memref<32xi32, #tpu.memory_space<vmem>>
          %dma_wait3A_142 = arith.constant 0 : i32
          %dma_wait3A_143 = arith.constant 0 : i32
          %dma_wait3A_144 = tpu.memref_slice %arg4[%dma_wait3A_142, %dma_wait3A_143] : memref<8192x128xf32, #tpu.memory_space<hbm>> -> memref<8192x128xf32, #tpu.memory_space<hbm>>
          tpu.wait_indirect_dma semaphore(%arg12 : memref<!tpu.dma_semaphore, #tpu.memory_space<semaphore_mem>>) src(%dma_wait3A_144 : memref<8192x128xf32, #tpu.memory_space<hbm>>) dst(%dma_wait3A_140 : memref<32x128xf32, #tpu.memory_space<vmem>>)
          %while3A_145 = arith.constant 0 : i32
          %while3A_146 = scf.while (%while3A_147 = %while3A_145) : (i32) -> i32 {
            %mul3A_148 = arith.constant 32 : i32
            %mul3A_149 = arith.muli %while3A_147, %mul3A_148 : i32
            %gt3A_150 = vector.broadcast %mul3A_149 : i32 to vector<16xi32>
            %gt3A_151 = arith.cmpi sgt, %scan3A_37, %gt3A_150 : vector<16xi32>
            %reduce_or3A = arith.constant 1.000000e+00 : f32
            %reduce_or3A_152 = arith.constant 0.000000e+00 : f32
            %reduce_or3A_153 = vector.broadcast %reduce_or3A : f32 to vector<16xf32>
            %reduce_or3A_154 = vector.broadcast %reduce_or3A_152 : f32 to vector<16xf32>
            %reduce_or3A_155 = arith.select %gt3A_151, %reduce_or3A_153, %reduce_or3A_154 : vector<16xi1>, vector<16xf32>
            %reduce_or3A_156 = arith.constant true
            %reduce_or3A_157 = vector.broadcast %reduce_or3A_156 : i1 to vector<16xi1>
            %reduce_or3A_158 = tpu.scan <max>, %reduce_or3A_155 masked %reduce_or3A_157 : vector<16xf32>, vector<16xi1> -> vector<16xf32>
            %reduce_or3A_159 = vector.extract %reduce_or3A_158[15] : f32 from vector<16xf32>
            %reduce_or3A_160 = arith.constant 0.000000e+00 : f32
            %reduce_or3A_161 = arith.cmpf ogt, %reduce_or3A_159, %reduce_or3A_160 : f32
            scf.condition(%reduce_or3A_161) %while3A_147 : i32
          } do {
          ^bb0(%while3A_147: i32):
            %gt3A_148 = arith.constant 0 : i32
            %gt3A_149 = arith.cmpi sgt, %while3A_147, %gt3A_148 : i32
            %convert_element_type3A_150 = arith.extui %gt3A_149 : i1 to i32
            %cond3A_151 = arith.constant 0 : i32
            %cond3A_152 = arith.cmpi ne, %convert_element_type3A_150, %cond3A_151 : i32
            scf.if %cond3A_152 {
              %mul3A_161 = arith.constant 2080 : i32
              %mul3A_162 = arith.muli %sub3A_134, %mul3A_161 : i32
              %mul3A_163 = arith.constant 32 : i32
              %mul3A_164 = arith.muli %while3A_147, %mul3A_163 : i32
              %add3A_165 = arith.addi %mul3A_162, %mul3A_164 : i32
              "tpu.region"() ({
                %run_scoped3A = tpu.sem_alloc : memref<!tpu.dma_semaphore, #tpu.memory_space<semaphore_mem>>
                %dma_start3A_166 = arith.constant 0 : i32
                %dma_start3A_167 = arith.constant 0 : i32
                %dma_start3A_168 = tpu.memref_slice %arg8[%sub3A_134, %dma_start3A_166, %dma_start3A_167] : memref<2x32x128xf32, #tpu.memory_space<vmem>> -> memref<1x32x128xf32, #tpu.memory_space<vmem>>
                %dma_start3A_169 = tpu.memref_squeeze %dma_start3A_168 : memref<1x32x128xf32, #tpu.memory_space<vmem>> -> memref<32x128xf32, #tpu.memory_space<vmem>>
                %dma_start3A_170 = tpu.memref_slice %arg9[%add3A_165] : memref<4160xi32, #tpu.memory_space<vmem>> -> memref<32xi32, #tpu.memory_space<vmem>>
                %dma_start3A_171 = arith.constant 0 : i32
                %dma_start3A_172 = arith.constant 0 : i32
                %dma_start3A_173 = tpu.memref_slice %arg4[%dma_start3A_171, %dma_start3A_172] : memref<8192x128xf32, #tpu.memory_space<hbm>> -> memref<8192x128xf32, #tpu.memory_space<hbm>>
                tpu.enqueue_indirect_dma source(%dma_start3A_173 : memref<8192x128xf32, #tpu.memory_space<hbm>>) target(%dma_start3A_169 : memref<32x128xf32, #tpu.memory_space<vmem>>) offsets(%dma_start3A_170 : memref<32xi32, #tpu.memory_space<vmem>>) semaphore(%run_scoped3A : memref<!tpu.dma_semaphore, #tpu.memory_space<semaphore_mem>>)
                %dma_wait3A_174 = arith.constant 0 : i32
                %dma_wait3A_175 = arith.constant 0 : i32
                %dma_wait3A_176 = tpu.memref_slice %arg8[%sub3A_134, %dma_wait3A_174, %dma_wait3A_175] : memref<2x32x128xf32, #tpu.memory_space<vmem>> -> memref<1x32x128xf32, #tpu.memory_space<vmem>>
                %dma_wait3A_177 = tpu.memref_squeeze %dma_wait3A_176 : memref<1x32x128xf32, #tpu.memory_space<vmem>> -> memref<32x128xf32, #tpu.memory_space<vmem>>
                %dma_wait3A_178 = tpu.memref_slice %arg9[%add3A_165] : memref<4160xi32, #tpu.memory_space<vmem>> -> memref<32xi32, #tpu.memory_space<vmem>>
                %dma_wait3A_179 = arith.constant 0 : i32
                %dma_wait3A_180 = arith.constant 0 : i32
                %dma_wait3A_181 = tpu.memref_slice %arg4[%dma_wait3A_179, %dma_wait3A_180] : memref<8192x128xf32, #tpu.memory_space<hbm>> -> memref<8192x128xf32, #tpu.memory_space<hbm>>
                tpu.wait_indirect_dma semaphore(%run_scoped3A : memref<!tpu.dma_semaphore, #tpu.memory_space<semaphore_mem>>) src(%dma_wait3A_181 : memref<8192x128xf32, #tpu.memory_space<hbm>>) dst(%dma_wait3A_177 : memref<32x128xf32, #tpu.memory_space<vmem>>)
                tpu.yield
              }) : () -> ()
            } else {
            }
            %scan3A_153 = arith.constant 0 : i32
            %scan3A_154 = arith.constant 0 : i32
            %scan3A_155 = arith.constant 32 : i32
            %scan3A_156 = arith.addi %scan3A_154, %scan3A_155 : i32
            %scan3A_157 = arith.constant 4 : i32
            scf.for %scan3A_161 = %scan3A_154 to %scan3A_156 step %scan3A_157  : i32 {
              %mul3A_162 = arith.constant 2080 : i32
              %mul3A_163 = arith.muli %sub3A_134, %mul3A_162 : i32
              %mul3A_164 = arith.constant 32 : i32
              %mul3A_165 = arith.muli %while3A_147, %mul3A_164 : i32
              %add3A_166 = arith.addi %mul3A_163, %mul3A_165 : i32
              %add3A_167 = arith.addi %add3A_166, %scan3A_161 : i32
              %broadcast_in_dim3A_168 = vector.broadcast %add3A_167 : i32 to vector<16xi32>
              %gather3A = tpu.vector_load_idx %arg10[%broadcast_in_dim3A_168] : memref<4160xi32, #tpu.memory_space<vmem>>[vector<16xi32>], vector<16xi32>,
              %and3A_169 = arith.constant 4095 : i32
              %and3A_170 = vector.broadcast %and3A_169 : i32 to vector<16xi32>
              %and3A_171 = arith.andi %gather3A, %and3A_170 : vector<16xi32>
              %shift_right_logical3A = arith.constant 12 : i32
              %shift_right_logical3A_172 = vector.broadcast %shift_right_logical3A : i32 to vector<16xi32>
              %shift_right_logical3A_173 = arith.shrui %gather3A, %shift_right_logical3A_172 : vector<16xi32>
              %mul3A_174 = arith.constant 64 : i32
              %mul3A_175 = vector.broadcast %mul3A_174 : i32 to vector<16xi32>
              %mul3A_176 = arith.muli %shift_right_logical3A_173, %mul3A_175 : vector<16xi32>
              %broadcast_in_dim3A_177 = vector.broadcast %scan3A_161 : i32 to vector<16xi32>
              %add3A_178 = arith.constant 0 : i32
              %add3A_179 = vector.broadcast %add3A_178 : i32 to vector<16xi32>
              %add3A_180 = arith.addi %mul3A_176, %add3A_179 : vector<16xi32>
              %add3A_181 = arith.addi %add3A_180, %iota3A : vector<16xi32>
              %gather3A_182 = arith.constant 0 : i32
              %gather3A_183 = arith.constant 0 : i32
              %gather3A_184 = tpu.memref_slice %arg8[%sub3A_134, %gather3A_182, %gather3A_183] : memref<2x32x128xf32, #tpu.memory_space<vmem>> -> memref<1x32x128xf32, #tpu.memory_space<vmem>>
              %gather3A_185 = tpu.memref_squeeze %gather3A_184 : memref<1x32x128xf32, #tpu.memory_space<vmem>> -> memref<32x128xf32, #tpu.memory_space<vmem>>
              %gather3A_186 = tpu.vector_load_idx %gather3A_185[%broadcast_in_dim3A_177, %add3A_181] : memref<32x128xf32, #tpu.memory_space<vmem>>[vector<16xi32>, vector<16xi32>], vector<16xf32>,
              %add3A_187 = arith.constant 0 : i32
              %add3A_188 = vector.broadcast %add3A_187 : i32 to vector<16xi32>
              %add3A_189 = arith.addi %add3A_188, %iota3A : vector<16xi32>
              tpu.vector_store_idx %arg6[%add3A_189, %and3A_171], %gather3A_186 {add = true} : memref<64x1296xf32, #tpu.memory_space<vmem>>[vector<16xi32>, vector<16xi32>], vector<16xf32>,
              %add3A_190 = arith.constant 16 : i32
              %add3A_191 = vector.broadcast %add3A_190 : i32 to vector<16xi32>
              %add3A_192 = arith.addi %mul3A_176, %add3A_191 : vector<16xi32>
              %add3A_193 = arith.addi %add3A_192, %iota3A : vector<16xi32>
              %gather3A_194 = arith.constant 0 : i32
              %gather3A_195 = arith.constant 0 : i32
              %gather3A_196 = tpu.memref_slice %arg8[%sub3A_134, %gather3A_194, %gather3A_195] : memref<2x32x128xf32, #tpu.memory_space<vmem>> -> memref<1x32x128xf32, #tpu.memory_space<vmem>>
              %gather3A_197 = tpu.memref_squeeze %gather3A_196 : memref<1x32x128xf32, #tpu.memory_space<vmem>> -> memref<32x128xf32, #tpu.memory_space<vmem>>
              %gather3A_198 = tpu.vector_load_idx %gather3A_197[%broadcast_in_dim3A_177, %add3A_193] : memref<32x128xf32, #tpu.memory_space<vmem>>[vector<16xi32>, vector<16xi32>], vector<16xf32>,
              %add3A_199 = arith.constant 16 : i32
              %add3A_200 = vector.broadcast %add3A_199 : i32 to vector<16xi32>
              %add3A_201 = arith.addi %add3A_200, %iota3A : vector<16xi32>
              tpu.vector_store_idx %arg6[%add3A_201, %and3A_171], %gather3A_198 {add = true} : memref<64x1296xf32, #tpu.memory_space<vmem>>[vector<16xi32>, vector<16xi32>], vector<16xf32>,
              %add3A_202 = arith.constant 32 : i32
              %add3A_203 = vector.broadcast %add3A_202 : i32 to vector<16xi32>
              %add3A_204 = arith.addi %mul3A_176, %add3A_203 : vector<16xi32>
              %add3A_205 = arith.addi %add3A_204, %iota3A : vector<16xi32>
              %gather3A_206 = arith.constant 0 : i32
              %gather3A_207 = arith.constant 0 : i32
              %gather3A_208 = tpu.memref_slice %arg8[%sub3A_134, %gather3A_206, %gather3A_207] : memref<2x32x128xf32, #tpu.memory_space<vmem>> -> memref<1x32x128xf32, #tpu.memory_space<vmem>>
              %gather3A_209 = tpu.memref_squeeze %gather3A_208 : memref<1x32x128xf32, #tpu.memory_space<vmem>> -> memref<32x128xf32, #tpu.memory_space<vmem>>
              %gather3A_210 = tpu.vector_load_idx %gather3A_209[%broadcast_in_dim3A_177, %add3A_205] : memref<32x128xf32, #tpu.memory_space<vmem>>[vector<16xi32>, vector<16xi32>], vector<16xf32>,
              %add3A_211 = arith.constant 32 : i32
              %add3A_212 = vector.broadcast %add3A_211 : i32 to vector<16xi32>
              %add3A_213 = arith.addi %add3A_212, %iota3A : vector<16xi32>
              tpu.vector_store_idx %arg6[%add3A_213, %and3A_171], %gather3A_210 {add = true} : memref<64x1296xf32, #tpu.memory_space<vmem>>[vector<16xi32>, vector<16xi32>], vector<16xf32>,
              %add3A_214 = arith.constant 48 : i32
              %add3A_215 = vector.broadcast %add3A_214 : i32 to vector<16xi32>
              %add3A_216 = arith.addi %mul3A_176, %add3A_215 : vector<16xi32>
              %add3A_217 = arith.addi %add3A_216, %iota3A : vector<16xi32>
              %gather3A_218 = arith.constant 0 : i32
              %gather3A_219 = arith.constant 0 : i32
              %gather3A_220 = tpu.memref_slice %arg8[%sub3A_134, %gather3A_218, %gather3A_219] : memref<2x32x128xf32, #tpu.memory_space<vmem>> -> memref<1x32x128xf32, #tpu.memory_space<vmem>>
              %gather3A_221 = tpu.memref_squeeze %gather3A_220 : memref<1x32x128xf32, #tpu.memory_space<vmem>> -> memref<32x128xf32, #tpu.memory_space<vmem>>
              %gather3A_222 = tpu.vector_load_idx %gather3A_221[%broadcast_in_dim3A_177, %add3A_217] : memref<32x128xf32, #tpu.memory_space<vmem>>[vector<16xi32>, vector<16xi32>], vector<16xf32>,
              %add3A_223 = arith.constant 48 : i32
              %add3A_224 = vector.broadcast %add3A_223 : i32 to vector<16xi32>
              %add3A_225 = arith.addi %add3A_224, %iota3A : vector<16xi32>
              tpu.vector_store_idx %arg6[%add3A_225, %and3A_171], %gather3A_222 {add = true} : memref<64x1296xf32, #tpu.memory_space<vmem>>[vector<16xi32>, vector<16xi32>], vector<16xf32>,
              %scan3A_226 = arith.constant 1 : i32
              %scan3A_227 = arith.addi %scan3A_161, %scan3A_226 : i32
              %mul3A_228 = arith.constant 2080 : i32
              %mul3A_229 = arith.muli %sub3A_134, %mul3A_228 : i32
              %mul3A_230 = arith.constant 32 : i32
              %mul3A_231 = arith.muli %while3A_147, %mul3A_230 : i32
              %add3A_232 = arith.addi %mul3A_229, %mul3A_231 : i32
              %add3A_233 = arith.addi %add3A_232, %scan3A_227 : i32
              %broadcast_in_dim3A_234 = vector.broadcast %add3A_233 : i32 to vector<16xi32>
              %gather3A_235 = tpu.vector_load_idx %arg10[%broadcast_in_dim3A_234] : memref<4160xi32, #tpu.memory_space<vmem>>[vector<16xi32>], vector<16xi32>,
              %and3A_236 = arith.constant 4095 : i32
              %and3A_237 = vector.broadcast %and3A_236 : i32 to vector<16xi32>
              %and3A_238 = arith.andi %gather3A_235, %and3A_237 : vector<16xi32>
              %shift_right_logical3A_239 = arith.constant 12 : i32
              %shift_right_logical3A_240 = vector.broadcast %shift_right_logical3A_239 : i32 to vector<16xi32>
              %shift_right_logical3A_241 = arith.shrui %gather3A_235, %shift_right_logical3A_240 : vector<16xi32>
              %mul3A_242 = arith.constant 64 : i32
              %mul3A_243 = vector.broadcast %mul3A_242 : i32 to vector<16xi32>
              %mul3A_244 = arith.muli %shift_right_logical3A_241, %mul3A_243 : vector<16xi32>
              %broadcast_in_dim3A_245 = vector.broadcast %scan3A_227 : i32 to vector<16xi32>
              %add3A_246 = arith.constant 0 : i32
              %add3A_247 = vector.broadcast %add3A_246 : i32 to vector<16xi32>
              %add3A_248 = arith.addi %mul3A_244, %add3A_247 : vector<16xi32>
              %add3A_249 = arith.addi %add3A_248, %iota3A : vector<16xi32>
              %gather3A_250 = arith.constant 0 : i32
              %gather3A_251 = arith.constant 0 : i32
              %gather3A_252 = tpu.memref_slice %arg8[%sub3A_134, %gather3A_250, %gather3A_251] : memref<2x32x128xf32, #tpu.memory_space<vmem>> -> memref<1x32x128xf32, #tpu.memory_space<vmem>>
              %gather3A_253 = tpu.memref_squeeze %gather3A_252 : memref<1x32x128xf32, #tpu.memory_space<vmem>> -> memref<32x128xf32, #tpu.memory_space<vmem>>
              %gather3A_254 = tpu.vector_load_idx %gather3A_253[%broadcast_in_dim3A_245, %add3A_249] : memref<32x128xf32, #tpu.memory_space<vmem>>[vector<16xi32>, vector<16xi32>], vector<16xf32>,
              %add3A_255 = arith.constant 0 : i32
              %add3A_256 = vector.broadcast %add3A_255 : i32 to vector<16xi32>
              %add3A_257 = arith.addi %add3A_256, %iota3A : vector<16xi32>
              tpu.vector_store_idx %arg6[%add3A_257, %and3A_238], %gather3A_254 {add = true} : memref<64x1296xf32, #tpu.memory_space<vmem>>[vector<16xi32>, vector<16xi32>], vector<16xf32>,
              %add3A_258 = arith.constant 16 : i32
              %add3A_259 = vector.broadcast %add3A_258 : i32 to vector<16xi32>
              %add3A_260 = arith.addi %mul3A_244, %add3A_259 : vector<16xi32>
              %add3A_261 = arith.addi %add3A_260, %iota3A : vector<16xi32>
              %gather3A_262 = arith.constant 0 : i32
              %gather3A_263 = arith.constant 0 : i32
              %gather3A_264 = tpu.memref_slice %arg8[%sub3A_134, %gather3A_262, %gather3A_263] : memref<2x32x128xf32, #tpu.memory_space<vmem>> -> memref<1x32x128xf32, #tpu.memory_space<vmem>>
              %gather3A_265 = tpu.memref_squeeze %gather3A_264 : memref<1x32x128xf32, #tpu.memory_space<vmem>> -> memref<32x128xf32, #tpu.memory_space<vmem>>
              %gather3A_266 = tpu.vector_load_idx %gather3A_265[%broadcast_in_dim3A_245, %add3A_261] : memref<32x128xf32, #tpu.memory_space<vmem>>[vector<16xi32>, vector<16xi32>], vector<16xf32>,
              %add3A_267 = arith.constant 16 : i32
              %add3A_268 = vector.broadcast %add3A_267 : i32 to vector<16xi32>
              %add3A_269 = arith.addi %add3A_268, %iota3A : vector<16xi32>
              tpu.vector_store_idx %arg6[%add3A_269, %and3A_238], %gather3A_266 {add = true} : memref<64x1296xf32, #tpu.memory_space<vmem>>[vector<16xi32>, vector<16xi32>], vector<16xf32>,
              %add3A_270 = arith.constant 32 : i32
              %add3A_271 = vector.broadcast %add3A_270 : i32 to vector<16xi32>
              %add3A_272 = arith.addi %mul3A_244, %add3A_271 : vector<16xi32>
              %add3A_273 = arith.addi %add3A_272, %iota3A : vector<16xi32>
              %gather3A_274 = arith.constant 0 : i32
              %gather3A_275 = arith.constant 0 : i32
              %gather3A_276 = tpu.memref_slice %arg8[%sub3A_134, %gather3A_274, %gather3A_275] : memref<2x32x128xf32, #tpu.memory_space<vmem>> -> memref<1x32x128xf32, #tpu.memory_space<vmem>>
              %gather3A_277 = tpu.memref_squeeze %gather3A_276 : memref<1x32x128xf32, #tpu.memory_space<vmem>> -> memref<32x128xf32, #tpu.memory_space<vmem>>
              %gather3A_278 = tpu.vector_load_idx %gather3A_277[%broadcast_in_dim3A_245, %add3A_273] : memref<32x128xf32, #tpu.memory_space<vmem>>[vector<16xi32>, vector<16xi32>], vector<16xf32>,
              %add3A_279 = arith.constant 32 : i32
              %add3A_280 = vector.broadcast %add3A_279 : i32 to vector<16xi32>
              %add3A_281 = arith.addi %add3A_280, %iota3A : vector<16xi32>
              tpu.vector_store_idx %arg6[%add3A_281, %and3A_238], %gather3A_278 {add = true} : memref<64x1296xf32, #tpu.memory_space<vmem>>[vector<16xi32>, vector<16xi32>], vector<16xf32>,
              %add3A_282 = arith.constant 48 : i32
              %add3A_283 = vector.broadcast %add3A_282 : i32 to vector<16xi32>
              %add3A_284 = arith.addi %mul3A_244, %add3A_283 : vector<16xi32>
              %add3A_285 = arith.addi %add3A_284, %iota3A : vector<16xi32>
              %gather3A_286 = arith.constant 0 : i32
              %gather3A_287 = arith.constant 0 : i32
              %gather3A_288 = tpu.memref_slice %arg8[%sub3A_134, %gather3A_286, %gather3A_287] : memref<2x32x128xf32, #tpu.memory_space<vmem>> -> memref<1x32x128xf32, #tpu.memory_space<vmem>>
              %gather3A_289 = tpu.memref_squeeze %gather3A_288 : memref<1x32x128xf32, #tpu.memory_space<vmem>> -> memref<32x128xf32, #tpu.memory_space<vmem>>
              %gather3A_290 = tpu.vector_load_idx %gather3A_289[%broadcast_in_dim3A_245, %add3A_285] : memref<32x128xf32, #tpu.memory_space<vmem>>[vector<16xi32>, vector<16xi32>], vector<16xf32>,
              %add3A_291 = arith.constant 48 : i32
              %add3A_292 = vector.broadcast %add3A_291 : i32 to vector<16xi32>
              %add3A_293 = arith.addi %add3A_292, %iota3A : vector<16xi32>
              tpu.vector_store_idx %arg6[%add3A_293, %and3A_238], %gather3A_290 {add = true} : memref<64x1296xf32, #tpu.memory_space<vmem>>[vector<16xi32>, vector<16xi32>], vector<16xf32>,
              %scan3A_294 = arith.constant 2 : i32
              %scan3A_295 = arith.addi %scan3A_161, %scan3A_294 : i32
              %mul3A_296 = arith.constant 2080 : i32
              %mul3A_297 = arith.muli %sub3A_134, %mul3A_296 : i32
              %mul3A_298 = arith.constant 32 : i32
              %mul3A_299 = arith.muli %while3A_147, %mul3A_298 : i32
              %add3A_300 = arith.addi %mul3A_297, %mul3A_299 : i32
              %add3A_301 = arith.addi %add3A_300, %scan3A_295 : i32
              %broadcast_in_dim3A_302 = vector.broadcast %add3A_301 : i32 to vector<16xi32>
              %gather3A_303 = tpu.vector_load_idx %arg10[%broadcast_in_dim3A_302] : memref<4160xi32, #tpu.memory_space<vmem>>[vector<16xi32>], vector<16xi32>,
              %and3A_304 = arith.constant 4095 : i32
              %and3A_305 = vector.broadcast %and3A_304 : i32 to vector<16xi32>
              %and3A_306 = arith.andi %gather3A_303, %and3A_305 : vector<16xi32>
              %shift_right_logical3A_307 = arith.constant 12 : i32
              %shift_right_logical3A_308 = vector.broadcast %shift_right_logical3A_307 : i32 to vector<16xi32>
              %shift_right_logical3A_309 = arith.shrui %gather3A_303, %shift_right_logical3A_308 : vector<16xi32>
              %mul3A_310 = arith.constant 64 : i32
              %mul3A_311 = vector.broadcast %mul3A_310 : i32 to vector<16xi32>
              %mul3A_312 = arith.muli %shift_right_logical3A_309, %mul3A_311 : vector<16xi32>
              %broadcast_in_dim3A_313 = vector.broadcast %scan3A_295 : i32 to vector<16xi32>
              %add3A_314 = arith.constant 0 : i32
              %add3A_315 = vector.broadcast %add3A_314 : i32 to vector<16xi32>
              %add3A_316 = arith.addi %mul3A_312, %add3A_315 : vector<16xi32>
              %add3A_317 = arith.addi %add3A_316, %iota3A : vector<16xi32>
              %gather3A_318 = arith.constant 0 : i32
              %gather3A_319 = arith.constant 0 : i32
              %gather3A_320 = tpu.memref_slice %arg8[%sub3A_134, %gather3A_318, %gather3A_319] : memref<2x32x128xf32, #tpu.memory_space<vmem>> -> memref<1x32x128xf32, #tpu.memory_space<vmem>>
              %gather3A_321 = tpu.memref_squeeze %gather3A_320 : memref<1x32x128xf32, #tpu.memory_space<vmem>> -> memref<32x128xf32, #tpu.memory_space<vmem>>
              %gather3A_322 = tpu.vector_load_idx %gather3A_321[%broadcast_in_dim3A_313, %add3A_317] : memref<32x128xf32, #tpu.memory_space<vmem>>[vector<16xi32>, vector<16xi32>], vector<16xf32>,
              %add3A_323 = arith.constant 0 : i32
              %add3A_324 = vector.broadcast %add3A_323 : i32 to vector<16xi32>
              %add3A_325 = arith.addi %add3A_324, %iota3A : vector<16xi32>
              tpu.vector_store_idx %arg6[%add3A_325, %and3A_306], %gather3A_322 {add = true} : memref<64x1296xf32, #tpu.memory_space<vmem>>[vector<16xi32>, vector<16xi32>], vector<16xf32>,
              %add3A_326 = arith.constant 16 : i32
              %add3A_327 = vector.broadcast %add3A_326 : i32 to vector<16xi32>
              %add3A_328 = arith.addi %mul3A_312, %add3A_327 : vector<16xi32>
              %add3A_329 = arith.addi %add3A_328, %iota3A : vector<16xi32>
              %gather3A_330 = arith.constant 0 : i32
              %gather3A_331 = arith.constant 0 : i32
              %gather3A_332 = tpu.memref_slice %arg8[%sub3A_134, %gather3A_330, %gather3A_331] : memref<2x32x128xf32, #tpu.memory_space<vmem>> -> memref<1x32x128xf32, #tpu.memory_space<vmem>>
              %gather3A_333 = tpu.memref_squeeze %gather3A_332 : memref<1x32x128xf32, #tpu.memory_space<vmem>> -> memref<32x128xf32, #tpu.memory_space<vmem>>
              %gather3A_334 = tpu.vector_load_idx %gather3A_333[%broadcast_in_dim3A_313, %add3A_329] : memref<32x128xf32, #tpu.memory_space<vmem>>[vector<16xi32>, vector<16xi32>], vector<16xf32>,
              %add3A_335 = arith.constant 16 : i32
              %add3A_336 = vector.broadcast %add3A_335 : i32 to vector<16xi32>
              %add3A_337 = arith.addi %add3A_336, %iota3A : vector<16xi32>
              tpu.vector_store_idx %arg6[%add3A_337, %and3A_306], %gather3A_334 {add = true} : memref<64x1296xf32, #tpu.memory_space<vmem>>[vector<16xi32>, vector<16xi32>], vector<16xf32>,
              %add3A_338 = arith.constant 32 : i32
              %add3A_339 = vector.broadcast %add3A_338 : i32 to vector<16xi32>
              %add3A_340 = arith.addi %mul3A_312, %add3A_339 : vector<16xi32>
              %add3A_341 = arith.addi %add3A_340, %iota3A : vector<16xi32>
              %gather3A_342 = arith.constant 0 : i32
              %gather3A_343 = arith.constant 0 : i32
              %gather3A_344 = tpu.memref_slice %arg8[%sub3A_134, %gather3A_342, %gather3A_343] : memref<2x32x128xf32, #tpu.memory_space<vmem>> -> memref<1x32x128xf32, #tpu.memory_space<vmem>>
              %gather3A_345 = tpu.memref_squeeze %gather3A_344 : memref<1x32x128xf32, #tpu.memory_space<vmem>> -> memref<32x128xf32, #tpu.memory_space<vmem>>
              %gather3A_346 = tpu.vector_load_idx %gather3A_345[%broadcast_in_dim3A_313, %add3A_341] : memref<32x128xf32, #tpu.memory_space<vmem>>[vector<16xi32>, vector<16xi32>], vector<16xf32>,
              %add3A_347 = arith.constant 32 : i32
              %add3A_348 = vector.broadcast %add3A_347 : i32 to vector<16xi32>
              %add3A_349 = arith.addi %add3A_348, %iota3A : vector<16xi32>
              tpu.vector_store_idx %arg6[%add3A_349, %and3A_306], %gather3A_346 {add = true} : memref<64x1296xf32, #tpu.memory_space<vmem>>[vector<16xi32>, vector<16xi32>], vector<16xf32>,
              %add3A_350 = arith.constant 48 : i32
              %add3A_351 = vector.broadcast %add3A_350 : i32 to vector<16xi32>
              %add3A_352 = arith.addi %mul3A_312, %add3A_351 : vector<16xi32>
              %add3A_353 = arith.addi %add3A_352, %iota3A : vector<16xi32>
              %gather3A_354 = arith.constant 0 : i32
              %gather3A_355 = arith.constant 0 : i32
              %gather3A_356 = tpu.memref_slice %arg8[%sub3A_134, %gather3A_354, %gather3A_355] : memref<2x32x128xf32, #tpu.memory_space<vmem>> -> memref<1x32x128xf32, #tpu.memory_space<vmem>>
              %gather3A_357 = tpu.memref_squeeze %gather3A_356 : memref<1x32x128xf32, #tpu.memory_space<vmem>> -> memref<32x128xf32, #tpu.memory_space<vmem>>
              %gather3A_358 = tpu.vector_load_idx %gather3A_357[%broadcast_in_dim3A_313, %add3A_353] : memref<32x128xf32, #tpu.memory_space<vmem>>[vector<16xi32>, vector<16xi32>], vector<16xf32>,
              %add3A_359 = arith.constant 48 : i32
              %add3A_360 = vector.broadcast %add3A_359 : i32 to vector<16xi32>
              %add3A_361 = arith.addi %add3A_360, %iota3A : vector<16xi32>
              tpu.vector_store_idx %arg6[%add3A_361, %and3A_306], %gather3A_358 {add = true} : memref<64x1296xf32, #tpu.memory_space<vmem>>[vector<16xi32>, vector<16xi32>], vector<16xf32>,
              %scan3A_362 = arith.constant 3 : i32
              %scan3A_363 = arith.addi %scan3A_161, %scan3A_362 : i32
              %mul3A_364 = arith.constant 2080 : i32
              %mul3A_365 = arith.muli %sub3A_134, %mul3A_364 : i32
              %mul3A_366 = arith.constant 32 : i32
              %mul3A_367 = arith.muli %while3A_147, %mul3A_366 : i32
              %add3A_368 = arith.addi %mul3A_365, %mul3A_367 : i32
              %add3A_369 = arith.addi %add3A_368, %scan3A_363 : i32
              %broadcast_in_dim3A_370 = vector.broadcast %add3A_369 : i32 to vector<16xi32>
              %gather3A_371 = tpu.vector_load_idx %arg10[%broadcast_in_dim3A_370] : memref<4160xi32, #tpu.memory_space<vmem>>[vector<16xi32>], vector<16xi32>,
              %and3A_372 = arith.constant 4095 : i32
              %and3A_373 = vector.broadcast %and3A_372 : i32 to vector<16xi32>
              %and3A_374 = arith.andi %gather3A_371, %and3A_373 : vector<16xi32>
              %shift_right_logical3A_375 = arith.constant 12 : i32
              %shift_right_logical3A_376 = vector.broadcast %shift_right_logical3A_375 : i32 to vector<16xi32>
              %shift_right_logical3A_377 = arith.shrui %gather3A_371, %shift_right_logical3A_376 : vector<16xi32>
              %mul3A_378 = arith.constant 64 : i32
              %mul3A_379 = vector.broadcast %mul3A_378 : i32 to vector<16xi32>
              %mul3A_380 = arith.muli %shift_right_logical3A_377, %mul3A_379 : vector<16xi32>
              %broadcast_in_dim3A_381 = vector.broadcast %scan3A_363 : i32 to vector<16xi32>
              %add3A_382 = arith.constant 0 : i32
              %add3A_383 = vector.broadcast %add3A_382 : i32 to vector<16xi32>
              %add3A_384 = arith.addi %mul3A_380, %add3A_383 : vector<16xi32>
              %add3A_385 = arith.addi %add3A_384, %iota3A : vector<16xi32>
              %gather3A_386 = arith.constant 0 : i32
              %gather3A_387 = arith.constant 0 : i32
              %gather3A_388 = tpu.memref_slice %arg8[%sub3A_134, %gather3A_386, %gather3A_387] : memref<2x32x128xf32, #tpu.memory_space<vmem>> -> memref<1x32x128xf32, #tpu.memory_space<vmem>>
              %gather3A_389 = tpu.memref_squeeze %gather3A_388 : memref<1x32x128xf32, #tpu.memory_space<vmem>> -> memref<32x128xf32, #tpu.memory_space<vmem>>
              %gather3A_390 = tpu.vector_load_idx %gather3A_389[%broadcast_in_dim3A_381, %add3A_385] : memref<32x128xf32, #tpu.memory_space<vmem>>[vector<16xi32>, vector<16xi32>], vector<16xf32>,
              %add3A_391 = arith.constant 0 : i32
              %add3A_392 = vector.broadcast %add3A_391 : i32 to vector<16xi32>
              %add3A_393 = arith.addi %add3A_392, %iota3A : vector<16xi32>
              tpu.vector_store_idx %arg6[%add3A_393, %and3A_374], %gather3A_390 {add = true} : memref<64x1296xf32, #tpu.memory_space<vmem>>[vector<16xi32>, vector<16xi32>], vector<16xf32>,
              %add3A_394 = arith.constant 16 : i32
              %add3A_395 = vector.broadcast %add3A_394 : i32 to vector<16xi32>
              %add3A_396 = arith.addi %mul3A_380, %add3A_395 : vector<16xi32>
              %add3A_397 = arith.addi %add3A_396, %iota3A : vector<16xi32>
              %gather3A_398 = arith.constant 0 : i32
              %gather3A_399 = arith.constant 0 : i32
              %gather3A_400 = tpu.memref_slice %arg8[%sub3A_134, %gather3A_398, %gather3A_399] : memref<2x32x128xf32, #tpu.memory_space<vmem>> -> memref<1x32x128xf32, #tpu.memory_space<vmem>>
              %gather3A_401 = tpu.memref_squeeze %gather3A_400 : memref<1x32x128xf32, #tpu.memory_space<vmem>> -> memref<32x128xf32, #tpu.memory_space<vmem>>
              %gather3A_402 = tpu.vector_load_idx %gather3A_401[%broadcast_in_dim3A_381, %add3A_397] : memref<32x128xf32, #tpu.memory_space<vmem>>[vector<16xi32>, vector<16xi32>], vector<16xf32>,
              %add3A_403 = arith.constant 16 : i32
              %add3A_404 = vector.broadcast %add3A_403 : i32 to vector<16xi32>
              %add3A_405 = arith.addi %add3A_404, %iota3A : vector<16xi32>
              tpu.vector_store_idx %arg6[%add3A_405, %and3A_374], %gather3A_402 {add = true} : memref<64x1296xf32, #tpu.memory_space<vmem>>[vector<16xi32>, vector<16xi32>], vector<16xf32>,
              %add3A_406 = arith.constant 32 : i32
              %add3A_407 = vector.broadcast %add3A_406 : i32 to vector<16xi32>
              %add3A_408 = arith.addi %mul3A_380, %add3A_407 : vector<16xi32>
              %add3A_409 = arith.addi %add3A_408, %iota3A : vector<16xi32>
              %gather3A_410 = arith.constant 0 : i32
              %gather3A_411 = arith.constant 0 : i32
              %gather3A_412 = tpu.memref_slice %arg8[%sub3A_134, %gather3A_410, %gather3A_411] : memref<2x32x128xf32, #tpu.memory_space<vmem>> -> memref<1x32x128xf32, #tpu.memory_space<vmem>>
              %gather3A_413 = tpu.memref_squeeze %gather3A_412 : memref<1x32x128xf32, #tpu.memory_space<vmem>> -> memref<32x128xf32, #tpu.memory_space<vmem>>
              %gather3A_414 = tpu.vector_load_idx %gather3A_413[%broadcast_in_dim3A_381, %add3A_409] : memref<32x128xf32, #tpu.memory_space<vmem>>[vector<16xi32>, vector<16xi32>], vector<16xf32>,
              %add3A_415 = arith.constant 32 : i32
              %add3A_416 = vector.broadcast %add3A_415 : i32 to vector<16xi32>
              %add3A_417 = arith.addi %add3A_416, %iota3A : vector<16xi32>
              tpu.vector_store_idx %arg6[%add3A_417, %and3A_374], %gather3A_414 {add = true} : memref<64x1296xf32, #tpu.memory_space<vmem>>[vector<16xi32>, vector<16xi32>], vector<16xf32>,
              %add3A_418 = arith.constant 48 : i32
              %add3A_419 = vector.broadcast %add3A_418 : i32 to vector<16xi32>
              %add3A_420 = arith.addi %mul3A_380, %add3A_419 : vector<16xi32>
              %add3A_421 = arith.addi %add3A_420, %iota3A : vector<16xi32>
              %gather3A_422 = arith.constant 0 : i32
              %gather3A_423 = arith.constant 0 : i32
              %gather3A_424 = tpu.memref_slice %arg8[%sub3A_134, %gather3A_422, %gather3A_423] : memref<2x32x128xf32, #tpu.memory_space<vmem>> -> memref<1x32x128xf32, #tpu.memory_space<vmem>>
              %gather3A_425 = tpu.memref_squeeze %gather3A_424 : memref<1x32x128xf32, #tpu.memory_space<vmem>> -> memref<32x128xf32, #tpu.memory_space<vmem>>
              %gather3A_426 = tpu.vector_load_idx %gather3A_425[%broadcast_in_dim3A_381, %add3A_421] : memref<32x128xf32, #tpu.memory_space<vmem>>[vector<16xi32>, vector<16xi32>], vector<16xf32>,
              %add3A_427 = arith.constant 48 : i32
              %add3A_428 = vector.broadcast %add3A_427 : i32 to vector<16xi32>
              %add3A_429 = arith.addi %add3A_428, %iota3A : vector<16xi32>
              tpu.vector_store_idx %arg6[%add3A_429, %and3A_374], %gather3A_426 {add = true} : memref<64x1296xf32, #tpu.memory_space<vmem>>[vector<16xi32>, vector<16xi32>], vector<16xf32>,
            }
            %scan3A_158 = arith.constant 32 : i32
            %add3A_159 = arith.constant 1 : i32
            %add3A_160 = arith.addi %while3A_147, %add3A_159 : i32
            scf.yield %add3A_160 : i32
          }
        } else {
        }
        scf.yield %sub3A_59 : vector<16xi32>
      }
      %scan3A_19 = arith.constant 8 : i32
      %dma_wait3A = arith.constant 1 : i32
      %dma_wait3A_20 = arith.constant 0 : i32
      %dma_wait3A_21 = arith.constant 0 : i32
      %dma_wait3A_22 = tpu.memref_slice %arg8[%dma_wait3A, %dma_wait3A_20, %dma_wait3A_21] : memref<2x32x128xf32, #tpu.memory_space<vmem>> -> memref<1x32x128xf32, #tpu.memory_space<vmem>>
      %dma_wait3A_23 = tpu.memref_squeeze %dma_wait3A_22 : memref<1x32x128xf32, #tpu.memory_space<vmem>> -> memref<32x128xf32, #tpu.memory_space<vmem>>
      %dma_wait3A_24 = arith.constant 2080 : i32
      %dma_wait3A_25 = tpu.memref_slice %arg9[%dma_wait3A_24] : memref<4160xi32, #tpu.memory_space<vmem>> -> memref<32xi32, #tpu.memory_space<vmem>>
      %dma_wait3A_26 = arith.constant 0 : i32
      %dma_wait3A_27 = arith.constant 0 : i32
      %dma_wait3A_28 = tpu.memref_slice %arg4[%dma_wait3A_26, %dma_wait3A_27] : memref<8192x128xf32, #tpu.memory_space<hbm>> -> memref<8192x128xf32, #tpu.memory_space<hbm>>
      tpu.wait_indirect_dma semaphore(%arg12 : memref<!tpu.dma_semaphore, #tpu.memory_space<semaphore_mem>>) src(%dma_wait3A_28 : memref<8192x128xf32, #tpu.memory_space<hbm>>) dst(%dma_wait3A_23 : memref<32x128xf32, #tpu.memory_space<vmem>>)
      %while3A = arith.constant 0 : i32
      %while3A_29 = scf.while (%while3A_36 = %while3A) : (i32) -> i32 {
        %mul3A_37 = arith.constant 32 : i32
        %mul3A_38 = arith.muli %while3A_36, %mul3A_37 : i32
        %gt3A = vector.broadcast %mul3A_38 : i32 to vector<16xi32>
        %gt3A_39 = arith.cmpi sgt, %scan3A_18, %gt3A : vector<16xi32>
        %reduce_or3A = arith.constant 1.000000e+00 : f32
        %reduce_or3A_40 = arith.constant 0.000000e+00 : f32
        %reduce_or3A_41 = vector.broadcast %reduce_or3A : f32 to vector<16xf32>
        %reduce_or3A_42 = vector.broadcast %reduce_or3A_40 : f32 to vector<16xf32>
        %reduce_or3A_43 = arith.select %gt3A_39, %reduce_or3A_41, %reduce_or3A_42 : vector<16xi1>, vector<16xf32>
        %reduce_or3A_44 = arith.constant true
        %reduce_or3A_45 = vector.broadcast %reduce_or3A_44 : i1 to vector<16xi1>
        %reduce_or3A_46 = tpu.scan <max>, %reduce_or3A_43 masked %reduce_or3A_45 : vector<16xf32>, vector<16xi1> -> vector<16xf32>
        %reduce_or3A_47 = vector.extract %reduce_or3A_46[15] : f32 from vector<16xf32>
        %reduce_or3A_48 = arith.constant 0.000000e+00 : f32
        %reduce_or3A_49 = arith.cmpf ogt, %reduce_or3A_47, %reduce_or3A_48 : f32
        scf.condition(%reduce_or3A_49) %while3A_36 : i32
      } do {
      ^bb0(%while3A_36: i32):
        %gt3A = arith.constant 0 : i32
        %gt3A_37 = arith.cmpi sgt, %while3A_36, %gt3A : i32
        %convert_element_type3A_38 = arith.extui %gt3A_37 : i1 to i32
        %cond3A_39 = arith.constant 0 : i32
        %cond3A_40 = arith.cmpi ne, %convert_element_type3A_38, %cond3A_39 : i32
        scf.if %cond3A_40 {
          %mul3A_49 = arith.constant 32 : i32
          %mul3A_50 = arith.muli %while3A_36, %mul3A_49 : i32
          %add3A_51 = arith.constant 2080 : i32
          %add3A_52 = arith.addi %add3A_51, %mul3A_50 : i32
          %run_scoped3A = arith.constant 1 : i32
          "tpu.region"() ({
            %run_scoped3A_53 = tpu.sem_alloc : memref<!tpu.dma_semaphore, #tpu.memory_space<semaphore_mem>>
            %dma_start3A = arith.constant 0 : i32
            %dma_start3A_54 = arith.constant 0 : i32
            %dma_start3A_55 = tpu.memref_slice %arg8[%run_scoped3A, %dma_start3A, %dma_start3A_54] : memref<2x32x128xf32, #tpu.memory_space<vmem>> -> memref<1x32x128xf32, #tpu.memory_space<vmem>>
            %dma_start3A_56 = tpu.memref_squeeze %dma_start3A_55 : memref<1x32x128xf32, #tpu.memory_space<vmem>> -> memref<32x128xf32, #tpu.memory_space<vmem>>
            %dma_start3A_57 = tpu.memref_slice %arg9[%add3A_52] : memref<4160xi32, #tpu.memory_space<vmem>> -> memref<32xi32, #tpu.memory_space<vmem>>
            %dma_start3A_58 = arith.constant 0 : i32
            %dma_start3A_59 = arith.constant 0 : i32
            %dma_start3A_60 = tpu.memref_slice %arg4[%dma_start3A_58, %dma_start3A_59] : memref<8192x128xf32, #tpu.memory_space<hbm>> -> memref<8192x128xf32, #tpu.memory_space<hbm>>
            tpu.enqueue_indirect_dma source(%dma_start3A_60 : memref<8192x128xf32, #tpu.memory_space<hbm>>) target(%dma_start3A_56 : memref<32x128xf32, #tpu.memory_space<vmem>>) offsets(%dma_start3A_57 : memref<32xi32, #tpu.memory_space<vmem>>) semaphore(%run_scoped3A_53 : memref<!tpu.dma_semaphore, #tpu.memory_space<semaphore_mem>>)
            %dma_wait3A_61 = arith.constant 0 : i32
            %dma_wait3A_62 = arith.constant 0 : i32
            %dma_wait3A_63 = tpu.memref_slice %arg8[%run_scoped3A, %dma_wait3A_61, %dma_wait3A_62] : memref<2x32x128xf32, #tpu.memory_space<vmem>> -> memref<1x32x128xf32, #tpu.memory_space<vmem>>
            %dma_wait3A_64 = tpu.memref_squeeze %dma_wait3A_63 : memref<1x32x128xf32, #tpu.memory_space<vmem>> -> memref<32x128xf32, #tpu.memory_space<vmem>>
            %dma_wait3A_65 = tpu.memref_slice %arg9[%add3A_52] : memref<4160xi32, #tpu.memory_space<vmem>> -> memref<32xi32, #tpu.memory_space<vmem>>
            %dma_wait3A_66 = arith.constant 0 : i32
            %dma_wait3A_67 = arith.constant 0 : i32
            %dma_wait3A_68 = tpu.memref_slice %arg4[%dma_wait3A_66, %dma_wait3A_67] : memref<8192x128xf32, #tpu.memory_space<hbm>> -> memref<8192x128xf32, #tpu.memory_space<hbm>>
            tpu.wait_indirect_dma semaphore(%run_scoped3A_53 : memref<!tpu.dma_semaphore, #tpu.memory_space<semaphore_mem>>) src(%dma_wait3A_68 : memref<8192x128xf32, #tpu.memory_space<hbm>>) dst(%dma_wait3A_64 : memref<32x128xf32, #tpu.memory_space<vmem>>)
            tpu.yield
          }) : () -> ()
        } else {
        }
        %scan3A_41 = arith.constant 0 : i32
        %scan3A_42 = arith.constant 0 : i32
        %scan3A_43 = arith.constant 32 : i32
        %scan3A_44 = arith.addi %scan3A_42, %scan3A_43 : i32
        %scan3A_45 = arith.constant 4 : i32
        scf.for %scan3A_49 = %scan3A_42 to %scan3A_44 step %scan3A_45  : i32 {
          %mul3A_50 = arith.constant 32 : i32
          %mul3A_51 = arith.muli %while3A_36, %mul3A_50 : i32
          %add3A_52 = arith.constant 2080 : i32
          %add3A_53 = arith.addi %add3A_52, %mul3A_51 : i32
          %add3A_54 = arith.addi %add3A_53, %scan3A_49 : i32
          %broadcast_in_dim3A_55 = vector.broadcast %add3A_54 : i32 to vector<16xi32>
          %gather3A = tpu.vector_load_idx %arg10[%broadcast_in_dim3A_55] : memref<4160xi32, #tpu.memory_space<vmem>>[vector<16xi32>], vector<16xi32>,
          %and3A = arith.constant 4095 : i32
          %and3A_56 = vector.broadcast %and3A : i32 to vector<16xi32>
          %and3A_57 = arith.andi %gather3A, %and3A_56 : vector<16xi32>
          %shift_right_logical3A = arith.constant 12 : i32
          %shift_right_logical3A_58 = vector.broadcast %shift_right_logical3A : i32 to vector<16xi32>
          %shift_right_logical3A_59 = arith.shrui %gather3A, %shift_right_logical3A_58 : vector<16xi32>
          %mul3A_60 = arith.constant 64 : i32
          %mul3A_61 = vector.broadcast %mul3A_60 : i32 to vector<16xi32>
          %mul3A_62 = arith.muli %shift_right_logical3A_59, %mul3A_61 : vector<16xi32>
          %broadcast_in_dim3A_63 = vector.broadcast %scan3A_49 : i32 to vector<16xi32>
          %add3A_64 = arith.constant 0 : i32
          %add3A_65 = vector.broadcast %add3A_64 : i32 to vector<16xi32>
          %add3A_66 = arith.addi %mul3A_62, %add3A_65 : vector<16xi32>
          %add3A_67 = arith.addi %add3A_66, %iota3A : vector<16xi32>
          %gather3A_68 = arith.constant 1 : i32
          %gather3A_69 = arith.constant 0 : i32
          %gather3A_70 = arith.constant 0 : i32
          %gather3A_71 = tpu.memref_slice %arg8[%gather3A_68, %gather3A_69, %gather3A_70] : memref<2x32x128xf32, #tpu.memory_space<vmem>> -> memref<1x32x128xf32, #tpu.memory_space<vmem>>
          %gather3A_72 = tpu.memref_squeeze %gather3A_71 : memref<1x32x128xf32, #tpu.memory_space<vmem>> -> memref<32x128xf32, #tpu.memory_space<vmem>>
          %gather3A_73 = tpu.vector_load_idx %gather3A_72[%broadcast_in_dim3A_63, %add3A_67] : memref<32x128xf32, #tpu.memory_space<vmem>>[vector<16xi32>, vector<16xi32>], vector<16xf32>,
          %add3A_74 = arith.constant 0 : i32
          %add3A_75 = vector.broadcast %add3A_74 : i32 to vector<16xi32>
          %add3A_76 = arith.addi %add3A_75, %iota3A : vector<16xi32>
          tpu.vector_store_idx %arg6[%add3A_76, %and3A_57], %gather3A_73 {add = true} : memref<64x1296xf32, #tpu.memory_space<vmem>>[vector<16xi32>, vector<16xi32>], vector<16xf32>,
          %add3A_77 = arith.constant 16 : i32
          %add3A_78 = vector.broadcast %add3A_77 : i32 to vector<16xi32>
          %add3A_79 = arith.addi %mul3A_62, %add3A_78 : vector<16xi32>
          %add3A_80 = arith.addi %add3A_79, %iota3A : vector<16xi32>
          %gather3A_81 = arith.constant 1 : i32
          %gather3A_82 = arith.constant 0 : i32
          %gather3A_83 = arith.constant 0 : i32
          %gather3A_84 = tpu.memref_slice %arg8[%gather3A_81, %gather3A_82, %gather3A_83] : memref<2x32x128xf32, #tpu.memory_space<vmem>> -> memref<1x32x128xf32, #tpu.memory_space<vmem>>
          %gather3A_85 = tpu.memref_squeeze %gather3A_84 : memref<1x32x128xf32, #tpu.memory_space<vmem>> -> memref<32x128xf32, #tpu.memory_space<vmem>>
          %gather3A_86 = tpu.vector_load_idx %gather3A_85[%broadcast_in_dim3A_63, %add3A_80] : memref<32x128xf32, #tpu.memory_space<vmem>>[vector<16xi32>, vector<16xi32>], vector<16xf32>,
          %add3A_87 = arith.constant 16 : i32
          %add3A_88 = vector.broadcast %add3A_87 : i32 to vector<16xi32>
          %add3A_89 = arith.addi %add3A_88, %iota3A : vector<16xi32>
          tpu.vector_store_idx %arg6[%add3A_89, %and3A_57], %gather3A_86 {add = true} : memref<64x1296xf32, #tpu.memory_space<vmem>>[vector<16xi32>, vector<16xi32>], vector<16xf32>,
          %add3A_90 = arith.constant 32 : i32
          %add3A_91 = vector.broadcast %add3A_90 : i32 to vector<16xi32>
          %add3A_92 = arith.addi %mul3A_62, %add3A_91 : vector<16xi32>
          %add3A_93 = arith.addi %add3A_92, %iota3A : vector<16xi32>
          %gather3A_94 = arith.constant 1 : i32
          %gather3A_95 = arith.constant 0 : i32
          %gather3A_96 = arith.constant 0 : i32
          %gather3A_97 = tpu.memref_slice %arg8[%gather3A_94, %gather3A_95, %gather3A_96] : memref<2x32x128xf32, #tpu.memory_space<vmem>> -> memref<1x32x128xf32, #tpu.memory_space<vmem>>
          %gather3A_98 = tpu.memref_squeeze %gather3A_97 : memref<1x32x128xf32, #tpu.memory_space<vmem>> -> memref<32x128xf32, #tpu.memory_space<vmem>>
          %gather3A_99 = tpu.vector_load_idx %gather3A_98[%broadcast_in_dim3A_63, %add3A_93] : memref<32x128xf32, #tpu.memory_space<vmem>>[vector<16xi32>, vector<16xi32>], vector<16xf32>,
          %add3A_100 = arith.constant 32 : i32
          %add3A_101 = vector.broadcast %add3A_100 : i32 to vector<16xi32>
          %add3A_102 = arith.addi %add3A_101, %iota3A : vector<16xi32>
          tpu.vector_store_idx %arg6[%add3A_102, %and3A_57], %gather3A_99 {add = true} : memref<64x1296xf32, #tpu.memory_space<vmem>>[vector<16xi32>, vector<16xi32>], vector<16xf32>,
          %add3A_103 = arith.constant 48 : i32
          %add3A_104 = vector.broadcast %add3A_103 : i32 to vector<16xi32>
          %add3A_105 = arith.addi %mul3A_62, %add3A_104 : vector<16xi32>
          %add3A_106 = arith.addi %add3A_105, %iota3A : vector<16xi32>
          %gather3A_107 = arith.constant 1 : i32
          %gather3A_108 = arith.constant 0 : i32
          %gather3A_109 = arith.constant 0 : i32
          %gather3A_110 = tpu.memref_slice %arg8[%gather3A_107, %gather3A_108, %gather3A_109] : memref<2x32x128xf32, #tpu.memory_space<vmem>> -> memref<1x32x128xf32, #tpu.memory_space<vmem>>
          %gather3A_111 = tpu.memref_squeeze %gather3A_110 : memref<1x32x128xf32, #tpu.memory_space<vmem>> -> memref<32x128xf32, #tpu.memory_space<vmem>>
          %gather3A_112 = tpu.vector_load_idx %gather3A_111[%broadcast_in_dim3A_63, %add3A_106] : memref<32x128xf32, #tpu.memory_space<vmem>>[vector<16xi32>, vector<16xi32>], vector<16xf32>,
          %add3A_113 = arith.constant 48 : i32
          %add3A_114 = vector.broadcast %add3A_113 : i32 to vector<16xi32>
          %add3A_115 = arith.addi %add3A_114, %iota3A : vector<16xi32>
          tpu.vector_store_idx %arg6[%add3A_115, %and3A_57], %gather3A_112 {add = true} : memref<64x1296xf32, #tpu.memory_space<vmem>>[vector<16xi32>, vector<16xi32>], vector<16xf32>,
          %scan3A_116 = arith.constant 1 : i32
          %scan3A_117 = arith.addi %scan3A_49, %scan3A_116 : i32
          %mul3A_118 = arith.constant 32 : i32
          %mul3A_119 = arith.muli %while3A_36, %mul3A_118 : i32
          %add3A_120 = arith.constant 2080 : i32
          %add3A_121 = arith.addi %add3A_120, %mul3A_119 : i32
          %add3A_122 = arith.addi %add3A_121, %scan3A_117 : i32
          %broadcast_in_dim3A_123 = vector.broadcast %add3A_122 : i32 to vector<16xi32>
          %gather3A_124 = tpu.vector_load_idx %arg10[%broadcast_in_dim3A_123] : memref<4160xi32, #tpu.memory_space<vmem>>[vector<16xi32>], vector<16xi32>,
          %and3A_125 = arith.constant 4095 : i32
          %and3A_126 = vector.broadcast %and3A_125 : i32 to vector<16xi32>
          %and3A_127 = arith.andi %gather3A_124, %and3A_126 : vector<16xi32>
          %shift_right_logical3A_128 = arith.constant 12 : i32
          %shift_right_logical3A_129 = vector.broadcast %shift_right_logical3A_128 : i32 to vector<16xi32>
          %shift_right_logical3A_130 = arith.shrui %gather3A_124, %shift_right_logical3A_129 : vector<16xi32>
          %mul3A_131 = arith.constant 64 : i32
          %mul3A_132 = vector.broadcast %mul3A_131 : i32 to vector<16xi32>
          %mul3A_133 = arith.muli %shift_right_logical3A_130, %mul3A_132 : vector<16xi32>
          %broadcast_in_dim3A_134 = vector.broadcast %scan3A_117 : i32 to vector<16xi32>
          %add3A_135 = arith.constant 0 : i32
          %add3A_136 = vector.broadcast %add3A_135 : i32 to vector<16xi32>
          %add3A_137 = arith.addi %mul3A_133, %add3A_136 : vector<16xi32>
          %add3A_138 = arith.addi %add3A_137, %iota3A : vector<16xi32>
          %gather3A_139 = arith.constant 1 : i32
          %gather3A_140 = arith.constant 0 : i32
          %gather3A_141 = arith.constant 0 : i32
          %gather3A_142 = tpu.memref_slice %arg8[%gather3A_139, %gather3A_140, %gather3A_141] : memref<2x32x128xf32, #tpu.memory_space<vmem>> -> memref<1x32x128xf32, #tpu.memory_space<vmem>>
          %gather3A_143 = tpu.memref_squeeze %gather3A_142 : memref<1x32x128xf32, #tpu.memory_space<vmem>> -> memref<32x128xf32, #tpu.memory_space<vmem>>
          %gather3A_144 = tpu.vector_load_idx %gather3A_143[%broadcast_in_dim3A_134, %add3A_138] : memref<32x128xf32, #tpu.memory_space<vmem>>[vector<16xi32>, vector<16xi32>], vector<16xf32>,
          %add3A_145 = arith.constant 0 : i32
          %add3A_146 = vector.broadcast %add3A_145 : i32 to vector<16xi32>
          %add3A_147 = arith.addi %add3A_146, %iota3A : vector<16xi32>
          tpu.vector_store_idx %arg6[%add3A_147, %and3A_127], %gather3A_144 {add = true} : memref<64x1296xf32, #tpu.memory_space<vmem>>[vector<16xi32>, vector<16xi32>], vector<16xf32>,
          %add3A_148 = arith.constant 16 : i32
          %add3A_149 = vector.broadcast %add3A_148 : i32 to vector<16xi32>
          %add3A_150 = arith.addi %mul3A_133, %add3A_149 : vector<16xi32>
          %add3A_151 = arith.addi %add3A_150, %iota3A : vector<16xi32>
          %gather3A_152 = arith.constant 1 : i32
          %gather3A_153 = arith.constant 0 : i32
          %gather3A_154 = arith.constant 0 : i32
          %gather3A_155 = tpu.memref_slice %arg8[%gather3A_152, %gather3A_153, %gather3A_154] : memref<2x32x128xf32, #tpu.memory_space<vmem>> -> memref<1x32x128xf32, #tpu.memory_space<vmem>>
          %gather3A_156 = tpu.memref_squeeze %gather3A_155 : memref<1x32x128xf32, #tpu.memory_space<vmem>> -> memref<32x128xf32, #tpu.memory_space<vmem>>
          %gather3A_157 = tpu.vector_load_idx %gather3A_156[%broadcast_in_dim3A_134, %add3A_151] : memref<32x128xf32, #tpu.memory_space<vmem>>[vector<16xi32>, vector<16xi32>], vector<16xf32>,
          %add3A_158 = arith.constant 16 : i32
          %add3A_159 = vector.broadcast %add3A_158 : i32 to vector<16xi32>
          %add3A_160 = arith.addi %add3A_159, %iota3A : vector<16xi32>
          tpu.vector_store_idx %arg6[%add3A_160, %and3A_127], %gather3A_157 {add = true} : memref<64x1296xf32, #tpu.memory_space<vmem>>[vector<16xi32>, vector<16xi32>], vector<16xf32>,
          %add3A_161 = arith.constant 32 : i32
          %add3A_162 = vector.broadcast %add3A_161 : i32 to vector<16xi32>
          %add3A_163 = arith.addi %mul3A_133, %add3A_162 : vector<16xi32>
          %add3A_164 = arith.addi %add3A_163, %iota3A : vector<16xi32>
          %gather3A_165 = arith.constant 1 : i32
          %gather3A_166 = arith.constant 0 : i32
          %gather3A_167 = arith.constant 0 : i32
          %gather3A_168 = tpu.memref_slice %arg8[%gather3A_165, %gather3A_166, %gather3A_167] : memref<2x32x128xf32, #tpu.memory_space<vmem>> -> memref<1x32x128xf32, #tpu.memory_space<vmem>>
          %gather3A_169 = tpu.memref_squeeze %gather3A_168 : memref<1x32x128xf32, #tpu.memory_space<vmem>> -> memref<32x128xf32, #tpu.memory_space<vmem>>
          %gather3A_170 = tpu.vector_load_idx %gather3A_169[%broadcast_in_dim3A_134, %add3A_164] : memref<32x128xf32, #tpu.memory_space<vmem>>[vector<16xi32>, vector<16xi32>], vector<16xf32>,
          %add3A_171 = arith.constant 32 : i32
          %add3A_172 = vector.broadcast %add3A_171 : i32 to vector<16xi32>
          %add3A_173 = arith.addi %add3A_172, %iota3A : vector<16xi32>
          tpu.vector_store_idx %arg6[%add3A_173, %and3A_127], %gather3A_170 {add = true} : memref<64x1296xf32, #tpu.memory_space<vmem>>[vector<16xi32>, vector<16xi32>], vector<16xf32>,
          %add3A_174 = arith.constant 48 : i32
          %add3A_175 = vector.broadcast %add3A_174 : i32 to vector<16xi32>
          %add3A_176 = arith.addi %mul3A_133, %add3A_175 : vector<16xi32>
          %add3A_177 = arith.addi %add3A_176, %iota3A : vector<16xi32>
          %gather3A_178 = arith.constant 1 : i32
          %gather3A_179 = arith.constant 0 : i32
          %gather3A_180 = arith.constant 0 : i32
          %gather3A_181 = tpu.memref_slice %arg8[%gather3A_178, %gather3A_179, %gather3A_180] : memref<2x32x128xf32, #tpu.memory_space<vmem>> -> memref<1x32x128xf32, #tpu.memory_space<vmem>>
          %gather3A_182 = tpu.memref_squeeze %gather3A_181 : memref<1x32x128xf32, #tpu.memory_space<vmem>> -> memref<32x128xf32, #tpu.memory_space<vmem>>
          %gather3A_183 = tpu.vector_load_idx %gather3A_182[%broadcast_in_dim3A_134, %add3A_177] : memref<32x128xf32, #tpu.memory_space<vmem>>[vector<16xi32>, vector<16xi32>], vector<16xf32>,
          %add3A_184 = arith.constant 48 : i32
          %add3A_185 = vector.broadcast %add3A_184 : i32 to vector<16xi32>
          %add3A_186 = arith.addi %add3A_185, %iota3A : vector<16xi32>
          tpu.vector_store_idx %arg6[%add3A_186, %and3A_127], %gather3A_183 {add = true} : memref<64x1296xf32, #tpu.memory_space<vmem>>[vector<16xi32>, vector<16xi32>], vector<16xf32>,
          %scan3A_187 = arith.constant 2 : i32
          %scan3A_188 = arith.addi %scan3A_49, %scan3A_187 : i32
          %mul3A_189 = arith.constant 32 : i32
          %mul3A_190 = arith.muli %while3A_36, %mul3A_189 : i32
          %add3A_191 = arith.constant 2080 : i32
          %add3A_192 = arith.addi %add3A_191, %mul3A_190 : i32
          %add3A_193 = arith.addi %add3A_192, %scan3A_188 : i32
          %broadcast_in_dim3A_194 = vector.broadcast %add3A_193 : i32 to vector<16xi32>
          %gather3A_195 = tpu.vector_load_idx %arg10[%broadcast_in_dim3A_194] : memref<4160xi32, #tpu.memory_space<vmem>>[vector<16xi32>], vector<16xi32>,
          %and3A_196 = arith.constant 4095 : i32
          %and3A_197 = vector.broadcast %and3A_196 : i32 to vector<16xi32>
          %and3A_198 = arith.andi %gather3A_195, %and3A_197 : vector<16xi32>
          %shift_right_logical3A_199 = arith.constant 12 : i32
          %shift_right_logical3A_200 = vector.broadcast %shift_right_logical3A_199 : i32 to vector<16xi32>
          %shift_right_logical3A_201 = arith.shrui %gather3A_195, %shift_right_logical3A_200 : vector<16xi32>
          %mul3A_202 = arith.constant 64 : i32
          %mul3A_203 = vector.broadcast %mul3A_202 : i32 to vector<16xi32>
          %mul3A_204 = arith.muli %shift_right_logical3A_201, %mul3A_203 : vector<16xi32>
          %broadcast_in_dim3A_205 = vector.broadcast %scan3A_188 : i32 to vector<16xi32>
          %add3A_206 = arith.constant 0 : i32
          %add3A_207 = vector.broadcast %add3A_206 : i32 to vector<16xi32>
          %add3A_208 = arith.addi %mul3A_204, %add3A_207 : vector<16xi32>
          %add3A_209 = arith.addi %add3A_208, %iota3A : vector<16xi32>
          %gather3A_210 = arith.constant 1 : i32
          %gather3A_211 = arith.constant 0 : i32
          %gather3A_212 = arith.constant 0 : i32
          %gather3A_213 = tpu.memref_slice %arg8[%gather3A_210, %gather3A_211, %gather3A_212] : memref<2x32x128xf32, #tpu.memory_space<vmem>> -> memref<1x32x128xf32, #tpu.memory_space<vmem>>
          %gather3A_214 = tpu.memref_squeeze %gather3A_213 : memref<1x32x128xf32, #tpu.memory_space<vmem>> -> memref<32x128xf32, #tpu.memory_space<vmem>>
          %gather3A_215 = tpu.vector_load_idx %gather3A_214[%broadcast_in_dim3A_205, %add3A_209] : memref<32x128xf32, #tpu.memory_space<vmem>>[vector<16xi32>, vector<16xi32>], vector<16xf32>,
          %add3A_216 = arith.constant 0 : i32
          %add3A_217 = vector.broadcast %add3A_216 : i32 to vector<16xi32>
          %add3A_218 = arith.addi %add3A_217, %iota3A : vector<16xi32>
          tpu.vector_store_idx %arg6[%add3A_218, %and3A_198], %gather3A_215 {add = true} : memref<64x1296xf32, #tpu.memory_space<vmem>>[vector<16xi32>, vector<16xi32>], vector<16xf32>,
          %add3A_219 = arith.constant 16 : i32
          %add3A_220 = vector.broadcast %add3A_219 : i32 to vector<16xi32>
          %add3A_221 = arith.addi %mul3A_204, %add3A_220 : vector<16xi32>
          %add3A_222 = arith.addi %add3A_221, %iota3A : vector<16xi32>
          %gather3A_223 = arith.constant 1 : i32
          %gather3A_224 = arith.constant 0 : i32
          %gather3A_225 = arith.constant 0 : i32
          %gather3A_226 = tpu.memref_slice %arg8[%gather3A_223, %gather3A_224, %gather3A_225] : memref<2x32x128xf32, #tpu.memory_space<vmem>> -> memref<1x32x128xf32, #tpu.memory_space<vmem>>
          %gather3A_227 = tpu.memref_squeeze %gather3A_226 : memref<1x32x128xf32, #tpu.memory_space<vmem>> -> memref<32x128xf32, #tpu.memory_space<vmem>>
          %gather3A_228 = tpu.vector_load_idx %gather3A_227[%broadcast_in_dim3A_205, %add3A_222] : memref<32x128xf32, #tpu.memory_space<vmem>>[vector<16xi32>, vector<16xi32>], vector<16xf32>,
          %add3A_229 = arith.constant 16 : i32
          %add3A_230 = vector.broadcast %add3A_229 : i32 to vector<16xi32>
          %add3A_231 = arith.addi %add3A_230, %iota3A : vector<16xi32>
          tpu.vector_store_idx %arg6[%add3A_231, %and3A_198], %gather3A_228 {add = true} : memref<64x1296xf32, #tpu.memory_space<vmem>>[vector<16xi32>, vector<16xi32>], vector<16xf32>,
          %add3A_232 = arith.constant 32 : i32
          %add3A_233 = vector.broadcast %add3A_232 : i32 to vector<16xi32>
          %add3A_234 = arith.addi %mul3A_204, %add3A_233 : vector<16xi32>
          %add3A_235 = arith.addi %add3A_234, %iota3A : vector<16xi32>
          %gather3A_236 = arith.constant 1 : i32
          %gather3A_237 = arith.constant 0 : i32
          %gather3A_238 = arith.constant 0 : i32
          %gather3A_239 = tpu.memref_slice %arg8[%gather3A_236, %gather3A_237, %gather3A_238] : memref<2x32x128xf32, #tpu.memory_space<vmem>> -> memref<1x32x128xf32, #tpu.memory_space<vmem>>
          %gather3A_240 = tpu.memref_squeeze %gather3A_239 : memref<1x32x128xf32, #tpu.memory_space<vmem>> -> memref<32x128xf32, #tpu.memory_space<vmem>>
          %gather3A_241 = tpu.vector_load_idx %gather3A_240[%broadcast_in_dim3A_205, %add3A_235] : memref<32x128xf32, #tpu.memory_space<vmem>>[vector<16xi32>, vector<16xi32>], vector<16xf32>,
          %add3A_242 = arith.constant 32 : i32
          %add3A_243 = vector.broadcast %add3A_242 : i32 to vector<16xi32>
          %add3A_244 = arith.addi %add3A_243, %iota3A : vector<16xi32>
          tpu.vector_store_idx %arg6[%add3A_244, %and3A_198], %gather3A_241 {add = true} : memref<64x1296xf32, #tpu.memory_space<vmem>>[vector<16xi32>, vector<16xi32>], vector<16xf32>,
          %add3A_245 = arith.constant 48 : i32
          %add3A_246 = vector.broadcast %add3A_245 : i32 to vector<16xi32>
          %add3A_247 = arith.addi %mul3A_204, %add3A_246 : vector<16xi32>
          %add3A_248 = arith.addi %add3A_247, %iota3A : vector<16xi32>
          %gather3A_249 = arith.constant 1 : i32
          %gather3A_250 = arith.constant 0 : i32
          %gather3A_251 = arith.constant 0 : i32
          %gather3A_252 = tpu.memref_slice %arg8[%gather3A_249, %gather3A_250, %gather3A_251] : memref<2x32x128xf32, #tpu.memory_space<vmem>> -> memref<1x32x128xf32, #tpu.memory_space<vmem>>
          %gather3A_253 = tpu.memref_squeeze %gather3A_252 : memref<1x32x128xf32, #tpu.memory_space<vmem>> -> memref<32x128xf32, #tpu.memory_space<vmem>>
          %gather3A_254 = tpu.vector_load_idx %gather3A_253[%broadcast_in_dim3A_205, %add3A_248] : memref<32x128xf32, #tpu.memory_space<vmem>>[vector<16xi32>, vector<16xi32>], vector<16xf32>,
          %add3A_255 = arith.constant 48 : i32
          %add3A_256 = vector.broadcast %add3A_255 : i32 to vector<16xi32>
          %add3A_257 = arith.addi %add3A_256, %iota3A : vector<16xi32>
          tpu.vector_store_idx %arg6[%add3A_257, %and3A_198], %gather3A_254 {add = true} : memref<64x1296xf32, #tpu.memory_space<vmem>>[vector<16xi32>, vector<16xi32>], vector<16xf32>,
          %scan3A_258 = arith.constant 3 : i32
          %scan3A_259 = arith.addi %scan3A_49, %scan3A_258 : i32
          %mul3A_260 = arith.constant 32 : i32
          %mul3A_261 = arith.muli %while3A_36, %mul3A_260 : i32
          %add3A_262 = arith.constant 2080 : i32
          %add3A_263 = arith.addi %add3A_262, %mul3A_261 : i32
          %add3A_264 = arith.addi %add3A_263, %scan3A_259 : i32
          %broadcast_in_dim3A_265 = vector.broadcast %add3A_264 : i32 to vector<16xi32>
          %gather3A_266 = tpu.vector_load_idx %arg10[%broadcast_in_dim3A_265] : memref<4160xi32, #tpu.memory_space<vmem>>[vector<16xi32>], vector<16xi32>,
          %and3A_267 = arith.constant 4095 : i32
          %and3A_268 = vector.broadcast %and3A_267 : i32 to vector<16xi32>
          %and3A_269 = arith.andi %gather3A_266, %and3A_268 : vector<16xi32>
          %shift_right_logical3A_270 = arith.constant 12 : i32
          %shift_right_logical3A_271 = vector.broadcast %shift_right_logical3A_270 : i32 to vector<16xi32>
          %shift_right_logical3A_272 = arith.shrui %gather3A_266, %shift_right_logical3A_271 : vector<16xi32>
          %mul3A_273 = arith.constant 64 : i32
          %mul3A_274 = vector.broadcast %mul3A_273 : i32 to vector<16xi32>
          %mul3A_275 = arith.muli %shift_right_logical3A_272, %mul3A_274 : vector<16xi32>
          %broadcast_in_dim3A_276 = vector.broadcast %scan3A_259 : i32 to vector<16xi32>
          %add3A_277 = arith.constant 0 : i32
          %add3A_278 = vector.broadcast %add3A_277 : i32 to vector<16xi32>
          %add3A_279 = arith.addi %mul3A_275, %add3A_278 : vector<16xi32>
          %add3A_280 = arith.addi %add3A_279, %iota3A : vector<16xi32>
          %gather3A_281 = arith.constant 1 : i32
          %gather3A_282 = arith.constant 0 : i32
          %gather3A_283 = arith.constant 0 : i32
          %gather3A_284 = tpu.memref_slice %arg8[%gather3A_281, %gather3A_282, %gather3A_283] : memref<2x32x128xf32, #tpu.memory_space<vmem>> -> memref<1x32x128xf32, #tpu.memory_space<vmem>>
          %gather3A_285 = tpu.memref_squeeze %gather3A_284 : memref<1x32x128xf32, #tpu.memory_space<vmem>> -> memref<32x128xf32, #tpu.memory_space<vmem>>
          %gather3A_286 = tpu.vector_load_idx %gather3A_285[%broadcast_in_dim3A_276, %add3A_280] : memref<32x128xf32, #tpu.memory_space<vmem>>[vector<16xi32>, vector<16xi32>], vector<16xf32>,
          %add3A_287 = arith.constant 0 : i32
          %add3A_288 = vector.broadcast %add3A_287 : i32 to vector<16xi32>
          %add3A_289 = arith.addi %add3A_288, %iota3A : vector<16xi32>
          tpu.vector_store_idx %arg6[%add3A_289, %and3A_269], %gather3A_286 {add = true} : memref<64x1296xf32, #tpu.memory_space<vmem>>[vector<16xi32>, vector<16xi32>], vector<16xf32>,
          %add3A_290 = arith.constant 16 : i32
          %add3A_291 = vector.broadcast %add3A_290 : i32 to vector<16xi32>
          %add3A_292 = arith.addi %mul3A_275, %add3A_291 : vector<16xi32>
          %add3A_293 = arith.addi %add3A_292, %iota3A : vector<16xi32>
          %gather3A_294 = arith.constant 1 : i32
          %gather3A_295 = arith.constant 0 : i32
          %gather3A_296 = arith.constant 0 : i32
          %gather3A_297 = tpu.memref_slice %arg8[%gather3A_294, %gather3A_295, %gather3A_296] : memref<2x32x128xf32, #tpu.memory_space<vmem>> -> memref<1x32x128xf32, #tpu.memory_space<vmem>>
          %gather3A_298 = tpu.memref_squeeze %gather3A_297 : memref<1x32x128xf32, #tpu.memory_space<vmem>> -> memref<32x128xf32, #tpu.memory_space<vmem>>
          %gather3A_299 = tpu.vector_load_idx %gather3A_298[%broadcast_in_dim3A_276, %add3A_293] : memref<32x128xf32, #tpu.memory_space<vmem>>[vector<16xi32>, vector<16xi32>], vector<16xf32>,
          %add3A_300 = arith.constant 16 : i32
          %add3A_301 = vector.broadcast %add3A_300 : i32 to vector<16xi32>
          %add3A_302 = arith.addi %add3A_301, %iota3A : vector<16xi32>
          tpu.vector_store_idx %arg6[%add3A_302, %and3A_269], %gather3A_299 {add = true} : memref<64x1296xf32, #tpu.memory_space<vmem>>[vector<16xi32>, vector<16xi32>], vector<16xf32>,
          %add3A_303 = arith.constant 32 : i32
          %add3A_304 = vector.broadcast %add3A_303 : i32 to vector<16xi32>
          %add3A_305 = arith.addi %mul3A_275, %add3A_304 : vector<16xi32>
          %add3A_306 = arith.addi %add3A_305, %iota3A : vector<16xi32>
          %gather3A_307 = arith.constant 1 : i32
          %gather3A_308 = arith.constant 0 : i32
          %gather3A_309 = arith.constant 0 : i32
          %gather3A_310 = tpu.memref_slice %arg8[%gather3A_307, %gather3A_308, %gather3A_309] : memref<2x32x128xf32, #tpu.memory_space<vmem>> -> memref<1x32x128xf32, #tpu.memory_space<vmem>>
          %gather3A_311 = tpu.memref_squeeze %gather3A_310 : memref<1x32x128xf32, #tpu.memory_space<vmem>> -> memref<32x128xf32, #tpu.memory_space<vmem>>
          %gather3A_312 = tpu.vector_load_idx %gather3A_311[%broadcast_in_dim3A_276, %add3A_306] : memref<32x128xf32, #tpu.memory_space<vmem>>[vector<16xi32>, vector<16xi32>], vector<16xf32>,
          %add3A_313 = arith.constant 32 : i32
          %add3A_314 = vector.broadcast %add3A_313 : i32 to vector<16xi32>
          %add3A_315 = arith.addi %add3A_314, %iota3A : vector<16xi32>
          tpu.vector_store_idx %arg6[%add3A_315, %and3A_269], %gather3A_312 {add = true} : memref<64x1296xf32, #tpu.memory_space<vmem>>[vector<16xi32>, vector<16xi32>], vector<16xf32>,
          %add3A_316 = arith.constant 48 : i32
          %add3A_317 = vector.broadcast %add3A_316 : i32 to vector<16xi32>
          %add3A_318 = arith.addi %mul3A_275, %add3A_317 : vector<16xi32>
          %add3A_319 = arith.addi %add3A_318, %iota3A : vector<16xi32>
          %gather3A_320 = arith.constant 1 : i32
          %gather3A_321 = arith.constant 0 : i32
          %gather3A_322 = arith.constant 0 : i32
          %gather3A_323 = tpu.memref_slice %arg8[%gather3A_320, %gather3A_321, %gather3A_322] : memref<2x32x128xf32, #tpu.memory_space<vmem>> -> memref<1x32x128xf32, #tpu.memory_space<vmem>>
          %gather3A_324 = tpu.memref_squeeze %gather3A_323 : memref<1x32x128xf32, #tpu.memory_space<vmem>> -> memref<32x128xf32, #tpu.memory_space<vmem>>
          %gather3A_325 = tpu.vector_load_idx %gather3A_324[%broadcast_in_dim3A_276, %add3A_319] : memref<32x128xf32, #tpu.memory_space<vmem>>[vector<16xi32>, vector<16xi32>], vector<16xf32>,
          %add3A_326 = arith.constant 48 : i32
          %add3A_327 = vector.broadcast %add3A_326 : i32 to vector<16xi32>
          %add3A_328 = arith.addi %add3A_327, %iota3A : vector<16xi32>
          tpu.vector_store_idx %arg6[%add3A_328, %and3A_269], %gather3A_325 {add = true} : memref<64x1296xf32, #tpu.memory_space<vmem>>[vector<16xi32>, vector<16xi32>], vector<16xf32>,
        }
        %scan3A_46 = arith.constant 32 : i32
        %add3A_47 = arith.constant 1 : i32
        %add3A_48 = arith.addi %while3A_36, %add3A_47 : i32
        scf.yield %add3A_48 : i32
      }
      %cond3A_30 = arith.constant 1 : i32
      "tpu.region"() ({
        %run_scoped3A = tpu.sem_alloc : memref<!tpu.dma_semaphore, #tpu.memory_space<semaphore_mem>>
        %dma_start3A = arith.constant 0 : i32
        %dma_start3A_36 = arith.constant 0 : i32
        %dma_start3A_37 = tpu.memref_slice %arg6[%dma_start3A, %dma_start3A_36] : memref<64x1296xf32, #tpu.memory_space<vmem>> -> memref<64x128xf32, #tpu.memory_space<vmem>>
        %dma_start3A_38 = arith.constant 0 : i32
        %dma_start3A_39 = arith.constant 99840 : i32
        %dma_start3A_40 = tpu.memref_slice %arg5[%dma_start3A_38, %dma_start3A_39] : memref<64x100000xf32, #tpu.memory_space<hbm>> -> memref<64x128xf32, #tpu.memory_space<hbm>>
        %dma_start3A_41 = arith.constant 0 : i32
        %dma_start3A_42 = arith.constant 99840 : i32
        %dma_start3A_43 = tpu.memref_slice %arg5[%dma_start3A_41, %dma_start3A_42] : memref<64x100000xf32, #tpu.memory_space<hbm>> -> memref<64x128xf32, #tpu.memory_space<hbm>>
        %dma_start3A_44 = arith.constant 0 : i32
        %dma_start3A_45 = arith.constant 0 : i32
        %dma_start3A_46 = tpu.memref_slice %arg6[%dma_start3A_44, %dma_start3A_45] : memref<64x1296xf32, #tpu.memory_space<vmem>> -> memref<64x128xf32, #tpu.memory_space<vmem>>
        tpu.enqueue_dma source(%dma_start3A_46 : memref<64x128xf32, #tpu.memory_space<vmem>>) target(%dma_start3A_43 : memref<64x128xf32, #tpu.memory_space<hbm>>) target_semaphore(%run_scoped3A : memref<!tpu.dma_semaphore, #tpu.memory_space<semaphore_mem>>)
        %dma_wait3A_47 = arith.constant 0 : i32
        %dma_wait3A_48 = arith.constant 0 : i32
        %dma_wait3A_49 = tpu.memref_slice %arg6[%dma_wait3A_47, %dma_wait3A_48] : memref<64x1296xf32, #tpu.memory_space<vmem>> -> memref<64x128xf32, #tpu.memory_space<vmem>>
        %dma_wait3A_50 = arith.constant 0 : i32
        %dma_wait3A_51 = arith.constant 99840 : i32
        %dma_wait3A_52 = tpu.memref_slice %arg5[%dma_wait3A_50, %dma_wait3A_51] : memref<64x100000xf32, #tpu.memory_space<hbm>> -> memref<64x128xf32, #tpu.memory_space<hbm>>
        %dma_wait3A_53 = arith.constant 0 : i32
        %dma_wait3A_54 = arith.constant 99840 : i32
        %dma_wait3A_55 = tpu.memref_slice %arg5[%dma_wait3A_53, %dma_wait3A_54] : memref<64x100000xf32, #tpu.memory_space<hbm>> -> memref<64x128xf32, #tpu.memory_space<hbm>>
        %dma_wait3A_56 = arith.constant 0 : i32
        %dma_wait3A_57 = arith.constant 0 : i32
        %dma_wait3A_58 = tpu.memref_slice %arg6[%dma_wait3A_56, %dma_wait3A_57] : memref<64x1296xf32, #tpu.memory_space<vmem>> -> memref<64x128xf32, #tpu.memory_space<vmem>>
        tpu.wait_dma2 semaphore(%run_scoped3A : memref<!tpu.dma_semaphore, #tpu.memory_space<semaphore_mem>>) src(%dma_wait3A_58 : memref<64x128xf32, #tpu.memory_space<vmem>>) dst(%dma_wait3A_55 : memref<64x128xf32, #tpu.memory_space<hbm>>)
        tpu.yield
      }) : () -> ()
      %not3A = arith.constant true
      %not3A_31 = arith.constant true
      %not3A_32 = arith.xori %not3A, %not3A_31 : i1
      %convert_element_type3A_33 = arith.extui %not3A_32 : i1 to i32
      %cond3A_34 = arith.constant 0 : i32
      %cond3A_35 = arith.cmpi ne, %convert_element_type3A_33, %cond3A_34 : i32
      scf.if %cond3A_35 {
        %dma_start3A = arith.constant 0 : i32
        %dma_start3A_36 = arith.constant 0 : i32
        %dma_start3A_37 = tpu.memref_slice %arg6[%dma_start3A, %dma_start3A_36] : memref<64x1296xf32, #tpu.memory_space<vmem>> -> memref<64x128xf32, #tpu.memory_space<vmem>>
        %dma_start3A_38 = arith.constant 0 : i32
        %dma_start3A_39 = arith.constant 99840 : i32
        %dma_start3A_40 = tpu.memref_slice %arg5[%dma_start3A_38, %dma_start3A_39] : memref<64x100000xf32, #tpu.memory_space<hbm>> -> memref<64x128xf32, #tpu.memory_space<hbm>>
        %dma_start3A_41 = arith.constant 0 : i32
        %dma_start3A_42 = arith.constant 99840 : i32
        %dma_start3A_43 = tpu.memref_slice %arg5[%dma_start3A_41, %dma_start3A_42] : memref<64x100000xf32, #tpu.memory_space<hbm>> -> memref<64x128xf32, #tpu.memory_space<hbm>>
        %dma_start3A_44 = arith.constant 0 : i32
        %dma_start3A_45 = arith.constant 0 : i32
        %dma_start3A_46 = tpu.memref_slice %arg6[%dma_start3A_44, %dma_start3A_45] : memref<64x1296xf32, #tpu.memory_space<vmem>> -> memref<64x128xf32, #tpu.memory_space<vmem>>
        tpu.enqueue_dma source(%dma_start3A_46 : memref<64x128xf32, #tpu.memory_space<vmem>>) target(%dma_start3A_43 : memref<64x128xf32, #tpu.memory_space<hbm>>) target_semaphore(%arg13 : memref<!tpu.dma_semaphore, #tpu.memory_space<semaphore_mem>>)
      } else {
      }
    } else {
    }
    return
  }
}

</mosaic_0001>

<sc_bundles>
// kernel: kernel.3.cloned.1.call-start
scs
__scs_entry_jumppad:
0x0: {  	(pc) =	sbr.rel $0x88, $3  }
0x1: {  	(tag) =	ssettag $0x0;
	lr =	simm.s32 $0x1  }
0x2: {  	[smem:$0x3F9E] =	sst lr;
	_ =	strace $0xD0000000  }
0x3: {  	_ = 	snop  }
0x4: {  	_ = 	snop  }
0x5: {  	_ = 	snop  }
0x6: {  	_ = 	snop  }
0x7: {  	_ = 	snop  }
__scs_overlays_trampoline_lowered:
0x8: {  	[smem:$0x3FAD] =	sst s0  }
0x9: {  	[smem:$0x3FAE] =	sst s1  }
0xa: {  	[smem:$0x3FAF] =	sst s2  }
0xb: {  	[smem:$0x3FB0] =	sst s3  }
0xc: {  	[smem:$0x3FB1] =	sst s4  }
0xd: {  	[smem:$0x3FB2] =	sst s5  }
0xe: {  	[smem:$0x3FB3] =	sst s6  }
0xf: {  	[smem:$0x3FB4] =	sst s7  }
0x10: {  	[smem:$0x3FB5] =	sst s8  }
0x11: {  	[smem:$0x3FB6] =	sst s9;
	s0 =	simm.s32 @!p0 $0x0  }
0x12: {  	s1 =	sld [smem:$0x3F9C];
	s0 =	simm.s32 @p0 $0x1  }
0x13: {  	[smem:$0x3FB7] =	sst s0;
	s0 =	simm.s32 @!p1 $0x0  }
0x14: {  	s2 =	sld [smem:$0x3F9B];
	s0 =	simm.s32 @p1 $0x1  }
0x15: {  	[smem:$0x3FB8] =	sst s0;
	s0 =	simm.s32 @!p2 $0x0  }
0x16: {  	s3 =	sld [smem:$0x3FDB];
	s0 =	simm.s32 @p2 $0x1  }
0x17: {  	s4 =	simm.s32 $0x1BF5;
	[smem:$0x3FBA] =	sst s0  }
0x18: {  	s0 =	sld [smem:$0x3F9D];
	_ =	swait.ge [sflag:s4], $0x0  }
0x19: {  	s7 =	sld [smem:$0x3F9E]  }
0x1a: {  	s8 =	sadd.s32 $0xFFFFE003, lr  }
0x1b: {  	s9 =	sadd.s32 $0xFFFFFEF7, lr;
	s5 =	simm.s32 $0xFFFFFFFF;
	p2 =	slt.u32 s8, $0xFFFFF086  }
0x1c: {  	p1 =	slt.u32 s9, $0xF7A;
	s5 =	simm.s32 @!p2 $0x0  }
0x1d: {  	s5 =	simm.s32 @p1 $0x1;
	p0 =	seq.s32 s7, s2  }
0x1e: {  	s7 =	smul.u32 @!p0 $0xF7A, s2;
	p2 =	seq.s32 @!p0 s5, $0x0  }
0x1f: {  	s9 =	smul.u32 $0xF7A, s1;
	s8 =	simm.s32 @!p0 $0x1BF5;
	p2 =	por !p2, p0  }
0x20: {  	[sflag:s8] =	ssyncset.s32 @!p0 $0xFFFFF086;
	s6 =	sadd.s32 @!p0 s3, s7;
	s7 =	simm.s32 @!p0 $0x108  }
0x21: {  	s3 =	sadd.s32 s3, s9;
	s6 =	sadd.s32 @!p0 $0x88, s6;
	s7 =	simm.s32 @p2 $0x1082  }
0x22: {  	[simem:s7], [sflag:s8] =	dma.local @!p0 [hbm:s6], $0xF7A  }
0x23: {  	s9 =	sor.u32 $0xD0000000, s2;
	s6 =	simm.s32 $0x108;
	_ =	swait.ge @!p0 [sflag:s8], $0x0  }
0x24: {  	s3 =	sadd.s32 $0x88, s3;
	s6 =	simm.s32 @!p1 $0x1082;
	[sflag:s4] =	ssyncset.s32 $0xFFFFF086  }
0x25: {  	[simem:s6], [sflag:s4] =	dma.local [hbm:s3], $0xF7A  }
0x26: {  	[smem:$0x3F9E] =	sst s1;
	(tag) =	ssettag s2;
	_ =	strace s9  }
0x27: {  	s1 =	sld [smem:$0x3FAE]  }
0x28: {  	s2 =	sld [smem:$0x3FAF]  }
0x29: {  	s4 =	sld [smem:$0x3FB1]  }
0x2a: {  	p0 =	seq.s32 s5, $0x0;
	s5 =	sld [smem:$0x3FB2]  }
0x2b: {  	s6 =	sld [smem:$0x3FB3]  }
0x2c: {  	s7 =	sld [smem:$0x3FB4]  }
0x2d: {  	s3 =	simm.s32 $0x108;
	s8 =	sld [smem:$0x3FB5]  }
0x2e: {  	s3 =	simm.s32 @!p0 $0x1082;
	s9 =	sld [smem:$0x3FB6]  }
0x2f: {  	lr =	sadd.s32 s0, s3;
	s0 =	sld [smem:$0x3FAD]  }
0x30: {  	s3 =	sld [smem:$0x3FB0]  }
0x31: {  	[smem:$0x3FB9] =	sst s10  }
0x32: {  	s10 =	sld [smem:$0x3FB7];
	_ =	sdelay $0x3  }
0x33: {  	p0 =	seq.s32 s10, $0x1;
	s10 =	sld [smem:$0x3FB9];
	_ =	sdelay $0x3  }
0x34: {  	[smem:$0x3FB9] =	sst s10  }
0x35: {  	s10 =	sld [smem:$0x3FB8];
	_ =	sdelay $0x3  }
0x36: {  	p1 =	seq.s32 s10, $0x1;
	s10 =	sld [smem:$0x3FB9];
	_ =	sdelay $0x3  }
0x37: {  	[smem:$0x3FB9] =	sst s10  }
0x38: {  	s10 =	sld [smem:$0x3FBA]  }
0x39: {  	_ = 	snop;
	(pc) =	sbr.ind lr, $3  }
0x3a: {  	_ = 	snop  }
0x3b: {  	_ = 	snop  }
0x3c: {  	p2 =	seq.s32 s10, $0x1;
	s10 =	sld [smem:$0x3FB9]  }
0x3d: {  	_ =	shalt  }
0x3e: {  	_ =	shalt  }
0x3f: {  	_ =	shalt  }
0x40: {  	_ =	shalt  }
0x41: {  	_ =	shalt  }
0x42: {  	_ =	shalt  }
0x43: {  	_ =	shalt  }
0x44: {  	_ =	shalt  }
0x45: {  	_ =	shalt  }
0x46: {  	_ =	shalt  }
0x47: {  	_ =	shalt  }
0x48: {  	_ =	shalt  }
0x49: {  	_ =	shalt  }
0x4a: {  	_ =	shalt  }
0x4b: {  	_ =	shalt  }
0x4c: {  	_ =	shalt  }
0x4d: {  	_ =	shalt  }
0x4e: {  	_ =	shalt  }
0x4f: {  	_ =	shalt  }
0x50: {  	_ =	shalt  }
0x51: {  	_ =	shalt  }
0x52: {  	_ =	shalt  }
0x53: {  	_ =	shalt  }
0x54: {  	_ =	shalt  }
0x55: {  	_ =	shalt  }
0x56: {  	_ =	shalt  }
0x57: {  	_ =	shalt  }
0x58: {  	_ =	shalt  }
0x59: {  	_ =	shalt  }
0x5a: {  	_ =	shalt  }
0x5b: {  	_ =	shalt  }
0x5c: {  	_ =	shalt  }
0x5d: {  	_ =	shalt  }
0x5e: {  	_ =	shalt  }
0x5f: {  	_ =	shalt  }
0x60: {  	_ =	shalt  }
0x61: {  	_ =	shalt  }
0x62: {  	_ =	shalt  }
0x63: {  	_ =	shalt  }
0x64: {  	_ =	shalt  }
0x65: {  	_ =	shalt  }
0x66: {  	_ =	shalt  }
0x67: {  	_ =	shalt  }
0x68: {  	_ =	shalt  }
0x69: {  	_ =	shalt  }
0x6a: {  	_ =	shalt  }
0x6b: {  	_ =	shalt  }
0x6c: {  	_ =	shalt  }
0x6d: {  	_ =	shalt  }
0x6e: {  	_ =	shalt  }
0x6f: {  	_ =	shalt  }
0x70: {  	_ =	shalt  }
0x71: {  	_ =	shalt  }
0x72: {  	_ =	shalt  }
0x73: {  	_ =	shalt  }
0x74: {  	_ =	shalt  }
0x75: {  	_ =	shalt  }
0x76: {  	_ =	shalt  }
0x77: {  	_ =	shalt  }
0x78: {  	_ =	shalt  }
0x79: {  	_ =	shalt  }
0x7a: {  	_ =	shalt  }
0x7b: {  	_ =	shalt  }
0x7c: {  	_ =	shalt  }
0x7d: {  	_ =	shalt  }
0x7e: {  	_ =	shalt  }
0x7f: {  	_ =	shalt  }
0x80: {  	_ =	shalt  }
0x81: {  	_ =	shalt  }
0x82: {  	_ =	shalt  }
0x83: {  	_ =	shalt  }
0x84: {  	_ =	shalt  }
0x85: {  	_ =	shalt  }
0x86: {  	_ =	shalt  }
0x87: {  	_ =	shalt  }
.Lfunc_end0:
.L_simem_size_0:
called_computation_lowered:
.L_overlay_start_0:
0x88: {  	s2 =	sld [smem:$0x3FD9]  }
0x89: {  	s3 =	sld [smem:$0x3FFE];
	_ =	sdelay $0x1  }
0x8a: {  	s1 =	srdreg.scid  }
0x8b: {  	s0 =	sand.u32 $0x1, s1  }
0x8c: {  	s17 =	sshll.u32 s0, $0xA;
	s2 =	sadd.s32 s3, s2  }
0x8d: {  	s2 =	sadd.s32 s2, s17  }
0x8e: {  	[smem:$0x3FC5] =	sst s2  }
0x8f: {  	_ = 	snop  }
0x90: {  	s2 =	sld [smem:$0x3FC9]  }
0x91: {  	s18 =	sld [smem:$0x3FC8]  }
0x92: {  	s4 =	sld [smem:$0x3FD0];
	(tm) =	ssettm $0x1  }
0x93: {  	s5 =	sld [smem:$0x3FFB];
	_ =	sdelay $0x3  }
0x94: {  	_ =	strace s5  }
0x95: {  	s5 =	sld [smem:$0x3FFC];
	_ =	sdelay $0x3  }
0x96: {  	_ =	strace s5  }
0x97: {  	s5 =	sld [smem:$0x3FFD];
	_ =	sdelay $0x3  }
0x98: {  	_ =	strace s5  }
0x99: {  	_ =	strace $0x8FFFFFFF  }
0x9a: {  	s19 =	sld [smem:$0x3FDB];
	_ =	sdelay $0x1  }
0x9b: {  	s6 =	simm.s32 $_scs_section_size  }
0x9c: {  	s7 =	simm.s32 $_size__tile_overlayer_lowered;
	s8 =	simm.s32 $_tile_overlayer_lowered  }
0x9d: {  	s22 =	simm.s32 $0x1BFF;
	s21 =	sshll.u32 s8, $0x1;
	s5 =	sadd.s32 s6, s19  }
0x9e: {  	s9 =	simm.s32 $0x0;
	s20 =	sshll.u32 s7, $0x1;
	s7 =	sadd.s32 s21, s5  }
0x9f: {  	[timem:s9], [sflag:s22] =	dma.local [hbm:s7], s20  }
0xa0: {  	_ =	swait.ge [sflag:s22], s20  }
0xa1: {  	s6 =	ssub.s32 $0x0, s20;
	[sflag:s22] =	ssyncset.done $0x0  }
0xa2: {  	[sflag:s22] =	ssyncadd.s32 s6;
	_ =	sdelay $0x1  }
0xa3: {  	s23 =	simm.s32 $0x1B8B  }
0xa4: {  	_ =	swait.ge [sflag:s23], $0x1  }
0xa5: {  	[sflag:s23] =	ssyncset.done $0x0  }
0xa6: {  	s25 =	simm.s32 $0x1B8E;
	s24 =	sld [smem:$0x3FFE];
	[sflag:s23] =	ssyncadd.s32 $0xFFFFFFFF  }
0xa7: {  	s26 =	simm.s32 $execute0_lowered;
	[smem:$0x3FD2] =	sst s25  }
0xa8: {  	s7 =	sshll.u32 s26, $0x1;
	_ =	strace $0x80000046;
	[dreg:$0x1] =	wrdreg $0xFFFFFFFF  }
0xa9: {  	s28 =	simm.s32 $_size_execute0_lowered;
	s5 =	sadd.s32 s5, s7;
	[dreg:$0x0] =	wrdreg $0x0  }
0xaa: {  	s7 =	sshll.u32 s28, $0x1;
	[dreg:$0x2] =	wrdreg s5  }
0xab: {  	[dreg:$0x3] =	wrdreg s7  }
0xac: {  	[dreg:$0x4] =	wrdreg $0xC0  }
0xad: {  	_ =	task [dreg:s9], $0x5FFFF  }
0xae: {  	[dreg:$0x1] =	wrdreg $0xFFFFFFFF  }
0xaf: {  	[dreg:$0x0] =	wrdreg $0x60  }
0xb0: {  	[dreg:$0x2] =	wrdreg s2  }
0xb1: {  	[dreg:$0x3] =	wrdreg s18  }
0xb2: {  	[dreg:$0x4] =	wrdreg s24  }
0xb3: {  	[dreg:$0x5] =	wrdreg s4  }
0xb4: {  	[dreg:$0x6] =	wrdreg $0x9  }
0xb5: {  	_ =	task.clear_ibuf [dreg:s9], $0x7FFFF;
	_ =	strace $0x90000046  }
0xb6: {  	s29 =	simm.s32 $0x9;
	_ =	strace $0x80000048  }
0xb7: {  	_ =	swait.ge [sflag:s29], $0x1  }
0xb8: {  	[sflag:s29] =	ssyncadd.s32 $0xFFFFFFFF  }
0xb9: {  	_ =	strace $0x90000048  }
0xba: {  	_ =	sfence  }
0xbb: {  	s30 =	sld [smem:$0x0];
	_ =	sdelay $0x2  }
0xbc: {  	s31 =	sshll.u32 s1, $0xD;
	s1 =	sshrl.u32 s1, $0x2  }
0xbd: {  	s3 =	sand.u32 $0x4000, s31;
	s1 =	sadd.s32 s1, s30  }
0xbe: {  	s0 =	sor.u32 s3, s0;
	s1 =	sshll.u32 s1, $0x11  }
0xbf: {  	s0 =	sor.u32 s1, s0  }
0xc0: {  	s0 =	sadd.s32 $0x8F2B, s0  }
0xc1: {  	[sflag:s0] =	ssyncadd.remote.s32 $0x1  }
0xc2: {  	_ =	sfence.sel $0xFFFF  }
0xc3: {  	[dreg:$0x0] =	wrdreg $0xFFFFFFFF;
	(pc) =	sbr.abs _section_cstart, $3  }
0xc4: {  	[dreg:$0x1] =	wrdreg $0xFFFFFFFF  }
0xc5: {  	_ =	task.clear_ibuf [dreg:s9], $0x2FFFF;
	_ =	strace $0x9FFFFFFF  }
0xc6: {  	(tm) =	ssettm $0x7FFFFFFF  }
0xc7: {  	_ =	shalt  }
tec
execute0_lowered:
.L_overlay_start_1:
0x0: {  	(tag) =	ssettag $0x1  }
0x1: {  	v0 =	vimm.s32 $0x2F80;
	vm14 =	vcmask $0x300;
	vm13 =	vcmask $0x704  }
0x2: {  	vm12 =	vcmask $0xB08;
	vm11 =	vcmask $0xF0C;
	vm10 =	vcmask $0x1310  }
0x3: {  	vm9 =	vcmask $0x1714;
	vm8 =	vcmask $0x1B18;
	vm7 =	vcmask $0x1F1C  }
0x4: {  	vm6 =	vcmask $0x2320;
	vm5 =	vcmask $0x2724;
	vm3 =	vcmask $0x2B28  }
0x5: {  	vm4 =	vcmask $0x2F2C;
	vm2 =	vcmask $0x3330;
	vm1 =	vcmask $0x3734  }
0x6: {  	vm0 =	vcmask $0x3B38;
	v8 =	vimm.s32 $0x8780;
	v9 =	vimm.s32 $0xDF80  }
0x7: {  	v10 =	vimm.s32 $0x13780;
	v0 =	vsel vm14, $0x0, v0;
	v8 =	vsel vm14, $0x5800, v8  }
0x8: {  	v9 =	vsel vm14, $0xB000, v9;
	v10 =	vsel vm14, $0x10800, v10;
	v0 =	vsel vm13, $0x80, v0  }
0x9: {  	v8 =	vsel vm13, $0x5880, v8;
	v9 =	vsel vm13, $0xB080, v9;
	v10 =	vsel vm13, $0x10880, v10  }
0xa: {  	v0 =	vsel vm12, $0x100, v0;
	v8 =	vsel vm12, $0x5900, v8;
	v9 =	vsel vm12, $0xB100, v9  }
0xb: {  	v10 =	vsel vm12, $0x10900, v10;
	v0 =	vsel vm11, $0x180, v0;
	v8 =	vsel vm11, $0x5980, v8  }
0xc: {  	v9 =	vsel vm11, $0xB180, v9;
	v10 =	vsel vm11, $0x10980, v10;
	v0 =	vsel vm10, $0x200, v0  }
0xd: {  	s0 =	srdreg.scid;
	v8 =	vsel vm10, $0x5A00, v8;
	v9 =	vsel vm10, $0xB200, v9;
	v10 =	vsel vm10, $0x10A00, v10  }
0xe: {  	s5 =	stileid.u32;
	s9 =	rddreg [dreg:$0x0];
	v0 =	vsel vm9, $0x280, v0;
	v8 =	vsel vm9, $0x5A80, v8;
	v9 =	vsel vm9, $0xB280, v9  }
0xf: {  	s30 =	rddreg [dreg:$0x2];
	s0 =	sand.u32 $0x1, s0;
	s1 =	sshll.u32 s5, $0x1;
	v10 =	vsel vm9, $0x10A80, v10;
	v0 =	vsel vm8, $0x300, v0;
	v8 =	vsel vm8, $0x5B00, v8  }
0x10: {  	s11 =	rddreg [dreg:$0x3];
	s1 =	sor.u32 s0, s1;
	v9 =	vsel vm8, $0xB300, v9;
	v10 =	vsel vm8, $0x10B00, v10;
	v1 =	vsel vm7, $0x380, v0  }
0x11: {  	s6 =	simm.s32 $0x0;
	s13 =	simm.s32 $0x16000;
	s2 =	sshll.u32 s1, $0x8;
	v0 =	vlaneseq.u32;
	v8 =	vsel vm7, $0x5B80, v8;
	v9 =	vsel vm7, $0xB380, v9  }
0x12: {  	s15 =	simm.s32 $0x1;
	s16 =	simm.s32 $0x1D080;
	s17 =	simm.s32 $0x1C000;
	v10 =	vsel vm7, $0x10B80, v10;
	v2 =	vsel vm6, $0x2C00, v1;
	v1 =	vor.u32 s2, v0  }
0x13: {  	s18 =	simm.s32 $0x20;
	s3 =	smul.u32 $0x500, s1;
	s2 =	sor.u32 $0x10, s2;
	v6 =	vand.u32 $0x1, v0;
	v8 =	vsel vm6, $0x8400, v8;
	v9 =	vsel vm6, $0xDC00, v9  }
0x14: {  	s19 =	simm.s32 $0x2;
	s20 =	simm.s32 $0x1B000;
	s21 =	simm.s32 $0x2C00;
	v10 =	vsel vm6, $0x13400, v10;
	v3 =	vsel vm5, $0x2C80, v2;
	v2 =	vor.u32 s2, v0  }
0x15: {  	s22 =	simm.s32 $0x5800;
	s23 =	simm.s32 $0x8400;
	s26 =	sadd.s32 $0x14000, s3;
	v8 =	vsel vm5, $0x8480, v8;
	v9 =	vsel vm5, $0xDC80, v9;
	v10 =	vsel vm5, $0x13480, v10  }
0x16: {  	s24 =	simm.s32 $0xB000;
	s25 =	simm.s32 $0xDC00;
	s28 =	simm.s32 $0x13400;
	v4 =	vsel vm3, $0x2D00, v3;
	v3 =	vmov s26;
	v8 =	vsel vm3, $0x8500, v8  }
0x17: {  	s29 =	simm.s32 $0x3;
	[smem:$0x7FF] =	sst s6;
	s7 =	sadd.s32 $0x800, s30;
	v9 =	vsel vm3, $0xDD00, v9;
	v10 =	vsel vm3, $0x13500, v10;
	v5 =	vsel vm4, $0x2D80, v4  }
0x18: {  	s10 =	sadd.s32 $0x18600, s9;
	s31 =	sadd.s32 $0x18600, s11;
	s0 =	ssub.s32 $0x2, s0;
	v4 =	vimm.s32 $0x0;
	v8 =	vsel vm4, $0x8580, v8;
	v9 =	vsel vm4, $0xDD80, v9  }
.Ltmp0:
0x19: {  	p1 =	sgt.u32 s5, $0x6;
	s4 =	sshrl.u32 s0, $0x1;
	v10 =	vsel vm4, $0x13580, v10;
	v5 =	vsel vm2, $0x2E00, v5;
	v8 =	vsel vm2, $0x8600, v8;
	(pc) =	sbr.rel .LBB2_1-.Ltmp0, $4  }
0x1a: {  	_ =	strace $0x80000047;
	[dreg:$0x6] =	wrdreg s31;
	s0 =	ssub.s32 s0, s4;
	v9 =	vsel vm2, $0xDE00, v9;
	v10 =	vsel vm2, $0x13600, v10;
	v7 =	vsel vm1, $0x2E80, v5  }
0x1b: {  	p0 =	slt.u32 s1, $0xF;
	p2 =	sne.s32 s1, $0xE;
	s0 =	smax.u32 s0, $0x1;
	v5 =	vmul.u32 $0x1000, v6;
	v6 =	vimm.f32 $0.0e+00;
	v8 =	vsel vm1, $0x8680, v8  }
0x1c: {  	s8 =	sadd.s32 s9, s26;
	[dreg:$0x7] =	wrdreg s0;
	s2 =	sadd.s32 s11, s26;
	v9 =	vsel vm1, $0xDE80, v9;
	v10 =	vsel vm1, $0x13680, v10;
	v7 =	vsel vm0, $0x2F00, v7  }
0x1d: {  	[dreg:$0x5] =	wrdreg s2;
	s26 =	simm.s32 $0x10800;
	s2 =	simm.s32 $0x0;
	v8 =	vsel vm0, $0x8700, v8;
	v9 =	vsel vm0, $0xDF00, v9;
	v10 =	vsel vm0, $0x13700, v10  }
.LBB2_62:
0x1e: {  	s2 =	rddreg [dreg:$0x6]  }
0x1f: {  	[hbm4b:s2+s6] =	stream.linear.scatter [tilespmem:s6], [sflag:$0x4], $0x400, $0x38;
	[tilespmem:$0x1E100] =	vst v63  }
0x20: {  	s0 =	sadd.s32 $0x18700, s2  }
0x21: {  	[hbm4b:s0+s6] =	stream.linear.scatter [tilespmem:s21], [sflag:$0x4], $0x400, $0x38;
	[tilespmem:$0x1E100] =	vst v63  }
0x22: {  	s5 =	sadd.s32 $0x30E00, s2  }
0x23: {  	[hbm4b:s5+s6] =	stream.linear.scatter [tilespmem:s22], [sflag:$0x4], $0x400, $0x38;
	[tilespmem:$0x1E100] =	vst v63  }
0x24: {  	s9 =	sadd.s32 $0x49500, s2  }
0x25: {  	[hbm4b:s9+s6] =	stream.linear.scatter [tilespmem:s23], [sflag:$0x4], $0x400, $0x38;
	[tilespmem:$0x1E100] =	vst v63  }
0x26: {  	s11 =	sadd.s32 $0x61C00, s2  }
0x27: {  	[hbm4b:s11+s6] =	stream.linear.scatter [tilespmem:s24], [sflag:$0x4], $0x400, $0x38;
	[tilespmem:$0x1E100] =	vst v63  }
0x28: {  	s12 =	sadd.s32 $0x7A300, s2  }
0x29: {  	[hbm4b:s12+s6] =	stream.linear.scatter [tilespmem:s25], [sflag:$0x4], $0x400, $0x38;
	[tilespmem:$0x1E100] =	vst v63  }
0x2a: {  	s14 =	sadd.s32 $0x92A00, s2  }
0x2b: {  	[hbm4b:s14+s6] =	stream.linear.scatter [tilespmem:s26], [sflag:$0x4], $0x400, $0x38;
	[tilespmem:$0x1E100] =	vst v63  }
0x2c: {  	s31 =	simm.s32 $0x4;
	s30 =	sadd.s32 $0xAB100, s2  }
0x2d: {  	[hbm4b:s30+s6] =	stream.linear.scatter [tilespmem:s28], [sflag:$0x4], $0x400, $0x38;
	[tilespmem:$0x1E100] =	vst v63  }
0x2e: {  	_ =	swait.ge [sflag:s31], $0x2000  }
0x2f: {  	[sflag:s31] =	ssyncset.done $0x0  }
0x30: {  	s2 =	rddreg [dreg:$0x8];
	[sflag:s31] =	ssyncadd.s32 $0xFFFFE000  }
.LBB2_63:
0x31: {  	s2 =	sadd.s32 $0x1, s2;
	s0 =	rddreg [dreg:$0x7]  }
0x32: {  	p3 =	sne.s32 s2, s0  }
.Ltmp1:
0x33: {  	_ = 	snop;
	(pc) =	sbr.rel @!p3 .LBB2_64-.Ltmp1, $1  }
0x34: {  	_ =	sdelay $0x3  }
.LBB2_1:
0x35: {  	[dreg:$0x8] =	wrdreg s2  }
0x36: {  	s0 =	rddreg [dreg:$0x1];
	s31 =	simm.s32 $0x4  }
0x37: {  	[tilespmem:s13], [sflag:$0x4] =	stream.linear.gather [hbm4b:s0+s6], $0x4000, $0x38;
	[tilespmem:$0x1E100] =	vst v63  }
0x38: {  	_ =	swait.ge [sflag:s31], $0x4000  }
0x39: {  	[sflag:s31] =	ssyncset.done $0x0  }
0x3a: {  	p4 =	por $0x1, $0x1;
	s0 =	simm.s32 $0x0;
	[sflag:s31] =	ssyncadd.s32 $0xFFFFC000  }
.LBB2_2:
.Ltmp2:
0x3b: {  	(pc) =	sbr.rel .LBB2_3-.Ltmp2, $4  }
0x3c: {  	s0 =	sor.u32 s1, s0  }
0x3d: {  	s31 =	smul.u32 $0x500, s0  }
0x3e: {  	p3 =	por p4, p4;
	s30 =	rddreg [dreg:$0x0]  }
0x3f: {  	v15 =	vimm.s32 $0x0;
	p4 =	por $0x1, $0x1;
	s0 =	simm.s32 $0x0;
	v13 =	vmov s31;
	s4 =	sadd.s32 s30, s31  }
.LBB2_7:
0x40: {  	s2 =	simm.s32 @!p3 $0x3  }
0x41: {  	_ =	swait.ge @!p3 [sflag:s2], $0x14000  }
0x42: {  	[sflag:s2] =	ssyncset.done @!p3 $0x0  }
0x43: {  	[sflag:s2] =	ssyncadd.s32 @!p3 $0xFFFEC000  }
0x44: {  	[tilespmem:s6], [sflag:$0x1] =	stream.linear.gather [hbm4b:s4+s6], $0x2800, $0x38;
	[tilespmem:$0x1E100] =	vst v63  }
0x45: {  	s3 =	sadd.s32 $0x18700, s4  }
0x46: {  	[tilespmem:s21], [sflag:$0x1] =	stream.linear.gather [hbm4b:s3+s6], $0x2800, $0x38;
	[tilespmem:$0x1E100] =	vst v63  }
0x47: {  	s5 =	sadd.s32 $0x30E00, s4  }
0x48: {  	[tilespmem:s22], [sflag:$0x1] =	stream.linear.gather [hbm4b:s5+s6], $0x2800, $0x38;
	[tilespmem:$0x1E100] =	vst v63  }
0x49: {  	s9 =	sadd.s32 $0x49500, s4  }
0x4a: {  	[tilespmem:s23], [sflag:$0x1] =	stream.linear.gather [hbm4b:s9+s6], $0x2800, $0x38;
	[tilespmem:$0x1E100] =	vst v63  }
0x4b: {  	s11 =	sadd.s32 $0x61C00, s4  }
0x4c: {  	[tilespmem:s24], [sflag:$0x1] =	stream.linear.gather [hbm4b:s11+s6], $0x2800, $0x38;
	[tilespmem:$0x1E100] =	vst v63  }
0x4d: {  	s12 =	sadd.s32 $0x7A300, s4  }
0x4e: {  	[tilespmem:s25], [sflag:$0x1] =	stream.linear.gather [hbm4b:s12+s6], $0x2800, $0x38;
	[tilespmem:$0x1E100] =	vst v63  }
0x4f: {  	s14 =	sadd.s32 $0x92A00, s4  }
0x50: {  	[tilespmem:s26], [sflag:$0x1] =	stream.linear.gather [hbm4b:s14+s6], $0x2800, $0x38;
	[tilespmem:$0x1E100] =	vst v63  }
0x51: {  	s30 =	sadd.s32 $0xAB100, s4  }
0x52: {  	[tilespmem:s28], [sflag:$0x1] =	stream.linear.gather [hbm4b:s30+s6], $0x2800, $0x38;
	[tilespmem:$0x1E100] =	vst v63  }
.LBB2_8:
0x53: {  	s0 =	sadd.s32 $0x1, s0  }
0x54: {  	p5 =	sne.s32 s0, $0x8  }
.Ltmp3:
0x55: {  	_ = 	snop;
	(pc) =	sbr.rel @!p5 .LBB2_9-.Ltmp3, $2  }
0x56: {  	_ =	sdelay $0x2  }
0x57: {  	p4 =	por !p4, !p4  }
.LBB2_3:
0x58: {  	s12 =	sand.u32 $0x1, s0  }
0x59: {  	s14 =	smul.u32 $0x820, s12  }
0x5a: {  	s2 =	simm.s32 $0x1  }
0x5b: {  	s2 =	simm.s32 @!p4 $0x0;
	s3 =	sadd.s32 $0xFFFFFFFF, s14  }
0x5c: {  	s9 =	sshll.u32 s0, $0xB;
	v11 =	vmov s3;
	s3 =	smul.u32 $0x820, s2  }
0x5d: {  	v14 =	vmov v15;
	v12 =	vor.u32 s9, v0;
	s9 =	simm.s32 $0xFFFFFFF0;
	v15 =	vmov v11  }
.LBB2_4:
0x5e: {  	_ =	sdelay $0x3  }
0x5f: {  	v16 =	vld.idx.msk [tilespmem:v12+s13+$0x0], $0xffff;
	_ =	sdelay $0x4  }
0x60: {  	v16 =	vsub.s32 v16, v13  }
0x61: {  	vm0 =	vlt.u32 v16, $0x500  }
0x62: {  	v17 =	vsel vm0, $0x1, v4  }
0x63: {  	(xrf0) =	vadd.scan.msk.s32 $0xffff, v17;
	_ =	sdelay $0x5  }
0x64: {  	v17, _, _ =	vpop (xrf0)  }
0x65: {  	v17 =	vadd.s32 v15, v17;
	_ =	sdelay $0x1  }
0x66: {  	v18 =	vadd.s32 $0x10, v12;
	_ =	sdelay $0x1  }
0x67: {  	v16 =	vadd.s32 v5, v16  }
0x68: {  	[tilespmem:v17+s16+$0x0] =	vst.idx.msk vm0, v16;
	v16 =	vshrl.u32 v12, $0x1  }
0x69: {  	[tilespmem:v17+s17+$0x0] =	vst.idx.msk vm0, v16  }
0x6a: {  	v16 =	vld.idx.msk [tilespmem:v18+s13+$0x0], $0xffff;
	_ =	sdelay $0x4  }
0x6b: {  	v16 =	vsub.s32 v16, v13  }
0x6c: {  	vm1 =	vlt.u32 v16, $0x500  }
0x6d: {  	v17 =	vsel vm1, $0x1, v4  }
0x6e: {  	(xrf0) =	vadd.scan.msk.s32 $0xffff, v17;
	_ =	sdelay $0x1  }
0x6f: {  	v17 =	vmpcnt.ones.xlane vm0;
	_ =	sdelay $0x3  }
0x70: {  	v15 =	vadd.s32 v15, v17;
	v17, _, _ =	vpop (xrf0)  }
0x71: {  	v17 =	vadd.s32 v15, v17;
	_ =	sdelay $0x1  }
0x72: {  	v19 =	vadd.s32 $0x20, v12;
	_ =	sdelay $0x1  }
0x73: {  	v16 =	vadd.s32 v5, v16  }
0x74: {  	[tilespmem:v17+s16+$0x0] =	vst.idx.msk vm1, v16;
	v16 =	vshrl.u32 v18, $0x1  }
0x75: {  	[tilespmem:v17+s17+$0x0] =	vst.idx.msk vm1, v16  }
0x76: {  	v16 =	vld.idx.msk [tilespmem:v19+s13+$0x0], $0xffff;
	_ =	sdelay $0x4  }
0x77: {  	v16 =	vsub.s32 v16, v13  }
0x78: {  	vm14 =	vlt.u32 v16, $0x500  }
0x79: {  	v17 =	vsel vm14, $0x1, v4  }
0x7a: {  	(xrf0) =	vadd.scan.msk.s32 $0xffff, v17;
	_ =	sdelay $0x1  }
0x7b: {  	v17 =	vmpcnt.ones.xlane vm1;
	_ =	sdelay $0x3  }
0x7c: {  	v15 =	vadd.s32 v15, v17;
	v17, _, _ =	vpop (xrf0)  }
0x7d: {  	v17 =	vadd.s32 v15, v17;
	_ =	sdelay $0x1  }
0x7e: {  	v50 =	vadd.s32 $0x30, v12;
	_ =	sdelay $0x1  }
0x7f: {  	v16 =	vadd.s32 v5, v16  }
0x80: {  	[tilespmem:v17+s16+$0x0] =	vst.idx.msk vm14, v16;
	v16 =	vshrl.u32 v19, $0x1  }
0x81: {  	[tilespmem:v17+s17+$0x0] =	vst.idx.msk vm14, v16  }
0x82: {  	v16 =	vld.idx.msk [tilespmem:v50+s13+$0x0], $0xffff;
	_ =	sdelay $0x4  }
0x83: {  	v16 =	vsub.s32 v16, v13  }
0x84: {  	vm15 =	vlt.u32 v16, $0x500  }
0x85: {  	v17 =	vsel vm15, $0x1, v4  }
0x86: {  	(xrf0) =	vadd.scan.msk.s32 $0xffff, v17;
	_ =	sdelay $0x1  }
0x87: {  	v17 =	vmpcnt.ones.xlane vm14;
	_ =	sdelay $0x3  }
0x88: {  	v15 =	vadd.s32 v15, v17;
	v17, _, _ =	vpop (xrf0)  }
0x89: {  	v17 =	vadd.s32 v15, v17;
	_ =	sdelay $0x1  }
0x8a: {  	v51 =	vadd.s32 $0x40, v12;
	_ =	sdelay $0x1  }
0x8b: {  	v16 =	vadd.s32 v5, v16  }
0x8c: {  	[tilespmem:v17+s16+$0x0] =	vst.idx.msk vm15, v16;
	v16 =	vshrl.u32 v50, $0x1  }
0x8d: {  	[tilespmem:v17+s17+$0x0] =	vst.idx.msk vm15, v16  }
0x8e: {  	v16 =	vld.idx.msk [tilespmem:v51+s13+$0x0], $0xffff;
	_ =	sdelay $0x4  }
0x8f: {  	v16 =	vsub.s32 v16, v13  }
0x90: {  	vm4 =	vlt.u32 v16, $0x500  }
0x91: {  	v17 =	vsel vm4, $0x1, v4  }
0x92: {  	(xrf0) =	vadd.scan.msk.s32 $0xffff, v17;
	_ =	sdelay $0x1  }
0x93: {  	v17 =	vmpcnt.ones.xlane vm15;
	_ =	sdelay $0x3  }
0x94: {  	v15 =	vadd.s32 v15, v17;
	v17, _, _ =	vpop (xrf0)  }
0x95: {  	v17 =	vadd.s32 v15, v17;
	_ =	sdelay $0x1  }
0x96: {  	v52 =	vadd.s32 $0x50, v12;
	_ =	sdelay $0x1  }
0x97: {  	v16 =	vadd.s32 v5, v16  }
0x98: {  	[tilespmem:v17+s16+$0x0] =	vst.idx.msk vm4, v16;
	v16 =	vshrl.u32 v51, $0x1  }
0x99: {  	[tilespmem:v17+s17+$0x0] =	vst.idx.msk vm4, v16  }
0x9a: {  	v16 =	vld.idx.msk [tilespmem:v52+s13+$0x0], $0xffff;
	_ =	sdelay $0x4  }
0x9b: {  	v16 =	vsub.s32 v16, v13  }
0x9c: {  	vm5 =	vlt.u32 v16, $0x500  }
0x9d: {  	v17 =	vsel vm5, $0x1, v4  }
0x9e: {  	(xrf0) =	vadd.scan.msk.s32 $0xffff, v17;
	_ =	sdelay $0x1  }
0x9f: {  	v17 =	vmpcnt.ones.xlane vm4;
	_ =	sdelay $0x3  }
0xa0: {  	v15 =	vadd.s32 v15, v17;
	v17, _, _ =	vpop (xrf0)  }
0xa1: {  	v17 =	vadd.s32 v15, v17;
	_ =	sdelay $0x1  }
0xa2: {  	v53 =	vadd.s32 $0x60, v12;
	_ =	sdelay $0x1  }
0xa3: {  	v16 =	vadd.s32 v5, v16  }
0xa4: {  	[tilespmem:v17+s16+$0x0] =	vst.idx.msk vm5, v16;
	v16 =	vshrl.u32 v52, $0x1  }
0xa5: {  	[tilespmem:v17+s17+$0x0] =	vst.idx.msk vm5, v16  }
0xa6: {  	v16 =	vld.idx.msk [tilespmem:v53+s13+$0x0], $0xffff;
	_ =	sdelay $0x4  }
0xa7: {  	v16 =	vsub.s32 v16, v13  }
0xa8: {  	vm6 =	vlt.u32 v16, $0x500  }
0xa9: {  	v17 =	vsel vm6, $0x1, v4  }
0xaa: {  	(xrf0) =	vadd.scan.msk.s32 $0xffff, v17;
	_ =	sdelay $0x1  }
0xab: {  	v17 =	vmpcnt.ones.xlane vm5;
	_ =	sdelay $0x3  }
0xac: {  	v15 =	vadd.s32 v15, v17;
	v17, _, _ =	vpop (xrf0)  }
0xad: {  	v17 =	vadd.s32 v15, v17;
	_ =	sdelay $0x1  }
0xae: {  	v54 =	vadd.s32 $0x70, v12;
	_ =	sdelay $0x1  }
0xaf: {  	v16 =	vadd.s32 v5, v16  }
0xb0: {  	[tilespmem:v17+s16+$0x0] =	vst.idx.msk vm6, v16;
	v16 =	vshrl.u32 v53, $0x1  }
0xb1: {  	[tilespmem:v17+s17+$0x0] =	vst.idx.msk vm6, v16  }
0xb2: {  	v16 =	vld.idx.msk [tilespmem:v54+s13+$0x0], $0xffff;
	_ =	sdelay $0x4  }
0xb3: {  	v16 =	vsub.s32 v16, v13  }
0xb4: {  	vm7 =	vlt.u32 v16, $0x500  }
0xb5: {  	v17 =	vsel vm7, $0x1, v4  }
0xb6: {  	(xrf0) =	vadd.scan.msk.s32 $0xffff, v17;
	_ =	sdelay $0x1  }
0xb7: {  	v17 =	vmpcnt.ones.xlane vm6;
	_ =	sdelay $0x3  }
0xb8: {  	v15 =	vadd.s32 v15, v17;
	v17, _, _ =	vpop (xrf0)  }
0xb9: {  	v17 =	vadd.s32 v15, v17;
	_ =	sdelay $0x1  }
0xba: {  	v55 =	vadd.s32 $0x80, v12;
	_ =	sdelay $0x1  }
0xbb: {  	v16 =	vadd.s32 v5, v16  }
0xbc: {  	[tilespmem:v17+s16+$0x0] =	vst.idx.msk vm7, v16;
	v16 =	vshrl.u32 v54, $0x1  }
0xbd: {  	[tilespmem:v17+s17+$0x0] =	vst.idx.msk vm7, v16  }
0xbe: {  	v16 =	vld.idx.msk [tilespmem:v55+s13+$0x0], $0xffff;
	_ =	sdelay $0x4  }
0xbf: {  	v16 =	vsub.s32 v16, v13  }
0xc0: {  	vm8 =	vlt.u32 v16, $0x500  }
0xc1: {  	v17 =	vsel vm8, $0x1, v4  }
0xc2: {  	(xrf0) =	vadd.scan.msk.s32 $0xffff, v17;
	_ =	sdelay $0x1  }
0xc3: {  	v17 =	vmpcnt.ones.xlane vm7;
	_ =	sdelay $0x3  }
0xc4: {  	v15 =	vadd.s32 v15, v17;
	v17, _, _ =	vpop (xrf0)  }
0xc5: {  	v17 =	vadd.s32 v15, v17;
	_ =	sdelay $0x1  }
0xc6: {  	v56 =	vadd.s32 $0x90, v12;
	_ =	sdelay $0x1  }
0xc7: {  	v16 =	vadd.s32 v5, v16  }
0xc8: {  	[tilespmem:v17+s16+$0x0] =	vst.idx.msk vm8, v16;
	v16 =	vshrl.u32 v55, $0x1  }
0xc9: {  	[tilespmem:v17+s17+$0x0] =	vst.idx.msk vm8, v16  }
0xca: {  	v16 =	vld.idx.msk [tilespmem:v56+s13+$0x0], $0xffff;
	_ =	sdelay $0x4  }
0xcb: {  	v16 =	vsub.s32 v16, v13  }
0xcc: {  	vm9 =	vlt.u32 v16, $0x500  }
0xcd: {  	v17 =	vsel vm9, $0x1, v4  }
0xce: {  	(xrf0) =	vadd.scan.msk.s32 $0xffff, v17;
	_ =	sdelay $0x1  }
0xcf: {  	v17 =	vmpcnt.ones.xlane vm8;
	_ =	sdelay $0x3  }
0xd0: {  	v15 =	vadd.s32 v15, v17;
	v17, _, _ =	vpop (xrf0)  }
0xd1: {  	v17 =	vadd.s32 v15, v17;
	_ =	sdelay $0x1  }
0xd2: {  	v57 =	vadd.s32 $0xA0, v12;
	_ =	sdelay $0x1  }
0xd3: {  	v16 =	vadd.s32 v5, v16  }
0xd4: {  	[tilespmem:v17+s16+$0x0] =	vst.idx.msk vm9, v16;
	v16 =	vshrl.u32 v56, $0x1  }
0xd5: {  	[tilespmem:v17+s17+$0x0] =	vst.idx.msk vm9, v16  }
0xd6: {  	v16 =	vld.idx.msk [tilespmem:v57+s13+$0x0], $0xffff;
	_ =	sdelay $0x4  }
0xd7: {  	v16 =	vsub.s32 v16, v13  }
0xd8: {  	vm10 =	vlt.u32 v16, $0x500  }
0xd9: {  	v17 =	vsel vm10, $0x1, v4  }
0xda: {  	(xrf0) =	vadd.scan.msk.s32 $0xffff, v17;
	_ =	sdelay $0x1  }
0xdb: {  	v17 =	vmpcnt.ones.xlane vm9;
	_ =	sdelay $0x3  }
0xdc: {  	v15 =	vadd.s32 v15, v17;
	v17, _, _ =	vpop (xrf0)  }
0xdd: {  	v17 =	vadd.s32 v15, v17;
	_ =	sdelay $0x1  }
0xde: {  	v58 =	vadd.s32 $0xB0, v12;
	_ =	sdelay $0x1  }
0xdf: {  	v16 =	vadd.s32 v5, v16  }
0xe0: {  	[tilespmem:v17+s16+$0x0] =	vst.idx.msk vm10, v16;
	v16 =	vshrl.u32 v57, $0x1  }
0xe1: {  	[tilespmem:v17+s17+$0x0] =	vst.idx.msk vm10, v16  }
0xe2: {  	v16 =	vld.idx.msk [tilespmem:v58+s13+$0x0], $0xffff;
	_ =	sdelay $0x4  }
0xe3: {  	v16 =	vsub.s32 v16, v13  }
0xe4: {  	vm11 =	vlt.u32 v16, $0x500  }
0xe5: {  	v17 =	vsel vm11, $0x1, v4  }
0xe6: {  	(xrf0) =	vadd.scan.msk.s32 $0xffff, v17;
	_ =	sdelay $0x1  }
0xe7: {  	v17 =	vmpcnt.ones.xlane vm10;
	_ =	sdelay $0x3  }
0xe8: {  	v15 =	vadd.s32 v15, v17;
	v17, _, _ =	vpop (xrf0)  }
0xe9: {  	v17 =	vadd.s32 v15, v17;
	_ =	sdelay $0x1  }
0xea: {  	v59 =	vadd.s32 $0xC0, v12;
	_ =	sdelay $0x1  }
0xeb: {  	v16 =	vadd.s32 v5, v16  }
0xec: {  	[tilespmem:v17+s16+$0x0] =	vst.idx.msk vm11, v16;
	v16 =	vshrl.u32 v58, $0x1  }
0xed: {  	[tilespmem:v17+s17+$0x0] =	vst.idx.msk vm11, v16  }
0xee: {  	v16 =	vld.idx.msk [tilespmem:v59+s13+$0x0], $0xffff;
	_ =	sdelay $0x4  }
0xef: {  	v16 =	vsub.s32 v16, v13  }
0xf0: {  	vm12 =	vlt.u32 v16, $0x500  }
0xf1: {  	v17 =	vsel vm12, $0x1, v4  }
0xf2: {  	(xrf0) =	vadd.scan.msk.s32 $0xffff, v17;
	_ =	sdelay $0x1  }
0xf3: {  	v17 =	vmpcnt.ones.xlane vm11;
	_ =	sdelay $0x3  }
0xf4: {  	v15 =	vadd.s32 v15, v17;
	v17, _, _ =	vpop (xrf0)  }
0xf5: {  	v17 =	vadd.s32 v15, v17;
	_ =	sdelay $0x1  }
0xf6: {  	v60 =	vadd.s32 $0xD0, v12;
	_ =	sdelay $0x1  }
0xf7: {  	v16 =	vadd.s32 v5, v16  }
0xf8: {  	[tilespmem:v17+s16+$0x0] =	vst.idx.msk vm12, v16;
	v16 =	vshrl.u32 v59, $0x1  }
0xf9: {  	[tilespmem:v17+s17+$0x0] =	vst.idx.msk vm12, v16  }
0xfa: {  	v16 =	vld.idx.msk [tilespmem:v60+s13+$0x0], $0xffff;
	_ =	sdelay $0x4  }
0xfb: {  	v16 =	vsub.s32 v16, v13  }
0xfc: {  	vm13 =	vlt.u32 v16, $0x500  }
0xfd: {  	v17 =	vsel vm13, $0x1, v4  }
0xfe: {  	(xrf0) =	vadd.scan.msk.s32 $0xffff, v17;
	_ =	sdelay $0x1  }
0xff: {  	v17 =	vmpcnt.ones.xlane vm12;
	_ =	sdelay $0x3  }
0x100: {  	v15 =	vadd.s32 v15, v17;
	v17, _, _ =	vpop (xrf0)  }
0x101: {  	v17 =	vadd.s32 v15, v17;
	_ =	sdelay $0x1  }
0x102: {  	v61 =	vadd.s32 $0xE0, v12;
	_ =	sdelay $0x1  }
0x103: {  	v16 =	vadd.s32 v5, v16  }
0x104: {  	[tilespmem:v17+s16+$0x0] =	vst.idx.msk vm13, v16;
	v16 =	vshrl.u32 v60, $0x1  }
0x105: {  	[tilespmem:v17+s17+$0x0] =	vst.idx.msk vm13, v16  }
0x106: {  	v16 =	vld.idx.msk [tilespmem:v61+s13+$0x0], $0xffff;
	_ =	sdelay $0x4  }
0x107: {  	v16 =	vsub.s32 v16, v13  }
0x108: {  	vm14 =	vlt.u32 v16, $0x500  }
0x109: {  	v17 =	vsel vm14, $0x1, v4  }
0x10a: {  	(xrf0) =	vadd.scan.msk.s32 $0xffff, v17;
	_ =	sdelay $0x1  }
0x10b: {  	v17 =	vmpcnt.ones.xlane vm13;
	_ =	sdelay $0x3  }
0x10c: {  	v15 =	vadd.s32 v15, v17;
	v17, _, _ =	vpop (xrf0)  }
0x10d: {  	v17 =	vadd.s32 v15, v17;
	_ =	sdelay $0x1  }
0x10e: {  	v62 =	vadd.s32 $0xF0, v12;
	_ =	sdelay $0x1  }
0x10f: {  	v16 =	vadd.s32 v5, v16  }
0x110: {  	[tilespmem:v17+s16+$0x0] =	vst.idx.msk vm14, v16;
	v16 =	vshrl.u32 v61, $0x1  }
0x111: {  	[tilespmem:v17+s17+$0x0] =	vst.idx.msk vm14, v16  }
0x112: {  	v16 =	vld.idx.msk [tilespmem:v62+s13+$0x0], $0xffff;
	_ =	sdelay $0x4  }
0x113: {  	v16 =	vsub.s32 v16, v13  }
0x114: {  	vm15 =	vlt.u32 v16, $0x500  }
0x115: {  	v17 =	vsel vm15, $0x1, v4  }
0x116: {  	(xrf0) =	vadd.scan.msk.s32 $0xffff, v17;
	_ =	sdelay $0x1  }
0x117: {  	v17 =	vmpcnt.ones.xlane vm14;
	_ =	sdelay $0x3  }
0x118: {  	v15 =	vadd.s32 v15, v17;
	v17, _, _ =	vpop (xrf0)  }
0x119: {  	s9 =	sadd.s32 $0x10, s9;
	v17 =	vadd.s32 v15, v17  }
0x11a: {  	p5 =	slt.u32 s9, $0x70  }
.Ltmp4:
0x11b: {  	_ = 	snop;
	(pc) =	sbr.rel @p5 .LBB2_4-.Ltmp4, $4  }
0x11c: {  	_ = 	snop  }
0x11d: {  	v16 =	vadd.s32 v5, v16;
	v63 =	vmpcnt.ones.xlane vm15  }
0x11e: {  	[tilespmem:v17+s16+$0x0] =	vst.idx.msk vm15, v16;
	v16 =	vshrl.u32 v62, $0x1  }
0x11f: {  	v12 =	vadd.s32 $0x100, v12;
	v15 =	vadd.s32 v15, v63;
	[tilespmem:v17+s17+$0x0] =	vst.idx.msk vm15, v16  }
0x120: {  	v15 =	vsub.s32 v15, v11  }
0x121: {  	v12 =	vadd.s32 s14, v15  }
0x122: {  	v16 =	vadd.s32 v0, v12  }
0x123: {  	v11 =	vor.u32 $0x10, v0  }
0x124: {  	v17 =	vadd.s32 v11, v12;
	_ =	sdelay $0x1  }
0x125: {  	p5 =	seq.s32 s0, $0x1;
	v12 =	vor.u32 $0x500, v0  }
.Ltmp5:
0x126: {  	[tilespmem:v16+s16+$0x0] =	vst.idx.msk $0xffff, v12;
	(pc) =	sbr.rel @p5 .LBB2_14-.Ltmp5, $4  }
0x127: {  	[tilespmem:v16+s17+$0x0] =	vst.idx.msk $0xffff, v1  }
0x128: {  	s2 =	sshll.u32 s12, $0xC;
	[tilespmem:v17+s16+$0x0] =	vst.idx.msk $0xffff, v12  }
0x129: {  	s9 =	sor.u32 $0x1C000, s14;
	s2 =	sor.u32 $0x1A000, s2;
	[tilespmem:v17+s17+$0x0] =	vst.idx.msk $0xffff, v2  }
0x12a: {  	[tilespmem:s2], [sflag:$0x2] =	stream.indirect.gather [hbm4b:s7+s18], $0x80, s9, s18, $0xb8;
	[tilespmem:$0x1E100] =	vst v63  }
0x12b: {  	p5 =	sne.s32 s0, $0x0  }
.Ltmp6:
0x12c: {  	_ = 	snop;
	(pc) =	sbr.rel @!p5 .LBB2_7-.Ltmp6, $4  }
.Ltmp7:
0x12d: {  	_ = 	snop;
	(pc) =	sbr.rel @p5 .LBB2_15-.Ltmp7, $4  }
0x12e: {  	_ = 	snop  }
0x12f: {  	_ = 	snop  }
0x130: {  	_ = 	snop  }
0x131: {  	_ = 	snop  }
.LBB2_14:
0x132: {  	_ =	swait.ge [sflag:s15], $0x14000  }
0x133: {  	[sflag:s15] =	ssyncset.done $0x0  }
0x134: {  	[sflag:s15] =	ssyncadd.s32 $0xFFFEC000  }
.LBB2_15:
0x135: {  	s2 =	sxor.u32 $0x1, s12  }
0x136: {  	s9 =	smul.u32 $0x2080, s2  }
0x137: {  	_ =	swait.ge [sflag:s19], $0x1000;
	s14 =	simm.s32 $0x0  }
0x138: {  	[sflag:s19] =	ssyncset.done $0x0;
	s2 =	sshll.u32 s2, $0xC;
	s11 =	sshrl.u32 s9, $0x2  }
0x139: {  	[sflag:s19] =	ssyncadd.s32 $0xFFFFF000;
	s9 =	sor.u32 $0x1A000, s2;
	s12 =	sor.u32 $0x1C000, s11  }
.LBB2_16:
0x13a: {  	s2 =	sshll.u32 s14, $0x5  }
0x13b: {  	vm0 =	vgt.s32 v14, s2  }
0x13c: {  	v16 =	vsel vm0, $0x3F800000, v6  }
0x13d: {  	(xrf0) =	vmax.scan.msk.f32 $0xffff, v16;
	_ =	sdelay $0x5  }
0x13e: {  	v16, _, _ =	vpop (xrf0)  }
0x13f: {  	(v2sf) =	vpush v16, $0xF;
	_ =	sdelay $0xe  }
0x140: {  	s11 =	spop (v2sf)  }
0x141: {  	p5 =	sgt.f32 s11, $0.0e+00  }
.Ltmp8:
0x142: {  	_ = 	snop;
	(pc) =	sbr.rel @!p5 .LBB2_8-.Ltmp8, $1  }
0x143: {  	_ =	sdelay $0x3  }
0x144: {  	p5 =	slt.s32 s14, $0x1  }
0x145: {  	s2 =	sadd.s32 @!p5 s2, s12;
	s11 =	simm.s32 @!p5 $0x20  }
0x146: {  	[tilespmem:s9], [sflag:$0x4] =	stream.indirect.gather @!p5 [hbm4b:s7+s11], $0x80, s2, s11, $0xb8;
	[tilespmem:$0x1E100] =	vst v63  }
0x147: {  	s2 =	simm.s32 @!p5 $0x4  }
0x148: {  	_ =	swait.ge @!p5 [sflag:s2], $0x1000  }
0x149: {  	[sflag:s2] =	ssyncset.done @!p5 $0x0  }
0x14a: {  	s11 =	simm.s32 $0x0;
	[sflag:s2] =	ssyncadd.s32 @!p5 $0xFFFFF000  }
.LBB2_18:
0x14b: {  	s30 =	sadd.s32 s11, s3  }
0x14c: {  	v16 =	vmov s30  }
0x14d: {  	v16 =	vand.u32 $0xFFFFFFFC, v16  }
0x14e: {  	v16 =	vbroadcast v16, $0x0;
	_ =	sdelay $0x5  }
0x14f: {  	v16 =	vld.idx.msk [tilespmem:v16+s16+$0x0], $0xffff;
	_ =	sdelay $0x4  }
0x150: {  	v17 =	vshrl.u32 v16, $0x6  }
0x151: {  	v18 =	vand.u32 $0x3FFFFC0, v17  }
0x152: {  	s2 =	sshll.u32 s11, $0x7;
	v17 =	vand.u32 $0x3FFFF80, v17;
	v19 =	vor.u32 v0, v18  }
0x153: {  	v17 =	vadd.s32 s2, v17;
	v19 =	vand.u32 $0x4F, v19  }
0x154: {  	v19 =	vor.u32 v17, v19;
	_ =	sdelay $0x1  }
0x155: {  	v20 =	vshll.u32 v16, $0x3  }
0x156: {  	v16 =	vand.u32 $0x7F, v16;
	v20 =	vand.u32 $0x7C00, v20  }
0x157: {  	v16 =	vor.u32 v16, v20;
	v33 =	vor.u32 v11, v18  }
0x158: {  	v21 =	vadd.s32 v7, v16;
	v20 =	vand.u32 $0x5F, v33;
	v19 =	vld.idx.msk [tilespmem:v19+s9+$0x0], $0xffff  }
0x159: {  	v20 =	vor.u32 v17, v20;
	_ =	sdelay $0x2  }
0x15a: {  	v22 =	vor.u32 $0x20, v0  }
0x15b: {  	v34 =	vor.u32 v22, v18;
	[tilespmem:v21+s6+$0x0] =	vst.idx.add.f32.msk $0xffff, v19  }
0x15c: {  	v35 =	vadd.s32 v8, v16;
	v19 =	vand.u32 $0x6F, v34;
	v20 =	vld.idx.msk [tilespmem:v20+s9+$0x0], $0xffff  }
0x15d: {  	v19 =	vor.u32 v17, v19;
	_ =	sdelay $0x2  }
0x15e: {  	v23 =	vor.u32 $0x30, v0  }
0x15f: {  	v18 =	vor.u32 v23, v18;
	[tilespmem:v35+s6+$0x0] =	vst.idx.add.f32.msk $0xffff, v20  }
0x160: {  	v36 =	vadd.s32 v9, v16;
	v18 =	vand.u32 $0x7F, v18;
	v19 =	vld.idx.msk [tilespmem:v19+s9+$0x0], $0xffff  }
0x161: {  	v17 =	vor.u32 v17, v18;
	_ =	sdelay $0x1  }
0x162: {  	s5 =	sadd.s32 $0x1, s30  }
0x163: {  	v37 =	vmov s5  }
0x164: {  	v18 =	vand.u32 $0xFFFFFFFD, v37;
	[tilespmem:v36+s6+$0x0] =	vst.idx.add.f32.msk $0xffff, v19  }
0x165: {  	v16 =	vadd.s32 v10, v16;
	v18 =	vbroadcast v18, $0x0;
	v17 =	vld.idx.msk [tilespmem:v17+s9+$0x0], $0xffff;
	_ =	sdelay $0x4  }
0x166: {  	[tilespmem:v16+s6+$0x0] =	vst.idx.add.f32.msk $0xffff, v17  }
0x167: {  	v16 =	vld.idx.msk [tilespmem:v18+s16+$0x0], $0xffff;
	_ =	sdelay $0x4  }
0x168: {  	v17 =	vshrl.u32 v16, $0x6  }
0x169: {  	v38 =	vand.u32 $0x3FFFFC0, v17  }
0x16a: {  	s5 =	sadd.s32 $0x80, s2;
	v17 =	vand.u32 $0x3FFFF80, v17;
	v39 =	vor.u32 v0, v38  }
0x16b: {  	v17 =	vadd.s32 s5, v17;
	v19 =	vand.u32 $0x4F, v39  }
0x16c: {  	v19 =	vor.u32 v17, v19;
	_ =	sdelay $0x1  }
0x16d: {  	v40 =	vshll.u32 v16, $0x3  }
0x16e: {  	v16 =	vand.u32 $0x7F, v16;
	v20 =	vand.u32 $0x7C00, v40  }
0x16f: {  	v16 =	vor.u32 v16, v20;
	v41 =	vor.u32 v11, v38  }
0x170: {  	v42 =	vadd.s32 v7, v16;
	v20 =	vand.u32 $0x5F, v41;
	v19 =	vld.idx.msk [tilespmem:v19+s9+$0x0], $0xffff  }
0x171: {  	v20 =	vor.u32 v17, v20;
	_ =	sdelay $0x3  }
0x172: {  	v43 =	vor.u32 v22, v38;
	[tilespmem:v42+s6+$0x0] =	vst.idx.add.f32.msk $0xffff, v19  }
0x173: {  	v44 =	vadd.s32 v8, v16;
	v19 =	vand.u32 $0x6F, v43;
	v20 =	vld.idx.msk [tilespmem:v20+s9+$0x0], $0xffff  }
0x174: {  	v19 =	vor.u32 v17, v19;
	_ =	sdelay $0x3  }
0x175: {  	v18 =	vor.u32 v23, v38;
	[tilespmem:v44+s6+$0x0] =	vst.idx.add.f32.msk $0xffff, v20  }
0x176: {  	v45 =	vadd.s32 v9, v16;
	v18 =	vand.u32 $0x7F, v18;
	v19 =	vld.idx.msk [tilespmem:v19+s9+$0x0], $0xffff  }
0x177: {  	v17 =	vor.u32 v17, v18;
	_ =	sdelay $0x1  }
0x178: {  	s5 =	sadd.s32 $0x2, s30  }
0x179: {  	v46 =	vmov s5  }
0x17a: {  	v18 =	vand.u32 $0xFFFFFFFE, v46;
	[tilespmem:v45+s6+$0x0] =	vst.idx.add.f32.msk $0xffff, v19  }
0x17b: {  	v16 =	vadd.s32 v10, v16;
	v18 =	vbroadcast v18, $0x0;
	v17 =	vld.idx.msk [tilespmem:v17+s9+$0x0], $0xffff;
	_ =	sdelay $0x4  }
0x17c: {  	[tilespmem:v16+s6+$0x0] =	vst.idx.add.f32.msk $0xffff, v17  }
0x17d: {  	v16 =	vld.idx.msk [tilespmem:v18+s16+$0x0], $0xffff;
	_ =	sdelay $0x4  }
0x17e: {  	v17 =	vshrl.u32 v16, $0x6  }
0x17f: {  	v47 =	vand.u32 $0x3FFFFC0, v17  }
0x180: {  	s5 =	sadd.s32 $0x100, s2;
	v17 =	vand.u32 $0x3FFFF80, v17;
	v48 =	vor.u32 v0, v47  }
0x181: {  	v17 =	vadd.s32 s5, v17;
	v19 =	vand.u32 $0x4F, v48  }
0x182: {  	v19 =	vor.u32 v17, v19;
	_ =	sdelay $0x1  }
0x183: {  	v49 =	vshll.u32 v16, $0x3  }
0x184: {  	v16 =	vand.u32 $0x7F, v16;
	v20 =	vand.u32 $0x7C00, v49  }
0x185: {  	v16 =	vor.u32 v16, v20;
	v50 =	vor.u32 v11, v47  }
0x186: {  	v51 =	vadd.s32 v7, v16;
	v20 =	vand.u32 $0x5F, v50;
	v19 =	vld.idx.msk [tilespmem:v19+s9+$0x0], $0xffff  }
0x187: {  	v20 =	vor.u32 v17, v20;
	_ =	sdelay $0x3  }
0x188: {  	v52 =	vor.u32 v22, v47;
	[tilespmem:v51+s6+$0x0] =	vst.idx.add.f32.msk $0xffff, v19  }
0x189: {  	v53 =	vadd.s32 v8, v16;
	v19 =	vand.u32 $0x6F, v52;
	v20 =	vld.idx.msk [tilespmem:v20+s9+$0x0], $0xffff  }
0x18a: {  	v19 =	vor.u32 v17, v19;
	_ =	sdelay $0x3  }
0x18b: {  	v18 =	vor.u32 v23, v47;
	[tilespmem:v53+s6+$0x0] =	vst.idx.add.f32.msk $0xffff, v20  }
0x18c: {  	v54 =	vadd.s32 v9, v16;
	v18 =	vand.u32 $0x7F, v18;
	v19 =	vld.idx.msk [tilespmem:v19+s9+$0x0], $0xffff  }
0x18d: {  	v17 =	vor.u32 v17, v18;
	_ =	sdelay $0x3  }
0x18e: {  	[tilespmem:v54+s6+$0x0] =	vst.idx.add.f32.msk $0xffff, v19  }
0x18f: {  	s30 =	sadd.s32 $0x3, s30;
	v16 =	vadd.s32 v10, v16;
	v17 =	vld.idx.msk [tilespmem:v17+s9+$0x0], $0xffff  }
0x190: {  	v55 =	vmov s30;
	_ =	sdelay $0x3  }
0x191: {  	[tilespmem:v16+s6+$0x0] =	vst.idx.add.f32.msk $0xffff, v17  }
0x192: {  	v16 =	vld.idx.msk [tilespmem:v55+s16+$0x0], $0xffff;
	_ =	sdelay $0x4  }
0x193: {  	v17 =	vshrl.u32 v16, $0x6  }
0x194: {  	v56 =	vand.u32 $0x3FFFFC0, v17  }
0x195: {  	s2 =	sadd.s32 $0x180, s2;
	v17 =	vand.u32 $0x3FFFF80, v17;
	v57 =	vor.u32 v0, v56  }
0x196: {  	v17 =	vadd.s32 s2, v17;
	v19 =	vand.u32 $0x4F, v57  }
0x197: {  	v19 =	vor.u32 v17, v19;
	_ =	sdelay $0x1  }
0x198: {  	v58 =	vshll.u32 v16, $0x3  }
0x199: {  	v16 =	vand.u32 $0x7F, v16;
	v20 =	vand.u32 $0x7C00, v58  }
0x19a: {  	v16 =	vor.u32 v16, v20;
	v59 =	vor.u32 v11, v56  }
0x19b: {  	v60 =	vadd.s32 v7, v16;
	v20 =	vand.u32 $0x5F, v59;
	v19 =	vld.idx.msk [tilespmem:v19+s9+$0x0], $0xffff  }
0x19c: {  	v20 =	vor.u32 v17, v20;
	_ =	sdelay $0x3  }
0x19d: {  	v61 =	vor.u32 v22, v56;
	[tilespmem:v60+s6+$0x0] =	vst.idx.add.f32.msk $0xffff, v19  }
0x19e: {  	v62 =	vadd.s32 v8, v16;
	v19 =	vand.u32 $0x6F, v61;
	v20 =	vld.idx.msk [tilespmem:v20+s9+$0x0], $0xffff  }
0x19f: {  	v19 =	vor.u32 v17, v19;
	_ =	sdelay $0x3  }
0x1a0: {  	v18 =	vor.u32 v23, v56;
	[tilespmem:v62+s6+$0x0] =	vst.idx.add.f32.msk $0xffff, v20  }
0x1a1: {  	v63 =	vadd.s32 v9, v16;
	v18 =	vand.u32 $0x7F, v18;
	v19 =	vld.idx.msk [tilespmem:v19+s9+$0x0], $0xffff  }
0x1a2: {  	v17 =	vor.u32 v17, v18;
	_ =	sdelay $0x3  }
0x1a3: {  	[tilespmem:v63+s6+$0x0] =	vst.idx.add.f32.msk $0xffff, v19  }
0x1a4: {  	p5 =	slt.u32 s11, $0x1C;
	v16 =	vadd.s32 v10, v16;
	v17 =	vld.idx.msk [tilespmem:v17+s9+$0x0], $0xffff  }
.Ltmp9:
0x1a5: {  	_ = 	snop;
	(pc) =	sbr.rel @p5 .LBB2_18-.Ltmp9, $2  }
0x1a6: {  	_ =	sdelay $0x2  }
0x1a7: {  	s11 =	sadd.s32 $0x4, s11;
	[tilespmem:v16+s6+$0x0] =	vst.idx.add.f32.msk $0xffff, v17  }
.Ltmp10:
0x1a8: {  	(pc) =	sbr.rel .LBB2_16-.Ltmp10, $2  }
0x1a9: {  	_ =	sdelay $0x2  }
0x1aa: {  	s14 =	sadd.s32 $0x1, s14;
	s3 =	sadd.s32 $0x20, s3  }
.LBB2_9:
0x1ab: {  	_ =	swait.ge [sflag:s19], $0x1000  }
0x1ac: {  	[sflag:s19] =	ssyncset.done $0x0  }
0x1ad: {  	s0 =	simm.s32 $0x0;
	s3 =	simm.s32 $0x0;
	[sflag:s19] =	ssyncadd.s32 $0xFFFFF000  }
.LBB2_10:
0x1ae: {  	s2 =	sshll.u32 s3, $0x5  }
0x1af: {  	vm0 =	vgt.s32 v15, s2  }
0x1b0: {  	v13 =	vsel vm0, $0x3F800000, v6  }
0x1b1: {  	(xrf0) =	vmax.scan.msk.f32 $0xffff, v13;
	_ =	sdelay $0x5  }
0x1b2: {  	v13, _, _ =	vpop (xrf0)  }
0x1b3: {  	(v2sf) =	vpush v13, $0xF;
	_ =	sdelay $0xe  }
0x1b4: {  	s4 =	spop (v2sf)  }
0x1b5: {  	p4 =	sgt.f32 s4, $0.0e+00  }
.Ltmp11:
0x1b6: {  	_ = 	snop;
	(pc) =	sbr.rel @!p4 .LBB2_20-.Ltmp11, $1  }
0x1b7: {  	_ =	sdelay $0x3  }
0x1b8: {  	p4 =	slt.s32 s3, $0x1  }
0x1b9: {  	s2 =	sadd.s32 @!p4 $0x1C820, s2;
	s4 =	simm.s32 @!p4 $0x20;
	s5 =	simm.s32 @!p4 $0x1B000  }
0x1ba: {  	[tilespmem:s5], [sflag:$0x4] =	stream.indirect.gather @!p4 [hbm4b:s7+s4], $0x80, s2, s4, $0xb8;
	[tilespmem:$0x1E100] =	vst v63  }
0x1bb: {  	s2 =	simm.s32 @!p4 $0x4  }
0x1bc: {  	_ =	swait.ge @!p4 [sflag:s2], $0x1000  }
0x1bd: {  	[sflag:s2] =	ssyncset.done @!p4 $0x0  }
0x1be: {  	s4 =	simm.s32 $0x0;
	[sflag:s2] =	ssyncadd.s32 @!p4 $0xFFFFF000  }
.LBB2_12:
0x1bf: {  	s9 =	sadd.s32 s4, s0  }
0x1c0: {  	s2 =	sadd.s32 $0x820, s9  }
0x1c1: {  	v13 =	vmov s2  }
0x1c2: {  	v13 =	vand.u32 $0xFFFFFFFC, v13  }
0x1c3: {  	v13 =	vbroadcast v13, $0x0;
	_ =	sdelay $0x5  }
0x1c4: {  	v13 =	vld.idx.msk [tilespmem:v13+s16+$0x0], $0xffff;
	_ =	sdelay $0x4  }
0x1c5: {  	v14 =	vshrl.u32 v13, $0x6  }
0x1c6: {  	v16 =	vand.u32 $0x3FFFFC0, v14  }
0x1c7: {  	s11 =	sshll.u32 s4, $0x7;
	v14 =	vand.u32 $0x3FFFF80, v14;
	v17 =	vor.u32 v0, v16  }
0x1c8: {  	v14 =	vadd.s32 s11, v14;
	v17 =	vand.u32 $0x4F, v17  }
0x1c9: {  	v17 =	vor.u32 v14, v17;
	_ =	sdelay $0x1  }
0x1ca: {  	v18 =	vshll.u32 v13, $0x3  }
0x1cb: {  	v13 =	vand.u32 $0x7F, v13;
	v18 =	vand.u32 $0x7C00, v18  }
0x1cc: {  	v13 =	vor.u32 v13, v18;
	v46 =	vor.u32 v11, v16  }
0x1cd: {  	v19 =	vadd.s32 v7, v13;
	v18 =	vand.u32 $0x5F, v46;
	v17 =	vld.idx.msk [tilespmem:v17+s20+$0x0], $0xffff  }
0x1ce: {  	v18 =	vor.u32 v14, v18;
	_ =	sdelay $0x2  }
0x1cf: {  	v20 =	vor.u32 $0x20, v0  }
0x1d0: {  	[tilespmem:v19+s6+$0x0] =	vst.idx.add.f32.msk $0xffff, v17;
	v17 =	vor.u32 v20, v16  }
0x1d1: {  	v47 =	vadd.s32 v8, v13;
	v18 =	vld.idx.msk [tilespmem:v18+s20+$0x0], $0xffff;
	v17 =	vand.u32 $0x6F, v17  }
0x1d2: {  	v17 =	vor.u32 v14, v17;
	_ =	sdelay $0x2  }
0x1d3: {  	v21 =	vor.u32 $0x30, v0  }
0x1d4: {  	v16 =	vor.u32 v21, v16;
	[tilespmem:v47+s6+$0x0] =	vst.idx.add.f32.msk $0xffff, v18  }
0x1d5: {  	v48 =	vadd.s32 v9, v13;
	v16 =	vand.u32 $0x7F, v16;
	v17 =	vld.idx.msk [tilespmem:v17+s20+$0x0], $0xffff  }
0x1d6: {  	v14 =	vor.u32 v14, v16;
	_ =	sdelay $0x1  }
0x1d7: {  	s14 =	sadd.s32 $0x821, s9  }
0x1d8: {  	v16 =	vmov s14  }
0x1d9: {  	v16 =	vand.u32 $0xFFFFFFFD, v16;
	[tilespmem:v48+s6+$0x0] =	vst.idx.add.f32.msk $0xffff, v17  }
0x1da: {  	v13 =	vadd.s32 v10, v13;
	v16 =	vbroadcast v16, $0x0;
	v14 =	vld.idx.msk [tilespmem:v14+s20+$0x0], $0xffff;
	_ =	sdelay $0x4  }
0x1db: {  	[tilespmem:v13+s6+$0x0] =	vst.idx.add.f32.msk $0xffff, v14  }
0x1dc: {  	v13 =	vld.idx.msk [tilespmem:v16+s16+$0x0], $0xffff;
	_ =	sdelay $0x4  }
0x1dd: {  	v14 =	vshrl.u32 v13, $0x6  }
0x1de: {  	v16 =	vand.u32 $0x3FFFFC0, v14  }
0x1df: {  	s30 =	sadd.s32 $0x80, s11;
	v14 =	vand.u32 $0x3FFFF80, v14;
	v17 =	vor.u32 v0, v16  }
0x1e0: {  	v14 =	vadd.s32 s30, v14;
	v17 =	vand.u32 $0x4F, v17  }
0x1e1: {  	v17 =	vor.u32 v14, v17;
	_ =	sdelay $0x1  }
0x1e2: {  	v49 =	vshll.u32 v13, $0x3  }
0x1e3: {  	v13 =	vand.u32 $0x7F, v13;
	v18 =	vand.u32 $0x7C00, v49  }
0x1e4: {  	v13 =	vor.u32 v13, v18;
	v50 =	vor.u32 v11, v16  }
0x1e5: {  	v51 =	vadd.s32 v7, v13;
	v18 =	vand.u32 $0x5F, v50;
	v17 =	vld.idx.msk [tilespmem:v17+s20+$0x0], $0xffff  }
0x1e6: {  	v18 =	vor.u32 v14, v18;
	_ =	sdelay $0x3  }
0x1e7: {  	[tilespmem:v51+s6+$0x0] =	vst.idx.add.f32.msk $0xffff, v17;
	v17 =	vor.u32 v20, v16  }
0x1e8: {  	v52 =	vadd.s32 v8, v13;
	v18 =	vld.idx.msk [tilespmem:v18+s20+$0x0], $0xffff;
	v17 =	vand.u32 $0x6F, v17  }
0x1e9: {  	v17 =	vor.u32 v14, v17;
	_ =	sdelay $0x3  }
0x1ea: {  	v16 =	vor.u32 v21, v16;
	[tilespmem:v52+s6+$0x0] =	vst.idx.add.f32.msk $0xffff, v18  }
0x1eb: {  	v53 =	vadd.s32 v9, v13;
	v16 =	vand.u32 $0x7F, v16;
	v17 =	vld.idx.msk [tilespmem:v17+s20+$0x0], $0xffff  }
0x1ec: {  	v14 =	vor.u32 v14, v16;
	_ =	sdelay $0x1  }
0x1ed: {  	s5 =	sadd.s32 $0x822, s9  }
0x1ee: {  	v16 =	vmov s5  }
0x1ef: {  	v16 =	vand.u32 $0xFFFFFFFE, v16;
	[tilespmem:v53+s6+$0x0] =	vst.idx.add.f32.msk $0xffff, v17  }
0x1f0: {  	v13 =	vadd.s32 v10, v13;
	v16 =	vbroadcast v16, $0x0;
	v14 =	vld.idx.msk [tilespmem:v14+s20+$0x0], $0xffff;
	_ =	sdelay $0x4  }
0x1f1: {  	[tilespmem:v13+s6+$0x0] =	vst.idx.add.f32.msk $0xffff, v14  }
0x1f2: {  	v13 =	vld.idx.msk [tilespmem:v16+s16+$0x0], $0xffff;
	_ =	sdelay $0x4  }
0x1f3: {  	v14 =	vshrl.u32 v13, $0x6  }
0x1f4: {  	v16 =	vand.u32 $0x3FFFFC0, v14  }
0x1f5: {  	s12 =	sadd.s32 $0x100, s11;
	v14 =	vand.u32 $0x3FFFF80, v14;
	v17 =	vor.u32 v0, v16  }
0x1f6: {  	v14 =	vadd.s32 s12, v14;
	v17 =	vand.u32 $0x4F, v17  }
0x1f7: {  	v17 =	vor.u32 v14, v17;
	_ =	sdelay $0x1  }
0x1f8: {  	v54 =	vshll.u32 v13, $0x3  }
0x1f9: {  	v13 =	vand.u32 $0x7F, v13;
	v18 =	vand.u32 $0x7C00, v54  }
0x1fa: {  	v13 =	vor.u32 v13, v18;
	v55 =	vor.u32 v11, v16  }
0x1fb: {  	v56 =	vadd.s32 v7, v13;
	v18 =	vand.u32 $0x5F, v55;
	v17 =	vld.idx.msk [tilespmem:v17+s20+$0x0], $0xffff  }
0x1fc: {  	v18 =	vor.u32 v14, v18;
	_ =	sdelay $0x3  }
0x1fd: {  	[tilespmem:v56+s6+$0x0] =	vst.idx.add.f32.msk $0xffff, v17;
	v17 =	vor.u32 v20, v16  }
0x1fe: {  	v57 =	vadd.s32 v8, v13;
	v18 =	vld.idx.msk [tilespmem:v18+s20+$0x0], $0xffff;
	v17 =	vand.u32 $0x6F, v17  }
0x1ff: {  	v17 =	vor.u32 v14, v17;
	_ =	sdelay $0x3  }
0x200: {  	v16 =	vor.u32 v21, v16;
	[tilespmem:v57+s6+$0x0] =	vst.idx.add.f32.msk $0xffff, v18  }
0x201: {  	v58 =	vadd.s32 v9, v13;
	v16 =	vand.u32 $0x7F, v16;
	v17 =	vld.idx.msk [tilespmem:v17+s20+$0x0], $0xffff  }
0x202: {  	v14 =	vor.u32 v14, v16;
	_ =	sdelay $0x3  }
0x203: {  	[tilespmem:v58+s6+$0x0] =	vst.idx.add.f32.msk $0xffff, v17  }
0x204: {  	s14 =	sadd.s32 $0x823, s9;
	v13 =	vadd.s32 v10, v13;
	v14 =	vld.idx.msk [tilespmem:v14+s20+$0x0], $0xffff  }
0x205: {  	v16 =	vmov s14;
	_ =	sdelay $0x3  }
0x206: {  	[tilespmem:v13+s6+$0x0] =	vst.idx.add.f32.msk $0xffff, v14  }
0x207: {  	v13 =	vld.idx.msk [tilespmem:v16+s16+$0x0], $0xffff;
	_ =	sdelay $0x4  }
0x208: {  	v14 =	vshrl.u32 v13, $0x6  }
0x209: {  	v16 =	vand.u32 $0x3FFFFC0, v14  }
0x20a: {  	s30 =	sadd.s32 $0x180, s11;
	v14 =	vand.u32 $0x3FFFF80, v14;
	v17 =	vor.u32 v0, v16  }
0x20b: {  	v14 =	vadd.s32 s30, v14;
	v17 =	vand.u32 $0x4F, v17  }
0x20c: {  	v17 =	vor.u32 v14, v17;
	_ =	sdelay $0x1  }
0x20d: {  	v59 =	vshll.u32 v13, $0x3  }
0x20e: {  	v13 =	vand.u32 $0x7F, v13;
	v18 =	vand.u32 $0x7C00, v59  }
0x20f: {  	v13 =	vor.u32 v13, v18;
	v60 =	vor.u32 v11, v16  }
0x210: {  	v61 =	vadd.s32 v7, v13;
	v18 =	vand.u32 $0x5F, v60;
	v17 =	vld.idx.msk [tilespmem:v17+s20+$0x0], $0xffff  }
0x211: {  	v18 =	vor.u32 v14, v18;
	_ =	sdelay $0x3  }
0x212: {  	[tilespmem:v61+s6+$0x0] =	vst.idx.add.f32.msk $0xffff, v17;
	v17 =	vor.u32 v20, v16  }
0x213: {  	v62 =	vadd.s32 v8, v13;
	v18 =	vld.idx.msk [tilespmem:v18+s20+$0x0], $0xffff;
	v17 =	vand.u32 $0x6F, v17  }
0x214: {  	v17 =	vor.u32 v14, v17;
	_ =	sdelay $0x3  }
0x215: {  	v16 =	vor.u32 v21, v16;
	[tilespmem:v62+s6+$0x0] =	vst.idx.add.f32.msk $0xffff, v18  }
0x216: {  	v63 =	vadd.s32 v9, v13;
	v16 =	vand.u32 $0x7F, v16;
	v17 =	vld.idx.msk [tilespmem:v17+s20+$0x0], $0xffff  }
0x217: {  	v14 =	vor.u32 v14, v16;
	_ =	sdelay $0x3  }
0x218: {  	[tilespmem:v63+s6+$0x0] =	vst.idx.add.f32.msk $0xffff, v17  }
0x219: {  	p4 =	slt.u32 s4, $0x1C;
	v13 =	vadd.s32 v10, v13;
	v14 =	vld.idx.msk [tilespmem:v14+s20+$0x0], $0xffff  }
.Ltmp12:
0x21a: {  	_ = 	snop;
	(pc) =	sbr.rel @p4 .LBB2_12-.Ltmp12, $2  }
0x21b: {  	_ =	sdelay $0x2  }
0x21c: {  	s4 =	sadd.s32 $0x4, s4;
	[tilespmem:v13+s6+$0x0] =	vst.idx.add.f32.msk $0xffff, v14  }
.Ltmp13:
0x21d: {  	(pc) =	sbr.rel .LBB2_10-.Ltmp13, $2  }
0x21e: {  	_ =	sdelay $0x2  }
0x21f: {  	s3 =	sadd.s32 $0x1, s3;
	s0 =	sadd.s32 $0x20, s0  }
.LBB2_20:
0x220: {  	p4 =	por p0, p3  }
.Ltmp14:
0x221: {  	_ = 	snop;
	(pc) =	sbr.rel @!p4 .LBB2_21-.Ltmp14, $4  }
0x222: {  	s0 =	rddreg [dreg:$0x3]  }
0x223: {  	s0 =	sadd.s32 s0, s31  }
0x224: {  	s11 =	sadd.s32 $0x18700, s0;
	s9 =	sadd.s32 $0x30E00, s0  }
0x225: {  	s4 =	sadd.s32 $0x49500, s0;
	s3 =	sadd.s32 $0x61C00, s0;
	s2 =	sadd.s32 $0x7A300, s0  }
0x226: {  	[hbm4b:s0+s6] =	stream.linear.scatter [tilespmem:s6], [sflag:$0x3], $0x2800, $0x38;
	[tilespmem:$0x1E100] =	vst v63  }
0x227: {  	_ = 	snop  }
0x228: {  	[hbm4b:s11+s6] =	stream.linear.scatter [tilespmem:s21], [sflag:$0x3], $0x2800, $0x38;
	[tilespmem:$0x1E100] =	vst v63  }
0x229: {  	_ = 	snop  }
0x22a: {  	[hbm4b:s9+s6] =	stream.linear.scatter [tilespmem:s22], [sflag:$0x3], $0x2800, $0x38;
	[tilespmem:$0x1E100] =	vst v63  }
0x22b: {  	_ = 	snop  }
0x22c: {  	[hbm4b:s4+s6] =	stream.linear.scatter [tilespmem:s23], [sflag:$0x3], $0x2800, $0x38;
	[tilespmem:$0x1E100] =	vst v63  }
0x22d: {  	_ = 	snop  }
0x22e: {  	[hbm4b:s3+s6] =	stream.linear.scatter [tilespmem:s24], [sflag:$0x3], $0x2800, $0x38;
	[tilespmem:$0x1E100] =	vst v63  }
0x22f: {  	_ = 	snop  }
0x230: {  	[hbm4b:s2+s6] =	stream.linear.scatter [tilespmem:s25], [sflag:$0x3], $0x2800, $0x38;
	[tilespmem:$0x1E100] =	vst v63  }
.Ltmp15:
0x231: {  	_ = 	snop;
	(pc) =	sbr.rel @p3 .LBB2_2-.Ltmp15, $4  }
.Ltmp16:
0x232: {  	s30 =	sadd.s32 $0x92A00, s0;
	(pc) =	sbr.rel @!p3 .LBB2_23-.Ltmp16, $4  }
0x233: {  	[hbm4b:s30+s6] =	stream.linear.scatter [tilespmem:s26], [sflag:$0x3], $0x2800, $0x38;
	[tilespmem:$0x1E100] =	vst v63  }
0x234: {  	s31 =	sadd.s32 $0xAB100, s0;
	s0 =	simm.s32 $0x20;
	p4 =	por $0x0, $0x0  }
0x235: {  	[hbm4b:s31+s6] =	stream.linear.scatter [tilespmem:s28], [sflag:$0x3], $0x2800, $0x38;
	[tilespmem:$0x1E100] =	vst v63  }
0x236: {  	_ = 	snop  }
.LBB2_21:
0x237: {  	[hbm4b:s0+s6] =	stream.linear.scatter [tilespmem:s6], [sflag:$0x4], $0x2800, $0x38;
	[tilespmem:$0x1E100] =	vst v63  }
0x238: {  	_ = 	snop  }
0x239: {  	[hbm4b:s11+s6] =	stream.linear.scatter [tilespmem:s21], [sflag:$0x4], $0x2800, $0x38;
	[tilespmem:$0x1E100] =	vst v63  }
0x23a: {  	_ = 	snop  }
0x23b: {  	[hbm4b:s9+s6] =	stream.linear.scatter [tilespmem:s22], [sflag:$0x4], $0x2800, $0x38;
	[tilespmem:$0x1E100] =	vst v63  }
0x23c: {  	_ = 	snop  }
0x23d: {  	[hbm4b:s4+s6] =	stream.linear.scatter [tilespmem:s23], [sflag:$0x4], $0x2800, $0x38;
	[tilespmem:$0x1E100] =	vst v63  }
0x23e: {  	_ = 	snop  }
0x23f: {  	[hbm4b:s3+s6] =	stream.linear.scatter [tilespmem:s24], [sflag:$0x4], $0x2800, $0x38;
	[tilespmem:$0x1E100] =	vst v63  }
0x240: {  	_ = 	snop  }
0x241: {  	[hbm4b:s2+s6] =	stream.linear.scatter [tilespmem:s25], [sflag:$0x4], $0x2800, $0x38;
	[tilespmem:$0x1E100] =	vst v63  }
0x242: {  	s14 =	sadd.s32 $0x92A00, s0  }
0x243: {  	[hbm4b:s14+s6] =	stream.linear.scatter [tilespmem:s26], [sflag:$0x4], $0x2800, $0x38;
	[tilespmem:$0x1E100] =	vst v63  }
0x244: {  	s30 =	sadd.s32 $0xAB100, s0;
	s31 =	simm.s32 $0x4  }
0x245: {  	[hbm4b:s30+s6] =	stream.linear.scatter [tilespmem:s28], [sflag:$0x4], $0x2800, $0x38;
	[tilespmem:$0x1E100] =	vst v63  }
0x246: {  	_ =	swait.ge [sflag:s31], $0x14000  }
0x247: {  	[sflag:s31] =	ssyncset.done $0x0  }
0x248: {  	[sflag:s31] =	ssyncadd.s32 $0xFFFEC000  }
.LBB2_23:
.Ltmp17:
0x249: {  	(pc) =	sbr.rel @p1 .LBB2_43-.Ltmp17, $1  }
0x24a: {  	_ =	sdelay $0x3  }
.Ltmp18:
0x24b: {  	(pc) =	sbr.rel .LBB2_25-.Ltmp18, $2  }
0x24c: {  	_ =	sdelay $0x2  }
0x24d: {  	s0 =	simm.s32 $0x0;
	v14 =	vimm.s32 $0x0;
	p3 =	por $0x1, $0x1  }
.LBB2_29:
0x24e: {  	_ =	swait.ge [sflag:s29], $0x14000  }
0x24f: {  	[sflag:s29] =	ssyncset.done $0x0  }
0x250: {  	[sflag:s29] =	ssyncadd.s32 $0xFFFEC000  }
0x251: {  	[tilespmem:s6], [sflag:$0x1] =	stream.linear.gather [hbm4b:s8+s6], $0x2800, $0x38;
	[tilespmem:$0x1E100] =	vst v63  }
0x252: {  	s2 =	sadd.s32 $0x18700, s8  }
0x253: {  	[tilespmem:s21], [sflag:$0x1] =	stream.linear.gather [hbm4b:s2+s6], $0x2800, $0x38;
	[tilespmem:$0x1E100] =	vst v63  }
0x254: {  	s9 =	sadd.s32 $0x30E00, s8  }
0x255: {  	[tilespmem:s22], [sflag:$0x1] =	stream.linear.gather [hbm4b:s9+s6], $0x2800, $0x38;
	[tilespmem:$0x1E100] =	vst v63  }
0x256: {  	s11 =	sadd.s32 $0x49500, s8  }
0x257: {  	[tilespmem:s23], [sflag:$0x1] =	stream.linear.gather [hbm4b:s11+s6], $0x2800, $0x38;
	[tilespmem:$0x1E100] =	vst v63  }
0x258: {  	s12 =	sadd.s32 $0x61C00, s8  }
0x259: {  	[tilespmem:s24], [sflag:$0x1] =	stream.linear.gather [hbm4b:s12+s6], $0x2800, $0x38;
	[tilespmem:$0x1E100] =	vst v63  }
0x25a: {  	s14 =	sadd.s32 $0x7A300, s8  }
0x25b: {  	[tilespmem:s25], [sflag:$0x1] =	stream.linear.gather [hbm4b:s14+s6], $0x2800, $0x38;
	[tilespmem:$0x1E100] =	vst v63  }
0x25c: {  	s30 =	sadd.s32 $0x92A00, s8  }
0x25d: {  	[tilespmem:s26], [sflag:$0x1] =	stream.linear.gather [hbm4b:s30+s6], $0x2800, $0x38;
	[tilespmem:$0x1E100] =	vst v63  }
0x25e: {  	s31 =	sadd.s32 $0xAB100, s8  }
0x25f: {  	[tilespmem:s28], [sflag:$0x1] =	stream.linear.gather [hbm4b:s31+s6], $0x2800, $0x38;
	[tilespmem:$0x1E100] =	vst v63  }
.LBB2_30:
0x260: {  	s0 =	sadd.s32 $0x1, s0  }
0x261: {  	p4 =	sne.s32 s0, $0x8  }
.Ltmp19:
0x262: {  	_ = 	snop;
	(pc) =	sbr.rel @!p4 .LBB2_31-.Ltmp19, $2  }
0x263: {  	_ =	sdelay $0x2  }
0x264: {  	p3 =	por !p3, !p3  }
.LBB2_25:
0x265: {  	s4 =	sand.u32 $0x1, s0  }
0x266: {  	s12 =	smul.u32 $0x820, s4  }
0x267: {  	s2 =	simm.s32 $0x1  }
0x268: {  	s2 =	simm.s32 @!p3 $0x0;
	s3 =	sadd.s32 $0xFFFFFFFF, s12  }
0x269: {  	s5 =	sshll.u32 s0, $0xB;
	v15 =	vmov s3;
	s3 =	smul.u32 $0x820, s2  }
0x26a: {  	v13 =	vmov v14;
	s9 =	simm.s32 $0xFFFFFFF0;
	v14 =	vor.u32 s5, v0;
	v16 =	vmov v15  }
.LBB2_26:
0x26b: {  	_ =	sdelay $0x3  }
0x26c: {  	v17 =	vld.idx.msk [tilespmem:v14+s13+$0x0], $0xffff;
	_ =	sdelay $0x4  }
0x26d: {  	v17 =	vsub.s32 v17, v3  }
0x26e: {  	vm0 =	vlt.u32 v17, $0x500  }
0x26f: {  	v18 =	vsel vm0, $0x1, v4  }
0x270: {  	(xrf0) =	vadd.scan.msk.s32 $0xffff, v18;
	_ =	sdelay $0x5  }
0x271: {  	v18, _, _ =	vpop (xrf0)  }
0x272: {  	v18 =	vadd.s32 v16, v18;
	_ =	sdelay $0x1  }
0x273: {  	v19 =	vadd.s32 $0x10, v14;
	_ =	sdelay $0x1  }
0x274: {  	v17 =	vadd.s32 v5, v17  }
0x275: {  	[tilespmem:v18+s16+$0x0] =	vst.idx.msk vm0, v17;
	v17 =	vshrl.u32 v14, $0x1  }
0x276: {  	[tilespmem:v18+s17+$0x0] =	vst.idx.msk vm0, v17  }
0x277: {  	v17 =	vld.idx.msk [tilespmem:v19+s13+$0x0], $0xffff;
	_ =	sdelay $0x4  }
0x278: {  	v17 =	vsub.s32 v17, v3  }
0x279: {  	vm1 =	vlt.u32 v17, $0x500  }
0x27a: {  	v18 =	vsel vm1, $0x1, v4  }
0x27b: {  	(xrf0) =	vadd.scan.msk.s32 $0xffff, v18;
	_ =	sdelay $0x1  }
0x27c: {  	v18 =	vmpcnt.ones.xlane vm0;
	_ =	sdelay $0x3  }
0x27d: {  	v16 =	vadd.s32 v16, v18;
	v18, _, _ =	vpop (xrf0)  }
0x27e: {  	v18 =	vadd.s32 v16, v18;
	_ =	sdelay $0x1  }
0x27f: {  	v20 =	vadd.s32 $0x20, v14;
	_ =	sdelay $0x1  }
0x280: {  	v17 =	vadd.s32 v5, v17  }
0x281: {  	[tilespmem:v18+s16+$0x0] =	vst.idx.msk vm1, v17;
	v17 =	vshrl.u32 v19, $0x1  }
0x282: {  	[tilespmem:v18+s17+$0x0] =	vst.idx.msk vm1, v17  }
0x283: {  	v17 =	vld.idx.msk [tilespmem:v20+s13+$0x0], $0xffff;
	_ =	sdelay $0x4  }
0x284: {  	v17 =	vsub.s32 v17, v3  }
0x285: {  	vm14 =	vlt.u32 v17, $0x500  }
0x286: {  	v18 =	vsel vm14, $0x1, v4  }
0x287: {  	(xrf0) =	vadd.scan.msk.s32 $0xffff, v18;
	_ =	sdelay $0x1  }
0x288: {  	v18 =	vmpcnt.ones.xlane vm1;
	_ =	sdelay $0x3  }
0x289: {  	v16 =	vadd.s32 v16, v18;
	v18, _, _ =	vpop (xrf0)  }
0x28a: {  	v18 =	vadd.s32 v16, v18;
	_ =	sdelay $0x1  }
0x28b: {  	v19 =	vadd.s32 $0x30, v14;
	_ =	sdelay $0x1  }
0x28c: {  	v17 =	vadd.s32 v5, v17  }
0x28d: {  	[tilespmem:v18+s16+$0x0] =	vst.idx.msk vm14, v17;
	v17 =	vshrl.u32 v20, $0x1  }
0x28e: {  	[tilespmem:v18+s17+$0x0] =	vst.idx.msk vm14, v17  }
0x28f: {  	v17 =	vld.idx.msk [tilespmem:v19+s13+$0x0], $0xffff;
	_ =	sdelay $0x4  }
0x290: {  	v17 =	vsub.s32 v17, v3  }
0x291: {  	vm15 =	vlt.u32 v17, $0x500  }
0x292: {  	v18 =	vsel vm15, $0x1, v4  }
0x293: {  	(xrf0) =	vadd.scan.msk.s32 $0xffff, v18;
	_ =	sdelay $0x1  }
0x294: {  	v18 =	vmpcnt.ones.xlane vm14;
	_ =	sdelay $0x3  }
0x295: {  	v16 =	vadd.s32 v16, v18;
	v18, _, _ =	vpop (xrf0)  }
0x296: {  	v18 =	vadd.s32 v16, v18;
	_ =	sdelay $0x1  }
0x297: {  	v57 =	vadd.s32 $0x40, v14;
	_ =	sdelay $0x1  }
0x298: {  	v17 =	vadd.s32 v5, v17  }
0x299: {  	[tilespmem:v18+s16+$0x0] =	vst.idx.msk vm15, v17;
	v17 =	vshrl.u32 v19, $0x1  }
0x29a: {  	[tilespmem:v18+s17+$0x0] =	vst.idx.msk vm15, v17  }
0x29b: {  	v17 =	vld.idx.msk [tilespmem:v57+s13+$0x0], $0xffff;
	_ =	sdelay $0x4  }
0x29c: {  	v17 =	vsub.s32 v17, v3  }
0x29d: {  	vm4 =	vlt.u32 v17, $0x500  }
0x29e: {  	v18 =	vsel vm4, $0x1, v4  }
0x29f: {  	(xrf0) =	vadd.scan.msk.s32 $0xffff, v18;
	_ =	sdelay $0x1  }
0x2a0: {  	v18 =	vmpcnt.ones.xlane vm15;
	_ =	sdelay $0x3  }
0x2a1: {  	v16 =	vadd.s32 v16, v18;
	v18, _, _ =	vpop (xrf0)  }
0x2a2: {  	v18 =	vadd.s32 v16, v18;
	_ =	sdelay $0x1  }
0x2a3: {  	v19 =	vadd.s32 $0x50, v14;
	_ =	sdelay $0x1  }
0x2a4: {  	v17 =	vadd.s32 v5, v17  }
0x2a5: {  	[tilespmem:v18+s16+$0x0] =	vst.idx.msk vm4, v17;
	v17 =	vshrl.u32 v57, $0x1  }
0x2a6: {  	[tilespmem:v18+s17+$0x0] =	vst.idx.msk vm4, v17  }
0x2a7: {  	v17 =	vld.idx.msk [tilespmem:v19+s13+$0x0], $0xffff;
	_ =	sdelay $0x4  }
0x2a8: {  	v17 =	vsub.s32 v17, v3  }
0x2a9: {  	vm5 =	vlt.u32 v17, $0x500  }
0x2aa: {  	v18 =	vsel vm5, $0x1, v4  }
0x2ab: {  	(xrf0) =	vadd.scan.msk.s32 $0xffff, v18;
	_ =	sdelay $0x1  }
0x2ac: {  	v18 =	vmpcnt.ones.xlane vm4;
	_ =	sdelay $0x3  }
0x2ad: {  	v16 =	vadd.s32 v16, v18;
	v18, _, _ =	vpop (xrf0)  }
0x2ae: {  	v18 =	vadd.s32 v16, v18;
	_ =	sdelay $0x1  }
0x2af: {  	v58 =	vadd.s32 $0x60, v14;
	_ =	sdelay $0x1  }
0x2b0: {  	v17 =	vadd.s32 v5, v17  }
0x2b1: {  	[tilespmem:v18+s16+$0x0] =	vst.idx.msk vm5, v17;
	v17 =	vshrl.u32 v19, $0x1  }
0x2b2: {  	[tilespmem:v18+s17+$0x0] =	vst.idx.msk vm5, v17  }
0x2b3: {  	v17 =	vld.idx.msk [tilespmem:v58+s13+$0x0], $0xffff;
	_ =	sdelay $0x4  }
0x2b4: {  	v17 =	vsub.s32 v17, v3  }
0x2b5: {  	vm6 =	vlt.u32 v17, $0x500  }
0x2b6: {  	v18 =	vsel vm6, $0x1, v4  }
0x2b7: {  	(xrf0) =	vadd.scan.msk.s32 $0xffff, v18;
	_ =	sdelay $0x1  }
0x2b8: {  	v18 =	vmpcnt.ones.xlane vm5;
	_ =	sdelay $0x3  }
0x2b9: {  	v16 =	vadd.s32 v16, v18;
	v18, _, _ =	vpop (xrf0)  }
0x2ba: {  	v18 =	vadd.s32 v16, v18;
	_ =	sdelay $0x1  }
0x2bb: {  	v19 =	vadd.s32 $0x70, v14;
	_ =	sdelay $0x1  }
0x2bc: {  	v17 =	vadd.s32 v5, v17  }
0x2bd: {  	[tilespmem:v18+s16+$0x0] =	vst.idx.msk vm6, v17;
	v17 =	vshrl.u32 v58, $0x1  }
0x2be: {  	[tilespmem:v18+s17+$0x0] =	vst.idx.msk vm6, v17  }
0x2bf: {  	v17 =	vld.idx.msk [tilespmem:v19+s13+$0x0], $0xffff;
	_ =	sdelay $0x4  }
0x2c0: {  	v17 =	vsub.s32 v17, v3  }
0x2c1: {  	vm7 =	vlt.u32 v17, $0x500  }
0x2c2: {  	v18 =	vsel vm7, $0x1, v4  }
0x2c3: {  	(xrf0) =	vadd.scan.msk.s32 $0xffff, v18;
	_ =	sdelay $0x1  }
0x2c4: {  	v18 =	vmpcnt.ones.xlane vm6;
	_ =	sdelay $0x3  }
0x2c5: {  	v16 =	vadd.s32 v16, v18;
	v18, _, _ =	vpop (xrf0)  }
0x2c6: {  	v18 =	vadd.s32 v16, v18;
	_ =	sdelay $0x1  }
0x2c7: {  	v59 =	vadd.s32 $0x80, v14;
	_ =	sdelay $0x1  }
0x2c8: {  	v17 =	vadd.s32 v5, v17  }
0x2c9: {  	[tilespmem:v18+s16+$0x0] =	vst.idx.msk vm7, v17;
	v17 =	vshrl.u32 v19, $0x1  }
0x2ca: {  	[tilespmem:v18+s17+$0x0] =	vst.idx.msk vm7, v17  }
0x2cb: {  	v17 =	vld.idx.msk [tilespmem:v59+s13+$0x0], $0xffff;
	_ =	sdelay $0x4  }
0x2cc: {  	v17 =	vsub.s32 v17, v3  }
0x2cd: {  	vm8 =	vlt.u32 v17, $0x500  }
0x2ce: {  	v18 =	vsel vm8, $0x1, v4  }
0x2cf: {  	(xrf0) =	vadd.scan.msk.s32 $0xffff, v18;
	_ =	sdelay $0x1  }
0x2d0: {  	v18 =	vmpcnt.ones.xlane vm7;
	_ =	sdelay $0x3  }
0x2d1: {  	v16 =	vadd.s32 v16, v18;
	v18, _, _ =	vpop (xrf0)  }
0x2d2: {  	v18 =	vadd.s32 v16, v18;
	_ =	sdelay $0x1  }
0x2d3: {  	v19 =	vadd.s32 $0x90, v14;
	_ =	sdelay $0x1  }
0x2d4: {  	v17 =	vadd.s32 v5, v17  }
0x2d5: {  	[tilespmem:v18+s16+$0x0] =	vst.idx.msk vm8, v17;
	v17 =	vshrl.u32 v59, $0x1  }
0x2d6: {  	[tilespmem:v18+s17+$0x0] =	vst.idx.msk vm8, v17  }
0x2d7: {  	v17 =	vld.idx.msk [tilespmem:v19+s13+$0x0], $0xffff;
	_ =	sdelay $0x4  }
0x2d8: {  	v17 =	vsub.s32 v17, v3  }
0x2d9: {  	vm9 =	vlt.u32 v17, $0x500  }
0x2da: {  	v18 =	vsel vm9, $0x1, v4  }
0x2db: {  	(xrf0) =	vadd.scan.msk.s32 $0xffff, v18;
	_ =	sdelay $0x1  }
0x2dc: {  	v18 =	vmpcnt.ones.xlane vm8;
	_ =	sdelay $0x3  }
0x2dd: {  	v16 =	vadd.s32 v16, v18;
	v18, _, _ =	vpop (xrf0)  }
0x2de: {  	v18 =	vadd.s32 v16, v18;
	_ =	sdelay $0x1  }
0x2df: {  	v60 =	vadd.s32 $0xA0, v14;
	_ =	sdelay $0x1  }
0x2e0: {  	v17 =	vadd.s32 v5, v17  }
0x2e1: {  	[tilespmem:v18+s16+$0x0] =	vst.idx.msk vm9, v17;
	v17 =	vshrl.u32 v19, $0x1  }
0x2e2: {  	[tilespmem:v18+s17+$0x0] =	vst.idx.msk vm9, v17  }
0x2e3: {  	v17 =	vld.idx.msk [tilespmem:v60+s13+$0x0], $0xffff;
	_ =	sdelay $0x4  }
0x2e4: {  	v17 =	vsub.s32 v17, v3  }
0x2e5: {  	vm10 =	vlt.u32 v17, $0x500  }
0x2e6: {  	v18 =	vsel vm10, $0x1, v4  }
0x2e7: {  	(xrf0) =	vadd.scan.msk.s32 $0xffff, v18;
	_ =	sdelay $0x1  }
0x2e8: {  	v18 =	vmpcnt.ones.xlane vm9;
	_ =	sdelay $0x3  }
0x2e9: {  	v16 =	vadd.s32 v16, v18;
	v18, _, _ =	vpop (xrf0)  }
0x2ea: {  	v18 =	vadd.s32 v16, v18;
	_ =	sdelay $0x1  }
0x2eb: {  	v19 =	vadd.s32 $0xB0, v14;
	_ =	sdelay $0x1  }
0x2ec: {  	v17 =	vadd.s32 v5, v17  }
0x2ed: {  	[tilespmem:v18+s16+$0x0] =	vst.idx.msk vm10, v17;
	v17 =	vshrl.u32 v60, $0x1  }
0x2ee: {  	[tilespmem:v18+s17+$0x0] =	vst.idx.msk vm10, v17  }
0x2ef: {  	v17 =	vld.idx.msk [tilespmem:v19+s13+$0x0], $0xffff;
	_ =	sdelay $0x4  }
0x2f0: {  	v17 =	vsub.s32 v17, v3  }
0x2f1: {  	vm11 =	vlt.u32 v17, $0x500  }
0x2f2: {  	v18 =	vsel vm11, $0x1, v4  }
0x2f3: {  	(xrf0) =	vadd.scan.msk.s32 $0xffff, v18;
	_ =	sdelay $0x1  }
0x2f4: {  	v18 =	vmpcnt.ones.xlane vm10;
	_ =	sdelay $0x3  }
0x2f5: {  	v16 =	vadd.s32 v16, v18;
	v18, _, _ =	vpop (xrf0)  }
0x2f6: {  	v18 =	vadd.s32 v16, v18;
	_ =	sdelay $0x1  }
0x2f7: {  	v61 =	vadd.s32 $0xC0, v14;
	_ =	sdelay $0x1  }
0x2f8: {  	v17 =	vadd.s32 v5, v17  }
0x2f9: {  	[tilespmem:v18+s16+$0x0] =	vst.idx.msk vm11, v17;
	v17 =	vshrl.u32 v19, $0x1  }
0x2fa: {  	[tilespmem:v18+s17+$0x0] =	vst.idx.msk vm11, v17  }
0x2fb: {  	v17 =	vld.idx.msk [tilespmem:v61+s13+$0x0], $0xffff;
	_ =	sdelay $0x4  }
0x2fc: {  	v17 =	vsub.s32 v17, v3  }
0x2fd: {  	vm12 =	vlt.u32 v17, $0x500  }
0x2fe: {  	v18 =	vsel vm12, $0x1, v4  }
0x2ff: {  	(xrf0) =	vadd.scan.msk.s32 $0xffff, v18;
	_ =	sdelay $0x1  }
0x300: {  	v18 =	vmpcnt.ones.xlane vm11;
	_ =	sdelay $0x3  }
0x301: {  	v16 =	vadd.s32 v16, v18;
	v18, _, _ =	vpop (xrf0)  }
0x302: {  	v18 =	vadd.s32 v16, v18;
	_ =	sdelay $0x1  }
0x303: {  	v19 =	vadd.s32 $0xD0, v14;
	_ =	sdelay $0x1  }
0x304: {  	v17 =	vadd.s32 v5, v17  }
0x305: {  	[tilespmem:v18+s16+$0x0] =	vst.idx.msk vm12, v17;
	v17 =	vshrl.u32 v61, $0x1  }
0x306: {  	[tilespmem:v18+s17+$0x0] =	vst.idx.msk vm12, v17  }
0x307: {  	v17 =	vld.idx.msk [tilespmem:v19+s13+$0x0], $0xffff;
	_ =	sdelay $0x4  }
0x308: {  	v17 =	vsub.s32 v17, v3  }
0x309: {  	vm13 =	vlt.u32 v17, $0x500  }
0x30a: {  	v18 =	vsel vm13, $0x1, v4  }
0x30b: {  	(xrf0) =	vadd.scan.msk.s32 $0xffff, v18;
	_ =	sdelay $0x1  }
0x30c: {  	v18 =	vmpcnt.ones.xlane vm12;
	_ =	sdelay $0x3  }
0x30d: {  	v16 =	vadd.s32 v16, v18;
	v18, _, _ =	vpop (xrf0)  }
0x30e: {  	v18 =	vadd.s32 v16, v18;
	_ =	sdelay $0x1  }
0x30f: {  	v62 =	vadd.s32 $0xE0, v14;
	_ =	sdelay $0x1  }
0x310: {  	v17 =	vadd.s32 v5, v17  }
0x311: {  	[tilespmem:v18+s16+$0x0] =	vst.idx.msk vm13, v17;
	v17 =	vshrl.u32 v19, $0x1  }
0x312: {  	[tilespmem:v18+s17+$0x0] =	vst.idx.msk vm13, v17  }
0x313: {  	v17 =	vld.idx.msk [tilespmem:v62+s13+$0x0], $0xffff;
	_ =	sdelay $0x4  }
0x314: {  	v17 =	vsub.s32 v17, v3  }
0x315: {  	vm14 =	vlt.u32 v17, $0x500  }
0x316: {  	v18 =	vsel vm14, $0x1, v4  }
0x317: {  	(xrf0) =	vadd.scan.msk.s32 $0xffff, v18;
	_ =	sdelay $0x1  }
0x318: {  	v18 =	vmpcnt.ones.xlane vm13;
	_ =	sdelay $0x3  }
0x319: {  	v16 =	vadd.s32 v16, v18;
	v18, _, _ =	vpop (xrf0)  }
0x31a: {  	v18 =	vadd.s32 v16, v18;
	_ =	sdelay $0x1  }
0x31b: {  	v19 =	vadd.s32 $0xF0, v14;
	_ =	sdelay $0x1  }
0x31c: {  	v17 =	vadd.s32 v5, v17  }
0x31d: {  	[tilespmem:v18+s16+$0x0] =	vst.idx.msk vm14, v17;
	v17 =	vshrl.u32 v62, $0x1  }
0x31e: {  	[tilespmem:v18+s17+$0x0] =	vst.idx.msk vm14, v17  }
0x31f: {  	v17 =	vld.idx.msk [tilespmem:v19+s13+$0x0], $0xffff;
	_ =	sdelay $0x4  }
0x320: {  	v17 =	vsub.s32 v17, v3  }
0x321: {  	vm15 =	vlt.u32 v17, $0x500  }
0x322: {  	v18 =	vsel vm15, $0x1, v4  }
0x323: {  	(xrf0) =	vadd.scan.msk.s32 $0xffff, v18;
	_ =	sdelay $0x1  }
0x324: {  	v18 =	vmpcnt.ones.xlane vm14;
	_ =	sdelay $0x3  }
0x325: {  	v16 =	vadd.s32 v16, v18;
	v18, _, _ =	vpop (xrf0)  }
0x326: {  	s9 =	sadd.s32 $0x10, s9;
	v18 =	vadd.s32 v16, v18  }
0x327: {  	p4 =	slt.u32 s9, $0x70  }
.Ltmp20:
0x328: {  	_ = 	snop;
	(pc) =	sbr.rel @p4 .LBB2_26-.Ltmp20, $4  }
0x329: {  	_ = 	snop  }
0x32a: {  	v17 =	vadd.s32 v5, v17;
	v63 =	vmpcnt.ones.xlane vm15  }
0x32b: {  	[tilespmem:v18+s16+$0x0] =	vst.idx.msk vm15, v17;
	v17 =	vshrl.u32 v19, $0x1  }
0x32c: {  	v14 =	vadd.s32 $0x100, v14;
	v16 =	vadd.s32 v16, v63;
	[tilespmem:v18+s17+$0x0] =	vst.idx.msk vm15, v17  }
0x32d: {  	v14 =	vsub.s32 v16, v15  }
0x32e: {  	v15 =	vadd.s32 s12, v14  }
0x32f: {  	v63 =	vadd.s32 v0, v15;
	_ =	sdelay $0x1  }
0x330: {  	v15 =	vadd.s32 v11, v15;
	_ =	sdelay $0x1  }
0x331: {  	p4 =	seq.s32 s0, $0x1  }
.Ltmp21:
0x332: {  	[tilespmem:v63+s16+$0x0] =	vst.idx.msk $0xffff, v12;
	(pc) =	sbr.rel @p4 .LBB2_36-.Ltmp21, $4  }
0x333: {  	[tilespmem:v63+s17+$0x0] =	vst.idx.msk $0xffff, v1  }
0x334: {  	s2 =	sshll.u32 s4, $0xC;
	[tilespmem:v15+s16+$0x0] =	vst.idx.msk $0xffff, v12  }
0x335: {  	s5 =	sor.u32 $0x1C000, s12;
	s2 =	sor.u32 $0x1A000, s2;
	[tilespmem:v15+s17+$0x0] =	vst.idx.msk $0xffff, v2  }
0x336: {  	[tilespmem:s2], [sflag:$0x2] =	stream.indirect.gather [hbm4b:s7+s18], $0x80, s5, s18, $0xb8;
	[tilespmem:$0x1E100] =	vst v63  }
0x337: {  	p4 =	sne.s32 s0, $0x0  }
.Ltmp22:
0x338: {  	_ = 	snop;
	(pc) =	sbr.rel @!p4 .LBB2_29-.Ltmp22, $4  }
.Ltmp23:
0x339: {  	_ = 	snop;
	(pc) =	sbr.rel @p4 .LBB2_37-.Ltmp23, $4  }
0x33a: {  	_ = 	snop  }
0x33b: {  	_ = 	snop  }
0x33c: {  	_ = 	snop  }
0x33d: {  	_ = 	snop  }
.LBB2_36:
0x33e: {  	_ =	swait.ge [sflag:s15], $0x14000  }
0x33f: {  	[sflag:s15] =	ssyncset.done $0x0  }
0x340: {  	[sflag:s15] =	ssyncadd.s32 $0xFFFEC000  }
.LBB2_37:
0x341: {  	s2 =	sxor.u32 $0x1, s4  }
0x342: {  	s4 =	smul.u32 $0x2080, s2  }
0x343: {  	_ =	swait.ge [sflag:s19], $0x1000;
	s12 =	simm.s32 $0x0  }
0x344: {  	[sflag:s19] =	ssyncset.done $0x0;
	s2 =	sshll.u32 s2, $0xC;
	s5 =	sshrl.u32 s4, $0x2  }
0x345: {  	[sflag:s19] =	ssyncadd.s32 $0xFFFFF000;
	s4 =	sor.u32 $0x1A000, s2;
	s9 =	sor.u32 $0x1C000, s5  }
.LBB2_38:
0x346: {  	s2 =	sshll.u32 s12, $0x5  }
0x347: {  	vm0 =	vgt.s32 v13, s2  }
0x348: {  	v15 =	vsel vm0, $0x3F800000, v6  }
0x349: {  	(xrf0) =	vmax.scan.msk.f32 $0xffff, v15;
	_ =	sdelay $0x5  }
0x34a: {  	v15, _, _ =	vpop (xrf0)  }
0x34b: {  	(v2sf) =	vpush v15, $0xF;
	_ =	sdelay $0xe  }
0x34c: {  	s5 =	spop (v2sf)  }
0x34d: {  	p4 =	sgt.f32 s5, $0.0e+00  }
.Ltmp24:
0x34e: {  	_ = 	snop;
	(pc) =	sbr.rel @!p4 .LBB2_30-.Ltmp24, $1  }
0x34f: {  	_ =	sdelay $0x3  }
0x350: {  	p4 =	slt.s32 s12, $0x1  }
0x351: {  	s2 =	sadd.s32 @!p4 s2, s9;
	s5 =	simm.s32 @!p4 $0x20  }
0x352: {  	[tilespmem:s4], [sflag:$0x4] =	stream.indirect.gather @!p4 [hbm4b:s7+s5], $0x80, s2, s5, $0xb8;
	[tilespmem:$0x1E100] =	vst v63  }
0x353: {  	s2 =	simm.s32 @!p4 $0x4  }
0x354: {  	_ =	swait.ge @!p4 [sflag:s2], $0x1000  }
0x355: {  	[sflag:s2] =	ssyncset.done @!p4 $0x0  }
0x356: {  	s11 =	simm.s32 $0x0;
	[sflag:s2] =	ssyncadd.s32 @!p4 $0xFFFFF000  }
.LBB2_40:
0x357: {  	s14 =	sadd.s32 s11, s3  }
0x358: {  	v15 =	vmov s14  }
0x359: {  	v15 =	vand.u32 $0xFFFFFFFC, v15  }
0x35a: {  	v15 =	vbroadcast v15, $0x0;
	_ =	sdelay $0x5  }
0x35b: {  	v15 =	vld.idx.msk [tilespmem:v15+s16+$0x0], $0xffff;
	_ =	sdelay $0x4  }
0x35c: {  	v16 =	vshrl.u32 v15, $0x6  }
0x35d: {  	v17 =	vand.u32 $0x3FFFFC0, v16  }
0x35e: {  	s30 =	sshll.u32 s11, $0x7;
	v16 =	vand.u32 $0x3FFFF80, v16;
	v18 =	vor.u32 v0, v17  }
0x35f: {  	v16 =	vadd.s32 s30, v16;
	v18 =	vand.u32 $0x4F, v18  }
0x360: {  	v18 =	vor.u32 v16, v18;
	_ =	sdelay $0x1  }
0x361: {  	v19 =	vshll.u32 v15, $0x3  }
0x362: {  	v15 =	vand.u32 $0x7F, v15;
	v19 =	vand.u32 $0x7C00, v19  }
0x363: {  	v15 =	vor.u32 v15, v19;
	v30 =	vor.u32 v11, v17  }
0x364: {  	v20 =	vadd.s32 v7, v15;
	v19 =	vand.u32 $0x5F, v30;
	v18 =	vld.idx.msk [tilespmem:v18+s4+$0x0], $0xffff  }
0x365: {  	v19 =	vor.u32 v16, v19;
	_ =	sdelay $0x2  }
0x366: {  	v21 =	vor.u32 $0x20, v0  }
0x367: {  	v31 =	vor.u32 v21, v17;
	[tilespmem:v20+s6+$0x0] =	vst.idx.add.f32.msk $0xffff, v18  }
0x368: {  	v32 =	vadd.s32 v8, v15;
	v18 =	vand.u32 $0x6F, v31;
	v19 =	vld.idx.msk [tilespmem:v19+s4+$0x0], $0xffff  }
0x369: {  	v18 =	vor.u32 v16, v18;
	_ =	sdelay $0x2  }
0x36a: {  	v22 =	vor.u32 $0x30, v0  }
0x36b: {  	v17 =	vor.u32 v22, v17;
	[tilespmem:v32+s6+$0x0] =	vst.idx.add.f32.msk $0xffff, v19  }
0x36c: {  	v33 =	vadd.s32 v9, v15;
	v17 =	vand.u32 $0x7F, v17;
	v18 =	vld.idx.msk [tilespmem:v18+s4+$0x0], $0xffff  }
0x36d: {  	v16 =	vor.u32 v16, v17;
	_ =	sdelay $0x1  }
0x36e: {  	s2 =	sadd.s32 $0x1, s14  }
0x36f: {  	v34 =	vmov s2  }
0x370: {  	v17 =	vand.u32 $0xFFFFFFFD, v34;
	[tilespmem:v33+s6+$0x0] =	vst.idx.add.f32.msk $0xffff, v18  }
0x371: {  	v15 =	vadd.s32 v10, v15;
	v17 =	vbroadcast v17, $0x0;
	v16 =	vld.idx.msk [tilespmem:v16+s4+$0x0], $0xffff;
	_ =	sdelay $0x4  }
0x372: {  	[tilespmem:v15+s6+$0x0] =	vst.idx.add.f32.msk $0xffff, v16  }
0x373: {  	v15 =	vld.idx.msk [tilespmem:v17+s16+$0x0], $0xffff;
	_ =	sdelay $0x4  }
0x374: {  	v35 =	vshrl.u32 v15, $0x6  }
0x375: {  	v36 =	vand.u32 $0x3FFFFC0, v35  }
0x376: {  	s5 =	sadd.s32 $0x80, s30;
	v16 =	vand.u32 $0x3FFFF80, v35;
	v37 =	vor.u32 v0, v36  }
0x377: {  	v16 =	vadd.s32 s5, v16;
	v18 =	vand.u32 $0x4F, v37  }
0x378: {  	v18 =	vor.u32 v16, v18;
	_ =	sdelay $0x1  }
0x379: {  	v38 =	vshll.u32 v15, $0x3  }
0x37a: {  	v15 =	vand.u32 $0x7F, v15;
	v19 =	vand.u32 $0x7C00, v38  }
0x37b: {  	v15 =	vor.u32 v15, v19;
	v39 =	vor.u32 v11, v36  }
0x37c: {  	v40 =	vadd.s32 v7, v15;
	v19 =	vand.u32 $0x5F, v39;
	v18 =	vld.idx.msk [tilespmem:v18+s4+$0x0], $0xffff  }
0x37d: {  	v19 =	vor.u32 v16, v19;
	_ =	sdelay $0x3  }
0x37e: {  	v41 =	vor.u32 v21, v36;
	[tilespmem:v40+s6+$0x0] =	vst.idx.add.f32.msk $0xffff, v18  }
0x37f: {  	v42 =	vadd.s32 v8, v15;
	v18 =	vand.u32 $0x6F, v41;
	v19 =	vld.idx.msk [tilespmem:v19+s4+$0x0], $0xffff  }
0x380: {  	v18 =	vor.u32 v16, v18;
	_ =	sdelay $0x3  }
0x381: {  	v17 =	vor.u32 v22, v36;
	[tilespmem:v42+s6+$0x0] =	vst.idx.add.f32.msk $0xffff, v19  }
0x382: {  	v43 =	vadd.s32 v9, v15;
	v17 =	vand.u32 $0x7F, v17;
	v18 =	vld.idx.msk [tilespmem:v18+s4+$0x0], $0xffff  }
0x383: {  	v16 =	vor.u32 v16, v17;
	_ =	sdelay $0x1  }
0x384: {  	s31 =	sadd.s32 $0x2, s14  }
0x385: {  	v44 =	vmov s31  }
0x386: {  	v17 =	vand.u32 $0xFFFFFFFE, v44;
	[tilespmem:v43+s6+$0x0] =	vst.idx.add.f32.msk $0xffff, v18  }
0x387: {  	v15 =	vadd.s32 v10, v15;
	v17 =	vbroadcast v17, $0x0;
	v16 =	vld.idx.msk [tilespmem:v16+s4+$0x0], $0xffff;
	_ =	sdelay $0x4  }
0x388: {  	[tilespmem:v15+s6+$0x0] =	vst.idx.add.f32.msk $0xffff, v16  }
0x389: {  	v15 =	vld.idx.msk [tilespmem:v17+s16+$0x0], $0xffff;
	_ =	sdelay $0x4  }
0x38a: {  	v45 =	vshrl.u32 v15, $0x6  }
0x38b: {  	v46 =	vand.u32 $0x3FFFFC0, v45  }
0x38c: {  	s5 =	sadd.s32 $0x100, s30;
	v16 =	vand.u32 $0x3FFFF80, v45;
	v47 =	vor.u32 v0, v46  }
0x38d: {  	v16 =	vadd.s32 s5, v16;
	v18 =	vand.u32 $0x4F, v47  }
0x38e: {  	v18 =	vor.u32 v16, v18;
	_ =	sdelay $0x1  }
0x38f: {  	v48 =	vshll.u32 v15, $0x3  }
0x390: {  	v15 =	vand.u32 $0x7F, v15;
	v19 =	vand.u32 $0x7C00, v48  }
0x391: {  	v15 =	vor.u32 v15, v19;
	v49 =	vor.u32 v11, v46  }
0x392: {  	v50 =	vadd.s32 v7, v15;
	v19 =	vand.u32 $0x5F, v49;
	v18 =	vld.idx.msk [tilespmem:v18+s4+$0x0], $0xffff  }
0x393: {  	v19 =	vor.u32 v16, v19;
	_ =	sdelay $0x3  }
0x394: {  	v51 =	vor.u32 v21, v46;
	[tilespmem:v50+s6+$0x0] =	vst.idx.add.f32.msk $0xffff, v18  }
0x395: {  	v52 =	vadd.s32 v8, v15;
	v18 =	vand.u32 $0x6F, v51;
	v19 =	vld.idx.msk [tilespmem:v19+s4+$0x0], $0xffff  }
0x396: {  	v18 =	vor.u32 v16, v18;
	_ =	sdelay $0x3  }
0x397: {  	v17 =	vor.u32 v22, v46;
	[tilespmem:v52+s6+$0x0] =	vst.idx.add.f32.msk $0xffff, v19  }
0x398: {  	v53 =	vadd.s32 v9, v15;
	v17 =	vand.u32 $0x7F, v17;
	v18 =	vld.idx.msk [tilespmem:v18+s4+$0x0], $0xffff  }
0x399: {  	v16 =	vor.u32 v16, v17;
	_ =	sdelay $0x3  }
0x39a: {  	[tilespmem:v53+s6+$0x0] =	vst.idx.add.f32.msk $0xffff, v18  }
0x39b: {  	s14 =	sadd.s32 $0x3, s14;
	v15 =	vadd.s32 v10, v15;
	v16 =	vld.idx.msk [tilespmem:v16+s4+$0x0], $0xffff  }
0x39c: {  	v54 =	vmov s14;
	_ =	sdelay $0x3  }
0x39d: {  	[tilespmem:v15+s6+$0x0] =	vst.idx.add.f32.msk $0xffff, v16  }
0x39e: {  	v15 =	vld.idx.msk [tilespmem:v54+s16+$0x0], $0xffff;
	_ =	sdelay $0x4  }
0x39f: {  	v55 =	vshrl.u32 v15, $0x6  }
0x3a0: {  	v56 =	vand.u32 $0x3FFFFC0, v55  }
0x3a1: {  	s31 =	sadd.s32 $0x180, s30;
	v16 =	vand.u32 $0x3FFFF80, v55;
	v57 =	vor.u32 v0, v56  }
0x3a2: {  	v16 =	vadd.s32 s31, v16;
	v18 =	vand.u32 $0x4F, v57  }
0x3a3: {  	v18 =	vor.u32 v16, v18;
	_ =	sdelay $0x1  }
0x3a4: {  	v58 =	vshll.u32 v15, $0x3  }
0x3a5: {  	v15 =	vand.u32 $0x7F, v15;
	v19 =	vand.u32 $0x7C00, v58  }
0x3a6: {  	v15 =	vor.u32 v15, v19;
	v59 =	vor.u32 v11, v56  }
0x3a7: {  	v60 =	vadd.s32 v7, v15;
	v19 =	vand.u32 $0x5F, v59;
	v18 =	vld.idx.msk [tilespmem:v18+s4+$0x0], $0xffff  }
0x3a8: {  	v19 =	vor.u32 v16, v19;
	_ =	sdelay $0x3  }
0x3a9: {  	v61 =	vor.u32 v21, v56;
	[tilespmem:v60+s6+$0x0] =	vst.idx.add.f32.msk $0xffff, v18  }
0x3aa: {  	v62 =	vadd.s32 v8, v15;
	v18 =	vand.u32 $0x6F, v61;
	v19 =	vld.idx.msk [tilespmem:v19+s4+$0x0], $0xffff  }
0x3ab: {  	v18 =	vor.u32 v16, v18;
	_ =	sdelay $0x3  }
0x3ac: {  	v17 =	vor.u32 v22, v56;
	[tilespmem:v62+s6+$0x0] =	vst.idx.add.f32.msk $0xffff, v19  }
0x3ad: {  	v63 =	vadd.s32 v9, v15;
	v17 =	vand.u32 $0x7F, v17;
	v18 =	vld.idx.msk [tilespmem:v18+s4+$0x0], $0xffff  }
0x3ae: {  	v16 =	vor.u32 v16, v17;
	_ =	sdelay $0x3  }
0x3af: {  	[tilespmem:v63+s6+$0x0] =	vst.idx.add.f32.msk $0xffff, v18  }
0x3b0: {  	p4 =	slt.u32 s11, $0x1C;
	v15 =	vadd.s32 v10, v15;
	v16 =	vld.idx.msk [tilespmem:v16+s4+$0x0], $0xffff  }
.Ltmp25:
0x3b1: {  	_ = 	snop;
	(pc) =	sbr.rel @p4 .LBB2_40-.Ltmp25, $2  }
0x3b2: {  	_ =	sdelay $0x2  }
0x3b3: {  	s11 =	sadd.s32 $0x4, s11;
	[tilespmem:v15+s6+$0x0] =	vst.idx.add.f32.msk $0xffff, v16  }
.Ltmp26:
0x3b4: {  	(pc) =	sbr.rel .LBB2_38-.Ltmp26, $2  }
0x3b5: {  	_ =	sdelay $0x2  }
0x3b6: {  	s12 =	sadd.s32 $0x1, s12;
	s3 =	sadd.s32 $0x20, s3  }
.LBB2_31:
0x3b7: {  	_ =	swait.ge [sflag:s19], $0x1000  }
0x3b8: {  	[sflag:s19] =	ssyncset.done $0x0  }
0x3b9: {  	s0 =	simm.s32 $0x0;
	s3 =	simm.s32 $0x0;
	[sflag:s19] =	ssyncadd.s32 $0xFFFFF000  }
.LBB2_32:
0x3ba: {  	s2 =	sshll.u32 s3, $0x5  }
0x3bb: {  	vm0 =	vgt.s32 v14, s2  }
0x3bc: {  	v13 =	vsel vm0, $0x3F800000, v6  }
0x3bd: {  	(xrf0) =	vmax.scan.msk.f32 $0xffff, v13;
	_ =	sdelay $0x5  }
0x3be: {  	v13, _, _ =	vpop (xrf0)  }
0x3bf: {  	(v2sf) =	vpush v13, $0xF;
	_ =	sdelay $0xe  }
0x3c0: {  	s4 =	spop (v2sf)  }
0x3c1: {  	p3 =	sgt.f32 s4, $0.0e+00  }
.Ltmp27:
0x3c2: {  	_ = 	snop;
	(pc) =	sbr.rel @!p3 .LBB2_42-.Ltmp27, $1  }
0x3c3: {  	_ =	sdelay $0x3  }
0x3c4: {  	p3 =	slt.s32 s3, $0x1  }
0x3c5: {  	s2 =	sadd.s32 @!p3 $0x1C820, s2;
	s4 =	simm.s32 @!p3 $0x20;
	s5 =	simm.s32 @!p3 $0x1B000  }
0x3c6: {  	[tilespmem:s5], [sflag:$0x4] =	stream.indirect.gather @!p3 [hbm4b:s7+s4], $0x80, s2, s4, $0xb8;
	[tilespmem:$0x1E100] =	vst v63  }
0x3c7: {  	s2 =	simm.s32 @!p3 $0x4  }
0x3c8: {  	_ =	swait.ge @!p3 [sflag:s2], $0x1000  }
0x3c9: {  	[sflag:s2] =	ssyncset.done @!p3 $0x0  }
0x3ca: {  	s4 =	simm.s32 $0x0;
	[sflag:s2] =	ssyncadd.s32 @!p3 $0xFFFFF000  }
.LBB2_34:
0x3cb: {  	s9 =	sadd.s32 s4, s0  }
0x3cc: {  	s2 =	sadd.s32 $0x820, s9  }
0x3cd: {  	v13 =	vmov s2  }
0x3ce: {  	v13 =	vand.u32 $0xFFFFFFFC, v13  }
0x3cf: {  	v13 =	vbroadcast v13, $0x0;
	_ =	sdelay $0x5  }
0x3d0: {  	v13 =	vld.idx.msk [tilespmem:v13+s16+$0x0], $0xffff;
	_ =	sdelay $0x4  }
0x3d1: {  	v15 =	vshrl.u32 v13, $0x6  }
0x3d2: {  	v16 =	vand.u32 $0x3FFFFC0, v15  }
0x3d3: {  	s11 =	sshll.u32 s4, $0x7;
	v15 =	vand.u32 $0x3FFFF80, v15;
	v17 =	vor.u32 v0, v16  }
0x3d4: {  	v15 =	vadd.s32 s11, v15;
	v17 =	vand.u32 $0x4F, v17  }
0x3d5: {  	v17 =	vor.u32 v15, v17;
	_ =	sdelay $0x1  }
0x3d6: {  	v18 =	vshll.u32 v13, $0x3  }
0x3d7: {  	v13 =	vand.u32 $0x7F, v13;
	v18 =	vand.u32 $0x7C00, v18  }
0x3d8: {  	v13 =	vor.u32 v13, v18;
	v33 =	vor.u32 v11, v16  }
0x3d9: {  	v19 =	vadd.s32 v7, v13;
	v18 =	vand.u32 $0x5F, v33;
	v17 =	vld.idx.msk [tilespmem:v17+s20+$0x0], $0xffff  }
0x3da: {  	v18 =	vor.u32 v15, v18;
	_ =	sdelay $0x2  }
0x3db: {  	v20 =	vor.u32 $0x20, v0  }
0x3dc: {  	v34 =	vor.u32 v20, v16;
	[tilespmem:v19+s6+$0x0] =	vst.idx.add.f32.msk $0xffff, v17  }
0x3dd: {  	v35 =	vadd.s32 v8, v13;
	v17 =	vand.u32 $0x6F, v34;
	v18 =	vld.idx.msk [tilespmem:v18+s20+$0x0], $0xffff  }
0x3de: {  	v17 =	vor.u32 v15, v17;
	_ =	sdelay $0x2  }
0x3df: {  	v21 =	vor.u32 $0x30, v0  }
0x3e0: {  	v16 =	vor.u32 v21, v16;
	[tilespmem:v35+s6+$0x0] =	vst.idx.add.f32.msk $0xffff, v18  }
0x3e1: {  	v36 =	vadd.s32 v9, v13;
	v16 =	vand.u32 $0x7F, v16;
	v17 =	vld.idx.msk [tilespmem:v17+s20+$0x0], $0xffff  }
0x3e2: {  	v15 =	vor.u32 v15, v16;
	_ =	sdelay $0x1  }
0x3e3: {  	s31 =	sadd.s32 $0x821, s9  }
0x3e4: {  	v37 =	vmov s31  }
0x3e5: {  	v16 =	vand.u32 $0xFFFFFFFD, v37;
	[tilespmem:v36+s6+$0x0] =	vst.idx.add.f32.msk $0xffff, v17  }
0x3e6: {  	v13 =	vadd.s32 v10, v13;
	v16 =	vbroadcast v16, $0x0;
	v15 =	vld.idx.msk [tilespmem:v15+s20+$0x0], $0xffff;
	_ =	sdelay $0x4  }
0x3e7: {  	[tilespmem:v13+s6+$0x0] =	vst.idx.add.f32.msk $0xffff, v15  }
0x3e8: {  	v13 =	vld.idx.msk [tilespmem:v16+s16+$0x0], $0xffff;
	_ =	sdelay $0x4  }
0x3e9: {  	v15 =	vshrl.u32 v13, $0x6  }
0x3ea: {  	v38 =	vand.u32 $0x3FFFFC0, v15  }
0x3eb: {  	s5 =	sadd.s32 $0x80, s11;
	v15 =	vand.u32 $0x3FFFF80, v15;
	v39 =	vor.u32 v0, v38  }
0x3ec: {  	v15 =	vadd.s32 s5, v15;
	v17 =	vand.u32 $0x4F, v39  }
0x3ed: {  	v17 =	vor.u32 v15, v17;
	_ =	sdelay $0x1  }
0x3ee: {  	v40 =	vshll.u32 v13, $0x3  }
0x3ef: {  	v13 =	vand.u32 $0x7F, v13;
	v18 =	vand.u32 $0x7C00, v40  }
0x3f0: {  	v13 =	vor.u32 v13, v18;
	v41 =	vor.u32 v11, v38  }
0x3f1: {  	v42 =	vadd.s32 v7, v13;
	v18 =	vand.u32 $0x5F, v41;
	v17 =	vld.idx.msk [tilespmem:v17+s20+$0x0], $0xffff  }
0x3f2: {  	v18 =	vor.u32 v15, v18;
	_ =	sdelay $0x3  }
0x3f3: {  	v43 =	vor.u32 v20, v38;
	[tilespmem:v42+s6+$0x0] =	vst.idx.add.f32.msk $0xffff, v17  }
0x3f4: {  	v44 =	vadd.s32 v8, v13;
	v17 =	vand.u32 $0x6F, v43;
	v18 =	vld.idx.msk [tilespmem:v18+s20+$0x0], $0xffff  }
0x3f5: {  	v17 =	vor.u32 v15, v17;
	_ =	sdelay $0x3  }
0x3f6: {  	v16 =	vor.u32 v21, v38;
	[tilespmem:v44+s6+$0x0] =	vst.idx.add.f32.msk $0xffff, v18  }
0x3f7: {  	v45 =	vadd.s32 v9, v13;
	v16 =	vand.u32 $0x7F, v16;
	v17 =	vld.idx.msk [tilespmem:v17+s20+$0x0], $0xffff  }
0x3f8: {  	v15 =	vor.u32 v15, v16;
	_ =	sdelay $0x1  }
0x3f9: {  	s12 =	sadd.s32 $0x822, s9  }
0x3fa: {  	v46 =	vmov s12  }
0x3fb: {  	v16 =	vand.u32 $0xFFFFFFFE, v46;
	[tilespmem:v45+s6+$0x0] =	vst.idx.add.f32.msk $0xffff, v17  }
0x3fc: {  	v13 =	vadd.s32 v10, v13;
	v16 =	vbroadcast v16, $0x0;
	v15 =	vld.idx.msk [tilespmem:v15+s20+$0x0], $0xffff;
	_ =	sdelay $0x4  }
0x3fd: {  	[tilespmem:v13+s6+$0x0] =	vst.idx.add.f32.msk $0xffff, v15  }
0x3fe: {  	v13 =	vld.idx.msk [tilespmem:v16+s16+$0x0], $0xffff;
	_ =	sdelay $0x4  }
0x3ff: {  	v15 =	vshrl.u32 v13, $0x6  }
0x400: {  	v47 =	vand.u32 $0x3FFFFC0, v15  }
0x401: {  	s14 =	sadd.s32 $0x100, s11;
	v15 =	vand.u32 $0x3FFFF80, v15;
	v48 =	vor.u32 v0, v47  }
0x402: {  	v15 =	vadd.s32 s14, v15;
	v17 =	vand.u32 $0x4F, v48  }
0x403: {  	v17 =	vor.u32 v15, v17;
	_ =	sdelay $0x1  }
0x404: {  	v49 =	vshll.u32 v13, $0x3  }
0x405: {  	v13 =	vand.u32 $0x7F, v13;
	v18 =	vand.u32 $0x7C00, v49  }
0x406: {  	v13 =	vor.u32 v13, v18;
	v50 =	vor.u32 v11, v47  }
0x407: {  	v51 =	vadd.s32 v7, v13;
	v18 =	vand.u32 $0x5F, v50;
	v17 =	vld.idx.msk [tilespmem:v17+s20+$0x0], $0xffff  }
0x408: {  	v18 =	vor.u32 v15, v18;
	_ =	sdelay $0x3  }
0x409: {  	v52 =	vor.u32 v20, v47;
	[tilespmem:v51+s6+$0x0] =	vst.idx.add.f32.msk $0xffff, v17  }
0x40a: {  	v53 =	vadd.s32 v8, v13;
	v17 =	vand.u32 $0x6F, v52;
	v18 =	vld.idx.msk [tilespmem:v18+s20+$0x0], $0xffff  }
0x40b: {  	v17 =	vor.u32 v15, v17;
	_ =	sdelay $0x3  }
0x40c: {  	v16 =	vor.u32 v21, v47;
	[tilespmem:v53+s6+$0x0] =	vst.idx.add.f32.msk $0xffff, v18  }
0x40d: {  	v54 =	vadd.s32 v9, v13;
	v16 =	vand.u32 $0x7F, v16;
	v17 =	vld.idx.msk [tilespmem:v17+s20+$0x0], $0xffff  }
0x40e: {  	v15 =	vor.u32 v15, v16;
	_ =	sdelay $0x3  }
0x40f: {  	[tilespmem:v54+s6+$0x0] =	vst.idx.add.f32.msk $0xffff, v17  }
0x410: {  	s30 =	sadd.s32 $0x823, s9;
	v13 =	vadd.s32 v10, v13;
	v15 =	vld.idx.msk [tilespmem:v15+s20+$0x0], $0xffff  }
0x411: {  	v55 =	vmov s30;
	_ =	sdelay $0x3  }
0x412: {  	[tilespmem:v13+s6+$0x0] =	vst.idx.add.f32.msk $0xffff, v15  }
0x413: {  	v13 =	vld.idx.msk [tilespmem:v55+s16+$0x0], $0xffff;
	_ =	sdelay $0x4  }
0x414: {  	v15 =	vshrl.u32 v13, $0x6  }
0x415: {  	v56 =	vand.u32 $0x3FFFFC0, v15  }
0x416: {  	s31 =	sadd.s32 $0x180, s11;
	v15 =	vand.u32 $0x3FFFF80, v15;
	v57 =	vor.u32 v0, v56  }
0x417: {  	v15 =	vadd.s32 s31, v15;
	v17 =	vand.u32 $0x4F, v57  }
0x418: {  	v17 =	vor.u32 v15, v17;
	_ =	sdelay $0x1  }
0x419: {  	v58 =	vshll.u32 v13, $0x3  }
0x41a: {  	v13 =	vand.u32 $0x7F, v13;
	v18 =	vand.u32 $0x7C00, v58  }
0x41b: {  	v13 =	vor.u32 v13, v18;
	v59 =	vor.u32 v11, v56  }
0x41c: {  	v60 =	vadd.s32 v7, v13;
	v18 =	vand.u32 $0x5F, v59;
	v17 =	vld.idx.msk [tilespmem:v17+s20+$0x0], $0xffff  }
0x41d: {  	v18 =	vor.u32 v15, v18;
	_ =	sdelay $0x3  }
0x41e: {  	v61 =	vor.u32 v20, v56;
	[tilespmem:v60+s6+$0x0] =	vst.idx.add.f32.msk $0xffff, v17  }
0x41f: {  	v62 =	vadd.s32 v8, v13;
	v17 =	vand.u32 $0x6F, v61;
	v18 =	vld.idx.msk [tilespmem:v18+s20+$0x0], $0xffff  }
0x420: {  	v17 =	vor.u32 v15, v17;
	_ =	sdelay $0x3  }
0x421: {  	v16 =	vor.u32 v21, v56;
	[tilespmem:v62+s6+$0x0] =	vst.idx.add.f32.msk $0xffff, v18  }
0x422: {  	v63 =	vadd.s32 v9, v13;
	v16 =	vand.u32 $0x7F, v16;
	v17 =	vld.idx.msk [tilespmem:v17+s20+$0x0], $0xffff  }
0x423: {  	v15 =	vor.u32 v15, v16;
	_ =	sdelay $0x3  }
0x424: {  	[tilespmem:v63+s6+$0x0] =	vst.idx.add.f32.msk $0xffff, v17  }
0x425: {  	p3 =	slt.u32 s4, $0x1C;
	v13 =	vadd.s32 v10, v13;
	v15 =	vld.idx.msk [tilespmem:v15+s20+$0x0], $0xffff  }
.Ltmp28:
0x426: {  	_ = 	snop;
	(pc) =	sbr.rel @p3 .LBB2_34-.Ltmp28, $2  }
0x427: {  	_ =	sdelay $0x2  }
0x428: {  	s4 =	sadd.s32 $0x4, s4;
	[tilespmem:v13+s6+$0x0] =	vst.idx.add.f32.msk $0xffff, v15  }
.Ltmp29:
0x429: {  	(pc) =	sbr.rel .LBB2_32-.Ltmp29, $2  }
0x42a: {  	_ =	sdelay $0x2  }
0x42b: {  	s3 =	sadd.s32 $0x1, s3;
	s0 =	sadd.s32 $0x20, s0  }
.LBB2_42:
0x42c: {  	s2 =	rddreg [dreg:$0x5]  }
0x42d: {  	[hbm4b:s2+s6] =	stream.linear.scatter [tilespmem:s6], [sflag:$0x4], $0x2800, $0x38;
	[tilespmem:$0x1E100] =	vst v63  }
0x42e: {  	s0 =	sadd.s32 $0x18700, s2  }
0x42f: {  	[hbm4b:s0+s6] =	stream.linear.scatter [tilespmem:s21], [sflag:$0x4], $0x2800, $0x38;
	[tilespmem:$0x1E100] =	vst v63  }
0x430: {  	s5 =	sadd.s32 $0x30E00, s2  }
0x431: {  	[hbm4b:s5+s6] =	stream.linear.scatter [tilespmem:s22], [sflag:$0x4], $0x2800, $0x38;
	[tilespmem:$0x1E100] =	vst v63  }
0x432: {  	s9 =	sadd.s32 $0x49500, s2  }
0x433: {  	[hbm4b:s9+s6] =	stream.linear.scatter [tilespmem:s23], [sflag:$0x4], $0x2800, $0x38;
	[tilespmem:$0x1E100] =	vst v63  }
0x434: {  	s11 =	sadd.s32 $0x61C00, s2  }
0x435: {  	[hbm4b:s11+s6] =	stream.linear.scatter [tilespmem:s24], [sflag:$0x4], $0x2800, $0x38;
	[tilespmem:$0x1E100] =	vst v63  }
0x436: {  	s12 =	sadd.s32 $0x7A300, s2  }
0x437: {  	[hbm4b:s12+s6] =	stream.linear.scatter [tilespmem:s25], [sflag:$0x4], $0x2800, $0x38;
	[tilespmem:$0x1E100] =	vst v63  }
0x438: {  	s14 =	sadd.s32 $0x92A00, s2  }
0x439: {  	[hbm4b:s14+s6] =	stream.linear.scatter [tilespmem:s26], [sflag:$0x4], $0x2800, $0x38;
	[tilespmem:$0x1E100] =	vst v63  }
0x43a: {  	s31 =	simm.s32 $0x4;
	s30 =	sadd.s32 $0xAB100, s2  }
0x43b: {  	[hbm4b:s30+s6] =	stream.linear.scatter [tilespmem:s28], [sflag:$0x4], $0x2800, $0x38;
	[tilespmem:$0x1E100] =	vst v63  }
0x43c: {  	_ =	swait.ge [sflag:s31], $0x14000  }
0x43d: {  	[sflag:s31] =	ssyncset.done $0x0  }
0x43e: {  	[sflag:s31] =	ssyncadd.s32 $0xFFFEC000  }
.LBB2_43:
.Ltmp30:
0x43f: {  	(pc) =	sbr.rel @p2 .LBB2_63-.Ltmp30, $2  }
0x440: {  	_ =	sdelay $0x2  }
0x441: {  	s2 =	rddreg [dreg:$0x8]  }
.Ltmp31:
0x442: {  	(pc) =	sbr.rel .LBB2_45-.Ltmp31, $2  }
0x443: {  	_ =	sdelay $0x2  }
0x444: {  	s0 =	simm.s32 $0x0;
	v14 =	vimm.s32 $0x0;
	p3 =	por $0x1, $0x1  }
.LBB2_49:
0x445: {  	_ =	swait.ge [sflag:s29], $0x14000  }
0x446: {  	[sflag:s29] =	ssyncset.done $0x0  }
0x447: {  	[sflag:s29] =	ssyncadd.s32 $0xFFFEC000  }
0x448: {  	[tilespmem:s6], [sflag:$0x1] =	stream.linear.gather [hbm4b:s10+s6], $0x400, $0x38;
	[tilespmem:$0x1E100] =	vst v63  }
0x449: {  	s2 =	sadd.s32 $0x18700, s10  }
0x44a: {  	[tilespmem:s21], [sflag:$0x1] =	stream.linear.gather [hbm4b:s2+s6], $0x400, $0x38;
	[tilespmem:$0x1E100] =	vst v63  }
0x44b: {  	s9 =	sadd.s32 $0x30E00, s10  }
0x44c: {  	[tilespmem:s22], [sflag:$0x1] =	stream.linear.gather [hbm4b:s9+s6], $0x400, $0x38;
	[tilespmem:$0x1E100] =	vst v63  }
0x44d: {  	s11 =	sadd.s32 $0x49500, s10  }
0x44e: {  	[tilespmem:s23], [sflag:$0x1] =	stream.linear.gather [hbm4b:s11+s6], $0x400, $0x38;
	[tilespmem:$0x1E100] =	vst v63  }
0x44f: {  	s12 =	sadd.s32 $0x61C00, s10  }
0x450: {  	[tilespmem:s24], [sflag:$0x1] =	stream.linear.gather [hbm4b:s12+s6], $0x400, $0x38;
	[tilespmem:$0x1E100] =	vst v63  }
0x451: {  	s14 =	sadd.s32 $0x7A300, s10  }
0x452: {  	[tilespmem:s25], [sflag:$0x1] =	stream.linear.gather [hbm4b:s14+s6], $0x400, $0x38;
	[tilespmem:$0x1E100] =	vst v63  }
0x453: {  	s30 =	sadd.s32 $0x92A00, s10  }
0x454: {  	[tilespmem:s26], [sflag:$0x1] =	stream.linear.gather [hbm4b:s30+s6], $0x400, $0x38;
	[tilespmem:$0x1E100] =	vst v63  }
0x455: {  	s31 =	sadd.s32 $0xAB100, s10  }
0x456: {  	[tilespmem:s28], [sflag:$0x1] =	stream.linear.gather [hbm4b:s31+s6], $0x400, $0x38;
	[tilespmem:$0x1E100] =	vst v63  }
.LBB2_50:
0x457: {  	s0 =	sadd.s32 $0x1, s0  }
0x458: {  	p4 =	sne.s32 s0, $0x8  }
.Ltmp32:
0x459: {  	_ = 	snop;
	(pc) =	sbr.rel @!p4 .LBB2_51-.Ltmp32, $2  }
0x45a: {  	_ =	sdelay $0x2  }
0x45b: {  	p3 =	por !p3, !p3  }
.LBB2_45:
0x45c: {  	s3 =	sand.u32 $0x1, s0  }
0x45d: {  	s12 =	smul.u32 $0x820, s3  }
0x45e: {  	s2 =	simm.s32 $0x1  }
0x45f: {  	s2 =	simm.s32 @!p3 $0x0;
	s4 =	sadd.s32 $0xFFFFFFFF, s12  }
0x460: {  	s5 =	sshll.u32 s0, $0xB;
	v15 =	vmov s4;
	s4 =	smul.u32 $0x820, s2  }
0x461: {  	v13 =	vmov v14;
	s14 =	simm.s32 $0xFFFFFFF0;
	v14 =	vor.u32 s5, v0;
	v17 =	vmov v15  }
.LBB2_46:
0x462: {  	_ =	sdelay $0x3  }
0x463: {  	v18 =	vld.idx.msk [tilespmem:v14+s13+$0x0], $0xffff;
	_ =	sdelay $0x4  }
0x464: {  	v16 =	vand.u32 $0xFFFFFF80, v18  }
0x465: {  	vm0 =	veq.s32 v16, $0x18600  }
0x466: {  	v16 =	vsel vm0, $0x1, v4  }
0x467: {  	(xrf0) =	vadd.scan.msk.s32 $0xffff, v16;
	_ =	sdelay $0x5  }
0x468: {  	v16, _, _ =	vpop (xrf0)  }
0x469: {  	v19 =	vadd.s32 v17, v16;
	_ =	sdelay $0x1  }
0x46a: {  	v20 =	vadd.s32 $0x10, v14  }
0x46b: {  	v16 =	vadd.s32 $0xFFFE7A00, v5  }
0x46c: {  	v18 =	vadd.s32 v16, v18  }
0x46d: {  	[tilespmem:v19+s16+$0x0] =	vst.idx.msk vm0, v18;
	v18 =	vshrl.u32 v14, $0x1  }
0x46e: {  	[tilespmem:v19+s17+$0x0] =	vst.idx.msk vm0, v18  }
0x46f: {  	v18 =	vld.idx.msk [tilespmem:v20+s13+$0x0], $0xffff;
	_ =	sdelay $0x4  }
0x470: {  	v19 =	vand.u32 $0xFFFFFF80, v18  }
0x471: {  	vm1 =	veq.s32 v19, $0x18600  }
0x472: {  	v19 =	vsel vm1, $0x1, v4  }
0x473: {  	(xrf0) =	vadd.scan.msk.s32 $0xffff, v19;
	_ =	sdelay $0x1  }
0x474: {  	v19 =	vmpcnt.ones.xlane vm0;
	_ =	sdelay $0x3  }
0x475: {  	v17 =	vadd.s32 v17, v19;
	v19, _, _ =	vpop (xrf0)  }
0x476: {  	v19 =	vadd.s32 v17, v19;
	_ =	sdelay $0x1  }
0x477: {  	v21 =	vadd.s32 $0x20, v14;
	_ =	sdelay $0x1  }
0x478: {  	v18 =	vadd.s32 v16, v18  }
0x479: {  	[tilespmem:v19+s16+$0x0] =	vst.idx.msk vm1, v18;
	v18 =	vshrl.u32 v20, $0x1  }
0x47a: {  	[tilespmem:v19+s17+$0x0] =	vst.idx.msk vm1, v18  }
0x47b: {  	v18 =	vld.idx.msk [tilespmem:v21+s13+$0x0], $0xffff;
	_ =	sdelay $0x4  }
0x47c: {  	v19 =	vand.u32 $0xFFFFFF80, v18  }
0x47d: {  	vm14 =	veq.s32 v19, $0x18600  }
0x47e: {  	v19 =	vsel vm14, $0x1, v4  }
0x47f: {  	(xrf0) =	vadd.scan.msk.s32 $0xffff, v19;
	_ =	sdelay $0x1  }
0x480: {  	v19 =	vmpcnt.ones.xlane vm1;
	_ =	sdelay $0x3  }
0x481: {  	v17 =	vadd.s32 v17, v19;
	v19, _, _ =	vpop (xrf0)  }
0x482: {  	v19 =	vadd.s32 v17, v19;
	_ =	sdelay $0x1  }
0x483: {  	v51 =	vadd.s32 $0x30, v14;
	_ =	sdelay $0x1  }
0x484: {  	v18 =	vadd.s32 v16, v18  }
0x485: {  	[tilespmem:v19+s16+$0x0] =	vst.idx.msk vm14, v18;
	v18 =	vshrl.u32 v21, $0x1  }
0x486: {  	[tilespmem:v19+s17+$0x0] =	vst.idx.msk vm14, v18  }
0x487: {  	v18 =	vld.idx.msk [tilespmem:v51+s13+$0x0], $0xffff;
	_ =	sdelay $0x4  }
0x488: {  	v19 =	vand.u32 $0xFFFFFF80, v18  }
0x489: {  	vm15 =	veq.s32 v19, $0x18600  }
0x48a: {  	v19 =	vsel vm15, $0x1, v4  }
0x48b: {  	(xrf0) =	vadd.scan.msk.s32 $0xffff, v19;
	_ =	sdelay $0x1  }
0x48c: {  	v19 =	vmpcnt.ones.xlane vm14;
	_ =	sdelay $0x3  }
0x48d: {  	v17 =	vadd.s32 v17, v19;
	v19, _, _ =	vpop (xrf0)  }
0x48e: {  	v19 =	vadd.s32 v17, v19;
	_ =	sdelay $0x1  }
0x48f: {  	v52 =	vadd.s32 $0x40, v14;
	_ =	sdelay $0x1  }
0x490: {  	v18 =	vadd.s32 v16, v18  }
0x491: {  	[tilespmem:v19+s16+$0x0] =	vst.idx.msk vm15, v18;
	v18 =	vshrl.u32 v51, $0x1  }
0x492: {  	[tilespmem:v19+s17+$0x0] =	vst.idx.msk vm15, v18  }
0x493: {  	v18 =	vld.idx.msk [tilespmem:v52+s13+$0x0], $0xffff;
	_ =	sdelay $0x4  }
0x494: {  	v19 =	vand.u32 $0xFFFFFF80, v18  }
0x495: {  	vm4 =	veq.s32 v19, $0x18600  }
0x496: {  	v19 =	vsel vm4, $0x1, v4  }
0x497: {  	(xrf0) =	vadd.scan.msk.s32 $0xffff, v19;
	_ =	sdelay $0x1  }
0x498: {  	v19 =	vmpcnt.ones.xlane vm15;
	_ =	sdelay $0x3  }
0x499: {  	v17 =	vadd.s32 v17, v19;
	v19, _, _ =	vpop (xrf0)  }
0x49a: {  	v19 =	vadd.s32 v17, v19;
	_ =	sdelay $0x1  }
0x49b: {  	v53 =	vadd.s32 $0x50, v14;
	_ =	sdelay $0x1  }
0x49c: {  	v18 =	vadd.s32 v16, v18  }
0x49d: {  	[tilespmem:v19+s16+$0x0] =	vst.idx.msk vm4, v18;
	v18 =	vshrl.u32 v52, $0x1  }
0x49e: {  	[tilespmem:v19+s17+$0x0] =	vst.idx.msk vm4, v18  }
0x49f: {  	v18 =	vld.idx.msk [tilespmem:v53+s13+$0x0], $0xffff;
	_ =	sdelay $0x4  }
0x4a0: {  	v19 =	vand.u32 $0xFFFFFF80, v18  }
0x4a1: {  	vm5 =	veq.s32 v19, $0x18600  }
0x4a2: {  	v19 =	vsel vm5, $0x1, v4  }
0x4a3: {  	(xrf0) =	vadd.scan.msk.s32 $0xffff, v19;
	_ =	sdelay $0x1  }
0x4a4: {  	v19 =	vmpcnt.ones.xlane vm4;
	_ =	sdelay $0x3  }
0x4a5: {  	v17 =	vadd.s32 v17, v19;
	v19, _, _ =	vpop (xrf0)  }
0x4a6: {  	v19 =	vadd.s32 v17, v19;
	_ =	sdelay $0x1  }
0x4a7: {  	v54 =	vadd.s32 $0x60, v14;
	_ =	sdelay $0x1  }
0x4a8: {  	v18 =	vadd.s32 v16, v18  }
0x4a9: {  	[tilespmem:v19+s16+$0x0] =	vst.idx.msk vm5, v18;
	v18 =	vshrl.u32 v53, $0x1  }
0x4aa: {  	[tilespmem:v19+s17+$0x0] =	vst.idx.msk vm5, v18  }
0x4ab: {  	v18 =	vld.idx.msk [tilespmem:v54+s13+$0x0], $0xffff;
	_ =	sdelay $0x4  }
0x4ac: {  	v19 =	vand.u32 $0xFFFFFF80, v18  }
0x4ad: {  	vm6 =	veq.s32 v19, $0x18600  }
0x4ae: {  	v19 =	vsel vm6, $0x1, v4  }
0x4af: {  	(xrf0) =	vadd.scan.msk.s32 $0xffff, v19;
	_ =	sdelay $0x1  }
0x4b0: {  	v19 =	vmpcnt.ones.xlane vm5;
	_ =	sdelay $0x3  }
0x4b1: {  	v17 =	vadd.s32 v17, v19;
	v19, _, _ =	vpop (xrf0)  }
0x4b2: {  	v19 =	vadd.s32 v17, v19;
	_ =	sdelay $0x1  }
0x4b3: {  	v55 =	vadd.s32 $0x70, v14;
	_ =	sdelay $0x1  }
0x4b4: {  	v18 =	vadd.s32 v16, v18  }
0x4b5: {  	[tilespmem:v19+s16+$0x0] =	vst.idx.msk vm6, v18;
	v18 =	vshrl.u32 v54, $0x1  }
0x4b6: {  	[tilespmem:v19+s17+$0x0] =	vst.idx.msk vm6, v18  }
0x4b7: {  	v18 =	vld.idx.msk [tilespmem:v55+s13+$0x0], $0xffff;
	_ =	sdelay $0x4  }
0x4b8: {  	v19 =	vand.u32 $0xFFFFFF80, v18  }
0x4b9: {  	vm7 =	veq.s32 v19, $0x18600  }
0x4ba: {  	v19 =	vsel vm7, $0x1, v4  }
0x4bb: {  	(xrf0) =	vadd.scan.msk.s32 $0xffff, v19;
	_ =	sdelay $0x1  }
0x4bc: {  	v19 =	vmpcnt.ones.xlane vm6;
	_ =	sdelay $0x3  }
0x4bd: {  	v17 =	vadd.s32 v17, v19;
	v19, _, _ =	vpop (xrf0)  }
0x4be: {  	v19 =	vadd.s32 v17, v19;
	_ =	sdelay $0x1  }
0x4bf: {  	v56 =	vadd.s32 $0x80, v14;
	_ =	sdelay $0x1  }
0x4c0: {  	v18 =	vadd.s32 v16, v18  }
0x4c1: {  	[tilespmem:v19+s16+$0x0] =	vst.idx.msk vm7, v18;
	v18 =	vshrl.u32 v55, $0x1  }
0x4c2: {  	[tilespmem:v19+s17+$0x0] =	vst.idx.msk vm7, v18  }
0x4c3: {  	v18 =	vld.idx.msk [tilespmem:v56+s13+$0x0], $0xffff;
	_ =	sdelay $0x4  }
0x4c4: {  	v19 =	vand.u32 $0xFFFFFF80, v18  }
0x4c5: {  	vm8 =	veq.s32 v19, $0x18600  }
0x4c6: {  	v19 =	vsel vm8, $0x1, v4  }
0x4c7: {  	(xrf0) =	vadd.scan.msk.s32 $0xffff, v19;
	_ =	sdelay $0x1  }
0x4c8: {  	v19 =	vmpcnt.ones.xlane vm7;
	_ =	sdelay $0x3  }
0x4c9: {  	v17 =	vadd.s32 v17, v19;
	v19, _, _ =	vpop (xrf0)  }
0x4ca: {  	v19 =	vadd.s32 v17, v19;
	_ =	sdelay $0x1  }
0x4cb: {  	v57 =	vadd.s32 $0x90, v14;
	_ =	sdelay $0x1  }
0x4cc: {  	v18 =	vadd.s32 v16, v18  }
0x4cd: {  	[tilespmem:v19+s16+$0x0] =	vst.idx.msk vm8, v18;
	v18 =	vshrl.u32 v56, $0x1  }
0x4ce: {  	[tilespmem:v19+s17+$0x0] =	vst.idx.msk vm8, v18  }
0x4cf: {  	v18 =	vld.idx.msk [tilespmem:v57+s13+$0x0], $0xffff;
	_ =	sdelay $0x4  }
0x4d0: {  	v19 =	vand.u32 $0xFFFFFF80, v18  }
0x4d1: {  	vm9 =	veq.s32 v19, $0x18600  }
0x4d2: {  	v19 =	vsel vm9, $0x1, v4  }
0x4d3: {  	(xrf0) =	vadd.scan.msk.s32 $0xffff, v19;
	_ =	sdelay $0x1  }
0x4d4: {  	v19 =	vmpcnt.ones.xlane vm8;
	_ =	sdelay $0x3  }
0x4d5: {  	v17 =	vadd.s32 v17, v19;
	v19, _, _ =	vpop (xrf0)  }
0x4d6: {  	v19 =	vadd.s32 v17, v19;
	_ =	sdelay $0x1  }
0x4d7: {  	v58 =	vadd.s32 $0xA0, v14;
	_ =	sdelay $0x1  }
0x4d8: {  	v18 =	vadd.s32 v16, v18  }
0x4d9: {  	[tilespmem:v19+s16+$0x0] =	vst.idx.msk vm9, v18;
	v18 =	vshrl.u32 v57, $0x1  }
0x4da: {  	[tilespmem:v19+s17+$0x0] =	vst.idx.msk vm9, v18  }
0x4db: {  	v18 =	vld.idx.msk [tilespmem:v58+s13+$0x0], $0xffff;
	_ =	sdelay $0x4  }
0x4dc: {  	v19 =	vand.u32 $0xFFFFFF80, v18  }
0x4dd: {  	vm10 =	veq.s32 v19, $0x18600  }
0x4de: {  	v19 =	vsel vm10, $0x1, v4  }
0x4df: {  	(xrf0) =	vadd.scan.msk.s32 $0xffff, v19;
	_ =	sdelay $0x1  }
0x4e0: {  	v19 =	vmpcnt.ones.xlane vm9;
	_ =	sdelay $0x3  }
0x4e1: {  	v17 =	vadd.s32 v17, v19;
	v19, _, _ =	vpop (xrf0)  }
0x4e2: {  	v19 =	vadd.s32 v17, v19;
	_ =	sdelay $0x1  }
0x4e3: {  	v59 =	vadd.s32 $0xB0, v14;
	_ =	sdelay $0x1  }
0x4e4: {  	v18 =	vadd.s32 v16, v18  }
0x4e5: {  	[tilespmem:v19+s16+$0x0] =	vst.idx.msk vm10, v18;
	v18 =	vshrl.u32 v58, $0x1  }
0x4e6: {  	[tilespmem:v19+s17+$0x0] =	vst.idx.msk vm10, v18  }
0x4e7: {  	v18 =	vld.idx.msk [tilespmem:v59+s13+$0x0], $0xffff;
	_ =	sdelay $0x4  }
0x4e8: {  	v19 =	vand.u32 $0xFFFFFF80, v18  }
0x4e9: {  	vm11 =	veq.s32 v19, $0x18600  }
0x4ea: {  	v19 =	vsel vm11, $0x1, v4  }
0x4eb: {  	(xrf0) =	vadd.scan.msk.s32 $0xffff, v19;
	_ =	sdelay $0x1  }
0x4ec: {  	v19 =	vmpcnt.ones.xlane vm10;
	_ =	sdelay $0x3  }
0x4ed: {  	v17 =	vadd.s32 v17, v19;
	v19, _, _ =	vpop (xrf0)  }
0x4ee: {  	v19 =	vadd.s32 v17, v19;
	_ =	sdelay $0x1  }
0x4ef: {  	v60 =	vadd.s32 $0xC0, v14;
	_ =	sdelay $0x1  }
0x4f0: {  	v18 =	vadd.s32 v16, v18  }
0x4f1: {  	[tilespmem:v19+s16+$0x0] =	vst.idx.msk vm11, v18;
	v18 =	vshrl.u32 v59, $0x1  }
0x4f2: {  	[tilespmem:v19+s17+$0x0] =	vst.idx.msk vm11, v18  }
0x4f3: {  	v18 =	vld.idx.msk [tilespmem:v60+s13+$0x0], $0xffff;
	_ =	sdelay $0x4  }
0x4f4: {  	v19 =	vand.u32 $0xFFFFFF80, v18  }
0x4f5: {  	vm12 =	veq.s32 v19, $0x18600  }
0x4f6: {  	v19 =	vsel vm12, $0x1, v4  }
0x4f7: {  	(xrf0) =	vadd.scan.msk.s32 $0xffff, v19;
	_ =	sdelay $0x1  }
0x4f8: {  	v19 =	vmpcnt.ones.xlane vm11;
	_ =	sdelay $0x3  }
0x4f9: {  	v17 =	vadd.s32 v17, v19;
	v19, _, _ =	vpop (xrf0)  }
0x4fa: {  	v19 =	vadd.s32 v17, v19;
	_ =	sdelay $0x1  }
0x4fb: {  	v61 =	vadd.s32 $0xD0, v14;
	_ =	sdelay $0x1  }
0x4fc: {  	v18 =	vadd.s32 v16, v18  }
0x4fd: {  	[tilespmem:v19+s16+$0x0] =	vst.idx.msk vm12, v18;
	v18 =	vshrl.u32 v60, $0x1  }
0x4fe: {  	[tilespmem:v19+s17+$0x0] =	vst.idx.msk vm12, v18  }
0x4ff: {  	v18 =	vld.idx.msk [tilespmem:v61+s13+$0x0], $0xffff;
	_ =	sdelay $0x4  }
0x500: {  	v19 =	vand.u32 $0xFFFFFF80, v18  }
0x501: {  	vm13 =	veq.s32 v19, $0x18600  }
0x502: {  	v19 =	vsel vm13, $0x1, v4  }
0x503: {  	(xrf0) =	vadd.scan.msk.s32 $0xffff, v19;
	_ =	sdelay $0x1  }
0x504: {  	v19 =	vmpcnt.ones.xlane vm12;
	_ =	sdelay $0x3  }
0x505: {  	v17 =	vadd.s32 v17, v19;
	v19, _, _ =	vpop (xrf0)  }
0x506: {  	v19 =	vadd.s32 v17, v19;
	_ =	sdelay $0x1  }
0x507: {  	v62 =	vadd.s32 $0xE0, v14;
	_ =	sdelay $0x1  }
0x508: {  	v18 =	vadd.s32 v16, v18  }
0x509: {  	[tilespmem:v19+s16+$0x0] =	vst.idx.msk vm13, v18;
	v18 =	vshrl.u32 v61, $0x1  }
0x50a: {  	[tilespmem:v19+s17+$0x0] =	vst.idx.msk vm13, v18  }
0x50b: {  	v18 =	vld.idx.msk [tilespmem:v62+s13+$0x0], $0xffff;
	_ =	sdelay $0x4  }
0x50c: {  	v19 =	vand.u32 $0xFFFFFF80, v18  }
0x50d: {  	vm14 =	veq.s32 v19, $0x18600  }
0x50e: {  	v19 =	vsel vm14, $0x1, v4  }
0x50f: {  	(xrf0) =	vadd.scan.msk.s32 $0xffff, v19;
	_ =	sdelay $0x1  }
0x510: {  	v19 =	vmpcnt.ones.xlane vm13;
	_ =	sdelay $0x3  }
0x511: {  	v17 =	vadd.s32 v17, v19;
	v19, _, _ =	vpop (xrf0)  }
0x512: {  	v19 =	vadd.s32 v17, v19;
	_ =	sdelay $0x1  }
0x513: {  	v63 =	vadd.s32 $0xF0, v14;
	_ =	sdelay $0x1  }
0x514: {  	v18 =	vadd.s32 v16, v18  }
0x515: {  	[tilespmem:v19+s16+$0x0] =	vst.idx.msk vm14, v18;
	v18 =	vshrl.u32 v62, $0x1  }
0x516: {  	[tilespmem:v19+s17+$0x0] =	vst.idx.msk vm14, v18  }
0x517: {  	v18 =	vld.idx.msk [tilespmem:v63+s13+$0x0], $0xffff;
	_ =	sdelay $0x4  }
0x518: {  	v19 =	vand.u32 $0xFFFFFF80, v18  }
0x519: {  	vm15 =	veq.s32 v19, $0x18600  }
0x51a: {  	v19 =	vsel vm15, $0x1, v4  }
0x51b: {  	(xrf0) =	vadd.scan.msk.s32 $0xffff, v19;
	_ =	sdelay $0x1  }
0x51c: {  	v19 =	vmpcnt.ones.xlane vm14;
	_ =	sdelay $0x3  }
0x51d: {  	v17 =	vadd.s32 v17, v19;
	v19, _, _ =	vpop (xrf0)  }
0x51e: {  	s14 =	sadd.s32 $0x10, s14;
	v19 =	vadd.s32 v17, v19  }
0x51f: {  	p4 =	slt.u32 s14, $0x70  }
.Ltmp33:
0x520: {  	_ = 	snop;
	(pc) =	sbr.rel @p4 .LBB2_46-.Ltmp33, $4  }
0x521: {  	_ = 	snop  }
0x522: {  	v16 =	vadd.s32 v16, v18;
	v18 =	vmpcnt.ones.xlane vm15  }
0x523: {  	[tilespmem:v19+s16+$0x0] =	vst.idx.msk vm15, v16;
	v16 =	vshrl.u32 v63, $0x1  }
0x524: {  	v14 =	vadd.s32 $0x100, v14;
	v17 =	vadd.s32 v17, v18;
	[tilespmem:v19+s17+$0x0] =	vst.idx.msk vm15, v16  }
0x525: {  	v14 =	vsub.s32 v17, v15  }
0x526: {  	v15 =	vadd.s32 s12, v14  }
0x527: {  	v16 =	vadd.s32 v0, v15;
	_ =	sdelay $0x1  }
0x528: {  	v15 =	vadd.s32 v11, v15;
	_ =	sdelay $0x1  }
0x529: {  	p4 =	seq.s32 s0, $0x1  }
.Ltmp34:
0x52a: {  	v62 =	vor.u32 $0xE00, v0;
	[tilespmem:v16+s16+$0x0] =	vst.idx.msk $0xffff, v12;
	(pc) =	sbr.rel @p4 .LBB2_56-.Ltmp34, $4  }
0x52b: {  	[tilespmem:v16+s17+$0x0] =	vst.idx.msk $0xffff, v62  }
0x52c: {  	v63 =	vor.u32 $0xE10, v0;
	s2 =	sshll.u32 s3, $0xC;
	[tilespmem:v15+s16+$0x0] =	vst.idx.msk $0xffff, v12  }
0x52d: {  	s5 =	sor.u32 $0x1C000, s12;
	s2 =	sor.u32 $0x1A000, s2;
	[tilespmem:v15+s17+$0x0] =	vst.idx.msk $0xffff, v63  }
0x52e: {  	[tilespmem:s2], [sflag:$0x2] =	stream.indirect.gather [hbm4b:s7+s18], $0x80, s5, s18, $0xb8;
	[tilespmem:$0x1E100] =	vst v63  }
0x52f: {  	p4 =	sne.s32 s0, $0x0  }
.Ltmp35:
0x530: {  	_ = 	snop;
	(pc) =	sbr.rel @!p4 .LBB2_49-.Ltmp35, $4  }
.Ltmp36:
0x531: {  	_ = 	snop;
	(pc) =	sbr.rel @p4 .LBB2_57-.Ltmp36, $4  }
0x532: {  	_ = 	snop  }
0x533: {  	_ = 	snop  }
0x534: {  	_ = 	snop  }
0x535: {  	_ = 	snop  }
.LBB2_56:
0x536: {  	_ =	swait.ge [sflag:s15], $0x2000  }
0x537: {  	[sflag:s15] =	ssyncset.done $0x0  }
0x538: {  	[sflag:s15] =	ssyncadd.s32 $0xFFFFE000  }
.LBB2_57:
0x539: {  	s2 =	sxor.u32 $0x1, s3  }
0x53a: {  	s3 =	smul.u32 $0x2080, s2  }
0x53b: {  	_ =	swait.ge [sflag:s19], $0x1000;
	s12 =	simm.s32 $0x0  }
0x53c: {  	[sflag:s19] =	ssyncset.done $0x0;
	s2 =	sshll.u32 s2, $0xC;
	s5 =	sshrl.u32 s3, $0x2  }
0x53d: {  	[sflag:s19] =	ssyncadd.s32 $0xFFFFF000;
	s3 =	sor.u32 $0x1A000, s2;
	s9 =	sor.u32 $0x1C000, s5  }
.LBB2_58:
0x53e: {  	s2 =	sshll.u32 s12, $0x5  }
0x53f: {  	vm0 =	vgt.s32 v13, s2  }
0x540: {  	v15 =	vsel vm0, $0x3F800000, v6  }
0x541: {  	(xrf0) =	vmax.scan.msk.f32 $0xffff, v15;
	_ =	sdelay $0x5  }
0x542: {  	v15, _, _ =	vpop (xrf0)  }
0x543: {  	(v2sf) =	vpush v15, $0xF;
	_ =	sdelay $0xe  }
0x544: {  	s5 =	spop (v2sf)  }
0x545: {  	p4 =	sgt.f32 s5, $0.0e+00  }
.Ltmp37:
0x546: {  	_ = 	snop;
	(pc) =	sbr.rel @!p4 .LBB2_50-.Ltmp37, $1  }
0x547: {  	_ =	sdelay $0x3  }
0x548: {  	p4 =	slt.s32 s12, $0x1  }
0x549: {  	s2 =	sadd.s32 @!p4 s2, s9;
	s5 =	simm.s32 @!p4 $0x20  }
0x54a: {  	[tilespmem:s3], [sflag:$0x4] =	stream.indirect.gather @!p4 [hbm4b:s7+s5], $0x80, s2, s5, $0xb8;
	[tilespmem:$0x1E100] =	vst v63  }
0x54b: {  	s2 =	simm.s32 @!p4 $0x4  }
0x54c: {  	_ =	swait.ge @!p4 [sflag:s2], $0x1000  }
0x54d: {  	[sflag:s2] =	ssyncset.done @!p4 $0x0  }
0x54e: {  	s11 =	simm.s32 $0x0;
	[sflag:s2] =	ssyncadd.s32 @!p4 $0xFFFFF000  }
.LBB2_60:
0x54f: {  	s14 =	sadd.s32 s11, s4  }
0x550: {  	v15 =	vmov s14  }
0x551: {  	v15 =	vand.u32 $0xFFFFFFFC, v15  }
0x552: {  	v15 =	vbroadcast v15, $0x0;
	_ =	sdelay $0x5  }
0x553: {  	v15 =	vld.idx.msk [tilespmem:v15+s16+$0x0], $0xffff;
	_ =	sdelay $0x4  }
0x554: {  	v16 =	vshrl.u32 v15, $0x6  }
0x555: {  	v17 =	vand.u32 $0x3FFFFC0, v16  }
0x556: {  	s30 =	sshll.u32 s11, $0x7;
	v16 =	vand.u32 $0x3FFFF80, v16;
	v18 =	vor.u32 v0, v17  }
0x557: {  	v16 =	vadd.s32 s30, v16;
	v18 =	vand.u32 $0x4F, v18  }
0x558: {  	v18 =	vor.u32 v16, v18;
	_ =	sdelay $0x1  }
0x559: {  	v19 =	vshll.u32 v15, $0x3  }
0x55a: {  	v15 =	vand.u32 $0x7F, v15;
	v19 =	vand.u32 $0x7C00, v19  }
0x55b: {  	v15 =	vor.u32 v15, v19;
	v30 =	vor.u32 v11, v17  }
0x55c: {  	v20 =	vadd.s32 v7, v15;
	v19 =	vand.u32 $0x5F, v30;
	v18 =	vld.idx.msk [tilespmem:v18+s3+$0x0], $0xffff  }
0x55d: {  	v19 =	vor.u32 v16, v19;
	_ =	sdelay $0x2  }
0x55e: {  	v21 =	vor.u32 $0x20, v0  }
0x55f: {  	v31 =	vor.u32 v21, v17;
	[tilespmem:v20+s6+$0x0] =	vst.idx.add.f32.msk $0xffff, v18  }
0x560: {  	v32 =	vadd.s32 v8, v15;
	v18 =	vand.u32 $0x6F, v31;
	v19 =	vld.idx.msk [tilespmem:v19+s3+$0x0], $0xffff  }
0x561: {  	v18 =	vor.u32 v16, v18;
	_ =	sdelay $0x2  }
0x562: {  	v22 =	vor.u32 $0x30, v0  }
0x563: {  	v17 =	vor.u32 v22, v17;
	[tilespmem:v32+s6+$0x0] =	vst.idx.add.f32.msk $0xffff, v19  }
0x564: {  	v33 =	vadd.s32 v9, v15;
	v17 =	vand.u32 $0x7F, v17;
	v18 =	vld.idx.msk [tilespmem:v18+s3+$0x0], $0xffff  }
0x565: {  	v16 =	vor.u32 v16, v17;
	_ =	sdelay $0x1  }
0x566: {  	s2 =	sadd.s32 $0x1, s14  }
0x567: {  	v34 =	vmov s2  }
0x568: {  	v17 =	vand.u32 $0xFFFFFFFD, v34;
	[tilespmem:v33+s6+$0x0] =	vst.idx.add.f32.msk $0xffff, v18  }
0x569: {  	v15 =	vadd.s32 v10, v15;
	v17 =	vbroadcast v17, $0x0;
	v16 =	vld.idx.msk [tilespmem:v16+s3+$0x0], $0xffff;
	_ =	sdelay $0x4  }
0x56a: {  	[tilespmem:v15+s6+$0x0] =	vst.idx.add.f32.msk $0xffff, v16  }
0x56b: {  	v15 =	vld.idx.msk [tilespmem:v17+s16+$0x0], $0xffff;
	_ =	sdelay $0x4  }
0x56c: {  	v35 =	vshrl.u32 v15, $0x6  }
0x56d: {  	v36 =	vand.u32 $0x3FFFFC0, v35  }
0x56e: {  	s5 =	sadd.s32 $0x80, s30;
	v16 =	vand.u32 $0x3FFFF80, v35;
	v37 =	vor.u32 v0, v36  }
0x56f: {  	v16 =	vadd.s32 s5, v16;
	v18 =	vand.u32 $0x4F, v37  }
0x570: {  	v18 =	vor.u32 v16, v18;
	_ =	sdelay $0x1  }
0x571: {  	v38 =	vshll.u32 v15, $0x3  }
0x572: {  	v15 =	vand.u32 $0x7F, v15;
	v19 =	vand.u32 $0x7C00, v38  }
0x573: {  	v15 =	vor.u32 v15, v19;
	v39 =	vor.u32 v11, v36  }
0x574: {  	v40 =	vadd.s32 v7, v15;
	v19 =	vand.u32 $0x5F, v39;
	v18 =	vld.idx.msk [tilespmem:v18+s3+$0x0], $0xffff  }
0x575: {  	v19 =	vor.u32 v16, v19;
	_ =	sdelay $0x3  }
0x576: {  	v41 =	vor.u32 v21, v36;
	[tilespmem:v40+s6+$0x0] =	vst.idx.add.f32.msk $0xffff, v18  }
0x577: {  	v42 =	vadd.s32 v8, v15;
	v18 =	vand.u32 $0x6F, v41;
	v19 =	vld.idx.msk [tilespmem:v19+s3+$0x0], $0xffff  }
0x578: {  	v18 =	vor.u32 v16, v18;
	_ =	sdelay $0x3  }
0x579: {  	v17 =	vor.u32 v22, v36;
	[tilespmem:v42+s6+$0x0] =	vst.idx.add.f32.msk $0xffff, v19  }
0x57a: {  	v43 =	vadd.s32 v9, v15;
	v17 =	vand.u32 $0x7F, v17;
	v18 =	vld.idx.msk [tilespmem:v18+s3+$0x0], $0xffff  }
0x57b: {  	v16 =	vor.u32 v16, v17;
	_ =	sdelay $0x1  }
0x57c: {  	s31 =	sadd.s32 $0x2, s14  }
0x57d: {  	v44 =	vmov s31  }
0x57e: {  	v17 =	vand.u32 $0xFFFFFFFE, v44;
	[tilespmem:v43+s6+$0x0] =	vst.idx.add.f32.msk $0xffff, v18  }
0x57f: {  	v15 =	vadd.s32 v10, v15;
	v17 =	vbroadcast v17, $0x0;
	v16 =	vld.idx.msk [tilespmem:v16+s3+$0x0], $0xffff;
	_ =	sdelay $0x4  }
0x580: {  	[tilespmem:v15+s6+$0x0] =	vst.idx.add.f32.msk $0xffff, v16  }
0x581: {  	v15 =	vld.idx.msk [tilespmem:v17+s16+$0x0], $0xffff;
	_ =	sdelay $0x4  }
0x582: {  	v45 =	vshrl.u32 v15, $0x6  }
0x583: {  	v46 =	vand.u32 $0x3FFFFC0, v45  }
0x584: {  	s5 =	sadd.s32 $0x100, s30;
	v16 =	vand.u32 $0x3FFFF80, v45;
	v47 =	vor.u32 v0, v46  }
0x585: {  	v16 =	vadd.s32 s5, v16;
	v18 =	vand.u32 $0x4F, v47  }
0x586: {  	v18 =	vor.u32 v16, v18;
	_ =	sdelay $0x1  }
0x587: {  	v48 =	vshll.u32 v15, $0x3  }
0x588: {  	v15 =	vand.u32 $0x7F, v15;
	v19 =	vand.u32 $0x7C00, v48  }
0x589: {  	v15 =	vor.u32 v15, v19;
	v49 =	vor.u32 v11, v46  }
0x58a: {  	v50 =	vadd.s32 v7, v15;
	v19 =	vand.u32 $0x5F, v49;
	v18 =	vld.idx.msk [tilespmem:v18+s3+$0x0], $0xffff  }
0x58b: {  	v19 =	vor.u32 v16, v19;
	_ =	sdelay $0x3  }
0x58c: {  	v51 =	vor.u32 v21, v46;
	[tilespmem:v50+s6+$0x0] =	vst.idx.add.f32.msk $0xffff, v18  }
0x58d: {  	v52 =	vadd.s32 v8, v15;
	v18 =	vand.u32 $0x6F, v51;
	v19 =	vld.idx.msk [tilespmem:v19+s3+$0x0], $0xffff  }
0x58e: {  	v18 =	vor.u32 v16, v18;
	_ =	sdelay $0x3  }
0x58f: {  	v17 =	vor.u32 v22, v46;
	[tilespmem:v52+s6+$0x0] =	vst.idx.add.f32.msk $0xffff, v19  }
0x590: {  	v53 =	vadd.s32 v9, v15;
	v17 =	vand.u32 $0x7F, v17;
	v18 =	vld.idx.msk [tilespmem:v18+s3+$0x0], $0xffff  }
0x591: {  	v16 =	vor.u32 v16, v17;
	_ =	sdelay $0x3  }
0x592: {  	[tilespmem:v53+s6+$0x0] =	vst.idx.add.f32.msk $0xffff, v18  }
0x593: {  	s14 =	sadd.s32 $0x3, s14;
	v15 =	vadd.s32 v10, v15;
	v16 =	vld.idx.msk [tilespmem:v16+s3+$0x0], $0xffff  }
0x594: {  	v54 =	vmov s14;
	_ =	sdelay $0x3  }
0x595: {  	[tilespmem:v15+s6+$0x0] =	vst.idx.add.f32.msk $0xffff, v16  }
0x596: {  	v15 =	vld.idx.msk [tilespmem:v54+s16+$0x0], $0xffff;
	_ =	sdelay $0x4  }
0x597: {  	v55 =	vshrl.u32 v15, $0x6  }
0x598: {  	v56 =	vand.u32 $0x3FFFFC0, v55  }
0x599: {  	s31 =	sadd.s32 $0x180, s30;
	v16 =	vand.u32 $0x3FFFF80, v55;
	v57 =	vor.u32 v0, v56  }
0x59a: {  	v16 =	vadd.s32 s31, v16;
	v18 =	vand.u32 $0x4F, v57  }
0x59b: {  	v18 =	vor.u32 v16, v18;
	_ =	sdelay $0x1  }
0x59c: {  	v58 =	vshll.u32 v15, $0x3  }
0x59d: {  	v15 =	vand.u32 $0x7F, v15;
	v19 =	vand.u32 $0x7C00, v58  }
0x59e: {  	v15 =	vor.u32 v15, v19;
	v59 =	vor.u32 v11, v56  }
0x59f: {  	v60 =	vadd.s32 v7, v15;
	v19 =	vand.u32 $0x5F, v59;
	v18 =	vld.idx.msk [tilespmem:v18+s3+$0x0], $0xffff  }
0x5a0: {  	v19 =	vor.u32 v16, v19;
	_ =	sdelay $0x3  }
0x5a1: {  	v61 =	vor.u32 v21, v56;
	[tilespmem:v60+s6+$0x0] =	vst.idx.add.f32.msk $0xffff, v18  }
0x5a2: {  	v62 =	vadd.s32 v8, v15;
	v18 =	vand.u32 $0x6F, v61;
	v19 =	vld.idx.msk [tilespmem:v19+s3+$0x0], $0xffff  }
0x5a3: {  	v18 =	vor.u32 v16, v18;
	_ =	sdelay $0x3  }
0x5a4: {  	v17 =	vor.u32 v22, v56;
	[tilespmem:v62+s6+$0x0] =	vst.idx.add.f32.msk $0xffff, v19  }
0x5a5: {  	v63 =	vadd.s32 v9, v15;
	v17 =	vand.u32 $0x7F, v17;
	v18 =	vld.idx.msk [tilespmem:v18+s3+$0x0], $0xffff  }
0x5a6: {  	v16 =	vor.u32 v16, v17;
	_ =	sdelay $0x3  }
0x5a7: {  	[tilespmem:v63+s6+$0x0] =	vst.idx.add.f32.msk $0xffff, v18  }
0x5a8: {  	p4 =	slt.u32 s11, $0x1C;
	v15 =	vadd.s32 v10, v15;
	v16 =	vld.idx.msk [tilespmem:v16+s3+$0x0], $0xffff  }
.Ltmp38:
0x5a9: {  	_ = 	snop;
	(pc) =	sbr.rel @p4 .LBB2_60-.Ltmp38, $2  }
0x5aa: {  	_ =	sdelay $0x2  }
0x5ab: {  	s11 =	sadd.s32 $0x4, s11;
	[tilespmem:v15+s6+$0x0] =	vst.idx.add.f32.msk $0xffff, v16  }
.Ltmp39:
0x5ac: {  	(pc) =	sbr.rel .LBB2_58-.Ltmp39, $2  }
0x5ad: {  	_ =	sdelay $0x2  }
0x5ae: {  	s12 =	sadd.s32 $0x1, s12;
	s4 =	sadd.s32 $0x20, s4  }
.LBB2_51:
0x5af: {  	_ =	swait.ge [sflag:s19], $0x1000  }
0x5b0: {  	[sflag:s19] =	ssyncset.done $0x0  }
0x5b1: {  	s0 =	simm.s32 $0x0;
	s3 =	simm.s32 $0x0;
	[sflag:s19] =	ssyncadd.s32 $0xFFFFF000  }
.LBB2_52:
0x5b2: {  	s2 =	sshll.u32 s3, $0x5  }
0x5b3: {  	vm0 =	vgt.s32 v14, s2  }
0x5b4: {  	v12 =	vsel vm0, $0x3F800000, v6  }
0x5b5: {  	(xrf0) =	vmax.scan.msk.f32 $0xffff, v12;
	_ =	sdelay $0x5  }
0x5b6: {  	v12, _, _ =	vpop (xrf0)  }
0x5b7: {  	(v2sf) =	vpush v12, $0xF;
	_ =	sdelay $0xe  }
0x5b8: {  	s4 =	spop (v2sf)  }
0x5b9: {  	p3 =	sgt.f32 s4, $0.0e+00  }
.Ltmp40:
0x5ba: {  	_ = 	snop;
	(pc) =	sbr.rel @!p3 .LBB2_62-.Ltmp40, $1  }
0x5bb: {  	_ =	sdelay $0x3  }
0x5bc: {  	p3 =	slt.s32 s3, $0x1  }
0x5bd: {  	s2 =	sadd.s32 @!p3 $0x1C820, s2;
	s4 =	simm.s32 @!p3 $0x20;
	s5 =	simm.s32 @!p3 $0x1B000  }
0x5be: {  	[tilespmem:s5], [sflag:$0x4] =	stream.indirect.gather @!p3 [hbm4b:s7+s4], $0x80, s2, s4, $0xb8;
	[tilespmem:$0x1E100] =	vst v63  }
0x5bf: {  	s2 =	simm.s32 @!p3 $0x4  }
0x5c0: {  	_ =	swait.ge @!p3 [sflag:s2], $0x1000  }
0x5c1: {  	[sflag:s2] =	ssyncset.done @!p3 $0x0  }
0x5c2: {  	s4 =	simm.s32 $0x0;
	[sflag:s2] =	ssyncadd.s32 @!p3 $0xFFFFF000  }
.LBB2_54:
0x5c3: {  	s9 =	sadd.s32 s4, s0  }
0x5c4: {  	s2 =	sadd.s32 $0x820, s9  }
0x5c5: {  	v12 =	vmov s2  }
0x5c6: {  	v12 =	vand.u32 $0xFFFFFFFC, v12  }
0x5c7: {  	v12 =	vbroadcast v12, $0x0;
	_ =	sdelay $0x5  }
0x5c8: {  	v12 =	vld.idx.msk [tilespmem:v12+s16+$0x0], $0xffff;
	_ =	sdelay $0x4  }
0x5c9: {  	v13 =	vshrl.u32 v12, $0x6  }
0x5ca: {  	v15 =	vand.u32 $0x3FFFFC0, v13  }
0x5cb: {  	s11 =	sshll.u32 s4, $0x7;
	v13 =	vand.u32 $0x3FFFF80, v13;
	v16 =	vor.u32 v0, v15  }
0x5cc: {  	v13 =	vadd.s32 s11, v13;
	v16 =	vand.u32 $0x4F, v16  }
0x5cd: {  	v16 =	vor.u32 v13, v16;
	_ =	sdelay $0x1  }
0x5ce: {  	v17 =	vshll.u32 v12, $0x3  }
0x5cf: {  	v12 =	vand.u32 $0x7F, v12;
	v17 =	vand.u32 $0x7C00, v17  }
0x5d0: {  	v12 =	vor.u32 v12, v17;
	v39 =	vor.u32 v11, v15  }
0x5d1: {  	v18 =	vadd.s32 v7, v12;
	v17 =	vand.u32 $0x5F, v39;
	v16 =	vld.idx.msk [tilespmem:v16+s20+$0x0], $0xffff  }
0x5d2: {  	v17 =	vor.u32 v13, v17;
	_ =	sdelay $0x2  }
0x5d3: {  	v19 =	vor.u32 $0x20, v0  }
0x5d4: {  	v40 =	vor.u32 v19, v15;
	[tilespmem:v18+s6+$0x0] =	vst.idx.add.f32.msk $0xffff, v16  }
0x5d5: {  	v41 =	vadd.s32 v8, v12;
	v16 =	vand.u32 $0x6F, v40;
	v17 =	vld.idx.msk [tilespmem:v17+s20+$0x0], $0xffff  }
0x5d6: {  	v16 =	vor.u32 v13, v16;
	_ =	sdelay $0x2  }
0x5d7: {  	v20 =	vor.u32 $0x30, v0  }
0x5d8: {  	v15 =	vor.u32 v20, v15;
	[tilespmem:v41+s6+$0x0] =	vst.idx.add.f32.msk $0xffff, v17  }
0x5d9: {  	v42 =	vadd.s32 v9, v12;
	v15 =	vand.u32 $0x7F, v15;
	v16 =	vld.idx.msk [tilespmem:v16+s20+$0x0], $0xffff  }
0x5da: {  	v13 =	vor.u32 v13, v15;
	_ =	sdelay $0x1  }
0x5db: {  	s31 =	sadd.s32 $0x821, s9  }
0x5dc: {  	v15 =	vmov s31  }
0x5dd: {  	v15 =	vand.u32 $0xFFFFFFFD, v15;
	[tilespmem:v42+s6+$0x0] =	vst.idx.add.f32.msk $0xffff, v16  }
0x5de: {  	v12 =	vadd.s32 v10, v12;
	v15 =	vbroadcast v15, $0x0;
	v13 =	vld.idx.msk [tilespmem:v13+s20+$0x0], $0xffff;
	_ =	sdelay $0x4  }
0x5df: {  	[tilespmem:v12+s6+$0x0] =	vst.idx.add.f32.msk $0xffff, v13  }
0x5e0: {  	v12 =	vld.idx.msk [tilespmem:v15+s16+$0x0], $0xffff;
	_ =	sdelay $0x4  }
0x5e1: {  	v13 =	vshrl.u32 v12, $0x6  }
0x5e2: {  	v15 =	vand.u32 $0x3FFFFC0, v13  }
0x5e3: {  	s5 =	sadd.s32 $0x80, s11;
	v13 =	vand.u32 $0x3FFFF80, v13;
	v43 =	vor.u32 v0, v15  }
0x5e4: {  	v13 =	vadd.s32 s5, v13;
	v16 =	vand.u32 $0x4F, v43  }
0x5e5: {  	v16 =	vor.u32 v13, v16;
	_ =	sdelay $0x1  }
0x5e6: {  	v44 =	vshll.u32 v12, $0x3  }
0x5e7: {  	v12 =	vand.u32 $0x7F, v12;
	v17 =	vand.u32 $0x7C00, v44  }
0x5e8: {  	v12 =	vor.u32 v12, v17;
	v45 =	vor.u32 v11, v15  }
0x5e9: {  	v46 =	vadd.s32 v7, v12;
	v17 =	vand.u32 $0x5F, v45;
	v16 =	vld.idx.msk [tilespmem:v16+s20+$0x0], $0xffff  }
0x5ea: {  	v17 =	vor.u32 v13, v17;
	_ =	sdelay $0x3  }
0x5eb: {  	v47 =	vor.u32 v19, v15;
	[tilespmem:v46+s6+$0x0] =	vst.idx.add.f32.msk $0xffff, v16  }
0x5ec: {  	v48 =	vadd.s32 v8, v12;
	v16 =	vand.u32 $0x6F, v47;
	v17 =	vld.idx.msk [tilespmem:v17+s20+$0x0], $0xffff  }
0x5ed: {  	v16 =	vor.u32 v13, v16;
	_ =	sdelay $0x3  }
0x5ee: {  	v15 =	vor.u32 v20, v15;
	[tilespmem:v48+s6+$0x0] =	vst.idx.add.f32.msk $0xffff, v17  }
0x5ef: {  	v49 =	vadd.s32 v9, v12;
	v15 =	vand.u32 $0x7F, v15;
	v16 =	vld.idx.msk [tilespmem:v16+s20+$0x0], $0xffff  }
0x5f0: {  	v13 =	vor.u32 v13, v15;
	_ =	sdelay $0x1  }
0x5f1: {  	s12 =	sadd.s32 $0x822, s9  }
0x5f2: {  	v15 =	vmov s12  }
0x5f3: {  	v15 =	vand.u32 $0xFFFFFFFE, v15;
	[tilespmem:v49+s6+$0x0] =	vst.idx.add.f32.msk $0xffff, v16  }
0x5f4: {  	v12 =	vadd.s32 v10, v12;
	v15 =	vbroadcast v15, $0x0;
	v13 =	vld.idx.msk [tilespmem:v13+s20+$0x0], $0xffff;
	_ =	sdelay $0x4  }
0x5f5: {  	[tilespmem:v12+s6+$0x0] =	vst.idx.add.f32.msk $0xffff, v13  }
0x5f6: {  	v12 =	vld.idx.msk [tilespmem:v15+s16+$0x0], $0xffff;
	_ =	sdelay $0x4  }
0x5f7: {  	v13 =	vshrl.u32 v12, $0x6  }
0x5f8: {  	v15 =	vand.u32 $0x3FFFFC0, v13  }
0x5f9: {  	s14 =	sadd.s32 $0x100, s11;
	v13 =	vand.u32 $0x3FFFF80, v13;
	v50 =	vor.u32 v0, v15  }
0x5fa: {  	v13 =	vadd.s32 s14, v13;
	v16 =	vand.u32 $0x4F, v50  }
0x5fb: {  	v16 =	vor.u32 v13, v16;
	_ =	sdelay $0x1  }
0x5fc: {  	v51 =	vshll.u32 v12, $0x3  }
0x5fd: {  	v12 =	vand.u32 $0x7F, v12;
	v17 =	vand.u32 $0x7C00, v51  }
0x5fe: {  	v12 =	vor.u32 v12, v17;
	v52 =	vor.u32 v11, v15  }
0x5ff: {  	v53 =	vadd.s32 v7, v12;
	v17 =	vand.u32 $0x5F, v52;
	v16 =	vld.idx.msk [tilespmem:v16+s20+$0x0], $0xffff  }
0x600: {  	v17 =	vor.u32 v13, v17;
	_ =	sdelay $0x3  }
0x601: {  	v54 =	vor.u32 v19, v15;
	[tilespmem:v53+s6+$0x0] =	vst.idx.add.f32.msk $0xffff, v16  }
0x602: {  	v55 =	vadd.s32 v8, v12;
	v16 =	vand.u32 $0x6F, v54;
	v17 =	vld.idx.msk [tilespmem:v17+s20+$0x0], $0xffff  }
0x603: {  	v16 =	vor.u32 v13, v16;
	_ =	sdelay $0x3  }
0x604: {  	v15 =	vor.u32 v20, v15;
	[tilespmem:v55+s6+$0x0] =	vst.idx.add.f32.msk $0xffff, v17  }
0x605: {  	v56 =	vadd.s32 v9, v12;
	v15 =	vand.u32 $0x7F, v15;
	v16 =	vld.idx.msk [tilespmem:v16+s20+$0x0], $0xffff  }
0x606: {  	v13 =	vor.u32 v13, v15;
	_ =	sdelay $0x3  }
0x607: {  	[tilespmem:v56+s6+$0x0] =	vst.idx.add.f32.msk $0xffff, v16  }
0x608: {  	s30 =	sadd.s32 $0x823, s9;
	v12 =	vadd.s32 v10, v12;
	v13 =	vld.idx.msk [tilespmem:v13+s20+$0x0], $0xffff  }
0x609: {  	v15 =	vmov s30;
	_ =	sdelay $0x3  }
0x60a: {  	[tilespmem:v12+s6+$0x0] =	vst.idx.add.f32.msk $0xffff, v13  }
0x60b: {  	v12 =	vld.idx.msk [tilespmem:v15+s16+$0x0], $0xffff;
	_ =	sdelay $0x4  }
0x60c: {  	v13 =	vshrl.u32 v12, $0x6  }
0x60d: {  	v15 =	vand.u32 $0x3FFFFC0, v13  }
0x60e: {  	s31 =	sadd.s32 $0x180, s11;
	v13 =	vand.u32 $0x3FFFF80, v13;
	v57 =	vor.u32 v0, v15  }
0x60f: {  	v13 =	vadd.s32 s31, v13;
	v16 =	vand.u32 $0x4F, v57  }
0x610: {  	v16 =	vor.u32 v13, v16;
	_ =	sdelay $0x1  }
0x611: {  	v58 =	vshll.u32 v12, $0x3  }
0x612: {  	v12 =	vand.u32 $0x7F, v12;
	v17 =	vand.u32 $0x7C00, v58  }
0x613: {  	v12 =	vor.u32 v12, v17;
	v59 =	vor.u32 v11, v15  }
0x614: {  	v60 =	vadd.s32 v7, v12;
	v17 =	vand.u32 $0x5F, v59;
	v16 =	vld.idx.msk [tilespmem:v16+s20+$0x0], $0xffff  }
0x615: {  	v17 =	vor.u32 v13, v17;
	_ =	sdelay $0x3  }
0x616: {  	v61 =	vor.u32 v19, v15;
	[tilespmem:v60+s6+$0x0] =	vst.idx.add.f32.msk $0xffff, v16  }
0x617: {  	v62 =	vadd.s32 v8, v12;
	v16 =	vand.u32 $0x6F, v61;
	v17 =	vld.idx.msk [tilespmem:v17+s20+$0x0], $0xffff  }
0x618: {  	v16 =	vor.u32 v13, v16;
	_ =	sdelay $0x3  }
0x619: {  	v15 =	vor.u32 v20, v15;
	[tilespmem:v62+s6+$0x0] =	vst.idx.add.f32.msk $0xffff, v17  }
0x61a: {  	v63 =	vadd.s32 v9, v12;
	v15 =	vand.u32 $0x7F, v15;
	v16 =	vld.idx.msk [tilespmem:v16+s20+$0x0], $0xffff  }
0x61b: {  	v13 =	vor.u32 v13, v15;
	_ =	sdelay $0x3  }
0x61c: {  	[tilespmem:v63+s6+$0x0] =	vst.idx.add.f32.msk $0xffff, v16  }
0x61d: {  	p3 =	slt.u32 s4, $0x1C;
	v12 =	vadd.s32 v10, v12;
	v13 =	vld.idx.msk [tilespmem:v13+s20+$0x0], $0xffff  }
.Ltmp41:
0x61e: {  	_ = 	snop;
	(pc) =	sbr.rel @p3 .LBB2_54-.Ltmp41, $2  }
0x61f: {  	_ =	sdelay $0x2  }
0x620: {  	s4 =	sadd.s32 $0x4, s4;
	[tilespmem:v12+s6+$0x0] =	vst.idx.add.f32.msk $0xffff, v13  }
.Ltmp42:
0x621: {  	(pc) =	sbr.rel .LBB2_52-.Ltmp42, $2  }
0x622: {  	_ =	sdelay $0x2  }
0x623: {  	s3 =	sadd.s32 $0x1, s3;
	s0 =	sadd.s32 $0x20, s0  }
.LBB2_64:
0x624: {  	_ =	sfence.sel $0x180000  }
0x625: {  	[bflag:$0x0] =	sbarrier.arrive $0xFFFF  }
0x626: {  	_ =	strace $0x90000047  }
0x627: {  	s0 =	stileid.u32;
	[bflag:$0x2] =	sbarrier.arrive $0xFFFF  }
0x628: {  	p0 =	sne.s32 s0, $0x0;
	s0 =	rddreg [dreg:$0x4]  }
0x629: {  	s0 =	sadd.s32 @!p0 $0x100000, s0  }
0x62a: {  	[sflag:s0] =	ssyncadd.tile.s32 @!p0 $0x1;
	_ =	shalt  }
.Lfunc_end2:
_tile_overlayer_lowered:
.L_overlay_start_2:
0x62b: {  	(tag) =	ssettag $0x2  }
0x62c: {  	s0 =	rddreg [dreg:$0x0];
	s2 =	stileid.u32  }
0x62d: {  	s1 =	rddreg [dreg:$0x1];
	p0 =	sne.s32 s2, $0x0  }
0x62e: {  	s3 =	rddreg [dreg:$0x2];
	[bflag:$0x3] =	sbarrier.arrive $0xFFFF;
	s2 =	simm.s32 @!p0 $0x1C04  }
0x62f: {  	[timem:s3], [sflag:s2] =	dma.local @!p0 [hbm:s0], s1  }
0x630: {  	s0 =	simm.s32 @!p0 $0x4  }
0x631: {  	_ =	swait.ge @!p0 [sflag:s0], s1  }
0x632: {  	s1 =	ssub.s32 @!p0 $0x0, s1;
	[sflag:s0] =	ssyncset.done @!p0 $0x0  }
0x633: {  	[sflag:s0] =	ssyncadd.s32 @!p0 s1  }
0x634: {  	[bflag:$0x3] =	sbarrier.arrive $0xFFFF  }
0x635: {  	_ =	shalt  }

</sc_bundles>
